<compile_context>
chip_gen: v7x
topology: tpu7x:2x2x1
jax: 0.10.2.dev20260603
libtpu: 0.0.44.dev20260713+nightly
codegen_flags: <defaults>
</compile_context>

<pallas_src>
import functools

import jax
import jax.numpy as jnp
from jax import lax
from jax.experimental import pallas as pl
from jax.experimental.pallas import tpu as pltpu
from jax.experimental.pallas import tpu_sc as plsc

_ATOM_SIZE = 512
_N_ATOMS = 8
_N_SAMPLES = 4096
_POS_LEN = _N_SAMPLES - _ATOM_SIZE
_POS_DIM = 11
_NW = 16
_PPW = _POS_LEN // _NW
_CHUNKS = _PPW // 16
_SEG = _N_SAMPLES // _NW


def _rsqrt(s):
    i = lax.bitcast_convert_type(s, jnp.int32)
    i = jnp.int32(0x5F3759DF) - lax.shift_right_logical(i, 1)
    y = lax.bitcast_convert_type(i, jnp.float32)
    half = jnp.float32(0.5) * s
    for _ in range(3):
        y = y * (jnp.float32(1.5) - half * y * y)
    return y


def _bf16_round(x):
    b = lax.bitcast_convert_type(x, jnp.int32)
    odd = lax.shift_right_logical(b, 16) & jnp.int32(1)
    r = (b + jnp.int32(0x7FFF) + odd) & jnp.int32(-65536)
    return lax.bitcast_convert_type(r, jnp.float32)


@functools.partial(
    pl.kernel,
    out_type=(
        jax.ShapeDtypeStruct((16,), jnp.int32),
        jax.ShapeDtypeStruct((_N_SAMPLES,), jnp.float32),
    ),
    mesh=plsc.VectorSubcoreMesh(
        core_axis_name="c", subcore_axis_name="s", num_cores=1
    ),
    compiler_params=pltpu.CompilerParams(needs_layout_passes=False),
    scratch_types=[
        pltpu.VMEM((_POS_DIM, _PPW), jnp.float32),
        pltpu.VMEM((_N_ATOMS, 16), jnp.float32),
        pltpu.VMEM((_N_ATOMS * _ATOM_SIZE,), jnp.float32),
        pltpu.VMEM((32,), jnp.float32),
        pltpu.VMEM((16,), jnp.int32),
        pltpu.VMEM((_NW * 32,), jnp.float32),
        pltpu.VMEM((_SEG,), jnp.float32),
        pltpu.VMEM_SHARED((_NW * 32,), jnp.float32),
        pltpu.SemaphoreType.DMA,
        pltpu.SemaphoreType.DMA,
        pltpu.SemaphoreType.DMA,
        pltpu.SemaphoreType.DMA,
    ],
)
def _sc_kernel(pos_hbm, ind_hbm, atoms_hbm, idx_out, wave_out,
               pos_v, ind_v, atoms_v, stage2, stage_idx,
               lv, out_seg, cand, sem_pos, sem_ind,
               sem_atoms, sem_idx):
    w = lax.axis_index("s")
    iota = lax.broadcasted_iota(jnp.int32, (16,), 0)

    cp_pos = pltpu.async_copy(pos_hbm.at[w], pos_v, sem_pos)
    cp_ind = pltpu.async_copy(ind_hbm, ind_v, sem_ind)
    cp_atoms = pltpu.async_copy(atoms_hbm, atoms_v, sem_atoms)
    cp_ind.wait()

    ind_rows = [ind_v[i] for i in range(_N_ATOMS)]
    svec = jnp.zeros((16,), jnp.float32)
    for i, row in enumerate(ind_rows):
        svec = jnp.where(iota == i, jnp.sum(row * row), svec)
    rvec = _rsqrt(svec)
    ind_s = []
    for i, row in enumerate(ind_rows):
        hat = _bf16_round(row * rvec[i])
        ind_s.append([hat[d] for d in range(_POS_DIM)])

    neg = jnp.full((16,), -3.0e38, jnp.float32)
    zero_i = jnp.zeros((16,), jnp.int32)
    wbase = w * _PPW

    def chunk_body(c, carry):
        bvals = carry[:_N_ATOMS]
        bidxs = carry[_N_ATOMS:]
        p = [pos_v[d, pl.ds(c * 16, 16)] for d in range(_POS_DIM)]
        s = p[0] * p[0]
        for d in range(1, _POS_DIM):
            s = s + p[d] * p[d]
        r = _rsqrt(s)
        ph = [_bf16_round(p[d] * r) for d in range(_POS_DIM)]
        cur = wbase + c * 16 + iota
        nvals, nidxs = [], []
        for i in range(_N_ATOMS):
            sim = ph[0] * ind_s[i][0]
            for d in range(1, _POS_DIM):
                sim = sim + ph[d] * ind_s[i][d]
            upd = sim > bvals[i]
            nvals.append(jnp.where(upd, sim, bvals[i]))
            nidxs.append(jnp.where(upd, cur, bidxs[i]))
        return tuple(nvals) + tuple(nidxs)

    cp_pos.wait()
    carry = lax.fori_loop(
        0, _CHUNKS, chunk_body,
        (neg,) * _N_ATOMS + (zero_i,) * _N_ATOMS,
        unroll=2,
    )
    bvals = carry[:_N_ATOMS]
    bidxs = carry[_N_ATOMS:]

    valvec = jnp.zeros((16,), jnp.float32)
    idxvec = jnp.zeros((16,), jnp.int32)
    big = jnp.full((16,), 2 ** 30, jnp.int32)
    for i in range(_N_ATOMS):
        m = jnp.max(bvals[i])
        mi = jnp.min(jnp.where(bvals[i] == m, bidxs[i], big))
        valvec = jnp.where(iota == i, m, valvec)
        idxvec = jnp.where(iota == i, mi, idxvec)
    stage2[pl.ds(0, 16)] = valvec
    stage2[pl.ds(16, 16)] = lax.bitcast_convert_type(idxvec, jnp.float32)
    coff = pl.multiple_of(w * 32, 8)
    pltpu.sync_copy(stage2, cand.at[pl.ds(coff, 32)])
    plsc.subcore_barrier()

    pltpu.sync_copy(cand, lv)
    bestv = lv[pl.ds(0, 16)]
    besti = lax.bitcast_convert_type(lv[pl.ds(16, 16)], jnp.int32)
    for ww in range(1, _NW):
        v = lv[pl.ds(ww * 32, 16)]
        ii = lax.bitcast_convert_type(lv[pl.ds(ww * 32 + 16, 16)], jnp.int32)
        take = v > bestv
        bestv = jnp.where(take, v, bestv)
        besti = jnp.where(take, ii, besti)
    final_idx = [besti[i] for i in range(_N_ATOMS)]

    stage_idx[...] = jnp.where(iota < _N_ATOMS, besti, 0)

    @pl.when(w == 0)
    def _():
        pltpu.async_copy(stage_idx, idx_out, sem_idx)

    cp_atoms.wait()
    seg_start = w * _SEG
    zero_f = jnp.zeros((16,), jnp.float32)

    def place_body(c, _):
        cur = seg_start + c * 16 + iota
        accv = zero_f
        for i in range(_N_ATOMS):
            t = cur - final_idx[i]
            inside = (t >= 0) & (t < _ATOM_SIZE)
            tc = jnp.clip(t, 0, _ATOM_SIZE - 1) + i * _ATOM_SIZE
            v = plsc.load_gather(atoms_v, [tc])
            accv = accv + jnp.where(inside, v, zero_f)
        out_seg[pl.ds(c * 16, 16)] = accv
        return 0

    lax.fori_loop(0, _SEG // 16, place_body, 0, unroll=2)
    hb_start = pl.multiple_of(seg_start, 8)
    pltpu.sync_copy(out_seg, wave_out.at[pl.ds(hb_start, _SEG)])

    @pl.when(w == 0)
    def _():
        pltpu.make_async_copy(stage_idx, idx_out, sem_idx).wait()


def kernel(x, indices, atoms, positions):
    ind = jnp.pad(indices[0], ((0, 0), (0, 16 - _POS_DIM)))
    pos_t = positions.T.reshape(_POS_DIM, _NW, _PPW).transpose(1, 0, 2)
    idx16, wave = _sc_kernel(pos_t, ind, atoms.reshape(-1))
    int_index = idx16[:_N_ATOMS].reshape(1, _N_ATOMS)
    return (int_index, wave.reshape(1, _N_SAMPLES), indices)

# --- scband reference (transcript-rebuilt; emitter-appended) ---
"""Pipeline reference for scband-model-52510270161002 (READ-ONLY COPY).

The authoritative reference and input builder live on the scoring server;
editing this copy changes nothing except your own understanding.
"""

import jax, jax.numpy as jnp
import numpy as np

ATOM_SIZE = 512
N_ATOMS = 8
POW = 12
N_SAMPLES = 2 ** POW  # 4096
POS_LEN = N_SAMPLES - ATOM_SIZE  # 3584
POS_DIM = 11


def setup_inputs(seed: int = 0) -> dict:
    key = jax.random.key(seed)
    k1, k2, k3, k4 = jax.random.split(key, 4)
    # dummy forward arg (unused by the module's math, but required positionally)
    x = jax.random.normal(k1, (1, N_SAMPLES), dtype=jnp.float32)
    # learned parameter: self.indices ~ U(0, 1), shape [1, n_atoms, pow-1]
    indices = jax.random.uniform(k2, (1, N_ATOMS, POW - 1), dtype=jnp.float32)
    # module-level constants materialized here:
    # atoms: morlet filter bank rows (stand-in: random waveforms of same shape)
    atoms = jax.random.normal(k3, (N_ATOMS, ATOM_SIZE), dtype=jnp.float32) * 0.1
    # positions: positional encodings, shape [n_samples - atom_size, 11]
    positions = jax.random.normal(k4, (POS_LEN, POS_DIM), dtype=jnp.float32)
    return {"x": x, "indices": indices, "atoms": atoms, "positions": positions}


def reference(x, indices, atoms, positions):
    batch_size = 1
    index = indices  # add_noise=False path
    ind_norms = jnp.linalg.norm(index, axis=-1, keepdims=True)
    pos_norms = jnp.linalg.norm(positions, axis=-1, keepdims=True)
    ind = index / ind_norms
    pos = positions / pos_norms
    sim = ind @ pos.T  # [1, n_atoms, pos_len]
    int_index = jnp.argmax(sim, axis=-1).reshape(batch_size, N_ATOMS)
    output = jnp.zeros((batch_size, N_SAMPLES), dtype=jnp.float32)
    offsets = jnp.arange(ATOM_SIZE)
    for b in range(batch_size):
        for i in range(N_ATOMS):
            idx = int_index[b, i]
            output = output.at[b, idx + offsets].add(atoms[i])
    return (int_index, output, index)

if __name__ == "__main__":
    import jax
    _d = setup_inputs()
    print(jax.jit(kernel)(*tuple(_d.values())))

</pallas_src>

<mosaic_0001>
#map = affine_map<(d0, d1) -> (0, 0, 0)>
#map1 = affine_map<(d0, d1) -> (0, 0)>
#map2 = affine_map<(d0, d1) -> (0)>
module attributes {stable_mosaic.version = 14 : i64} {
  func.func @_sc_kernel(%arg0: i32, %arg1: i32, %arg2: memref<16x11x224xf32, #tpu.memory_space<hbm>>, %arg3: memref<8x16xf32, #tpu.memory_space<hbm>>, %arg4: memref<4096xf32, #tpu.memory_space<hbm>>, %arg5: memref<16xi32, #tpu.memory_space<hbm>>, %arg6: memref<4096xf32, #tpu.memory_space<hbm>>, %arg7: memref<11x224xf32, #tpu.memory_space<vmem>>, %arg8: memref<8x16xf32, #tpu.memory_space<vmem>>, %arg9: memref<4096xf32, #tpu.memory_space<vmem>>, %arg10: memref<32xf32, #tpu.memory_space<vmem>>, %arg11: memref<16xi32, #tpu.memory_space<vmem>>, %arg12: memref<512xf32, #tpu.memory_space<vmem>>, %arg13: memref<256xf32, #tpu.memory_space<vmem>>, %arg14: memref<512xf32, #tpu.memory_space<vmem_shared>>, %arg15: memref<!tpu.dma_semaphore, #tpu.memory_space<semaphore_mem>>, %arg16: memref<!tpu.dma_semaphore, #tpu.memory_space<semaphore_mem>>, %arg17: memref<!tpu.dma_semaphore, #tpu.memory_space<semaphore_mem>>, %arg18: memref<!tpu.dma_semaphore, #tpu.memory_space<semaphore_mem>>) attributes {dimension_semantics = [#tpu.dimension_semantics<core_parallel>, #tpu.dimension_semantics<subcore_parallel>], iteration_bounds = array<i64: 1, 16>, scalar_prefetch = 0 : i64, scratch_operands = 12 : i64, tpu.core_type = #tpu.core_type<sc_vector_subcore>, window_params = [{transform_indices = #map}, {transform_indices = #map1}, {transform_indices = #map2}, {transform_indices = #map2}, {transform_indices = #map2}]} {
    %iota3A = tpu.iota {dimensions = array<i32: 0>} : vector<16xi32>
    %dma_start3A = arith.constant 0 : i32
    %dma_start3A_0 = arith.constant 0 : i32
    %dma_start3A_1 = tpu.memref_slice %arg2[%arg1, %dma_start3A, %dma_start3A_0] : memref<16x11x224xf32, #tpu.memory_space<hbm>> -> memref<1x11x224xf32, #tpu.memory_space<hbm>>
    %dma_start3A_2 = tpu.memref_squeeze %dma_start3A_1 : memref<1x11x224xf32, #tpu.memory_space<hbm>> -> memref<11x224xf32, #tpu.memory_space<hbm>>
    %dma_start3A_3 = arith.constant 0 : i32
    %dma_start3A_4 = arith.constant 0 : i32
    %dma_start3A_5 = tpu.memref_slice %arg2[%arg1, %dma_start3A_3, %dma_start3A_4] : memref<16x11x224xf32, #tpu.memory_space<hbm>> -> memref<1x11x224xf32, #tpu.memory_space<hbm>>
    %dma_start3A_6 = tpu.memref_squeeze %dma_start3A_5 : memref<1x11x224xf32, #tpu.memory_space<hbm>> -> memref<11x224xf32, #tpu.memory_space<hbm>>
    tpu.enqueue_dma source(%dma_start3A_6 : memref<11x224xf32, #tpu.memory_space<hbm>>) target(%arg7 : memref<11x224xf32, #tpu.memory_space<vmem>>) target_semaphore(%arg15 : memref<!tpu.dma_semaphore, #tpu.memory_space<semaphore_mem>>)
    tpu.enqueue_dma source(%arg3 : memref<8x16xf32, #tpu.memory_space<hbm>>) target(%arg8 : memref<8x16xf32, #tpu.memory_space<vmem>>) target_semaphore(%arg16 : memref<!tpu.dma_semaphore, #tpu.memory_space<semaphore_mem>>)
    tpu.enqueue_dma source(%arg4 : memref<4096xf32, #tpu.memory_space<hbm>>) target(%arg9 : memref<4096xf32, #tpu.memory_space<vmem>>) target_semaphore(%arg17 : memref<!tpu.dma_semaphore, #tpu.memory_space<semaphore_mem>>)
    tpu.wait_dma2 semaphore(%arg16 : memref<!tpu.dma_semaphore, #tpu.memory_space<semaphore_mem>>) src(%arg3 : memref<8x16xf32, #tpu.memory_space<hbm>>) dst(%arg8 : memref<8x16xf32, #tpu.memory_space<vmem>>)
    %get3A = arith.constant 0 : i32
    %get3A_7 = arith.index_cast %get3A : i32 to index
    %get3A_8 = arith.constant 0 : index
    %get3A_9 = tpu.vector_load %arg8[%get3A_7, %get3A_8] {strides = array<i32>} : memref<8x16xf32, #tpu.memory_space<vmem>>, vector<16xf32>,
    %get3A_10 = arith.constant 1 : i32
    %get3A_11 = arith.index_cast %get3A_10 : i32 to index
    %get3A_12 = arith.constant 0 : index
    %get3A_13 = tpu.vector_load %arg8[%get3A_11, %get3A_12] {strides = array<i32>} : memref<8x16xf32, #tpu.memory_space<vmem>>, vector<16xf32>,
    %get3A_14 = arith.constant 2 : i32
    %get3A_15 = arith.index_cast %get3A_14 : i32 to index
    %get3A_16 = arith.constant 0 : index
    %get3A_17 = tpu.vector_load %arg8[%get3A_15, %get3A_16] {strides = array<i32>} : memref<8x16xf32, #tpu.memory_space<vmem>>, vector<16xf32>,
    %get3A_18 = arith.constant 3 : i32
    %get3A_19 = arith.index_cast %get3A_18 : i32 to index
    %get3A_20 = arith.constant 0 : index
    %get3A_21 = tpu.vector_load %arg8[%get3A_19, %get3A_20] {strides = array<i32>} : memref<8x16xf32, #tpu.memory_space<vmem>>, vector<16xf32>,
    %get3A_22 = arith.constant 4 : i32
    %get3A_23 = arith.index_cast %get3A_22 : i32 to index
    %get3A_24 = arith.constant 0 : index
    %get3A_25 = tpu.vector_load %arg8[%get3A_23, %get3A_24] {strides = array<i32>} : memref<8x16xf32, #tpu.memory_space<vmem>>, vector<16xf32>,
    %get3A_26 = arith.constant 5 : i32
    %get3A_27 = arith.index_cast %get3A_26 : i32 to index
    %get3A_28 = arith.constant 0 : index
    %get3A_29 = tpu.vector_load %arg8[%get3A_27, %get3A_28] {strides = array<i32>} : memref<8x16xf32, #tpu.memory_space<vmem>>, vector<16xf32>,
    %get3A_30 = arith.constant 6 : i32
    %get3A_31 = arith.index_cast %get3A_30 : i32 to index
    %get3A_32 = arith.constant 0 : index
    %get3A_33 = tpu.vector_load %arg8[%get3A_31, %get3A_32] {strides = array<i32>} : memref<8x16xf32, #tpu.memory_space<vmem>>, vector<16xf32>,
    %get3A_34 = arith.constant 7 : i32
    %get3A_35 = arith.index_cast %get3A_34 : i32 to index
    %get3A_36 = arith.constant 0 : index
    %get3A_37 = tpu.vector_load %arg8[%get3A_35, %get3A_36] {strides = array<i32>} : memref<8x16xf32, #tpu.memory_space<vmem>>, vector<16xf32>,
    %broadcast_in_dim3A = arith.constant 0.000000e+00 : f32
    %broadcast_in_dim3A_38 = vector.broadcast %broadcast_in_dim3A : f32 to vector<16xf32>
    %eq3A = arith.constant 0 : i32
    %eq3A_39 = vector.broadcast %eq3A : i32 to vector<16xi32>
    %eq3A_40 = arith.cmpi eq, %iota3A, %eq3A_39 : vector<16xi32>
    %mul3A = arith.mulf %get3A_9, %get3A_9 : vector<16xf32>
    %reduce_sum3A = arith.constant true
    %reduce_sum3A_41 = vector.broadcast %reduce_sum3A : i1 to vector<16xi1>
    %reduce_sum3A_42 = tpu.scan <sum>, %mul3A masked %reduce_sum3A_41 : vector<16xf32>, vector<16xi1> -> vector<16xf32>
    %reduce_sum3A_43 = vector.extract %reduce_sum3A_42[15] : f32 from vector<16xf32>
    %broadcast_in_dim3A_44 = vector.broadcast %reduce_sum3A_43 : f32 to vector<16xf32>
    %select_n3A = arith.select %eq3A_40, %broadcast_in_dim3A_44, %broadcast_in_dim3A_38 : vector<16xi1>, vector<16xf32>
    %eq3A_45 = arith.constant 1 : i32
    %eq3A_46 = vector.broadcast %eq3A_45 : i32 to vector<16xi32>
    %eq3A_47 = arith.cmpi eq, %iota3A, %eq3A_46 : vector<16xi32>
    %mul3A_48 = arith.mulf %get3A_13, %get3A_13 : vector<16xf32>
    %reduce_sum3A_49 = arith.constant true
    %reduce_sum3A_50 = vector.broadcast %reduce_sum3A_49 : i1 to vector<16xi1>
    %reduce_sum3A_51 = tpu.scan <sum>, %mul3A_48 masked %reduce_sum3A_50 : vector<16xf32>, vector<16xi1> -> vector<16xf32>
    %reduce_sum3A_52 = vector.extract %reduce_sum3A_51[15] : f32 from vector<16xf32>
    %broadcast_in_dim3A_53 = vector.broadcast %reduce_sum3A_52 : f32 to vector<16xf32>
    %select_n3A_54 = arith.select %eq3A_47, %broadcast_in_dim3A_53, %select_n3A : vector<16xi1>, vector<16xf32>
    %eq3A_55 = arith.constant 2 : i32
    %eq3A_56 = vector.broadcast %eq3A_55 : i32 to vector<16xi32>
    %eq3A_57 = arith.cmpi eq, %iota3A, %eq3A_56 : vector<16xi32>
    %mul3A_58 = arith.mulf %get3A_17, %get3A_17 : vector<16xf32>
    %reduce_sum3A_59 = arith.constant true
    %reduce_sum3A_60 = vector.broadcast %reduce_sum3A_59 : i1 to vector<16xi1>
    %reduce_sum3A_61 = tpu.scan <sum>, %mul3A_58 masked %reduce_sum3A_60 : vector<16xf32>, vector<16xi1> -> vector<16xf32>
    %reduce_sum3A_62 = vector.extract %reduce_sum3A_61[15] : f32 from vector<16xf32>
    %broadcast_in_dim3A_63 = vector.broadcast %reduce_sum3A_62 : f32 to vector<16xf32>
    %select_n3A_64 = arith.select %eq3A_57, %broadcast_in_dim3A_63, %select_n3A_54 : vector<16xi1>, vector<16xf32>
    %eq3A_65 = arith.constant 3 : i32
    %eq3A_66 = vector.broadcast %eq3A_65 : i32 to vector<16xi32>
    %eq3A_67 = arith.cmpi eq, %iota3A, %eq3A_66 : vector<16xi32>
    %mul3A_68 = arith.mulf %get3A_21, %get3A_21 : vector<16xf32>
    %reduce_sum3A_69 = arith.constant true
    %reduce_sum3A_70 = vector.broadcast %reduce_sum3A_69 : i1 to vector<16xi1>
    %reduce_sum3A_71 = tpu.scan <sum>, %mul3A_68 masked %reduce_sum3A_70 : vector<16xf32>, vector<16xi1> -> vector<16xf32>
    %reduce_sum3A_72 = vector.extract %reduce_sum3A_71[15] : f32 from vector<16xf32>
    %broadcast_in_dim3A_73 = vector.broadcast %reduce_sum3A_72 : f32 to vector<16xf32>
    %select_n3A_74 = arith.select %eq3A_67, %broadcast_in_dim3A_73, %select_n3A_64 : vector<16xi1>, vector<16xf32>
    %eq3A_75 = arith.constant 4 : i32
    %eq3A_76 = vector.broadcast %eq3A_75 : i32 to vector<16xi32>
    %eq3A_77 = arith.cmpi eq, %iota3A, %eq3A_76 : vector<16xi32>
    %mul3A_78 = arith.mulf %get3A_25, %get3A_25 : vector<16xf32>
    %reduce_sum3A_79 = arith.constant true
    %reduce_sum3A_80 = vector.broadcast %reduce_sum3A_79 : i1 to vector<16xi1>
    %reduce_sum3A_81 = tpu.scan <sum>, %mul3A_78 masked %reduce_sum3A_80 : vector<16xf32>, vector<16xi1> -> vector<16xf32>
    %reduce_sum3A_82 = vector.extract %reduce_sum3A_81[15] : f32 from vector<16xf32>
    %broadcast_in_dim3A_83 = vector.broadcast %reduce_sum3A_82 : f32 to vector<16xf32>
    %select_n3A_84 = arith.select %eq3A_77, %broadcast_in_dim3A_83, %select_n3A_74 : vector<16xi1>, vector<16xf32>
    %eq3A_85 = arith.constant 5 : i32
    %eq3A_86 = vector.broadcast %eq3A_85 : i32 to vector<16xi32>
    %eq3A_87 = arith.cmpi eq, %iota3A, %eq3A_86 : vector<16xi32>
    %mul3A_88 = arith.mulf %get3A_29, %get3A_29 : vector<16xf32>
    %reduce_sum3A_89 = arith.constant true
    %reduce_sum3A_90 = vector.broadcast %reduce_sum3A_89 : i1 to vector<16xi1>
    %reduce_sum3A_91 = tpu.scan <sum>, %mul3A_88 masked %reduce_sum3A_90 : vector<16xf32>, vector<16xi1> -> vector<16xf32>
    %reduce_sum3A_92 = vector.extract %reduce_sum3A_91[15] : f32 from vector<16xf32>
    %broadcast_in_dim3A_93 = vector.broadcast %reduce_sum3A_92 : f32 to vector<16xf32>
    %select_n3A_94 = arith.select %eq3A_87, %broadcast_in_dim3A_93, %select_n3A_84 : vector<16xi1>, vector<16xf32>
    %eq3A_95 = arith.constant 6 : i32
    %eq3A_96 = vector.broadcast %eq3A_95 : i32 to vector<16xi32>
    %eq3A_97 = arith.cmpi eq, %iota3A, %eq3A_96 : vector<16xi32>
    %mul3A_98 = arith.mulf %get3A_33, %get3A_33 : vector<16xf32>
    %reduce_sum3A_99 = arith.constant true
    %reduce_sum3A_100 = vector.broadcast %reduce_sum3A_99 : i1 to vector<16xi1>
    %reduce_sum3A_101 = tpu.scan <sum>, %mul3A_98 masked %reduce_sum3A_100 : vector<16xf32>, vector<16xi1> -> vector<16xf32>
    %reduce_sum3A_102 = vector.extract %reduce_sum3A_101[15] : f32 from vector<16xf32>
    %broadcast_in_dim3A_103 = vector.broadcast %reduce_sum3A_102 : f32 to vector<16xf32>
    %select_n3A_104 = arith.select %eq3A_97, %broadcast_in_dim3A_103, %select_n3A_94 : vector<16xi1>, vector<16xf32>
    %eq3A_105 = arith.constant 7 : i32
    %eq3A_106 = vector.broadcast %eq3A_105 : i32 to vector<16xi32>
    %eq3A_107 = arith.cmpi eq, %iota3A, %eq3A_106 : vector<16xi32>
    %mul3A_108 = arith.mulf %get3A_37, %get3A_37 : vector<16xf32>
    %reduce_sum3A_109 = arith.constant true
    %reduce_sum3A_110 = vector.broadcast %reduce_sum3A_109 : i1 to vector<16xi1>
    %reduce_sum3A_111 = tpu.scan <sum>, %mul3A_108 masked %reduce_sum3A_110 : vector<16xf32>, vector<16xi1> -> vector<16xf32>
    %reduce_sum3A_112 = vector.extract %reduce_sum3A_111[15] : f32 from vector<16xf32>
    %broadcast_in_dim3A_113 = vector.broadcast %reduce_sum3A_112 : f32 to vector<16xf32>
    %select_n3A_114 = arith.select %eq3A_107, %broadcast_in_dim3A_113, %select_n3A_104 : vector<16xi1>, vector<16xf32>
    %bitcast_convert_type3A = tpu.bitcast %select_n3A_114 : vector<16xf32> -> vector<16xi32>
    %shift_right_logical3A = arith.constant 1 : i32
    %shift_right_logical3A_115 = vector.broadcast %shift_right_logical3A : i32 to vector<16xi32>
    %shift_right_logical3A_116 = arith.shrui %bitcast_convert_type3A, %shift_right_logical3A_115 : vector<16xi32>
    %sub3A = arith.constant 1597463007 : i32
    %sub3A_117 = vector.broadcast %sub3A : i32 to vector<16xi32>
    %sub3A_118 = arith.subi %sub3A_117, %shift_right_logical3A_116 : vector<16xi32>
    %bitcast_convert_type3A_119 = tpu.bitcast %sub3A_118 : vector<16xi32> -> vector<16xf32>
    %mul3A_120 = arith.constant 5.000000e-01 : f32
    %mul3A_121 = vector.broadcast %mul3A_120 : f32 to vector<16xf32>
    %mul3A_122 = arith.mulf %mul3A_121, %select_n3A_114 : vector<16xf32>
    %mul3A_123 = arith.mulf %mul3A_122, %bitcast_convert_type3A_119 : vector<16xf32>
    %mul3A_124 = arith.mulf %mul3A_123, %bitcast_convert_type3A_119 : vector<16xf32>
    %sub3A_125 = arith.constant 1.500000e+00 : f32
    %sub3A_126 = vector.broadcast %sub3A_125 : f32 to vector<16xf32>
    %sub3A_127 = arith.subf %sub3A_126, %mul3A_124 : vector<16xf32>
    %mul3A_128 = arith.mulf %bitcast_convert_type3A_119, %sub3A_127 : vector<16xf32>
    %mul3A_129 = arith.mulf %mul3A_122, %mul3A_128 : vector<16xf32>
    %mul3A_130 = arith.mulf %mul3A_129, %mul3A_128 : vector<16xf32>
    %sub3A_131 = arith.constant 1.500000e+00 : f32
    %sub3A_132 = vector.broadcast %sub3A_131 : f32 to vector<16xf32>
    %sub3A_133 = arith.subf %sub3A_132, %mul3A_130 : vector<16xf32>
    %mul3A_134 = arith.mulf %mul3A_128, %sub3A_133 : vector<16xf32>
    %mul3A_135 = arith.mulf %mul3A_122, %mul3A_134 : vector<16xf32>
    %mul3A_136 = arith.mulf %mul3A_135, %mul3A_134 : vector<16xf32>
    %sub3A_137 = arith.constant 1.500000e+00 : f32
    %sub3A_138 = vector.broadcast %sub3A_137 : f32 to vector<16xf32>
    %sub3A_139 = arith.subf %sub3A_138, %mul3A_136 : vector<16xf32>
    %mul3A_140 = arith.mulf %mul3A_134, %sub3A_139 : vector<16xf32>
    %slice3A = vector.extract_strided_slice %mul3A_140 {offsets = [0], sizes = [1], strides = [1]} : vector<16xf32> to vector<1xf32>
    %squeeze3A = vector.extract %slice3A[0] : f32 from vector<1xf32>
    %mul3A_141 = vector.broadcast %squeeze3A : f32 to vector<16xf32>
    %mul3A_142 = arith.mulf %get3A_9, %mul3A_141 : vector<16xf32>
    %bitcast_convert_type3A_143 = tpu.bitcast %mul3A_142 : vector<16xf32> -> vector<16xi32>
    %shift_right_logical3A_144 = arith.constant 16 : i32
    %shift_right_logical3A_145 = vector.broadcast %shift_right_logical3A_144 : i32 to vector<16xi32>
    %shift_right_logical3A_146 = arith.shrui %bitcast_convert_type3A_143, %shift_right_logical3A_145 : vector<16xi32>
    %and3A = arith.constant 1 : i32
    %and3A_147 = vector.broadcast %and3A : i32 to vector<16xi32>
    %and3A_148 = arith.andi %shift_right_logical3A_146, %and3A_147 : vector<16xi32>
    %add3A = arith.constant 32767 : i32
    %add3A_149 = vector.broadcast %add3A : i32 to vector<16xi32>
    %add3A_150 = arith.addi %bitcast_convert_type3A_143, %add3A_149 : vector<16xi32>
    %add3A_151 = arith.addi %add3A_150, %and3A_148 : vector<16xi32>
    %and3A_152 = arith.constant -65536 : i32
    %and3A_153 = vector.broadcast %and3A_152 : i32 to vector<16xi32>
    %and3A_154 = arith.andi %add3A_151, %and3A_153 : vector<16xi32>
    %bitcast_convert_type3A_155 = tpu.bitcast %and3A_154 : vector<16xi32> -> vector<16xf32>
    %slice3A_156 = vector.extract_strided_slice %bitcast_convert_type3A_155 {offsets = [0], sizes = [1], strides = [1]} : vector<16xf32> to vector<1xf32>
    %squeeze3A_157 = vector.extract %slice3A_156[0] : f32 from vector<1xf32>
    %slice3A_158 = vector.extract_strided_slice %bitcast_convert_type3A_155 {offsets = [1], sizes = [1], strides = [1]} : vector<16xf32> to vector<1xf32>
    %squeeze3A_159 = vector.extract %slice3A_158[0] : f32 from vector<1xf32>
    %slice3A_160 = vector.extract_strided_slice %bitcast_convert_type3A_155 {offsets = [2], sizes = [1], strides = [1]} : vector<16xf32> to vector<1xf32>
    %squeeze3A_161 = vector.extract %slice3A_160[0] : f32 from vector<1xf32>
    %slice3A_162 = vector.extract_strided_slice %bitcast_convert_type3A_155 {offsets = [3], sizes = [1], strides = [1]} : vector<16xf32> to vector<1xf32>
    %squeeze3A_163 = vector.extract %slice3A_162[0] : f32 from vector<1xf32>
    %slice3A_164 = vector.extract_strided_slice %bitcast_convert_type3A_155 {offsets = [4], sizes = [1], strides = [1]} : vector<16xf32> to vector<1xf32>
    %squeeze3A_165 = vector.extract %slice3A_164[0] : f32 from vector<1xf32>
    %slice3A_166 = vector.extract_strided_slice %bitcast_convert_type3A_155 {offsets = [5], sizes = [1], strides = [1]} : vector<16xf32> to vector<1xf32>
    %squeeze3A_167 = vector.extract %slice3A_166[0] : f32 from vector<1xf32>
    %slice3A_168 = vector.extract_strided_slice %bitcast_convert_type3A_155 {offsets = [6], sizes = [1], strides = [1]} : vector<16xf32> to vector<1xf32>
    %squeeze3A_169 = vector.extract %slice3A_168[0] : f32 from vector<1xf32>
    %slice3A_170 = vector.extract_strided_slice %bitcast_convert_type3A_155 {offsets = [7], sizes = [1], strides = [1]} : vector<16xf32> to vector<1xf32>
    %squeeze3A_171 = vector.extract %slice3A_170[0] : f32 from vector<1xf32>
    %slice3A_172 = vector.extract_strided_slice %bitcast_convert_type3A_155 {offsets = [8], sizes = [1], strides = [1]} : vector<16xf32> to vector<1xf32>
    %squeeze3A_173 = vector.extract %slice3A_172[0] : f32 from vector<1xf32>
    %slice3A_174 = vector.extract_strided_slice %bitcast_convert_type3A_155 {offsets = [9], sizes = [1], strides = [1]} : vector<16xf32> to vector<1xf32>
    %squeeze3A_175 = vector.extract %slice3A_174[0] : f32 from vector<1xf32>
    %slice3A_176 = vector.extract_strided_slice %bitcast_convert_type3A_155 {offsets = [10], sizes = [1], strides = [1]} : vector<16xf32> to vector<1xf32>
    %squeeze3A_177 = vector.extract %slice3A_176[0] : f32 from vector<1xf32>
    %slice3A_178 = vector.extract_strided_slice %mul3A_140 {offsets = [1], sizes = [1], strides = [1]} : vector<16xf32> to vector<1xf32>
    %squeeze3A_179 = vector.extract %slice3A_178[0] : f32 from vector<1xf32>
    %mul3A_180 = vector.broadcast %squeeze3A_179 : f32 to vector<16xf32>
    %mul3A_181 = arith.mulf %get3A_13, %mul3A_180 : vector<16xf32>
    %bitcast_convert_type3A_182 = tpu.bitcast %mul3A_181 : vector<16xf32> -> vector<16xi32>
    %shift_right_logical3A_183 = arith.constant 16 : i32
    %shift_right_logical3A_184 = vector.broadcast %shift_right_logical3A_183 : i32 to vector<16xi32>
    %shift_right_logical3A_185 = arith.shrui %bitcast_convert_type3A_182, %shift_right_logical3A_184 : vector<16xi32>
    %and3A_186 = arith.constant 1 : i32
    %and3A_187 = vector.broadcast %and3A_186 : i32 to vector<16xi32>
    %and3A_188 = arith.andi %shift_right_logical3A_185, %and3A_187 : vector<16xi32>
    %add3A_189 = arith.constant 32767 : i32
    %add3A_190 = vector.broadcast %add3A_189 : i32 to vector<16xi32>
    %add3A_191 = arith.addi %bitcast_convert_type3A_182, %add3A_190 : vector<16xi32>
    %add3A_192 = arith.addi %add3A_191, %and3A_188 : vector<16xi32>
    %and3A_193 = arith.constant -65536 : i32
    %and3A_194 = vector.broadcast %and3A_193 : i32 to vector<16xi32>
    %and3A_195 = arith.andi %add3A_192, %and3A_194 : vector<16xi32>
    %bitcast_convert_type3A_196 = tpu.bitcast %and3A_195 : vector<16xi32> -> vector<16xf32>
    %slice3A_197 = vector.extract_strided_slice %bitcast_convert_type3A_196 {offsets = [0], sizes = [1], strides = [1]} : vector<16xf32> to vector<1xf32>
    %squeeze3A_198 = vector.extract %slice3A_197[0] : f32 from vector<1xf32>
    %slice3A_199 = vector.extract_strided_slice %bitcast_convert_type3A_196 {offsets = [1], sizes = [1], strides = [1]} : vector<16xf32> to vector<1xf32>
    %squeeze3A_200 = vector.extract %slice3A_199[0] : f32 from vector<1xf32>
    %slice3A_201 = vector.extract_strided_slice %bitcast_convert_type3A_196 {offsets = [2], sizes = [1], strides = [1]} : vector<16xf32> to vector<1xf32>
    %squeeze3A_202 = vector.extract %slice3A_201[0] : f32 from vector<1xf32>
    %slice3A_203 = vector.extract_strided_slice %bitcast_convert_type3A_196 {offsets = [3], sizes = [1], strides = [1]} : vector<16xf32> to vector<1xf32>
    %squeeze3A_204 = vector.extract %slice3A_203[0] : f32 from vector<1xf32>
    %slice3A_205 = vector.extract_strided_slice %bitcast_convert_type3A_196 {offsets = [4], sizes = [1], strides = [1]} : vector<16xf32> to vector<1xf32>
    %squeeze3A_206 = vector.extract %slice3A_205[0] : f32 from vector<1xf32>
    %slice3A_207 = vector.extract_strided_slice %bitcast_convert_type3A_196 {offsets = [5], sizes = [1], strides = [1]} : vector<16xf32> to vector<1xf32>
    %squeeze3A_208 = vector.extract %slice3A_207[0] : f32 from vector<1xf32>
    %slice3A_209 = vector.extract_strided_slice %bitcast_convert_type3A_196 {offsets = [6], sizes = [1], strides = [1]} : vector<16xf32> to vector<1xf32>
    %squeeze3A_210 = vector.extract %slice3A_209[0] : f32 from vector<1xf32>
    %slice3A_211 = vector.extract_strided_slice %bitcast_convert_type3A_196 {offsets = [7], sizes = [1], strides = [1]} : vector<16xf32> to vector<1xf32>
    %squeeze3A_212 = vector.extract %slice3A_211[0] : f32 from vector<1xf32>
    %slice3A_213 = vector.extract_strided_slice %bitcast_convert_type3A_196 {offsets = [8], sizes = [1], strides = [1]} : vector<16xf32> to vector<1xf32>
    %squeeze3A_214 = vector.extract %slice3A_213[0] : f32 from vector<1xf32>
    %slice3A_215 = vector.extract_strided_slice %bitcast_convert_type3A_196 {offsets = [9], sizes = [1], strides = [1]} : vector<16xf32> to vector<1xf32>
    %squeeze3A_216 = vector.extract %slice3A_215[0] : f32 from vector<1xf32>
    %slice3A_217 = vector.extract_strided_slice %bitcast_convert_type3A_196 {offsets = [10], sizes = [1], strides = [1]} : vector<16xf32> to vector<1xf32>
    %squeeze3A_218 = vector.extract %slice3A_217[0] : f32 from vector<1xf32>
    %slice3A_219 = vector.extract_strided_slice %mul3A_140 {offsets = [2], sizes = [1], strides = [1]} : vector<16xf32> to vector<1xf32>
    %squeeze3A_220 = vector.extract %slice3A_219[0] : f32 from vector<1xf32>
    %mul3A_221 = vector.broadcast %squeeze3A_220 : f32 to vector<16xf32>
    %mul3A_222 = arith.mulf %get3A_17, %mul3A_221 : vector<16xf32>
    %bitcast_convert_type3A_223 = tpu.bitcast %mul3A_222 : vector<16xf32> -> vector<16xi32>
    %shift_right_logical3A_224 = arith.constant 16 : i32
    %shift_right_logical3A_225 = vector.broadcast %shift_right_logical3A_224 : i32 to vector<16xi32>
    %shift_right_logical3A_226 = arith.shrui %bitcast_convert_type3A_223, %shift_right_logical3A_225 : vector<16xi32>
    %and3A_227 = arith.constant 1 : i32
    %and3A_228 = vector.broadcast %and3A_227 : i32 to vector<16xi32>
    %and3A_229 = arith.andi %shift_right_logical3A_226, %and3A_228 : vector<16xi32>
    %add3A_230 = arith.constant 32767 : i32
    %add3A_231 = vector.broadcast %add3A_230 : i32 to vector<16xi32>
    %add3A_232 = arith.addi %bitcast_convert_type3A_223, %add3A_231 : vector<16xi32>
    %add3A_233 = arith.addi %add3A_232, %and3A_229 : vector<16xi32>
    %and3A_234 = arith.constant -65536 : i32
    %and3A_235 = vector.broadcast %and3A_234 : i32 to vector<16xi32>
    %and3A_236 = arith.andi %add3A_233, %and3A_235 : vector<16xi32>
    %bitcast_convert_type3A_237 = tpu.bitcast %and3A_236 : vector<16xi32> -> vector<16xf32>
    %slice3A_238 = vector.extract_strided_slice %bitcast_convert_type3A_237 {offsets = [0], sizes = [1], strides = [1]} : vector<16xf32> to vector<1xf32>
    %squeeze3A_239 = vector.extract %slice3A_238[0] : f32 from vector<1xf32>
    %slice3A_240 = vector.extract_strided_slice %bitcast_convert_type3A_237 {offsets = [1], sizes = [1], strides = [1]} : vector<16xf32> to vector<1xf32>
    %squeeze3A_241 = vector.extract %slice3A_240[0] : f32 from vector<1xf32>
    %slice3A_242 = vector.extract_strided_slice %bitcast_convert_type3A_237 {offsets = [2], sizes = [1], strides = [1]} : vector<16xf32> to vector<1xf32>
    %squeeze3A_243 = vector.extract %slice3A_242[0] : f32 from vector<1xf32>
    %slice3A_244 = vector.extract_strided_slice %bitcast_convert_type3A_237 {offsets = [3], sizes = [1], strides = [1]} : vector<16xf32> to vector<1xf32>
    %squeeze3A_245 = vector.extract %slice3A_244[0] : f32 from vector<1xf32>
    %slice3A_246 = vector.extract_strided_slice %bitcast_convert_type3A_237 {offsets = [4], sizes = [1], strides = [1]} : vector<16xf32> to vector<1xf32>
    %squeeze3A_247 = vector.extract %slice3A_246[0] : f32 from vector<1xf32>
    %slice3A_248 = vector.extract_strided_slice %bitcast_convert_type3A_237 {offsets = [5], sizes = [1], strides = [1]} : vector<16xf32> to vector<1xf32>
    %squeeze3A_249 = vector.extract %slice3A_248[0] : f32 from vector<1xf32>
    %slice3A_250 = vector.extract_strided_slice %bitcast_convert_type3A_237 {offsets = [6], sizes = [1], strides = [1]} : vector<16xf32> to vector<1xf32>
    %squeeze3A_251 = vector.extract %slice3A_250[0] : f32 from vector<1xf32>
    %slice3A_252 = vector.extract_strided_slice %bitcast_convert_type3A_237 {offsets = [7], sizes = [1], strides = [1]} : vector<16xf32> to vector<1xf32>
    %squeeze3A_253 = vector.extract %slice3A_252[0] : f32 from vector<1xf32>
    %slice3A_254 = vector.extract_strided_slice %bitcast_convert_type3A_237 {offsets = [8], sizes = [1], strides = [1]} : vector<16xf32> to vector<1xf32>
    %squeeze3A_255 = vector.extract %slice3A_254[0] : f32 from vector<1xf32>
    %slice3A_256 = vector.extract_strided_slice %bitcast_convert_type3A_237 {offsets = [9], sizes = [1], strides = [1]} : vector<16xf32> to vector<1xf32>
    %squeeze3A_257 = vector.extract %slice3A_256[0] : f32 from vector<1xf32>
    %slice3A_258 = vector.extract_strided_slice %bitcast_convert_type3A_237 {offsets = [10], sizes = [1], strides = [1]} : vector<16xf32> to vector<1xf32>
    %squeeze3A_259 = vector.extract %slice3A_258[0] : f32 from vector<1xf32>
    %slice3A_260 = vector.extract_strided_slice %mul3A_140 {offsets = [3], sizes = [1], strides = [1]} : vector<16xf32> to vector<1xf32>
    %squeeze3A_261 = vector.extract %slice3A_260[0] : f32 from vector<1xf32>
    %mul3A_262 = vector.broadcast %squeeze3A_261 : f32 to vector<16xf32>
    %mul3A_263 = arith.mulf %get3A_21, %mul3A_262 : vector<16xf32>
    %bitcast_convert_type3A_264 = tpu.bitcast %mul3A_263 : vector<16xf32> -> vector<16xi32>
    %shift_right_logical3A_265 = arith.constant 16 : i32
    %shift_right_logical3A_266 = vector.broadcast %shift_right_logical3A_265 : i32 to vector<16xi32>
    %shift_right_logical3A_267 = arith.shrui %bitcast_convert_type3A_264, %shift_right_logical3A_266 : vector<16xi32>
    %and3A_268 = arith.constant 1 : i32
    %and3A_269 = vector.broadcast %and3A_268 : i32 to vector<16xi32>
    %and3A_270 = arith.andi %shift_right_logical3A_267, %and3A_269 : vector<16xi32>
    %add3A_271 = arith.constant 32767 : i32
    %add3A_272 = vector.broadcast %add3A_271 : i32 to vector<16xi32>
    %add3A_273 = arith.addi %bitcast_convert_type3A_264, %add3A_272 : vector<16xi32>
    %add3A_274 = arith.addi %add3A_273, %and3A_270 : vector<16xi32>
    %and3A_275 = arith.constant -65536 : i32
    %and3A_276 = vector.broadcast %and3A_275 : i32 to vector<16xi32>
    %and3A_277 = arith.andi %add3A_274, %and3A_276 : vector<16xi32>
    %bitcast_convert_type3A_278 = tpu.bitcast %and3A_277 : vector<16xi32> -> vector<16xf32>
    %slice3A_279 = vector.extract_strided_slice %bitcast_convert_type3A_278 {offsets = [0], sizes = [1], strides = [1]} : vector<16xf32> to vector<1xf32>
    %squeeze3A_280 = vector.extract %slice3A_279[0] : f32 from vector<1xf32>
    %slice3A_281 = vector.extract_strided_slice %bitcast_convert_type3A_278 {offsets = [1], sizes = [1], strides = [1]} : vector<16xf32> to vector<1xf32>
    %squeeze3A_282 = vector.extract %slice3A_281[0] : f32 from vector<1xf32>
    %slice3A_283 = vector.extract_strided_slice %bitcast_convert_type3A_278 {offsets = [2], sizes = [1], strides = [1]} : vector<16xf32> to vector<1xf32>
    %squeeze3A_284 = vector.extract %slice3A_283[0] : f32 from vector<1xf32>
    %slice3A_285 = vector.extract_strided_slice %bitcast_convert_type3A_278 {offsets = [3], sizes = [1], strides = [1]} : vector<16xf32> to vector<1xf32>
    %squeeze3A_286 = vector.extract %slice3A_285[0] : f32 from vector<1xf32>
    %slice3A_287 = vector.extract_strided_slice %bitcast_convert_type3A_278 {offsets = [4], sizes = [1], strides = [1]} : vector<16xf32> to vector<1xf32>
    %squeeze3A_288 = vector.extract %slice3A_287[0] : f32 from vector<1xf32>
    %slice3A_289 = vector.extract_strided_slice %bitcast_convert_type3A_278 {offsets = [5], sizes = [1], strides = [1]} : vector<16xf32> to vector<1xf32>
    %squeeze3A_290 = vector.extract %slice3A_289[0] : f32 from vector<1xf32>
    %slice3A_291 = vector.extract_strided_slice %bitcast_convert_type3A_278 {offsets = [6], sizes = [1], strides = [1]} : vector<16xf32> to vector<1xf32>
    %squeeze3A_292 = vector.extract %slice3A_291[0] : f32 from vector<1xf32>
    %slice3A_293 = vector.extract_strided_slice %bitcast_convert_type3A_278 {offsets = [7], sizes = [1], strides = [1]} : vector<16xf32> to vector<1xf32>
    %squeeze3A_294 = vector.extract %slice3A_293[0] : f32 from vector<1xf32>
    %slice3A_295 = vector.extract_strided_slice %bitcast_convert_type3A_278 {offsets = [8], sizes = [1], strides = [1]} : vector<16xf32> to vector<1xf32>
    %squeeze3A_296 = vector.extract %slice3A_295[0] : f32 from vector<1xf32>
    %slice3A_297 = vector.extract_strided_slice %bitcast_convert_type3A_278 {offsets = [9], sizes = [1], strides = [1]} : vector<16xf32> to vector<1xf32>
    %squeeze3A_298 = vector.extract %slice3A_297[0] : f32 from vector<1xf32>
    %slice3A_299 = vector.extract_strided_slice %bitcast_convert_type3A_278 {offsets = [10], sizes = [1], strides = [1]} : vector<16xf32> to vector<1xf32>
    %squeeze3A_300 = vector.extract %slice3A_299[0] : f32 from vector<1xf32>
    %slice3A_301 = vector.extract_strided_slice %mul3A_140 {offsets = [4], sizes = [1], strides = [1]} : vector<16xf32> to vector<1xf32>
    %squeeze3A_302 = vector.extract %slice3A_301[0] : f32 from vector<1xf32>
    %mul3A_303 = vector.broadcast %squeeze3A_302 : f32 to vector<16xf32>
    %mul3A_304 = arith.mulf %get3A_25, %mul3A_303 : vector<16xf32>
    %bitcast_convert_type3A_305 = tpu.bitcast %mul3A_304 : vector<16xf32> -> vector<16xi32>
    %shift_right_logical3A_306 = arith.constant 16 : i32
    %shift_right_logical3A_307 = vector.broadcast %shift_right_logical3A_306 : i32 to vector<16xi32>
    %shift_right_logical3A_308 = arith.shrui %bitcast_convert_type3A_305, %shift_right_logical3A_307 : vector<16xi32>
    %and3A_309 = arith.constant 1 : i32
    %and3A_310 = vector.broadcast %and3A_309 : i32 to vector<16xi32>
    %and3A_311 = arith.andi %shift_right_logical3A_308, %and3A_310 : vector<16xi32>
    %add3A_312 = arith.constant 32767 : i32
    %add3A_313 = vector.broadcast %add3A_312 : i32 to vector<16xi32>
    %add3A_314 = arith.addi %bitcast_convert_type3A_305, %add3A_313 : vector<16xi32>
    %add3A_315 = arith.addi %add3A_314, %and3A_311 : vector<16xi32>
    %and3A_316 = arith.constant -65536 : i32
    %and3A_317 = vector.broadcast %and3A_316 : i32 to vector<16xi32>
    %and3A_318 = arith.andi %add3A_315, %and3A_317 : vector<16xi32>
    %bitcast_convert_type3A_319 = tpu.bitcast %and3A_318 : vector<16xi32> -> vector<16xf32>
    %slice3A_320 = vector.extract_strided_slice %bitcast_convert_type3A_319 {offsets = [0], sizes = [1], strides = [1]} : vector<16xf32> to vector<1xf32>
    %squeeze3A_321 = vector.extract %slice3A_320[0] : f32 from vector<1xf32>
    %slice3A_322 = vector.extract_strided_slice %bitcast_convert_type3A_319 {offsets = [1], sizes = [1], strides = [1]} : vector<16xf32> to vector<1xf32>
    %squeeze3A_323 = vector.extract %slice3A_322[0] : f32 from vector<1xf32>
    %slice3A_324 = vector.extract_strided_slice %bitcast_convert_type3A_319 {offsets = [2], sizes = [1], strides = [1]} : vector<16xf32> to vector<1xf32>
    %squeeze3A_325 = vector.extract %slice3A_324[0] : f32 from vector<1xf32>
    %slice3A_326 = vector.extract_strided_slice %bitcast_convert_type3A_319 {offsets = [3], sizes = [1], strides = [1]} : vector<16xf32> to vector<1xf32>
    %squeeze3A_327 = vector.extract %slice3A_326[0] : f32 from vector<1xf32>
    %slice3A_328 = vector.extract_strided_slice %bitcast_convert_type3A_319 {offsets = [4], sizes = [1], strides = [1]} : vector<16xf32> to vector<1xf32>
    %squeeze3A_329 = vector.extract %slice3A_328[0] : f32 from vector<1xf32>
    %slice3A_330 = vector.extract_strided_slice %bitcast_convert_type3A_319 {offsets = [5], sizes = [1], strides = [1]} : vector<16xf32> to vector<1xf32>
    %squeeze3A_331 = vector.extract %slice3A_330[0] : f32 from vector<1xf32>
    %slice3A_332 = vector.extract_strided_slice %bitcast_convert_type3A_319 {offsets = [6], sizes = [1], strides = [1]} : vector<16xf32> to vector<1xf32>
    %squeeze3A_333 = vector.extract %slice3A_332[0] : f32 from vector<1xf32>
    %slice3A_334 = vector.extract_strided_slice %bitcast_convert_type3A_319 {offsets = [7], sizes = [1], strides = [1]} : vector<16xf32> to vector<1xf32>
    %squeeze3A_335 = vector.extract %slice3A_334[0] : f32 from vector<1xf32>
    %slice3A_336 = vector.extract_strided_slice %bitcast_convert_type3A_319 {offsets = [8], sizes = [1], strides = [1]} : vector<16xf32> to vector<1xf32>
    %squeeze3A_337 = vector.extract %slice3A_336[0] : f32 from vector<1xf32>
    %slice3A_338 = vector.extract_strided_slice %bitcast_convert_type3A_319 {offsets = [9], sizes = [1], strides = [1]} : vector<16xf32> to vector<1xf32>
    %squeeze3A_339 = vector.extract %slice3A_338[0] : f32 from vector<1xf32>
    %slice3A_340 = vector.extract_strided_slice %bitcast_convert_type3A_319 {offsets = [10], sizes = [1], strides = [1]} : vector<16xf32> to vector<1xf32>
    %squeeze3A_341 = vector.extract %slice3A_340[0] : f32 from vector<1xf32>
    %slice3A_342 = vector.extract_strided_slice %mul3A_140 {offsets = [5], sizes = [1], strides = [1]} : vector<16xf32> to vector<1xf32>
    %squeeze3A_343 = vector.extract %slice3A_342[0] : f32 from vector<1xf32>
    %mul3A_344 = vector.broadcast %squeeze3A_343 : f32 to vector<16xf32>
    %mul3A_345 = arith.mulf %get3A_29, %mul3A_344 : vector<16xf32>
    %bitcast_convert_type3A_346 = tpu.bitcast %mul3A_345 : vector<16xf32> -> vector<16xi32>
    %shift_right_logical3A_347 = arith.constant 16 : i32
    %shift_right_logical3A_348 = vector.broadcast %shift_right_logical3A_347 : i32 to vector<16xi32>
    %shift_right_logical3A_349 = arith.shrui %bitcast_convert_type3A_346, %shift_right_logical3A_348 : vector<16xi32>
    %and3A_350 = arith.constant 1 : i32
    %and3A_351 = vector.broadcast %and3A_350 : i32 to vector<16xi32>
    %and3A_352 = arith.andi %shift_right_logical3A_349, %and3A_351 : vector<16xi32>
    %add3A_353 = arith.constant 32767 : i32
    %add3A_354 = vector.broadcast %add3A_353 : i32 to vector<16xi32>
    %add3A_355 = arith.addi %bitcast_convert_type3A_346, %add3A_354 : vector<16xi32>
    %add3A_356 = arith.addi %add3A_355, %and3A_352 : vector<16xi32>
    %and3A_357 = arith.constant -65536 : i32
    %and3A_358 = vector.broadcast %and3A_357 : i32 to vector<16xi32>
    %and3A_359 = arith.andi %add3A_356, %and3A_358 : vector<16xi32>
    %bitcast_convert_type3A_360 = tpu.bitcast %and3A_359 : vector<16xi32> -> vector<16xf32>
    %slice3A_361 = vector.extract_strided_slice %bitcast_convert_type3A_360 {offsets = [0], sizes = [1], strides = [1]} : vector<16xf32> to vector<1xf32>
    %squeeze3A_362 = vector.extract %slice3A_361[0] : f32 from vector<1xf32>
    %slice3A_363 = vector.extract_strided_slice %bitcast_convert_type3A_360 {offsets = [1], sizes = [1], strides = [1]} : vector<16xf32> to vector<1xf32>
    %squeeze3A_364 = vector.extract %slice3A_363[0] : f32 from vector<1xf32>
    %slice3A_365 = vector.extract_strided_slice %bitcast_convert_type3A_360 {offsets = [2], sizes = [1], strides = [1]} : vector<16xf32> to vector<1xf32>
    %squeeze3A_366 = vector.extract %slice3A_365[0] : f32 from vector<1xf32>
    %slice3A_367 = vector.extract_strided_slice %bitcast_convert_type3A_360 {offsets = [3], sizes = [1], strides = [1]} : vector<16xf32> to vector<1xf32>
    %squeeze3A_368 = vector.extract %slice3A_367[0] : f32 from vector<1xf32>
    %slice3A_369 = vector.extract_strided_slice %bitcast_convert_type3A_360 {offsets = [4], sizes = [1], strides = [1]} : vector<16xf32> to vector<1xf32>
    %squeeze3A_370 = vector.extract %slice3A_369[0] : f32 from vector<1xf32>
    %slice3A_371 = vector.extract_strided_slice %bitcast_convert_type3A_360 {offsets = [5], sizes = [1], strides = [1]} : vector<16xf32> to vector<1xf32>
    %squeeze3A_372 = vector.extract %slice3A_371[0] : f32 from vector<1xf32>
    %slice3A_373 = vector.extract_strided_slice %bitcast_convert_type3A_360 {offsets = [6], sizes = [1], strides = [1]} : vector<16xf32> to vector<1xf32>
    %squeeze3A_374 = vector.extract %slice3A_373[0] : f32 from vector<1xf32>
    %slice3A_375 = vector.extract_strided_slice %bitcast_convert_type3A_360 {offsets = [7], sizes = [1], strides = [1]} : vector<16xf32> to vector<1xf32>
    %squeeze3A_376 = vector.extract %slice3A_375[0] : f32 from vector<1xf32>
    %slice3A_377 = vector.extract_strided_slice %bitcast_convert_type3A_360 {offsets = [8], sizes = [1], strides = [1]} : vector<16xf32> to vector<1xf32>
    %squeeze3A_378 = vector.extract %slice3A_377[0] : f32 from vector<1xf32>
    %slice3A_379 = vector.extract_strided_slice %bitcast_convert_type3A_360 {offsets = [9], sizes = [1], strides = [1]} : vector<16xf32> to vector<1xf32>
    %squeeze3A_380 = vector.extract %slice3A_379[0] : f32 from vector<1xf32>
    %slice3A_381 = vector.extract_strided_slice %bitcast_convert_type3A_360 {offsets = [10], sizes = [1], strides = [1]} : vector<16xf32> to vector<1xf32>
    %squeeze3A_382 = vector.extract %slice3A_381[0] : f32 from vector<1xf32>
    %slice3A_383 = vector.extract_strided_slice %mul3A_140 {offsets = [6], sizes = [1], strides = [1]} : vector<16xf32> to vector<1xf32>
    %squeeze3A_384 = vector.extract %slice3A_383[0] : f32 from vector<1xf32>
    %mul3A_385 = vector.broadcast %squeeze3A_384 : f32 to vector<16xf32>
    %mul3A_386 = arith.mulf %get3A_33, %mul3A_385 : vector<16xf32>
    %bitcast_convert_type3A_387 = tpu.bitcast %mul3A_386 : vector<16xf32> -> vector<16xi32>
    %shift_right_logical3A_388 = arith.constant 16 : i32
    %shift_right_logical3A_389 = vector.broadcast %shift_right_logical3A_388 : i32 to vector<16xi32>
    %shift_right_logical3A_390 = arith.shrui %bitcast_convert_type3A_387, %shift_right_logical3A_389 : vector<16xi32>
    %and3A_391 = arith.constant 1 : i32
    %and3A_392 = vector.broadcast %and3A_391 : i32 to vector<16xi32>
    %and3A_393 = arith.andi %shift_right_logical3A_390, %and3A_392 : vector<16xi32>
    %add3A_394 = arith.constant 32767 : i32
    %add3A_395 = vector.broadcast %add3A_394 : i32 to vector<16xi32>
    %add3A_396 = arith.addi %bitcast_convert_type3A_387, %add3A_395 : vector<16xi32>
    %add3A_397 = arith.addi %add3A_396, %and3A_393 : vector<16xi32>
    %and3A_398 = arith.constant -65536 : i32
    %and3A_399 = vector.broadcast %and3A_398 : i32 to vector<16xi32>
    %and3A_400 = arith.andi %add3A_397, %and3A_399 : vector<16xi32>
    %bitcast_convert_type3A_401 = tpu.bitcast %and3A_400 : vector<16xi32> -> vector<16xf32>
    %slice3A_402 = vector.extract_strided_slice %bitcast_convert_type3A_401 {offsets = [0], sizes = [1], strides = [1]} : vector<16xf32> to vector<1xf32>
    %squeeze3A_403 = vector.extract %slice3A_402[0] : f32 from vector<1xf32>
    %slice3A_404 = vector.extract_strided_slice %bitcast_convert_type3A_401 {offsets = [1], sizes = [1], strides = [1]} : vector<16xf32> to vector<1xf32>
    %squeeze3A_405 = vector.extract %slice3A_404[0] : f32 from vector<1xf32>
    %slice3A_406 = vector.extract_strided_slice %bitcast_convert_type3A_401 {offsets = [2], sizes = [1], strides = [1]} : vector<16xf32> to vector<1xf32>
    %squeeze3A_407 = vector.extract %slice3A_406[0] : f32 from vector<1xf32>
    %slice3A_408 = vector.extract_strided_slice %bitcast_convert_type3A_401 {offsets = [3], sizes = [1], strides = [1]} : vector<16xf32> to vector<1xf32>
    %squeeze3A_409 = vector.extract %slice3A_408[0] : f32 from vector<1xf32>
    %slice3A_410 = vector.extract_strided_slice %bitcast_convert_type3A_401 {offsets = [4], sizes = [1], strides = [1]} : vector<16xf32> to vector<1xf32>
    %squeeze3A_411 = vector.extract %slice3A_410[0] : f32 from vector<1xf32>
    %slice3A_412 = vector.extract_strided_slice %bitcast_convert_type3A_401 {offsets = [5], sizes = [1], strides = [1]} : vector<16xf32> to vector<1xf32>
    %squeeze3A_413 = vector.extract %slice3A_412[0] : f32 from vector<1xf32>
    %slice3A_414 = vector.extract_strided_slice %bitcast_convert_type3A_401 {offsets = [6], sizes = [1], strides = [1]} : vector<16xf32> to vector<1xf32>
    %squeeze3A_415 = vector.extract %slice3A_414[0] : f32 from vector<1xf32>
    %slice3A_416 = vector.extract_strided_slice %bitcast_convert_type3A_401 {offsets = [7], sizes = [1], strides = [1]} : vector<16xf32> to vector<1xf32>
    %squeeze3A_417 = vector.extract %slice3A_416[0] : f32 from vector<1xf32>
    %slice3A_418 = vector.extract_strided_slice %bitcast_convert_type3A_401 {offsets = [8], sizes = [1], strides = [1]} : vector<16xf32> to vector<1xf32>
    %squeeze3A_419 = vector.extract %slice3A_418[0] : f32 from vector<1xf32>
    %slice3A_420 = vector.extract_strided_slice %bitcast_convert_type3A_401 {offsets = [9], sizes = [1], strides = [1]} : vector<16xf32> to vector<1xf32>
    %squeeze3A_421 = vector.extract %slice3A_420[0] : f32 from vector<1xf32>
    %slice3A_422 = vector.extract_strided_slice %bitcast_convert_type3A_401 {offsets = [10], sizes = [1], strides = [1]} : vector<16xf32> to vector<1xf32>
    %squeeze3A_423 = vector.extract %slice3A_422[0] : f32 from vector<1xf32>
    %slice3A_424 = vector.extract_strided_slice %mul3A_140 {offsets = [7], sizes = [1], strides = [1]} : vector<16xf32> to vector<1xf32>
    %squeeze3A_425 = vector.extract %slice3A_424[0] : f32 from vector<1xf32>
    %mul3A_426 = vector.broadcast %squeeze3A_425 : f32 to vector<16xf32>
    %mul3A_427 = arith.mulf %get3A_37, %mul3A_426 : vector<16xf32>
    %bitcast_convert_type3A_428 = tpu.bitcast %mul3A_427 : vector<16xf32> -> vector<16xi32>
    %shift_right_logical3A_429 = arith.constant 16 : i32
    %shift_right_logical3A_430 = vector.broadcast %shift_right_logical3A_429 : i32 to vector<16xi32>
    %shift_right_logical3A_431 = arith.shrui %bitcast_convert_type3A_428, %shift_right_logical3A_430 : vector<16xi32>
    %and3A_432 = arith.constant 1 : i32
    %and3A_433 = vector.broadcast %and3A_432 : i32 to vector<16xi32>
    %and3A_434 = arith.andi %shift_right_logical3A_431, %and3A_433 : vector<16xi32>
    %add3A_435 = arith.constant 32767 : i32
    %add3A_436 = vector.broadcast %add3A_435 : i32 to vector<16xi32>
    %add3A_437 = arith.addi %bitcast_convert_type3A_428, %add3A_436 : vector<16xi32>
    %add3A_438 = arith.addi %add3A_437, %and3A_434 : vector<16xi32>
    %and3A_439 = arith.constant -65536 : i32
    %and3A_440 = vector.broadcast %and3A_439 : i32 to vector<16xi32>
    %and3A_441 = arith.andi %add3A_438, %and3A_440 : vector<16xi32>
    %bitcast_convert_type3A_442 = tpu.bitcast %and3A_441 : vector<16xi32> -> vector<16xf32>
    %slice3A_443 = vector.extract_strided_slice %bitcast_convert_type3A_442 {offsets = [0], sizes = [1], strides = [1]} : vector<16xf32> to vector<1xf32>
    %squeeze3A_444 = vector.extract %slice3A_443[0] : f32 from vector<1xf32>
    %slice3A_445 = vector.extract_strided_slice %bitcast_convert_type3A_442 {offsets = [1], sizes = [1], strides = [1]} : vector<16xf32> to vector<1xf32>
    %squeeze3A_446 = vector.extract %slice3A_445[0] : f32 from vector<1xf32>
    %slice3A_447 = vector.extract_strided_slice %bitcast_convert_type3A_442 {offsets = [2], sizes = [1], strides = [1]} : vector<16xf32> to vector<1xf32>
    %squeeze3A_448 = vector.extract %slice3A_447[0] : f32 from vector<1xf32>
    %slice3A_449 = vector.extract_strided_slice %bitcast_convert_type3A_442 {offsets = [3], sizes = [1], strides = [1]} : vector<16xf32> to vector<1xf32>
    %squeeze3A_450 = vector.extract %slice3A_449[0] : f32 from vector<1xf32>
    %slice3A_451 = vector.extract_strided_slice %bitcast_convert_type3A_442 {offsets = [4], sizes = [1], strides = [1]} : vector<16xf32> to vector<1xf32>
    %squeeze3A_452 = vector.extract %slice3A_451[0] : f32 from vector<1xf32>
    %slice3A_453 = vector.extract_strided_slice %bitcast_convert_type3A_442 {offsets = [5], sizes = [1], strides = [1]} : vector<16xf32> to vector<1xf32>
    %squeeze3A_454 = vector.extract %slice3A_453[0] : f32 from vector<1xf32>
    %slice3A_455 = vector.extract_strided_slice %bitcast_convert_type3A_442 {offsets = [6], sizes = [1], strides = [1]} : vector<16xf32> to vector<1xf32>
    %squeeze3A_456 = vector.extract %slice3A_455[0] : f32 from vector<1xf32>
    %slice3A_457 = vector.extract_strided_slice %bitcast_convert_type3A_442 {offsets = [7], sizes = [1], strides = [1]} : vector<16xf32> to vector<1xf32>
    %squeeze3A_458 = vector.extract %slice3A_457[0] : f32 from vector<1xf32>
    %slice3A_459 = vector.extract_strided_slice %bitcast_convert_type3A_442 {offsets = [8], sizes = [1], strides = [1]} : vector<16xf32> to vector<1xf32>
    %squeeze3A_460 = vector.extract %slice3A_459[0] : f32 from vector<1xf32>
    %slice3A_461 = vector.extract_strided_slice %bitcast_convert_type3A_442 {offsets = [9], sizes = [1], strides = [1]} : vector<16xf32> to vector<1xf32>
    %squeeze3A_462 = vector.extract %slice3A_461[0] : f32 from vector<1xf32>
    %slice3A_463 = vector.extract_strided_slice %bitcast_convert_type3A_442 {offsets = [10], sizes = [1], strides = [1]} : vector<16xf32> to vector<1xf32>
    %squeeze3A_464 = vector.extract %slice3A_463[0] : f32 from vector<1xf32>
    %broadcast_in_dim3A_465 = arith.constant -3.000000e+38 : f32
    %broadcast_in_dim3A_466 = vector.broadcast %broadcast_in_dim3A_465 : f32 to vector<16xf32>
    %broadcast_in_dim3A_467 = arith.constant 0 : i32
    %broadcast_in_dim3A_468 = vector.broadcast %broadcast_in_dim3A_467 : i32 to vector<16xi32>
    %mul3A_469 = arith.constant 224 : i32
    %mul3A_470 = arith.muli %arg1, %mul3A_469 : i32
    %dma_wait3A = arith.constant 0 : i32
    %dma_wait3A_471 = arith.constant 0 : i32
    %dma_wait3A_472 = tpu.memref_slice %arg2[%arg1, %dma_wait3A, %dma_wait3A_471] : memref<16x11x224xf32, #tpu.memory_space<hbm>> -> memref<1x11x224xf32, #tpu.memory_space<hbm>>
    %dma_wait3A_473 = tpu.memref_squeeze %dma_wait3A_472 : memref<1x11x224xf32, #tpu.memory_space<hbm>> -> memref<11x224xf32, #tpu.memory_space<hbm>>
    %dma_wait3A_474 = arith.constant 0 : i32
    %dma_wait3A_475 = arith.constant 0 : i32
    %dma_wait3A_476 = tpu.memref_slice %arg2[%arg1, %dma_wait3A_474, %dma_wait3A_475] : memref<16x11x224xf32, #tpu.memory_space<hbm>> -> memref<1x11x224xf32, #tpu.memory_space<hbm>>
    %dma_wait3A_477 = tpu.memref_squeeze %dma_wait3A_476 : memref<1x11x224xf32, #tpu.memory_space<hbm>> -> memref<11x224xf32, #tpu.memory_space<hbm>>
    tpu.wait_dma2 semaphore(%arg15 : memref<!tpu.dma_semaphore, #tpu.memory_space<semaphore_mem>>) src(%dma_wait3A_477 : memref<11x224xf32, #tpu.memory_space<hbm>>) dst(%arg7 : memref<11x224xf32, #tpu.memory_space<vmem>>)
    %scan3A = arith.constant 0 : i32
    %scan3A_478 = arith.constant 14 : i32
    %scan3A_479 = arith.addi %scan3A, %scan3A_478 : i32
    %scan3A_480 = arith.constant 2 : i32
    %scan3A_481:16 = scf.for %scan3A_859 = %scan3A to %scan3A_479 step %scan3A_480 iter_args(%scan3A_860 = %broadcast_in_dim3A_466, %scan3A_861 = %broadcast_in_dim3A_466, %scan3A_862 = %broadcast_in_dim3A_466, %scan3A_863 = %broadcast_in_dim3A_466, %scan3A_864 = %broadcast_in_dim3A_466, %scan3A_865 = %broadcast_in_dim3A_466, %scan3A_866 = %broadcast_in_dim3A_466, %scan3A_867 = %broadcast_in_dim3A_466, %scan3A_868 = %broadcast_in_dim3A_468, %scan3A_869 = %broadcast_in_dim3A_468, %scan3A_870 = %broadcast_in_dim3A_468, %scan3A_871 = %broadcast_in_dim3A_468, %scan3A_872 = %broadcast_in_dim3A_468, %scan3A_873 = %broadcast_in_dim3A_468, %scan3A_874 = %broadcast_in_dim3A_468, %scan3A_875 = %broadcast_in_dim3A_468) -> (vector<16xf32>, vector<16xf32>, vector<16xf32>, vector<16xf32>, vector<16xf32>, vector<16xf32>, vector<16xf32>, vector<16xf32>, vector<16xi32>, vector<16xi32>, vector<16xi32>, vector<16xi32>, vector<16xi32>, vector<16xi32>, vector<16xi32>, vector<16xi32>)  : i32 {
      %mul3A_876 = arith.constant 16 : i32
      %mul3A_877 = arith.muli %scan3A_859, %mul3A_876 : i32
      %get3A_878 = arith.constant 0 : i32
      %get3A_879 = arith.index_cast %get3A_878 : i32 to index
      %get3A_880 = arith.index_cast %mul3A_877 : i32 to index
      %get3A_881 = tpu.vector_load %arg7[%get3A_879, %get3A_880] {strides = array<i32>} : memref<11x224xf32, #tpu.memory_space<vmem>>, vector<16xf32>,
      %mul3A_882 = arith.constant 16 : i32
      %mul3A_883 = arith.muli %scan3A_859, %mul3A_882 : i32
      %get3A_884 = arith.constant 1 : i32
      %get3A_885 = arith.index_cast %get3A_884 : i32 to index
      %get3A_886 = arith.index_cast %mul3A_883 : i32 to index
      %get3A_887 = tpu.vector_load %arg7[%get3A_885, %get3A_886] {strides = array<i32>} : memref<11x224xf32, #tpu.memory_space<vmem>>, vector<16xf32>,
      %mul3A_888 = arith.constant 16 : i32
      %mul3A_889 = arith.muli %scan3A_859, %mul3A_888 : i32
      %get3A_890 = arith.constant 2 : i32
      %get3A_891 = arith.index_cast %get3A_890 : i32 to index
      %get3A_892 = arith.index_cast %mul3A_889 : i32 to index
      %get3A_893 = tpu.vector_load %arg7[%get3A_891, %get3A_892] {strides = array<i32>} : memref<11x224xf32, #tpu.memory_space<vmem>>, vector<16xf32>,
      %mul3A_894 = arith.constant 16 : i32
      %mul3A_895 = arith.muli %scan3A_859, %mul3A_894 : i32
      %get3A_896 = arith.constant 3 : i32
      %get3A_897 = arith.index_cast %get3A_896 : i32 to index
      %get3A_898 = arith.index_cast %mul3A_895 : i32 to index
      %get3A_899 = tpu.vector_load %arg7[%get3A_897, %get3A_898] {strides = array<i32>} : memref<11x224xf32, #tpu.memory_space<vmem>>, vector<16xf32>,
      %mul3A_900 = arith.constant 16 : i32
      %mul3A_901 = arith.muli %scan3A_859, %mul3A_900 : i32
      %get3A_902 = arith.constant 4 : i32
      %get3A_903 = arith.index_cast %get3A_902 : i32 to index
      %get3A_904 = arith.index_cast %mul3A_901 : i32 to index
      %get3A_905 = tpu.vector_load %arg7[%get3A_903, %get3A_904] {strides = array<i32>} : memref<11x224xf32, #tpu.memory_space<vmem>>, vector<16xf32>,
      %mul3A_906 = arith.constant 16 : i32
      %mul3A_907 = arith.muli %scan3A_859, %mul3A_906 : i32
      %get3A_908 = arith.constant 5 : i32
      %get3A_909 = arith.index_cast %get3A_908 : i32 to index
      %get3A_910 = arith.index_cast %mul3A_907 : i32 to index
      %get3A_911 = tpu.vector_load %arg7[%get3A_909, %get3A_910] {strides = array<i32>} : memref<11x224xf32, #tpu.memory_space<vmem>>, vector<16xf32>,
      %mul3A_912 = arith.constant 16 : i32
      %mul3A_913 = arith.muli %scan3A_859, %mul3A_912 : i32
      %get3A_914 = arith.constant 6 : i32
      %get3A_915 = arith.index_cast %get3A_914 : i32 to index
      %get3A_916 = arith.index_cast %mul3A_913 : i32 to index
      %get3A_917 = tpu.vector_load %arg7[%get3A_915, %get3A_916] {strides = array<i32>} : memref<11x224xf32, #tpu.memory_space<vmem>>, vector<16xf32>,
      %mul3A_918 = arith.constant 16 : i32
      %mul3A_919 = arith.muli %scan3A_859, %mul3A_918 : i32
      %get3A_920 = arith.constant 7 : i32
      %get3A_921 = arith.index_cast %get3A_920 : i32 to index
      %get3A_922 = arith.index_cast %mul3A_919 : i32 to index
      %get3A_923 = tpu.vector_load %arg7[%get3A_921, %get3A_922] {strides = array<i32>} : memref<11x224xf32, #tpu.memory_space<vmem>>, vector<16xf32>,
      %mul3A_924 = arith.constant 16 : i32
      %mul3A_925 = arith.muli %scan3A_859, %mul3A_924 : i32
      %get3A_926 = arith.constant 8 : i32
      %get3A_927 = arith.index_cast %get3A_926 : i32 to index
      %get3A_928 = arith.index_cast %mul3A_925 : i32 to index
      %get3A_929 = tpu.vector_load %arg7[%get3A_927, %get3A_928] {strides = array<i32>} : memref<11x224xf32, #tpu.memory_space<vmem>>, vector<16xf32>,
      %mul3A_930 = arith.constant 16 : i32
      %mul3A_931 = arith.muli %scan3A_859, %mul3A_930 : i32
      %get3A_932 = arith.constant 9 : i32
      %get3A_933 = arith.index_cast %get3A_932 : i32 to index
      %get3A_934 = arith.index_cast %mul3A_931 : i32 to index
      %get3A_935 = tpu.vector_load %arg7[%get3A_933, %get3A_934] {strides = array<i32>} : memref<11x224xf32, #tpu.memory_space<vmem>>, vector<16xf32>,
      %mul3A_936 = arith.constant 16 : i32
      %mul3A_937 = arith.muli %scan3A_859, %mul3A_936 : i32
      %get3A_938 = arith.constant 10 : i32
      %get3A_939 = arith.index_cast %get3A_938 : i32 to index
      %get3A_940 = arith.index_cast %mul3A_937 : i32 to index
      %get3A_941 = tpu.vector_load %arg7[%get3A_939, %get3A_940] {strides = array<i32>} : memref<11x224xf32, #tpu.memory_space<vmem>>, vector<16xf32>,
      %mul3A_942 = arith.mulf %get3A_881, %get3A_881 : vector<16xf32>
      %mul3A_943 = arith.mulf %get3A_887, %get3A_887 : vector<16xf32>
      %add3A_944 = arith.addf %mul3A_942, %mul3A_943 : vector<16xf32>
      %mul3A_945 = arith.mulf %get3A_893, %get3A_893 : vector<16xf32>
      %add3A_946 = arith.addf %add3A_944, %mul3A_945 : vector<16xf32>
      %mul3A_947 = arith.mulf %get3A_899, %get3A_899 : vector<16xf32>
      %add3A_948 = arith.addf %add3A_946, %mul3A_947 : vector<16xf32>
      %mul3A_949 = arith.mulf %get3A_905, %get3A_905 : vector<16xf32>
      %add3A_950 = arith.addf %add3A_948, %mul3A_949 : vector<16xf32>
      %mul3A_951 = arith.mulf %get3A_911, %get3A_911 : vector<16xf32>
      %add3A_952 = arith.addf %add3A_950, %mul3A_951 : vector<16xf32>
      %mul3A_953 = arith.mulf %get3A_917, %get3A_917 : vector<16xf32>
      %add3A_954 = arith.addf %add3A_952, %mul3A_953 : vector<16xf32>
      %mul3A_955 = arith.mulf %get3A_923, %get3A_923 : vector<16xf32>
      %add3A_956 = arith.addf %add3A_954, %mul3A_955 : vector<16xf32>
      %mul3A_957 = arith.mulf %get3A_929, %get3A_929 : vector<16xf32>
      %add3A_958 = arith.addf %add3A_956, %mul3A_957 : vector<16xf32>
      %mul3A_959 = arith.mulf %get3A_935, %get3A_935 : vector<16xf32>
      %add3A_960 = arith.addf %add3A_958, %mul3A_959 : vector<16xf32>
      %mul3A_961 = arith.mulf %get3A_941, %get3A_941 : vector<16xf32>
      %add3A_962 = arith.addf %add3A_960, %mul3A_961 : vector<16xf32>
      %bitcast_convert_type3A_963 = tpu.bitcast %add3A_962 : vector<16xf32> -> vector<16xi32>
      %shift_right_logical3A_964 = arith.constant 1 : i32
      %shift_right_logical3A_965 = vector.broadcast %shift_right_logical3A_964 : i32 to vector<16xi32>
      %shift_right_logical3A_966 = arith.shrui %bitcast_convert_type3A_963, %shift_right_logical3A_965 : vector<16xi32>
      %sub3A_967 = arith.constant 1597463007 : i32
      %sub3A_968 = vector.broadcast %sub3A_967 : i32 to vector<16xi32>
      %sub3A_969 = arith.subi %sub3A_968, %shift_right_logical3A_966 : vector<16xi32>
      %bitcast_convert_type3A_970 = tpu.bitcast %sub3A_969 : vector<16xi32> -> vector<16xf32>
      %mul3A_971 = arith.constant 5.000000e-01 : f32
      %mul3A_972 = vector.broadcast %mul3A_971 : f32 to vector<16xf32>
      %mul3A_973 = arith.mulf %mul3A_972, %add3A_962 : vector<16xf32>
      %mul3A_974 = arith.mulf %mul3A_973, %bitcast_convert_type3A_970 : vector<16xf32>
      %mul3A_975 = arith.mulf %mul3A_974, %bitcast_convert_type3A_970 : vector<16xf32>
      %sub3A_976 = arith.constant 1.500000e+00 : f32
      %sub3A_977 = vector.broadcast %sub3A_976 : f32 to vector<16xf32>
      %sub3A_978 = arith.subf %sub3A_977, %mul3A_975 : vector<16xf32>
      %mul3A_979 = arith.mulf %bitcast_convert_type3A_970, %sub3A_978 : vector<16xf32>
      %mul3A_980 = arith.mulf %mul3A_973, %mul3A_979 : vector<16xf32>
      %mul3A_981 = arith.mulf %mul3A_980, %mul3A_979 : vector<16xf32>
      %sub3A_982 = arith.constant 1.500000e+00 : f32
      %sub3A_983 = vector.broadcast %sub3A_982 : f32 to vector<16xf32>
      %sub3A_984 = arith.subf %sub3A_983, %mul3A_981 : vector<16xf32>
      %mul3A_985 = arith.mulf %mul3A_979, %sub3A_984 : vector<16xf32>
      %mul3A_986 = arith.mulf %mul3A_973, %mul3A_985 : vector<16xf32>
      %mul3A_987 = arith.mulf %mul3A_986, %mul3A_985 : vector<16xf32>
      %sub3A_988 = arith.constant 1.500000e+00 : f32
      %sub3A_989 = vector.broadcast %sub3A_988 : f32 to vector<16xf32>
      %sub3A_990 = arith.subf %sub3A_989, %mul3A_987 : vector<16xf32>
      %mul3A_991 = arith.mulf %mul3A_985, %sub3A_990 : vector<16xf32>
      %mul3A_992 = arith.mulf %get3A_881, %mul3A_991 : vector<16xf32>
      %bitcast_convert_type3A_993 = tpu.bitcast %mul3A_992 : vector<16xf32> -> vector<16xi32>
      %shift_right_logical3A_994 = arith.constant 16 : i32
      %shift_right_logical3A_995 = vector.broadcast %shift_right_logical3A_994 : i32 to vector<16xi32>
      %shift_right_logical3A_996 = arith.shrui %bitcast_convert_type3A_993, %shift_right_logical3A_995 : vector<16xi32>
      %and3A_997 = arith.constant 1 : i32
      %and3A_998 = vector.broadcast %and3A_997 : i32 to vector<16xi32>
      %and3A_999 = arith.andi %shift_right_logical3A_996, %and3A_998 : vector<16xi32>
      %add3A_1000 = arith.constant 32767 : i32
      %add3A_1001 = vector.broadcast %add3A_1000 : i32 to vector<16xi32>
      %add3A_1002 = arith.addi %bitcast_convert_type3A_993, %add3A_1001 : vector<16xi32>
      %add3A_1003 = arith.addi %add3A_1002, %and3A_999 : vector<16xi32>
      %and3A_1004 = arith.constant -65536 : i32
      %and3A_1005 = vector.broadcast %and3A_1004 : i32 to vector<16xi32>
      %and3A_1006 = arith.andi %add3A_1003, %and3A_1005 : vector<16xi32>
      %bitcast_convert_type3A_1007 = tpu.bitcast %and3A_1006 : vector<16xi32> -> vector<16xf32>
      %mul3A_1008 = arith.mulf %get3A_887, %mul3A_991 : vector<16xf32>
      %bitcast_convert_type3A_1009 = tpu.bitcast %mul3A_1008 : vector<16xf32> -> vector<16xi32>
      %shift_right_logical3A_1010 = arith.constant 16 : i32
      %shift_right_logical3A_1011 = vector.broadcast %shift_right_logical3A_1010 : i32 to vector<16xi32>
      %shift_right_logical3A_1012 = arith.shrui %bitcast_convert_type3A_1009, %shift_right_logical3A_1011 : vector<16xi32>
      %and3A_1013 = arith.constant 1 : i32
      %and3A_1014 = vector.broadcast %and3A_1013 : i32 to vector<16xi32>
      %and3A_1015 = arith.andi %shift_right_logical3A_1012, %and3A_1014 : vector<16xi32>
      %add3A_1016 = arith.constant 32767 : i32
      %add3A_1017 = vector.broadcast %add3A_1016 : i32 to vector<16xi32>
      %add3A_1018 = arith.addi %bitcast_convert_type3A_1009, %add3A_1017 : vector<16xi32>
      %add3A_1019 = arith.addi %add3A_1018, %and3A_1015 : vector<16xi32>
      %and3A_1020 = arith.constant -65536 : i32
      %and3A_1021 = vector.broadcast %and3A_1020 : i32 to vector<16xi32>
      %and3A_1022 = arith.andi %add3A_1019, %and3A_1021 : vector<16xi32>
      %bitcast_convert_type3A_1023 = tpu.bitcast %and3A_1022 : vector<16xi32> -> vector<16xf32>
      %mul3A_1024 = arith.mulf %get3A_893, %mul3A_991 : vector<16xf32>
      %bitcast_convert_type3A_1025 = tpu.bitcast %mul3A_1024 : vector<16xf32> -> vector<16xi32>
      %shift_right_logical3A_1026 = arith.constant 16 : i32
      %shift_right_logical3A_1027 = vector.broadcast %shift_right_logical3A_1026 : i32 to vector<16xi32>
      %shift_right_logical3A_1028 = arith.shrui %bitcast_convert_type3A_1025, %shift_right_logical3A_1027 : vector<16xi32>
      %and3A_1029 = arith.constant 1 : i32
      %and3A_1030 = vector.broadcast %and3A_1029 : i32 to vector<16xi32>
      %and3A_1031 = arith.andi %shift_right_logical3A_1028, %and3A_1030 : vector<16xi32>
      %add3A_1032 = arith.constant 32767 : i32
      %add3A_1033 = vector.broadcast %add3A_1032 : i32 to vector<16xi32>
      %add3A_1034 = arith.addi %bitcast_convert_type3A_1025, %add3A_1033 : vector<16xi32>
      %add3A_1035 = arith.addi %add3A_1034, %and3A_1031 : vector<16xi32>
      %and3A_1036 = arith.constant -65536 : i32
      %and3A_1037 = vector.broadcast %and3A_1036 : i32 to vector<16xi32>
      %and3A_1038 = arith.andi %add3A_1035, %and3A_1037 : vector<16xi32>
      %bitcast_convert_type3A_1039 = tpu.bitcast %and3A_1038 : vector<16xi32> -> vector<16xf32>
      %mul3A_1040 = arith.mulf %get3A_899, %mul3A_991 : vector<16xf32>
      %bitcast_convert_type3A_1041 = tpu.bitcast %mul3A_1040 : vector<16xf32> -> vector<16xi32>
      %shift_right_logical3A_1042 = arith.constant 16 : i32
      %shift_right_logical3A_1043 = vector.broadcast %shift_right_logical3A_1042 : i32 to vector<16xi32>
      %shift_right_logical3A_1044 = arith.shrui %bitcast_convert_type3A_1041, %shift_right_logical3A_1043 : vector<16xi32>
      %and3A_1045 = arith.constant 1 : i32
      %and3A_1046 = vector.broadcast %and3A_1045 : i32 to vector<16xi32>
      %and3A_1047 = arith.andi %shift_right_logical3A_1044, %and3A_1046 : vector<16xi32>
      %add3A_1048 = arith.constant 32767 : i32
      %add3A_1049 = vector.broadcast %add3A_1048 : i32 to vector<16xi32>
      %add3A_1050 = arith.addi %bitcast_convert_type3A_1041, %add3A_1049 : vector<16xi32>
      %add3A_1051 = arith.addi %add3A_1050, %and3A_1047 : vector<16xi32>
      %and3A_1052 = arith.constant -65536 : i32
      %and3A_1053 = vector.broadcast %and3A_1052 : i32 to vector<16xi32>
      %and3A_1054 = arith.andi %add3A_1051, %and3A_1053 : vector<16xi32>
      %bitcast_convert_type3A_1055 = tpu.bitcast %and3A_1054 : vector<16xi32> -> vector<16xf32>
      %mul3A_1056 = arith.mulf %get3A_905, %mul3A_991 : vector<16xf32>
      %bitcast_convert_type3A_1057 = tpu.bitcast %mul3A_1056 : vector<16xf32> -> vector<16xi32>
      %shift_right_logical3A_1058 = arith.constant 16 : i32
      %shift_right_logical3A_1059 = vector.broadcast %shift_right_logical3A_1058 : i32 to vector<16xi32>
      %shift_right_logical3A_1060 = arith.shrui %bitcast_convert_type3A_1057, %shift_right_logical3A_1059 : vector<16xi32>
      %and3A_1061 = arith.constant 1 : i32
      %and3A_1062 = vector.broadcast %and3A_1061 : i32 to vector<16xi32>
      %and3A_1063 = arith.andi %shift_right_logical3A_1060, %and3A_1062 : vector<16xi32>
      %add3A_1064 = arith.constant 32767 : i32
      %add3A_1065 = vector.broadcast %add3A_1064 : i32 to vector<16xi32>
      %add3A_1066 = arith.addi %bitcast_convert_type3A_1057, %add3A_1065 : vector<16xi32>
      %add3A_1067 = arith.addi %add3A_1066, %and3A_1063 : vector<16xi32>
      %and3A_1068 = arith.constant -65536 : i32
      %and3A_1069 = vector.broadcast %and3A_1068 : i32 to vector<16xi32>
      %and3A_1070 = arith.andi %add3A_1067, %and3A_1069 : vector<16xi32>
      %bitcast_convert_type3A_1071 = tpu.bitcast %and3A_1070 : vector<16xi32> -> vector<16xf32>
      %mul3A_1072 = arith.mulf %get3A_911, %mul3A_991 : vector<16xf32>
      %bitcast_convert_type3A_1073 = tpu.bitcast %mul3A_1072 : vector<16xf32> -> vector<16xi32>
      %shift_right_logical3A_1074 = arith.constant 16 : i32
      %shift_right_logical3A_1075 = vector.broadcast %shift_right_logical3A_1074 : i32 to vector<16xi32>
      %shift_right_logical3A_1076 = arith.shrui %bitcast_convert_type3A_1073, %shift_right_logical3A_1075 : vector<16xi32>
      %and3A_1077 = arith.constant 1 : i32
      %and3A_1078 = vector.broadcast %and3A_1077 : i32 to vector<16xi32>
      %and3A_1079 = arith.andi %shift_right_logical3A_1076, %and3A_1078 : vector<16xi32>
      %add3A_1080 = arith.constant 32767 : i32
      %add3A_1081 = vector.broadcast %add3A_1080 : i32 to vector<16xi32>
      %add3A_1082 = arith.addi %bitcast_convert_type3A_1073, %add3A_1081 : vector<16xi32>
      %add3A_1083 = arith.addi %add3A_1082, %and3A_1079 : vector<16xi32>
      %and3A_1084 = arith.constant -65536 : i32
      %and3A_1085 = vector.broadcast %and3A_1084 : i32 to vector<16xi32>
      %and3A_1086 = arith.andi %add3A_1083, %and3A_1085 : vector<16xi32>
      %bitcast_convert_type3A_1087 = tpu.bitcast %and3A_1086 : vector<16xi32> -> vector<16xf32>
      %mul3A_1088 = arith.mulf %get3A_917, %mul3A_991 : vector<16xf32>
      %bitcast_convert_type3A_1089 = tpu.bitcast %mul3A_1088 : vector<16xf32> -> vector<16xi32>
      %shift_right_logical3A_1090 = arith.constant 16 : i32
      %shift_right_logical3A_1091 = vector.broadcast %shift_right_logical3A_1090 : i32 to vector<16xi32>
      %shift_right_logical3A_1092 = arith.shrui %bitcast_convert_type3A_1089, %shift_right_logical3A_1091 : vector<16xi32>
      %and3A_1093 = arith.constant 1 : i32
      %and3A_1094 = vector.broadcast %and3A_1093 : i32 to vector<16xi32>
      %and3A_1095 = arith.andi %shift_right_logical3A_1092, %and3A_1094 : vector<16xi32>
      %add3A_1096 = arith.constant 32767 : i32
      %add3A_1097 = vector.broadcast %add3A_1096 : i32 to vector<16xi32>
      %add3A_1098 = arith.addi %bitcast_convert_type3A_1089, %add3A_1097 : vector<16xi32>
      %add3A_1099 = arith.addi %add3A_1098, %and3A_1095 : vector<16xi32>
      %and3A_1100 = arith.constant -65536 : i32
      %and3A_1101 = vector.broadcast %and3A_1100 : i32 to vector<16xi32>
      %and3A_1102 = arith.andi %add3A_1099, %and3A_1101 : vector<16xi32>
      %bitcast_convert_type3A_1103 = tpu.bitcast %and3A_1102 : vector<16xi32> -> vector<16xf32>
      %mul3A_1104 = arith.mulf %get3A_923, %mul3A_991 : vector<16xf32>
      %bitcast_convert_type3A_1105 = tpu.bitcast %mul3A_1104 : vector<16xf32> -> vector<16xi32>
      %shift_right_logical3A_1106 = arith.constant 16 : i32
      %shift_right_logical3A_1107 = vector.broadcast %shift_right_logical3A_1106 : i32 to vector<16xi32>
      %shift_right_logical3A_1108 = arith.shrui %bitcast_convert_type3A_1105, %shift_right_logical3A_1107 : vector<16xi32>
      %and3A_1109 = arith.constant 1 : i32
      %and3A_1110 = vector.broadcast %and3A_1109 : i32 to vector<16xi32>
      %and3A_1111 = arith.andi %shift_right_logical3A_1108, %and3A_1110 : vector<16xi32>
      %add3A_1112 = arith.constant 32767 : i32
      %add3A_1113 = vector.broadcast %add3A_1112 : i32 to vector<16xi32>
      %add3A_1114 = arith.addi %bitcast_convert_type3A_1105, %add3A_1113 : vector<16xi32>
      %add3A_1115 = arith.addi %add3A_1114, %and3A_1111 : vector<16xi32>
      %and3A_1116 = arith.constant -65536 : i32
      %and3A_1117 = vector.broadcast %and3A_1116 : i32 to vector<16xi32>
      %and3A_1118 = arith.andi %add3A_1115, %and3A_1117 : vector<16xi32>
      %bitcast_convert_type3A_1119 = tpu.bitcast %and3A_1118 : vector<16xi32> -> vector<16xf32>
      %mul3A_1120 = arith.mulf %get3A_929, %mul3A_991 : vector<16xf32>
      %bitcast_convert_type3A_1121 = tpu.bitcast %mul3A_1120 : vector<16xf32> -> vector<16xi32>
      %shift_right_logical3A_1122 = arith.constant 16 : i32
      %shift_right_logical3A_1123 = vector.broadcast %shift_right_logical3A_1122 : i32 to vector<16xi32>
      %shift_right_logical3A_1124 = arith.shrui %bitcast_convert_type3A_1121, %shift_right_logical3A_1123 : vector<16xi32>
      %and3A_1125 = arith.constant 1 : i32
      %and3A_1126 = vector.broadcast %and3A_1125 : i32 to vector<16xi32>
      %and3A_1127 = arith.andi %shift_right_logical3A_1124, %and3A_1126 : vector<16xi32>
      %add3A_1128 = arith.constant 32767 : i32
      %add3A_1129 = vector.broadcast %add3A_1128 : i32 to vector<16xi32>
      %add3A_1130 = arith.addi %bitcast_convert_type3A_1121, %add3A_1129 : vector<16xi32>
      %add3A_1131 = arith.addi %add3A_1130, %and3A_1127 : vector<16xi32>
      %and3A_1132 = arith.constant -65536 : i32
      %and3A_1133 = vector.broadcast %and3A_1132 : i32 to vector<16xi32>
      %and3A_1134 = arith.andi %add3A_1131, %and3A_1133 : vector<16xi32>
      %bitcast_convert_type3A_1135 = tpu.bitcast %and3A_1134 : vector<16xi32> -> vector<16xf32>
      %mul3A_1136 = arith.mulf %get3A_935, %mul3A_991 : vector<16xf32>
      %bitcast_convert_type3A_1137 = tpu.bitcast %mul3A_1136 : vector<16xf32> -> vector<16xi32>
      %shift_right_logical3A_1138 = arith.constant 16 : i32
      %shift_right_logical3A_1139 = vector.broadcast %shift_right_logical3A_1138 : i32 to vector<16xi32>
      %shift_right_logical3A_1140 = arith.shrui %bitcast_convert_type3A_1137, %shift_right_logical3A_1139 : vector<16xi32>
      %and3A_1141 = arith.constant 1 : i32
      %and3A_1142 = vector.broadcast %and3A_1141 : i32 to vector<16xi32>
      %and3A_1143 = arith.andi %shift_right_logical3A_1140, %and3A_1142 : vector<16xi32>
      %add3A_1144 = arith.constant 32767 : i32
      %add3A_1145 = vector.broadcast %add3A_1144 : i32 to vector<16xi32>
      %add3A_1146 = arith.addi %bitcast_convert_type3A_1137, %add3A_1145 : vector<16xi32>
      %add3A_1147 = arith.addi %add3A_1146, %and3A_1143 : vector<16xi32>
      %and3A_1148 = arith.constant -65536 : i32
      %and3A_1149 = vector.broadcast %and3A_1148 : i32 to vector<16xi32>
      %and3A_1150 = arith.andi %add3A_1147, %and3A_1149 : vector<16xi32>
      %bitcast_convert_type3A_1151 = tpu.bitcast %and3A_1150 : vector<16xi32> -> vector<16xf32>
      %mul3A_1152 = arith.mulf %get3A_941, %mul3A_991 : vector<16xf32>
      %bitcast_convert_type3A_1153 = tpu.bitcast %mul3A_1152 : vector<16xf32> -> vector<16xi32>
      %shift_right_logical3A_1154 = arith.constant 16 : i32
      %shift_right_logical3A_1155 = vector.broadcast %shift_right_logical3A_1154 : i32 to vector<16xi32>
      %shift_right_logical3A_1156 = arith.shrui %bitcast_convert_type3A_1153, %shift_right_logical3A_1155 : vector<16xi32>
      %and3A_1157 = arith.constant 1 : i32
      %and3A_1158 = vector.broadcast %and3A_1157 : i32 to vector<16xi32>
      %and3A_1159 = arith.andi %shift_right_logical3A_1156, %and3A_1158 : vector<16xi32>
      %add3A_1160 = arith.constant 32767 : i32
      %add3A_1161 = vector.broadcast %add3A_1160 : i32 to vector<16xi32>
      %add3A_1162 = arith.addi %bitcast_convert_type3A_1153, %add3A_1161 : vector<16xi32>
      %add3A_1163 = arith.addi %add3A_1162, %and3A_1159 : vector<16xi32>
      %and3A_1164 = arith.constant -65536 : i32
      %and3A_1165 = vector.broadcast %and3A_1164 : i32 to vector<16xi32>
      %and3A_1166 = arith.andi %add3A_1163, %and3A_1165 : vector<16xi32>
      %bitcast_convert_type3A_1167 = tpu.bitcast %and3A_1166 : vector<16xi32> -> vector<16xf32>
      %mul3A_1168 = arith.constant 16 : i32
      %mul3A_1169 = arith.muli %scan3A_859, %mul3A_1168 : i32
      %add3A_1170 = arith.addi %mul3A_470, %mul3A_1169 : i32
      %add3A_1171 = vector.broadcast %add3A_1170 : i32 to vector<16xi32>
      %add3A_1172 = arith.addi %add3A_1171, %iota3A : vector<16xi32>
      %mul3A_1173 = vector.broadcast %squeeze3A_157 : f32 to vector<16xf32>
      %mul3A_1174 = arith.mulf %bitcast_convert_type3A_1007, %mul3A_1173 : vector<16xf32>
      %mul3A_1175 = vector.broadcast %squeeze3A_159 : f32 to vector<16xf32>
      %mul3A_1176 = arith.mulf %bitcast_convert_type3A_1023, %mul3A_1175 : vector<16xf32>
      %add3A_1177 = arith.addf %mul3A_1174, %mul3A_1176 : vector<16xf32>
      %mul3A_1178 = vector.broadcast %squeeze3A_161 : f32 to vector<16xf32>
      %mul3A_1179 = arith.mulf %bitcast_convert_type3A_1039, %mul3A_1178 : vector<16xf32>
      %add3A_1180 = arith.addf %add3A_1177, %mul3A_1179 : vector<16xf32>
      %mul3A_1181 = vector.broadcast %squeeze3A_163 : f32 to vector<16xf32>
      %mul3A_1182 = arith.mulf %bitcast_convert_type3A_1055, %mul3A_1181 : vector<16xf32>
      %add3A_1183 = arith.addf %add3A_1180, %mul3A_1182 : vector<16xf32>
      %mul3A_1184 = vector.broadcast %squeeze3A_165 : f32 to vector<16xf32>
      %mul3A_1185 = arith.mulf %bitcast_convert_type3A_1071, %mul3A_1184 : vector<16xf32>
      %add3A_1186 = arith.addf %add3A_1183, %mul3A_1185 : vector<16xf32>
      %mul3A_1187 = vector.broadcast %squeeze3A_167 : f32 to vector<16xf32>
      %mul3A_1188 = arith.mulf %bitcast_convert_type3A_1087, %mul3A_1187 : vector<16xf32>
      %add3A_1189 = arith.addf %add3A_1186, %mul3A_1188 : vector<16xf32>
      %mul3A_1190 = vector.broadcast %squeeze3A_169 : f32 to vector<16xf32>
      %mul3A_1191 = arith.mulf %bitcast_convert_type3A_1103, %mul3A_1190 : vector<16xf32>
      %add3A_1192 = arith.addf %add3A_1189, %mul3A_1191 : vector<16xf32>
      %mul3A_1193 = vector.broadcast %squeeze3A_171 : f32 to vector<16xf32>
      %mul3A_1194 = arith.mulf %bitcast_convert_type3A_1119, %mul3A_1193 : vector<16xf32>
      %add3A_1195 = arith.addf %add3A_1192, %mul3A_1194 : vector<16xf32>
      %mul3A_1196 = vector.broadcast %squeeze3A_173 : f32 to vector<16xf32>
      %mul3A_1197 = arith.mulf %bitcast_convert_type3A_1135, %mul3A_1196 : vector<16xf32>
      %add3A_1198 = arith.addf %add3A_1195, %mul3A_1197 : vector<16xf32>
      %mul3A_1199 = vector.broadcast %squeeze3A_175 : f32 to vector<16xf32>
      %mul3A_1200 = arith.mulf %bitcast_convert_type3A_1151, %mul3A_1199 : vector<16xf32>
      %add3A_1201 = arith.addf %add3A_1198, %mul3A_1200 : vector<16xf32>
      %mul3A_1202 = vector.broadcast %squeeze3A_177 : f32 to vector<16xf32>
      %mul3A_1203 = arith.mulf %bitcast_convert_type3A_1167, %mul3A_1202 : vector<16xf32>
      %add3A_1204 = arith.addf %add3A_1201, %mul3A_1203 : vector<16xf32>
      %gt3A_1205 = arith.cmpf ogt, %add3A_1204, %scan3A_860 : vector<16xf32>
      %select_n3A_1206 = arith.select %gt3A_1205, %add3A_1204, %scan3A_860 : vector<16xi1>, vector<16xf32>
      %select_n3A_1207 = arith.select %gt3A_1205, %add3A_1172, %scan3A_868 : vector<16xi1>, vector<16xi32>
      %mul3A_1208 = vector.broadcast %squeeze3A_198 : f32 to vector<16xf32>
      %mul3A_1209 = arith.mulf %bitcast_convert_type3A_1007, %mul3A_1208 : vector<16xf32>
      %mul3A_1210 = vector.broadcast %squeeze3A_200 : f32 to vector<16xf32>
      %mul3A_1211 = arith.mulf %bitcast_convert_type3A_1023, %mul3A_1210 : vector<16xf32>
      %add3A_1212 = arith.addf %mul3A_1209, %mul3A_1211 : vector<16xf32>
      %mul3A_1213 = vector.broadcast %squeeze3A_202 : f32 to vector<16xf32>
      %mul3A_1214 = arith.mulf %bitcast_convert_type3A_1039, %mul3A_1213 : vector<16xf32>
      %add3A_1215 = arith.addf %add3A_1212, %mul3A_1214 : vector<16xf32>
      %mul3A_1216 = vector.broadcast %squeeze3A_204 : f32 to vector<16xf32>
      %mul3A_1217 = arith.mulf %bitcast_convert_type3A_1055, %mul3A_1216 : vector<16xf32>
      %add3A_1218 = arith.addf %add3A_1215, %mul3A_1217 : vector<16xf32>
      %mul3A_1219 = vector.broadcast %squeeze3A_206 : f32 to vector<16xf32>
      %mul3A_1220 = arith.mulf %bitcast_convert_type3A_1071, %mul3A_1219 : vector<16xf32>
      %add3A_1221 = arith.addf %add3A_1218, %mul3A_1220 : vector<16xf32>
      %mul3A_1222 = vector.broadcast %squeeze3A_208 : f32 to vector<16xf32>
      %mul3A_1223 = arith.mulf %bitcast_convert_type3A_1087, %mul3A_1222 : vector<16xf32>
      %add3A_1224 = arith.addf %add3A_1221, %mul3A_1223 : vector<16xf32>
      %mul3A_1225 = vector.broadcast %squeeze3A_210 : f32 to vector<16xf32>
      %mul3A_1226 = arith.mulf %bitcast_convert_type3A_1103, %mul3A_1225 : vector<16xf32>
      %add3A_1227 = arith.addf %add3A_1224, %mul3A_1226 : vector<16xf32>
      %mul3A_1228 = vector.broadcast %squeeze3A_212 : f32 to vector<16xf32>
      %mul3A_1229 = arith.mulf %bitcast_convert_type3A_1119, %mul3A_1228 : vector<16xf32>
      %add3A_1230 = arith.addf %add3A_1227, %mul3A_1229 : vector<16xf32>
      %mul3A_1231 = vector.broadcast %squeeze3A_214 : f32 to vector<16xf32>
      %mul3A_1232 = arith.mulf %bitcast_convert_type3A_1135, %mul3A_1231 : vector<16xf32>
      %add3A_1233 = arith.addf %add3A_1230, %mul3A_1232 : vector<16xf32>
      %mul3A_1234 = vector.broadcast %squeeze3A_216 : f32 to vector<16xf32>
      %mul3A_1235 = arith.mulf %bitcast_convert_type3A_1151, %mul3A_1234 : vector<16xf32>
      %add3A_1236 = arith.addf %add3A_1233, %mul3A_1235 : vector<16xf32>
      %mul3A_1237 = vector.broadcast %squeeze3A_218 : f32 to vector<16xf32>
      %mul3A_1238 = arith.mulf %bitcast_convert_type3A_1167, %mul3A_1237 : vector<16xf32>
      %add3A_1239 = arith.addf %add3A_1236, %mul3A_1238 : vector<16xf32>
      %gt3A_1240 = arith.cmpf ogt, %add3A_1239, %scan3A_861 : vector<16xf32>
      %select_n3A_1241 = arith.select %gt3A_1240, %add3A_1239, %scan3A_861 : vector<16xi1>, vector<16xf32>
      %select_n3A_1242 = arith.select %gt3A_1240, %add3A_1172, %scan3A_869 : vector<16xi1>, vector<16xi32>
      %mul3A_1243 = vector.broadcast %squeeze3A_239 : f32 to vector<16xf32>
      %mul3A_1244 = arith.mulf %bitcast_convert_type3A_1007, %mul3A_1243 : vector<16xf32>
      %mul3A_1245 = vector.broadcast %squeeze3A_241 : f32 to vector<16xf32>
      %mul3A_1246 = arith.mulf %bitcast_convert_type3A_1023, %mul3A_1245 : vector<16xf32>
      %add3A_1247 = arith.addf %mul3A_1244, %mul3A_1246 : vector<16xf32>
      %mul3A_1248 = vector.broadcast %squeeze3A_243 : f32 to vector<16xf32>
      %mul3A_1249 = arith.mulf %bitcast_convert_type3A_1039, %mul3A_1248 : vector<16xf32>
      %add3A_1250 = arith.addf %add3A_1247, %mul3A_1249 : vector<16xf32>
      %mul3A_1251 = vector.broadcast %squeeze3A_245 : f32 to vector<16xf32>
      %mul3A_1252 = arith.mulf %bitcast_convert_type3A_1055, %mul3A_1251 : vector<16xf32>
      %add3A_1253 = arith.addf %add3A_1250, %mul3A_1252 : vector<16xf32>
      %mul3A_1254 = vector.broadcast %squeeze3A_247 : f32 to vector<16xf32>
      %mul3A_1255 = arith.mulf %bitcast_convert_type3A_1071, %mul3A_1254 : vector<16xf32>
      %add3A_1256 = arith.addf %add3A_1253, %mul3A_1255 : vector<16xf32>
      %mul3A_1257 = vector.broadcast %squeeze3A_249 : f32 to vector<16xf32>
      %mul3A_1258 = arith.mulf %bitcast_convert_type3A_1087, %mul3A_1257 : vector<16xf32>
      %add3A_1259 = arith.addf %add3A_1256, %mul3A_1258 : vector<16xf32>
      %mul3A_1260 = vector.broadcast %squeeze3A_251 : f32 to vector<16xf32>
      %mul3A_1261 = arith.mulf %bitcast_convert_type3A_1103, %mul3A_1260 : vector<16xf32>
      %add3A_1262 = arith.addf %add3A_1259, %mul3A_1261 : vector<16xf32>
      %mul3A_1263 = vector.broadcast %squeeze3A_253 : f32 to vector<16xf32>
      %mul3A_1264 = arith.mulf %bitcast_convert_type3A_1119, %mul3A_1263 : vector<16xf32>
      %add3A_1265 = arith.addf %add3A_1262, %mul3A_1264 : vector<16xf32>
      %mul3A_1266 = vector.broadcast %squeeze3A_255 : f32 to vector<16xf32>
      %mul3A_1267 = arith.mulf %bitcast_convert_type3A_1135, %mul3A_1266 : vector<16xf32>
      %add3A_1268 = arith.addf %add3A_1265, %mul3A_1267 : vector<16xf32>
      %mul3A_1269 = vector.broadcast %squeeze3A_257 : f32 to vector<16xf32>
      %mul3A_1270 = arith.mulf %bitcast_convert_type3A_1151, %mul3A_1269 : vector<16xf32>
      %add3A_1271 = arith.addf %add3A_1268, %mul3A_1270 : vector<16xf32>
      %mul3A_1272 = vector.broadcast %squeeze3A_259 : f32 to vector<16xf32>
      %mul3A_1273 = arith.mulf %bitcast_convert_type3A_1167, %mul3A_1272 : vector<16xf32>
      %add3A_1274 = arith.addf %add3A_1271, %mul3A_1273 : vector<16xf32>
      %gt3A_1275 = arith.cmpf ogt, %add3A_1274, %scan3A_862 : vector<16xf32>
      %select_n3A_1276 = arith.select %gt3A_1275, %add3A_1274, %scan3A_862 : vector<16xi1>, vector<16xf32>
      %select_n3A_1277 = arith.select %gt3A_1275, %add3A_1172, %scan3A_870 : vector<16xi1>, vector<16xi32>
      %mul3A_1278 = vector.broadcast %squeeze3A_280 : f32 to vector<16xf32>
      %mul3A_1279 = arith.mulf %bitcast_convert_type3A_1007, %mul3A_1278 : vector<16xf32>
      %mul3A_1280 = vector.broadcast %squeeze3A_282 : f32 to vector<16xf32>
      %mul3A_1281 = arith.mulf %bitcast_convert_type3A_1023, %mul3A_1280 : vector<16xf32>
      %add3A_1282 = arith.addf %mul3A_1279, %mul3A_1281 : vector<16xf32>
      %mul3A_1283 = vector.broadcast %squeeze3A_284 : f32 to vector<16xf32>
      %mul3A_1284 = arith.mulf %bitcast_convert_type3A_1039, %mul3A_1283 : vector<16xf32>
      %add3A_1285 = arith.addf %add3A_1282, %mul3A_1284 : vector<16xf32>
      %mul3A_1286 = vector.broadcast %squeeze3A_286 : f32 to vector<16xf32>
      %mul3A_1287 = arith.mulf %bitcast_convert_type3A_1055, %mul3A_1286 : vector<16xf32>
      %add3A_1288 = arith.addf %add3A_1285, %mul3A_1287 : vector<16xf32>
      %mul3A_1289 = vector.broadcast %squeeze3A_288 : f32 to vector<16xf32>
      %mul3A_1290 = arith.mulf %bitcast_convert_type3A_1071, %mul3A_1289 : vector<16xf32>
      %add3A_1291 = arith.addf %add3A_1288, %mul3A_1290 : vector<16xf32>
      %mul3A_1292 = vector.broadcast %squeeze3A_290 : f32 to vector<16xf32>
      %mul3A_1293 = arith.mulf %bitcast_convert_type3A_1087, %mul3A_1292 : vector<16xf32>
      %add3A_1294 = arith.addf %add3A_1291, %mul3A_1293 : vector<16xf32>
      %mul3A_1295 = vector.broadcast %squeeze3A_292 : f32 to vector<16xf32>
      %mul3A_1296 = arith.mulf %bitcast_convert_type3A_1103, %mul3A_1295 : vector<16xf32>
      %add3A_1297 = arith.addf %add3A_1294, %mul3A_1296 : vector<16xf32>
      %mul3A_1298 = vector.broadcast %squeeze3A_294 : f32 to vector<16xf32>
      %mul3A_1299 = arith.mulf %bitcast_convert_type3A_1119, %mul3A_1298 : vector<16xf32>
      %add3A_1300 = arith.addf %add3A_1297, %mul3A_1299 : vector<16xf32>
      %mul3A_1301 = vector.broadcast %squeeze3A_296 : f32 to vector<16xf32>
      %mul3A_1302 = arith.mulf %bitcast_convert_type3A_1135, %mul3A_1301 : vector<16xf32>
      %add3A_1303 = arith.addf %add3A_1300, %mul3A_1302 : vector<16xf32>
      %mul3A_1304 = vector.broadcast %squeeze3A_298 : f32 to vector<16xf32>
      %mul3A_1305 = arith.mulf %bitcast_convert_type3A_1151, %mul3A_1304 : vector<16xf32>
      %add3A_1306 = arith.addf %add3A_1303, %mul3A_1305 : vector<16xf32>
      %mul3A_1307 = vector.broadcast %squeeze3A_300 : f32 to vector<16xf32>
      %mul3A_1308 = arith.mulf %bitcast_convert_type3A_1167, %mul3A_1307 : vector<16xf32>
      %add3A_1309 = arith.addf %add3A_1306, %mul3A_1308 : vector<16xf32>
      %gt3A_1310 = arith.cmpf ogt, %add3A_1309, %scan3A_863 : vector<16xf32>
      %select_n3A_1311 = arith.select %gt3A_1310, %add3A_1309, %scan3A_863 : vector<16xi1>, vector<16xf32>
      %select_n3A_1312 = arith.select %gt3A_1310, %add3A_1172, %scan3A_871 : vector<16xi1>, vector<16xi32>
      %mul3A_1313 = vector.broadcast %squeeze3A_321 : f32 to vector<16xf32>
      %mul3A_1314 = arith.mulf %bitcast_convert_type3A_1007, %mul3A_1313 : vector<16xf32>
      %mul3A_1315 = vector.broadcast %squeeze3A_323 : f32 to vector<16xf32>
      %mul3A_1316 = arith.mulf %bitcast_convert_type3A_1023, %mul3A_1315 : vector<16xf32>
      %add3A_1317 = arith.addf %mul3A_1314, %mul3A_1316 : vector<16xf32>
      %mul3A_1318 = vector.broadcast %squeeze3A_325 : f32 to vector<16xf32>
      %mul3A_1319 = arith.mulf %bitcast_convert_type3A_1039, %mul3A_1318 : vector<16xf32>
      %add3A_1320 = arith.addf %add3A_1317, %mul3A_1319 : vector<16xf32>
      %mul3A_1321 = vector.broadcast %squeeze3A_327 : f32 to vector<16xf32>
      %mul3A_1322 = arith.mulf %bitcast_convert_type3A_1055, %mul3A_1321 : vector<16xf32>
      %add3A_1323 = arith.addf %add3A_1320, %mul3A_1322 : vector<16xf32>
      %mul3A_1324 = vector.broadcast %squeeze3A_329 : f32 to vector<16xf32>
      %mul3A_1325 = arith.mulf %bitcast_convert_type3A_1071, %mul3A_1324 : vector<16xf32>
      %add3A_1326 = arith.addf %add3A_1323, %mul3A_1325 : vector<16xf32>
      %mul3A_1327 = vector.broadcast %squeeze3A_331 : f32 to vector<16xf32>
      %mul3A_1328 = arith.mulf %bitcast_convert_type3A_1087, %mul3A_1327 : vector<16xf32>
      %add3A_1329 = arith.addf %add3A_1326, %mul3A_1328 : vector<16xf32>
      %mul3A_1330 = vector.broadcast %squeeze3A_333 : f32 to vector<16xf32>
      %mul3A_1331 = arith.mulf %bitcast_convert_type3A_1103, %mul3A_1330 : vector<16xf32>
      %add3A_1332 = arith.addf %add3A_1329, %mul3A_1331 : vector<16xf32>
      %mul3A_1333 = vector.broadcast %squeeze3A_335 : f32 to vector<16xf32>
      %mul3A_1334 = arith.mulf %bitcast_convert_type3A_1119, %mul3A_1333 : vector<16xf32>
      %add3A_1335 = arith.addf %add3A_1332, %mul3A_1334 : vector<16xf32>
      %mul3A_1336 = vector.broadcast %squeeze3A_337 : f32 to vector<16xf32>
      %mul3A_1337 = arith.mulf %bitcast_convert_type3A_1135, %mul3A_1336 : vector<16xf32>
      %add3A_1338 = arith.addf %add3A_1335, %mul3A_1337 : vector<16xf32>
      %mul3A_1339 = vector.broadcast %squeeze3A_339 : f32 to vector<16xf32>
      %mul3A_1340 = arith.mulf %bitcast_convert_type3A_1151, %mul3A_1339 : vector<16xf32>
      %add3A_1341 = arith.addf %add3A_1338, %mul3A_1340 : vector<16xf32>
      %mul3A_1342 = vector.broadcast %squeeze3A_341 : f32 to vector<16xf32>
      %mul3A_1343 = arith.mulf %bitcast_convert_type3A_1167, %mul3A_1342 : vector<16xf32>
      %add3A_1344 = arith.addf %add3A_1341, %mul3A_1343 : vector<16xf32>
      %gt3A_1345 = arith.cmpf ogt, %add3A_1344, %scan3A_864 : vector<16xf32>
      %select_n3A_1346 = arith.select %gt3A_1345, %add3A_1344, %scan3A_864 : vector<16xi1>, vector<16xf32>
      %select_n3A_1347 = arith.select %gt3A_1345, %add3A_1172, %scan3A_872 : vector<16xi1>, vector<16xi32>
      %mul3A_1348 = vector.broadcast %squeeze3A_362 : f32 to vector<16xf32>
      %mul3A_1349 = arith.mulf %bitcast_convert_type3A_1007, %mul3A_1348 : vector<16xf32>
      %mul3A_1350 = vector.broadcast %squeeze3A_364 : f32 to vector<16xf32>
      %mul3A_1351 = arith.mulf %bitcast_convert_type3A_1023, %mul3A_1350 : vector<16xf32>
      %add3A_1352 = arith.addf %mul3A_1349, %mul3A_1351 : vector<16xf32>
      %mul3A_1353 = vector.broadcast %squeeze3A_366 : f32 to vector<16xf32>
      %mul3A_1354 = arith.mulf %bitcast_convert_type3A_1039, %mul3A_1353 : vector<16xf32>
      %add3A_1355 = arith.addf %add3A_1352, %mul3A_1354 : vector<16xf32>
      %mul3A_1356 = vector.broadcast %squeeze3A_368 : f32 to vector<16xf32>
      %mul3A_1357 = arith.mulf %bitcast_convert_type3A_1055, %mul3A_1356 : vector<16xf32>
      %add3A_1358 = arith.addf %add3A_1355, %mul3A_1357 : vector<16xf32>
      %mul3A_1359 = vector.broadcast %squeeze3A_370 : f32 to vector<16xf32>
      %mul3A_1360 = arith.mulf %bitcast_convert_type3A_1071, %mul3A_1359 : vector<16xf32>
      %add3A_1361 = arith.addf %add3A_1358, %mul3A_1360 : vector<16xf32>
      %mul3A_1362 = vector.broadcast %squeeze3A_372 : f32 to vector<16xf32>
      %mul3A_1363 = arith.mulf %bitcast_convert_type3A_1087, %mul3A_1362 : vector<16xf32>
      %add3A_1364 = arith.addf %add3A_1361, %mul3A_1363 : vector<16xf32>
      %mul3A_1365 = vector.broadcast %squeeze3A_374 : f32 to vector<16xf32>
      %mul3A_1366 = arith.mulf %bitcast_convert_type3A_1103, %mul3A_1365 : vector<16xf32>
      %add3A_1367 = arith.addf %add3A_1364, %mul3A_1366 : vector<16xf32>
      %mul3A_1368 = vector.broadcast %squeeze3A_376 : f32 to vector<16xf32>
      %mul3A_1369 = arith.mulf %bitcast_convert_type3A_1119, %mul3A_1368 : vector<16xf32>
      %add3A_1370 = arith.addf %add3A_1367, %mul3A_1369 : vector<16xf32>
      %mul3A_1371 = vector.broadcast %squeeze3A_378 : f32 to vector<16xf32>
      %mul3A_1372 = arith.mulf %bitcast_convert_type3A_1135, %mul3A_1371 : vector<16xf32>
      %add3A_1373 = arith.addf %add3A_1370, %mul3A_1372 : vector<16xf32>
      %mul3A_1374 = vector.broadcast %squeeze3A_380 : f32 to vector<16xf32>
      %mul3A_1375 = arith.mulf %bitcast_convert_type3A_1151, %mul3A_1374 : vector<16xf32>
      %add3A_1376 = arith.addf %add3A_1373, %mul3A_1375 : vector<16xf32>
      %mul3A_1377 = vector.broadcast %squeeze3A_382 : f32 to vector<16xf32>
      %mul3A_1378 = arith.mulf %bitcast_convert_type3A_1167, %mul3A_1377 : vector<16xf32>
      %add3A_1379 = arith.addf %add3A_1376, %mul3A_1378 : vector<16xf32>
      %gt3A_1380 = arith.cmpf ogt, %add3A_1379, %scan3A_865 : vector<16xf32>
      %select_n3A_1381 = arith.select %gt3A_1380, %add3A_1379, %scan3A_865 : vector<16xi1>, vector<16xf32>
      %select_n3A_1382 = arith.select %gt3A_1380, %add3A_1172, %scan3A_873 : vector<16xi1>, vector<16xi32>
      %mul3A_1383 = vector.broadcast %squeeze3A_403 : f32 to vector<16xf32>
      %mul3A_1384 = arith.mulf %bitcast_convert_type3A_1007, %mul3A_1383 : vector<16xf32>
      %mul3A_1385 = vector.broadcast %squeeze3A_405 : f32 to vector<16xf32>
      %mul3A_1386 = arith.mulf %bitcast_convert_type3A_1023, %mul3A_1385 : vector<16xf32>
      %add3A_1387 = arith.addf %mul3A_1384, %mul3A_1386 : vector<16xf32>
      %mul3A_1388 = vector.broadcast %squeeze3A_407 : f32 to vector<16xf32>
      %mul3A_1389 = arith.mulf %bitcast_convert_type3A_1039, %mul3A_1388 : vector<16xf32>
      %add3A_1390 = arith.addf %add3A_1387, %mul3A_1389 : vector<16xf32>
      %mul3A_1391 = vector.broadcast %squeeze3A_409 : f32 to vector<16xf32>
      %mul3A_1392 = arith.mulf %bitcast_convert_type3A_1055, %mul3A_1391 : vector<16xf32>
      %add3A_1393 = arith.addf %add3A_1390, %mul3A_1392 : vector<16xf32>
      %mul3A_1394 = vector.broadcast %squeeze3A_411 : f32 to vector<16xf32>
      %mul3A_1395 = arith.mulf %bitcast_convert_type3A_1071, %mul3A_1394 : vector<16xf32>
      %add3A_1396 = arith.addf %add3A_1393, %mul3A_1395 : vector<16xf32>
      %mul3A_1397 = vector.broadcast %squeeze3A_413 : f32 to vector<16xf32>
      %mul3A_1398 = arith.mulf %bitcast_convert_type3A_1087, %mul3A_1397 : vector<16xf32>
      %add3A_1399 = arith.addf %add3A_1396, %mul3A_1398 : vector<16xf32>
      %mul3A_1400 = vector.broadcast %squeeze3A_415 : f32 to vector<16xf32>
      %mul3A_1401 = arith.mulf %bitcast_convert_type3A_1103, %mul3A_1400 : vector<16xf32>
      %add3A_1402 = arith.addf %add3A_1399, %mul3A_1401 : vector<16xf32>
      %mul3A_1403 = vector.broadcast %squeeze3A_417 : f32 to vector<16xf32>
      %mul3A_1404 = arith.mulf %bitcast_convert_type3A_1119, %mul3A_1403 : vector<16xf32>
      %add3A_1405 = arith.addf %add3A_1402, %mul3A_1404 : vector<16xf32>
      %mul3A_1406 = vector.broadcast %squeeze3A_419 : f32 to vector<16xf32>
      %mul3A_1407 = arith.mulf %bitcast_convert_type3A_1135, %mul3A_1406 : vector<16xf32>
      %add3A_1408 = arith.addf %add3A_1405, %mul3A_1407 : vector<16xf32>
      %mul3A_1409 = vector.broadcast %squeeze3A_421 : f32 to vector<16xf32>
      %mul3A_1410 = arith.mulf %bitcast_convert_type3A_1151, %mul3A_1409 : vector<16xf32>
      %add3A_1411 = arith.addf %add3A_1408, %mul3A_1410 : vector<16xf32>
      %mul3A_1412 = vector.broadcast %squeeze3A_423 : f32 to vector<16xf32>
      %mul3A_1413 = arith.mulf %bitcast_convert_type3A_1167, %mul3A_1412 : vector<16xf32>
      %add3A_1414 = arith.addf %add3A_1411, %mul3A_1413 : vector<16xf32>
      %gt3A_1415 = arith.cmpf ogt, %add3A_1414, %scan3A_866 : vector<16xf32>
      %select_n3A_1416 = arith.select %gt3A_1415, %add3A_1414, %scan3A_866 : vector<16xi1>, vector<16xf32>
      %select_n3A_1417 = arith.select %gt3A_1415, %add3A_1172, %scan3A_874 : vector<16xi1>, vector<16xi32>
      %mul3A_1418 = vector.broadcast %squeeze3A_444 : f32 to vector<16xf32>
      %mul3A_1419 = arith.mulf %bitcast_convert_type3A_1007, %mul3A_1418 : vector<16xf32>
      %mul3A_1420 = vector.broadcast %squeeze3A_446 : f32 to vector<16xf32>
      %mul3A_1421 = arith.mulf %bitcast_convert_type3A_1023, %mul3A_1420 : vector<16xf32>
      %add3A_1422 = arith.addf %mul3A_1419, %mul3A_1421 : vector<16xf32>
      %mul3A_1423 = vector.broadcast %squeeze3A_448 : f32 to vector<16xf32>
      %mul3A_1424 = arith.mulf %bitcast_convert_type3A_1039, %mul3A_1423 : vector<16xf32>
      %add3A_1425 = arith.addf %add3A_1422, %mul3A_1424 : vector<16xf32>
      %mul3A_1426 = vector.broadcast %squeeze3A_450 : f32 to vector<16xf32>
      %mul3A_1427 = arith.mulf %bitcast_convert_type3A_1055, %mul3A_1426 : vector<16xf32>
      %add3A_1428 = arith.addf %add3A_1425, %mul3A_1427 : vector<16xf32>
      %mul3A_1429 = vector.broadcast %squeeze3A_452 : f32 to vector<16xf32>
      %mul3A_1430 = arith.mulf %bitcast_convert_type3A_1071, %mul3A_1429 : vector<16xf32>
      %add3A_1431 = arith.addf %add3A_1428, %mul3A_1430 : vector<16xf32>
      %mul3A_1432 = vector.broadcast %squeeze3A_454 : f32 to vector<16xf32>
      %mul3A_1433 = arith.mulf %bitcast_convert_type3A_1087, %mul3A_1432 : vector<16xf32>
      %add3A_1434 = arith.addf %add3A_1431, %mul3A_1433 : vector<16xf32>
      %mul3A_1435 = vector.broadcast %squeeze3A_456 : f32 to vector<16xf32>
      %mul3A_1436 = arith.mulf %bitcast_convert_type3A_1103, %mul3A_1435 : vector<16xf32>
      %add3A_1437 = arith.addf %add3A_1434, %mul3A_1436 : vector<16xf32>
      %mul3A_1438 = vector.broadcast %squeeze3A_458 : f32 to vector<16xf32>
      %mul3A_1439 = arith.mulf %bitcast_convert_type3A_1119, %mul3A_1438 : vector<16xf32>
      %add3A_1440 = arith.addf %add3A_1437, %mul3A_1439 : vector<16xf32>
      %mul3A_1441 = vector.broadcast %squeeze3A_460 : f32 to vector<16xf32>
      %mul3A_1442 = arith.mulf %bitcast_convert_type3A_1135, %mul3A_1441 : vector<16xf32>
      %add3A_1443 = arith.addf %add3A_1440, %mul3A_1442 : vector<16xf32>
      %mul3A_1444 = vector.broadcast %squeeze3A_462 : f32 to vector<16xf32>
      %mul3A_1445 = arith.mulf %bitcast_convert_type3A_1151, %mul3A_1444 : vector<16xf32>
      %add3A_1446 = arith.addf %add3A_1443, %mul3A_1445 : vector<16xf32>
      %mul3A_1447 = vector.broadcast %squeeze3A_464 : f32 to vector<16xf32>
      %mul3A_1448 = arith.mulf %bitcast_convert_type3A_1167, %mul3A_1447 : vector<16xf32>
      %add3A_1449 = arith.addf %add3A_1446, %mul3A_1448 : vector<16xf32>
      %gt3A_1450 = arith.cmpf ogt, %add3A_1449, %scan3A_867 : vector<16xf32>
      %select_n3A_1451 = arith.select %gt3A_1450, %add3A_1449, %scan3A_867 : vector<16xi1>, vector<16xf32>
      %select_n3A_1452 = arith.select %gt3A_1450, %add3A_1172, %scan3A_875 : vector<16xi1>, vector<16xi32>
      %scan3A_1453 = arith.constant 1 : i32
      %scan3A_1454 = arith.addi %scan3A_859, %scan3A_1453 : i32
      %mul3A_1455 = arith.constant 16 : i32
      %mul3A_1456 = arith.muli %scan3A_1454, %mul3A_1455 : i32
      %get3A_1457 = arith.constant 0 : i32
      %get3A_1458 = arith.index_cast %get3A_1457 : i32 to index
      %get3A_1459 = arith.index_cast %mul3A_1456 : i32 to index
      %get3A_1460 = tpu.vector_load %arg7[%get3A_1458, %get3A_1459] {strides = array<i32>} : memref<11x224xf32, #tpu.memory_space<vmem>>, vector<16xf32>,
      %mul3A_1461 = arith.constant 16 : i32
      %mul3A_1462 = arith.muli %scan3A_1454, %mul3A_1461 : i32
      %get3A_1463 = arith.constant 1 : i32
      %get3A_1464 = arith.index_cast %get3A_1463 : i32 to index
      %get3A_1465 = arith.index_cast %mul3A_1462 : i32 to index
      %get3A_1466 = tpu.vector_load %arg7[%get3A_1464, %get3A_1465] {strides = array<i32>} : memref<11x224xf32, #tpu.memory_space<vmem>>, vector<16xf32>,
      %mul3A_1467 = arith.constant 16 : i32
      %mul3A_1468 = arith.muli %scan3A_1454, %mul3A_1467 : i32
      %get3A_1469 = arith.constant 2 : i32
      %get3A_1470 = arith.index_cast %get3A_1469 : i32 to index
      %get3A_1471 = arith.index_cast %mul3A_1468 : i32 to index
      %get3A_1472 = tpu.vector_load %arg7[%get3A_1470, %get3A_1471] {strides = array<i32>} : memref<11x224xf32, #tpu.memory_space<vmem>>, vector<16xf32>,
      %mul3A_1473 = arith.constant 16 : i32
      %mul3A_1474 = arith.muli %scan3A_1454, %mul3A_1473 : i32
      %get3A_1475 = arith.constant 3 : i32
      %get3A_1476 = arith.index_cast %get3A_1475 : i32 to index
      %get3A_1477 = arith.index_cast %mul3A_1474 : i32 to index
      %get3A_1478 = tpu.vector_load %arg7[%get3A_1476, %get3A_1477] {strides = array<i32>} : memref<11x224xf32, #tpu.memory_space<vmem>>, vector<16xf32>,
      %mul3A_1479 = arith.constant 16 : i32
      %mul3A_1480 = arith.muli %scan3A_1454, %mul3A_1479 : i32
      %get3A_1481 = arith.constant 4 : i32
      %get3A_1482 = arith.index_cast %get3A_1481 : i32 to index
      %get3A_1483 = arith.index_cast %mul3A_1480 : i32 to index
      %get3A_1484 = tpu.vector_load %arg7[%get3A_1482, %get3A_1483] {strides = array<i32>} : memref<11x224xf32, #tpu.memory_space<vmem>>, vector<16xf32>,
      %mul3A_1485 = arith.constant 16 : i32
      %mul3A_1486 = arith.muli %scan3A_1454, %mul3A_1485 : i32
      %get3A_1487 = arith.constant 5 : i32
      %get3A_1488 = arith.index_cast %get3A_1487 : i32 to index
      %get3A_1489 = arith.index_cast %mul3A_1486 : i32 to index
      %get3A_1490 = tpu.vector_load %arg7[%get3A_1488, %get3A_1489] {strides = array<i32>} : memref<11x224xf32, #tpu.memory_space<vmem>>, vector<16xf32>,
      %mul3A_1491 = arith.constant 16 : i32
      %mul3A_1492 = arith.muli %scan3A_1454, %mul3A_1491 : i32
      %get3A_1493 = arith.constant 6 : i32
      %get3A_1494 = arith.index_cast %get3A_1493 : i32 to index
      %get3A_1495 = arith.index_cast %mul3A_1492 : i32 to index
      %get3A_1496 = tpu.vector_load %arg7[%get3A_1494, %get3A_1495] {strides = array<i32>} : memref<11x224xf32, #tpu.memory_space<vmem>>, vector<16xf32>,
      %mul3A_1497 = arith.constant 16 : i32
      %mul3A_1498 = arith.muli %scan3A_1454, %mul3A_1497 : i32
      %get3A_1499 = arith.constant 7 : i32
      %get3A_1500 = arith.index_cast %get3A_1499 : i32 to index
      %get3A_1501 = arith.index_cast %mul3A_1498 : i32 to index
      %get3A_1502 = tpu.vector_load %arg7[%get3A_1500, %get3A_1501] {strides = array<i32>} : memref<11x224xf32, #tpu.memory_space<vmem>>, vector<16xf32>,
      %mul3A_1503 = arith.constant 16 : i32
      %mul3A_1504 = arith.muli %scan3A_1454, %mul3A_1503 : i32
      %get3A_1505 = arith.constant 8 : i32
      %get3A_1506 = arith.index_cast %get3A_1505 : i32 to index
      %get3A_1507 = arith.index_cast %mul3A_1504 : i32 to index
      %get3A_1508 = tpu.vector_load %arg7[%get3A_1506, %get3A_1507] {strides = array<i32>} : memref<11x224xf32, #tpu.memory_space<vmem>>, vector<16xf32>,
      %mul3A_1509 = arith.constant 16 : i32
      %mul3A_1510 = arith.muli %scan3A_1454, %mul3A_1509 : i32
      %get3A_1511 = arith.constant 9 : i32
      %get3A_1512 = arith.index_cast %get3A_1511 : i32 to index
      %get3A_1513 = arith.index_cast %mul3A_1510 : i32 to index
      %get3A_1514 = tpu.vector_load %arg7[%get3A_1512, %get3A_1513] {strides = array<i32>} : memref<11x224xf32, #tpu.memory_space<vmem>>, vector<16xf32>,
      %mul3A_1515 = arith.constant 16 : i32
      %mul3A_1516 = arith.muli %scan3A_1454, %mul3A_1515 : i32
      %get3A_1517 = arith.constant 10 : i32
      %get3A_1518 = arith.index_cast %get3A_1517 : i32 to index
      %get3A_1519 = arith.index_cast %mul3A_1516 : i32 to index
      %get3A_1520 = tpu.vector_load %arg7[%get3A_1518, %get3A_1519] {strides = array<i32>} : memref<11x224xf32, #tpu.memory_space<vmem>>, vector<16xf32>,
      %mul3A_1521 = arith.mulf %get3A_1460, %get3A_1460 : vector<16xf32>
      %mul3A_1522 = arith.mulf %get3A_1466, %get3A_1466 : vector<16xf32>
      %add3A_1523 = arith.addf %mul3A_1521, %mul3A_1522 : vector<16xf32>
      %mul3A_1524 = arith.mulf %get3A_1472, %get3A_1472 : vector<16xf32>
      %add3A_1525 = arith.addf %add3A_1523, %mul3A_1524 : vector<16xf32>
      %mul3A_1526 = arith.mulf %get3A_1478, %get3A_1478 : vector<16xf32>
      %add3A_1527 = arith.addf %add3A_1525, %mul3A_1526 : vector<16xf32>
      %mul3A_1528 = arith.mulf %get3A_1484, %get3A_1484 : vector<16xf32>
      %add3A_1529 = arith.addf %add3A_1527, %mul3A_1528 : vector<16xf32>
      %mul3A_1530 = arith.mulf %get3A_1490, %get3A_1490 : vector<16xf32>
      %add3A_1531 = arith.addf %add3A_1529, %mul3A_1530 : vector<16xf32>
      %mul3A_1532 = arith.mulf %get3A_1496, %get3A_1496 : vector<16xf32>
      %add3A_1533 = arith.addf %add3A_1531, %mul3A_1532 : vector<16xf32>
      %mul3A_1534 = arith.mulf %get3A_1502, %get3A_1502 : vector<16xf32>
      %add3A_1535 = arith.addf %add3A_1533, %mul3A_1534 : vector<16xf32>
      %mul3A_1536 = arith.mulf %get3A_1508, %get3A_1508 : vector<16xf32>
      %add3A_1537 = arith.addf %add3A_1535, %mul3A_1536 : vector<16xf32>
      %mul3A_1538 = arith.mulf %get3A_1514, %get3A_1514 : vector<16xf32>
      %add3A_1539 = arith.addf %add3A_1537, %mul3A_1538 : vector<16xf32>
      %mul3A_1540 = arith.mulf %get3A_1520, %get3A_1520 : vector<16xf32>
      %add3A_1541 = arith.addf %add3A_1539, %mul3A_1540 : vector<16xf32>
      %bitcast_convert_type3A_1542 = tpu.bitcast %add3A_1541 : vector<16xf32> -> vector<16xi32>
      %shift_right_logical3A_1543 = arith.constant 1 : i32
      %shift_right_logical3A_1544 = vector.broadcast %shift_right_logical3A_1543 : i32 to vector<16xi32>
      %shift_right_logical3A_1545 = arith.shrui %bitcast_convert_type3A_1542, %shift_right_logical3A_1544 : vector<16xi32>
      %sub3A_1546 = arith.constant 1597463007 : i32
      %sub3A_1547 = vector.broadcast %sub3A_1546 : i32 to vector<16xi32>
      %sub3A_1548 = arith.subi %sub3A_1547, %shift_right_logical3A_1545 : vector<16xi32>
      %bitcast_convert_type3A_1549 = tpu.bitcast %sub3A_1548 : vector<16xi32> -> vector<16xf32>
      %mul3A_1550 = arith.constant 5.000000e-01 : f32
      %mul3A_1551 = vector.broadcast %mul3A_1550 : f32 to vector<16xf32>
      %mul3A_1552 = arith.mulf %mul3A_1551, %add3A_1541 : vector<16xf32>
      %mul3A_1553 = arith.mulf %mul3A_1552, %bitcast_convert_type3A_1549 : vector<16xf32>
      %mul3A_1554 = arith.mulf %mul3A_1553, %bitcast_convert_type3A_1549 : vector<16xf32>
      %sub3A_1555 = arith.constant 1.500000e+00 : f32
      %sub3A_1556 = vector.broadcast %sub3A_1555 : f32 to vector<16xf32>
      %sub3A_1557 = arith.subf %sub3A_1556, %mul3A_1554 : vector<16xf32>
      %mul3A_1558 = arith.mulf %bitcast_convert_type3A_1549, %sub3A_1557 : vector<16xf32>
      %mul3A_1559 = arith.mulf %mul3A_1552, %mul3A_1558 : vector<16xf32>
      %mul3A_1560 = arith.mulf %mul3A_1559, %mul3A_1558 : vector<16xf32>
      %sub3A_1561 = arith.constant 1.500000e+00 : f32
      %sub3A_1562 = vector.broadcast %sub3A_1561 : f32 to vector<16xf32>
      %sub3A_1563 = arith.subf %sub3A_1562, %mul3A_1560 : vector<16xf32>
      %mul3A_1564 = arith.mulf %mul3A_1558, %sub3A_1563 : vector<16xf32>
      %mul3A_1565 = arith.mulf %mul3A_1552, %mul3A_1564 : vector<16xf32>
      %mul3A_1566 = arith.mulf %mul3A_1565, %mul3A_1564 : vector<16xf32>
      %sub3A_1567 = arith.constant 1.500000e+00 : f32
      %sub3A_1568 = vector.broadcast %sub3A_1567 : f32 to vector<16xf32>
      %sub3A_1569 = arith.subf %sub3A_1568, %mul3A_1566 : vector<16xf32>
      %mul3A_1570 = arith.mulf %mul3A_1564, %sub3A_1569 : vector<16xf32>
      %mul3A_1571 = arith.mulf %get3A_1460, %mul3A_1570 : vector<16xf32>
      %bitcast_convert_type3A_1572 = tpu.bitcast %mul3A_1571 : vector<16xf32> -> vector<16xi32>
      %shift_right_logical3A_1573 = arith.constant 16 : i32
      %shift_right_logical3A_1574 = vector.broadcast %shift_right_logical3A_1573 : i32 to vector<16xi32>
      %shift_right_logical3A_1575 = arith.shrui %bitcast_convert_type3A_1572, %shift_right_logical3A_1574 : vector<16xi32>
      %and3A_1576 = arith.constant 1 : i32
      %and3A_1577 = vector.broadcast %and3A_1576 : i32 to vector<16xi32>
      %and3A_1578 = arith.andi %shift_right_logical3A_1575, %and3A_1577 : vector<16xi32>
      %add3A_1579 = arith.constant 32767 : i32
      %add3A_1580 = vector.broadcast %add3A_1579 : i32 to vector<16xi32>
      %add3A_1581 = arith.addi %bitcast_convert_type3A_1572, %add3A_1580 : vector<16xi32>
      %add3A_1582 = arith.addi %add3A_1581, %and3A_1578 : vector<16xi32>
      %and3A_1583 = arith.constant -65536 : i32
      %and3A_1584 = vector.broadcast %and3A_1583 : i32 to vector<16xi32>
      %and3A_1585 = arith.andi %add3A_1582, %and3A_1584 : vector<16xi32>
      %bitcast_convert_type3A_1586 = tpu.bitcast %and3A_1585 : vector<16xi32> -> vector<16xf32>
      %mul3A_1587 = arith.mulf %get3A_1466, %mul3A_1570 : vector<16xf32>
      %bitcast_convert_type3A_1588 = tpu.bitcast %mul3A_1587 : vector<16xf32> -> vector<16xi32>
      %shift_right_logical3A_1589 = arith.constant 16 : i32
      %shift_right_logical3A_1590 = vector.broadcast %shift_right_logical3A_1589 : i32 to vector<16xi32>
      %shift_right_logical3A_1591 = arith.shrui %bitcast_convert_type3A_1588, %shift_right_logical3A_1590 : vector<16xi32>
      %and3A_1592 = arith.constant 1 : i32
      %and3A_1593 = vector.broadcast %and3A_1592 : i32 to vector<16xi32>
      %and3A_1594 = arith.andi %shift_right_logical3A_1591, %and3A_1593 : vector<16xi32>
      %add3A_1595 = arith.constant 32767 : i32
      %add3A_1596 = vector.broadcast %add3A_1595 : i32 to vector<16xi32>
      %add3A_1597 = arith.addi %bitcast_convert_type3A_1588, %add3A_1596 : vector<16xi32>
      %add3A_1598 = arith.addi %add3A_1597, %and3A_1594 : vector<16xi32>
      %and3A_1599 = arith.constant -65536 : i32
      %and3A_1600 = vector.broadcast %and3A_1599 : i32 to vector<16xi32>
      %and3A_1601 = arith.andi %add3A_1598, %and3A_1600 : vector<16xi32>
      %bitcast_convert_type3A_1602 = tpu.bitcast %and3A_1601 : vector<16xi32> -> vector<16xf32>
      %mul3A_1603 = arith.mulf %get3A_1472, %mul3A_1570 : vector<16xf32>
      %bitcast_convert_type3A_1604 = tpu.bitcast %mul3A_1603 : vector<16xf32> -> vector<16xi32>
      %shift_right_logical3A_1605 = arith.constant 16 : i32
      %shift_right_logical3A_1606 = vector.broadcast %shift_right_logical3A_1605 : i32 to vector<16xi32>
      %shift_right_logical3A_1607 = arith.shrui %bitcast_convert_type3A_1604, %shift_right_logical3A_1606 : vector<16xi32>
      %and3A_1608 = arith.constant 1 : i32
      %and3A_1609 = vector.broadcast %and3A_1608 : i32 to vector<16xi32>
      %and3A_1610 = arith.andi %shift_right_logical3A_1607, %and3A_1609 : vector<16xi32>
      %add3A_1611 = arith.constant 32767 : i32
      %add3A_1612 = vector.broadcast %add3A_1611 : i32 to vector<16xi32>
      %add3A_1613 = arith.addi %bitcast_convert_type3A_1604, %add3A_1612 : vector<16xi32>
      %add3A_1614 = arith.addi %add3A_1613, %and3A_1610 : vector<16xi32>
      %and3A_1615 = arith.constant -65536 : i32
      %and3A_1616 = vector.broadcast %and3A_1615 : i32 to vector<16xi32>
      %and3A_1617 = arith.andi %add3A_1614, %and3A_1616 : vector<16xi32>
      %bitcast_convert_type3A_1618 = tpu.bitcast %and3A_1617 : vector<16xi32> -> vector<16xf32>
      %mul3A_1619 = arith.mulf %get3A_1478, %mul3A_1570 : vector<16xf32>
      %bitcast_convert_type3A_1620 = tpu.bitcast %mul3A_1619 : vector<16xf32> -> vector<16xi32>
      %shift_right_logical3A_1621 = arith.constant 16 : i32
      %shift_right_logical3A_1622 = vector.broadcast %shift_right_logical3A_1621 : i32 to vector<16xi32>
      %shift_right_logical3A_1623 = arith.shrui %bitcast_convert_type3A_1620, %shift_right_logical3A_1622 : vector<16xi32>
      %and3A_1624 = arith.constant 1 : i32
      %and3A_1625 = vector.broadcast %and3A_1624 : i32 to vector<16xi32>
      %and3A_1626 = arith.andi %shift_right_logical3A_1623, %and3A_1625 : vector<16xi32>
      %add3A_1627 = arith.constant 32767 : i32
      %add3A_1628 = vector.broadcast %add3A_1627 : i32 to vector<16xi32>
      %add3A_1629 = arith.addi %bitcast_convert_type3A_1620, %add3A_1628 : vector<16xi32>
      %add3A_1630 = arith.addi %add3A_1629, %and3A_1626 : vector<16xi32>
      %and3A_1631 = arith.constant -65536 : i32
      %and3A_1632 = vector.broadcast %and3A_1631 : i32 to vector<16xi32>
      %and3A_1633 = arith.andi %add3A_1630, %and3A_1632 : vector<16xi32>
      %bitcast_convert_type3A_1634 = tpu.bitcast %and3A_1633 : vector<16xi32> -> vector<16xf32>
      %mul3A_1635 = arith.mulf %get3A_1484, %mul3A_1570 : vector<16xf32>
      %bitcast_convert_type3A_1636 = tpu.bitcast %mul3A_1635 : vector<16xf32> -> vector<16xi32>
      %shift_right_logical3A_1637 = arith.constant 16 : i32
      %shift_right_logical3A_1638 = vector.broadcast %shift_right_logical3A_1637 : i32 to vector<16xi32>
      %shift_right_logical3A_1639 = arith.shrui %bitcast_convert_type3A_1636, %shift_right_logical3A_1638 : vector<16xi32>
      %and3A_1640 = arith.constant 1 : i32
      %and3A_1641 = vector.broadcast %and3A_1640 : i32 to vector<16xi32>
      %and3A_1642 = arith.andi %shift_right_logical3A_1639, %and3A_1641 : vector<16xi32>
      %add3A_1643 = arith.constant 32767 : i32
      %add3A_1644 = vector.broadcast %add3A_1643 : i32 to vector<16xi32>
      %add3A_1645 = arith.addi %bitcast_convert_type3A_1636, %add3A_1644 : vector<16xi32>
      %add3A_1646 = arith.addi %add3A_1645, %and3A_1642 : vector<16xi32>
      %and3A_1647 = arith.constant -65536 : i32
      %and3A_1648 = vector.broadcast %and3A_1647 : i32 to vector<16xi32>
      %and3A_1649 = arith.andi %add3A_1646, %and3A_1648 : vector<16xi32>
      %bitcast_convert_type3A_1650 = tpu.bitcast %and3A_1649 : vector<16xi32> -> vector<16xf32>
      %mul3A_1651 = arith.mulf %get3A_1490, %mul3A_1570 : vector<16xf32>
      %bitcast_convert_type3A_1652 = tpu.bitcast %mul3A_1651 : vector<16xf32> -> vector<16xi32>
      %shift_right_logical3A_1653 = arith.constant 16 : i32
      %shift_right_logical3A_1654 = vector.broadcast %shift_right_logical3A_1653 : i32 to vector<16xi32>
      %shift_right_logical3A_1655 = arith.shrui %bitcast_convert_type3A_1652, %shift_right_logical3A_1654 : vector<16xi32>
      %and3A_1656 = arith.constant 1 : i32
      %and3A_1657 = vector.broadcast %and3A_1656 : i32 to vector<16xi32>
      %and3A_1658 = arith.andi %shift_right_logical3A_1655, %and3A_1657 : vector<16xi32>
      %add3A_1659 = arith.constant 32767 : i32
      %add3A_1660 = vector.broadcast %add3A_1659 : i32 to vector<16xi32>
      %add3A_1661 = arith.addi %bitcast_convert_type3A_1652, %add3A_1660 : vector<16xi32>
      %add3A_1662 = arith.addi %add3A_1661, %and3A_1658 : vector<16xi32>
      %and3A_1663 = arith.constant -65536 : i32
      %and3A_1664 = vector.broadcast %and3A_1663 : i32 to vector<16xi32>
      %and3A_1665 = arith.andi %add3A_1662, %and3A_1664 : vector<16xi32>
      %bitcast_convert_type3A_1666 = tpu.bitcast %and3A_1665 : vector<16xi32> -> vector<16xf32>
      %mul3A_1667 = arith.mulf %get3A_1496, %mul3A_1570 : vector<16xf32>
      %bitcast_convert_type3A_1668 = tpu.bitcast %mul3A_1667 : vector<16xf32> -> vector<16xi32>
      %shift_right_logical3A_1669 = arith.constant 16 : i32
      %shift_right_logical3A_1670 = vector.broadcast %shift_right_logical3A_1669 : i32 to vector<16xi32>
      %shift_right_logical3A_1671 = arith.shrui %bitcast_convert_type3A_1668, %shift_right_logical3A_1670 : vector<16xi32>
      %and3A_1672 = arith.constant 1 : i32
      %and3A_1673 = vector.broadcast %and3A_1672 : i32 to vector<16xi32>
      %and3A_1674 = arith.andi %shift_right_logical3A_1671, %and3A_1673 : vector<16xi32>
      %add3A_1675 = arith.constant 32767 : i32
      %add3A_1676 = vector.broadcast %add3A_1675 : i32 to vector<16xi32>
      %add3A_1677 = arith.addi %bitcast_convert_type3A_1668, %add3A_1676 : vector<16xi32>
      %add3A_1678 = arith.addi %add3A_1677, %and3A_1674 : vector<16xi32>
      %and3A_1679 = arith.constant -65536 : i32
      %and3A_1680 = vector.broadcast %and3A_1679 : i32 to vector<16xi32>
      %and3A_1681 = arith.andi %add3A_1678, %and3A_1680 : vector<16xi32>
      %bitcast_convert_type3A_1682 = tpu.bitcast %and3A_1681 : vector<16xi32> -> vector<16xf32>
      %mul3A_1683 = arith.mulf %get3A_1502, %mul3A_1570 : vector<16xf32>
      %bitcast_convert_type3A_1684 = tpu.bitcast %mul3A_1683 : vector<16xf32> -> vector<16xi32>
      %shift_right_logical3A_1685 = arith.constant 16 : i32
      %shift_right_logical3A_1686 = vector.broadcast %shift_right_logical3A_1685 : i32 to vector<16xi32>
      %shift_right_logical3A_1687 = arith.shrui %bitcast_convert_type3A_1684, %shift_right_logical3A_1686 : vector<16xi32>
      %and3A_1688 = arith.constant 1 : i32
      %and3A_1689 = vector.broadcast %and3A_1688 : i32 to vector<16xi32>
      %and3A_1690 = arith.andi %shift_right_logical3A_1687, %and3A_1689 : vector<16xi32>
      %add3A_1691 = arith.constant 32767 : i32
      %add3A_1692 = vector.broadcast %add3A_1691 : i32 to vector<16xi32>
      %add3A_1693 = arith.addi %bitcast_convert_type3A_1684, %add3A_1692 : vector<16xi32>
      %add3A_1694 = arith.addi %add3A_1693, %and3A_1690 : vector<16xi32>
      %and3A_1695 = arith.constant -65536 : i32
      %and3A_1696 = vector.broadcast %and3A_1695 : i32 to vector<16xi32>
      %and3A_1697 = arith.andi %add3A_1694, %and3A_1696 : vector<16xi32>
      %bitcast_convert_type3A_1698 = tpu.bitcast %and3A_1697 : vector<16xi32> -> vector<16xf32>
      %mul3A_1699 = arith.mulf %get3A_1508, %mul3A_1570 : vector<16xf32>
      %bitcast_convert_type3A_1700 = tpu.bitcast %mul3A_1699 : vector<16xf32> -> vector<16xi32>
      %shift_right_logical3A_1701 = arith.constant 16 : i32
      %shift_right_logical3A_1702 = vector.broadcast %shift_right_logical3A_1701 : i32 to vector<16xi32>
      %shift_right_logical3A_1703 = arith.shrui %bitcast_convert_type3A_1700, %shift_right_logical3A_1702 : vector<16xi32>
      %and3A_1704 = arith.constant 1 : i32
      %and3A_1705 = vector.broadcast %and3A_1704 : i32 to vector<16xi32>
      %and3A_1706 = arith.andi %shift_right_logical3A_1703, %and3A_1705 : vector<16xi32>
      %add3A_1707 = arith.constant 32767 : i32
      %add3A_1708 = vector.broadcast %add3A_1707 : i32 to vector<16xi32>
      %add3A_1709 = arith.addi %bitcast_convert_type3A_1700, %add3A_1708 : vector<16xi32>
      %add3A_1710 = arith.addi %add3A_1709, %and3A_1706 : vector<16xi32>
      %and3A_1711 = arith.constant -65536 : i32
      %and3A_1712 = vector.broadcast %and3A_1711 : i32 to vector<16xi32>
      %and3A_1713 = arith.andi %add3A_1710, %and3A_1712 : vector<16xi32>
      %bitcast_convert_type3A_1714 = tpu.bitcast %and3A_1713 : vector<16xi32> -> vector<16xf32>
      %mul3A_1715 = arith.mulf %get3A_1514, %mul3A_1570 : vector<16xf32>
      %bitcast_convert_type3A_1716 = tpu.bitcast %mul3A_1715 : vector<16xf32> -> vector<16xi32>
      %shift_right_logical3A_1717 = arith.constant 16 : i32
      %shift_right_logical3A_1718 = vector.broadcast %shift_right_logical3A_1717 : i32 to vector<16xi32>
      %shift_right_logical3A_1719 = arith.shrui %bitcast_convert_type3A_1716, %shift_right_logical3A_1718 : vector<16xi32>
      %and3A_1720 = arith.constant 1 : i32
      %and3A_1721 = vector.broadcast %and3A_1720 : i32 to vector<16xi32>
      %and3A_1722 = arith.andi %shift_right_logical3A_1719, %and3A_1721 : vector<16xi32>
      %add3A_1723 = arith.constant 32767 : i32
      %add3A_1724 = vector.broadcast %add3A_1723 : i32 to vector<16xi32>
      %add3A_1725 = arith.addi %bitcast_convert_type3A_1716, %add3A_1724 : vector<16xi32>
      %add3A_1726 = arith.addi %add3A_1725, %and3A_1722 : vector<16xi32>
      %and3A_1727 = arith.constant -65536 : i32
      %and3A_1728 = vector.broadcast %and3A_1727 : i32 to vector<16xi32>
      %and3A_1729 = arith.andi %add3A_1726, %and3A_1728 : vector<16xi32>
      %bitcast_convert_type3A_1730 = tpu.bitcast %and3A_1729 : vector<16xi32> -> vector<16xf32>
      %mul3A_1731 = arith.mulf %get3A_1520, %mul3A_1570 : vector<16xf32>
      %bitcast_convert_type3A_1732 = tpu.bitcast %mul3A_1731 : vector<16xf32> -> vector<16xi32>
      %shift_right_logical3A_1733 = arith.constant 16 : i32
      %shift_right_logical3A_1734 = vector.broadcast %shift_right_logical3A_1733 : i32 to vector<16xi32>
      %shift_right_logical3A_1735 = arith.shrui %bitcast_convert_type3A_1732, %shift_right_logical3A_1734 : vector<16xi32>
      %and3A_1736 = arith.constant 1 : i32
      %and3A_1737 = vector.broadcast %and3A_1736 : i32 to vector<16xi32>
      %and3A_1738 = arith.andi %shift_right_logical3A_1735, %and3A_1737 : vector<16xi32>
      %add3A_1739 = arith.constant 32767 : i32
      %add3A_1740 = vector.broadcast %add3A_1739 : i32 to vector<16xi32>
      %add3A_1741 = arith.addi %bitcast_convert_type3A_1732, %add3A_1740 : vector<16xi32>
      %add3A_1742 = arith.addi %add3A_1741, %and3A_1738 : vector<16xi32>
      %and3A_1743 = arith.constant -65536 : i32
      %and3A_1744 = vector.broadcast %and3A_1743 : i32 to vector<16xi32>
      %and3A_1745 = arith.andi %add3A_1742, %and3A_1744 : vector<16xi32>
      %bitcast_convert_type3A_1746 = tpu.bitcast %and3A_1745 : vector<16xi32> -> vector<16xf32>
      %mul3A_1747 = arith.constant 16 : i32
      %mul3A_1748 = arith.muli %scan3A_1454, %mul3A_1747 : i32
      %add3A_1749 = arith.addi %mul3A_470, %mul3A_1748 : i32
      %add3A_1750 = vector.broadcast %add3A_1749 : i32 to vector<16xi32>
      %add3A_1751 = arith.addi %add3A_1750, %iota3A : vector<16xi32>
      %mul3A_1752 = vector.broadcast %squeeze3A_157 : f32 to vector<16xf32>
      %mul3A_1753 = arith.mulf %bitcast_convert_type3A_1586, %mul3A_1752 : vector<16xf32>
      %mul3A_1754 = vector.broadcast %squeeze3A_159 : f32 to vector<16xf32>
      %mul3A_1755 = arith.mulf %bitcast_convert_type3A_1602, %mul3A_1754 : vector<16xf32>
      %add3A_1756 = arith.addf %mul3A_1753, %mul3A_1755 : vector<16xf32>
      %mul3A_1757 = vector.broadcast %squeeze3A_161 : f32 to vector<16xf32>
      %mul3A_1758 = arith.mulf %bitcast_convert_type3A_1618, %mul3A_1757 : vector<16xf32>
      %add3A_1759 = arith.addf %add3A_1756, %mul3A_1758 : vector<16xf32>
      %mul3A_1760 = vector.broadcast %squeeze3A_163 : f32 to vector<16xf32>
      %mul3A_1761 = arith.mulf %bitcast_convert_type3A_1634, %mul3A_1760 : vector<16xf32>
      %add3A_1762 = arith.addf %add3A_1759, %mul3A_1761 : vector<16xf32>
      %mul3A_1763 = vector.broadcast %squeeze3A_165 : f32 to vector<16xf32>
      %mul3A_1764 = arith.mulf %bitcast_convert_type3A_1650, %mul3A_1763 : vector<16xf32>
      %add3A_1765 = arith.addf %add3A_1762, %mul3A_1764 : vector<16xf32>
      %mul3A_1766 = vector.broadcast %squeeze3A_167 : f32 to vector<16xf32>
      %mul3A_1767 = arith.mulf %bitcast_convert_type3A_1666, %mul3A_1766 : vector<16xf32>
      %add3A_1768 = arith.addf %add3A_1765, %mul3A_1767 : vector<16xf32>
      %mul3A_1769 = vector.broadcast %squeeze3A_169 : f32 to vector<16xf32>
      %mul3A_1770 = arith.mulf %bitcast_convert_type3A_1682, %mul3A_1769 : vector<16xf32>
      %add3A_1771 = arith.addf %add3A_1768, %mul3A_1770 : vector<16xf32>
      %mul3A_1772 = vector.broadcast %squeeze3A_171 : f32 to vector<16xf32>
      %mul3A_1773 = arith.mulf %bitcast_convert_type3A_1698, %mul3A_1772 : vector<16xf32>
      %add3A_1774 = arith.addf %add3A_1771, %mul3A_1773 : vector<16xf32>
      %mul3A_1775 = vector.broadcast %squeeze3A_173 : f32 to vector<16xf32>
      %mul3A_1776 = arith.mulf %bitcast_convert_type3A_1714, %mul3A_1775 : vector<16xf32>
      %add3A_1777 = arith.addf %add3A_1774, %mul3A_1776 : vector<16xf32>
      %mul3A_1778 = vector.broadcast %squeeze3A_175 : f32 to vector<16xf32>
      %mul3A_1779 = arith.mulf %bitcast_convert_type3A_1730, %mul3A_1778 : vector<16xf32>
      %add3A_1780 = arith.addf %add3A_1777, %mul3A_1779 : vector<16xf32>
      %mul3A_1781 = vector.broadcast %squeeze3A_177 : f32 to vector<16xf32>
      %mul3A_1782 = arith.mulf %bitcast_convert_type3A_1746, %mul3A_1781 : vector<16xf32>
      %add3A_1783 = arith.addf %add3A_1780, %mul3A_1782 : vector<16xf32>
      %gt3A_1784 = arith.cmpf ogt, %add3A_1783, %select_n3A_1206 : vector<16xf32>
      %select_n3A_1785 = arith.select %gt3A_1784, %add3A_1783, %select_n3A_1206 : vector<16xi1>, vector<16xf32>
      %select_n3A_1786 = arith.select %gt3A_1784, %add3A_1751, %select_n3A_1207 : vector<16xi1>, vector<16xi32>
      %mul3A_1787 = vector.broadcast %squeeze3A_198 : f32 to vector<16xf32>
      %mul3A_1788 = arith.mulf %bitcast_convert_type3A_1586, %mul3A_1787 : vector<16xf32>
      %mul3A_1789 = vector.broadcast %squeeze3A_200 : f32 to vector<16xf32>
      %mul3A_1790 = arith.mulf %bitcast_convert_type3A_1602, %mul3A_1789 : vector<16xf32>
      %add3A_1791 = arith.addf %mul3A_1788, %mul3A_1790 : vector<16xf32>
      %mul3A_1792 = vector.broadcast %squeeze3A_202 : f32 to vector<16xf32>
      %mul3A_1793 = arith.mulf %bitcast_convert_type3A_1618, %mul3A_1792 : vector<16xf32>
      %add3A_1794 = arith.addf %add3A_1791, %mul3A_1793 : vector<16xf32>
      %mul3A_1795 = vector.broadcast %squeeze3A_204 : f32 to vector<16xf32>
      %mul3A_1796 = arith.mulf %bitcast_convert_type3A_1634, %mul3A_1795 : vector<16xf32>
      %add3A_1797 = arith.addf %add3A_1794, %mul3A_1796 : vector<16xf32>
      %mul3A_1798 = vector.broadcast %squeeze3A_206 : f32 to vector<16xf32>
      %mul3A_1799 = arith.mulf %bitcast_convert_type3A_1650, %mul3A_1798 : vector<16xf32>
      %add3A_1800 = arith.addf %add3A_1797, %mul3A_1799 : vector<16xf32>
      %mul3A_1801 = vector.broadcast %squeeze3A_208 : f32 to vector<16xf32>
      %mul3A_1802 = arith.mulf %bitcast_convert_type3A_1666, %mul3A_1801 : vector<16xf32>
      %add3A_1803 = arith.addf %add3A_1800, %mul3A_1802 : vector<16xf32>
      %mul3A_1804 = vector.broadcast %squeeze3A_210 : f32 to vector<16xf32>
      %mul3A_1805 = arith.mulf %bitcast_convert_type3A_1682, %mul3A_1804 : vector<16xf32>
      %add3A_1806 = arith.addf %add3A_1803, %mul3A_1805 : vector<16xf32>
      %mul3A_1807 = vector.broadcast %squeeze3A_212 : f32 to vector<16xf32>
      %mul3A_1808 = arith.mulf %bitcast_convert_type3A_1698, %mul3A_1807 : vector<16xf32>
      %add3A_1809 = arith.addf %add3A_1806, %mul3A_1808 : vector<16xf32>
      %mul3A_1810 = vector.broadcast %squeeze3A_214 : f32 to vector<16xf32>
      %mul3A_1811 = arith.mulf %bitcast_convert_type3A_1714, %mul3A_1810 : vector<16xf32>
      %add3A_1812 = arith.addf %add3A_1809, %mul3A_1811 : vector<16xf32>
      %mul3A_1813 = vector.broadcast %squeeze3A_216 : f32 to vector<16xf32>
      %mul3A_1814 = arith.mulf %bitcast_convert_type3A_1730, %mul3A_1813 : vector<16xf32>
      %add3A_1815 = arith.addf %add3A_1812, %mul3A_1814 : vector<16xf32>
      %mul3A_1816 = vector.broadcast %squeeze3A_218 : f32 to vector<16xf32>
      %mul3A_1817 = arith.mulf %bitcast_convert_type3A_1746, %mul3A_1816 : vector<16xf32>
      %add3A_1818 = arith.addf %add3A_1815, %mul3A_1817 : vector<16xf32>
      %gt3A_1819 = arith.cmpf ogt, %add3A_1818, %select_n3A_1241 : vector<16xf32>
      %select_n3A_1820 = arith.select %gt3A_1819, %add3A_1818, %select_n3A_1241 : vector<16xi1>, vector<16xf32>
      %select_n3A_1821 = arith.select %gt3A_1819, %add3A_1751, %select_n3A_1242 : vector<16xi1>, vector<16xi32>
      %mul3A_1822 = vector.broadcast %squeeze3A_239 : f32 to vector<16xf32>
      %mul3A_1823 = arith.mulf %bitcast_convert_type3A_1586, %mul3A_1822 : vector<16xf32>
      %mul3A_1824 = vector.broadcast %squeeze3A_241 : f32 to vector<16xf32>
      %mul3A_1825 = arith.mulf %bitcast_convert_type3A_1602, %mul3A_1824 : vector<16xf32>
      %add3A_1826 = arith.addf %mul3A_1823, %mul3A_1825 : vector<16xf32>
      %mul3A_1827 = vector.broadcast %squeeze3A_243 : f32 to vector<16xf32>
      %mul3A_1828 = arith.mulf %bitcast_convert_type3A_1618, %mul3A_1827 : vector<16xf32>
      %add3A_1829 = arith.addf %add3A_1826, %mul3A_1828 : vector<16xf32>
      %mul3A_1830 = vector.broadcast %squeeze3A_245 : f32 to vector<16xf32>
      %mul3A_1831 = arith.mulf %bitcast_convert_type3A_1634, %mul3A_1830 : vector<16xf32>
      %add3A_1832 = arith.addf %add3A_1829, %mul3A_1831 : vector<16xf32>
      %mul3A_1833 = vector.broadcast %squeeze3A_247 : f32 to vector<16xf32>
      %mul3A_1834 = arith.mulf %bitcast_convert_type3A_1650, %mul3A_1833 : vector<16xf32>
      %add3A_1835 = arith.addf %add3A_1832, %mul3A_1834 : vector<16xf32>
      %mul3A_1836 = vector.broadcast %squeeze3A_249 : f32 to vector<16xf32>
      %mul3A_1837 = arith.mulf %bitcast_convert_type3A_1666, %mul3A_1836 : vector<16xf32>
      %add3A_1838 = arith.addf %add3A_1835, %mul3A_1837 : vector<16xf32>
      %mul3A_1839 = vector.broadcast %squeeze3A_251 : f32 to vector<16xf32>
      %mul3A_1840 = arith.mulf %bitcast_convert_type3A_1682, %mul3A_1839 : vector<16xf32>
      %add3A_1841 = arith.addf %add3A_1838, %mul3A_1840 : vector<16xf32>
      %mul3A_1842 = vector.broadcast %squeeze3A_253 : f32 to vector<16xf32>
      %mul3A_1843 = arith.mulf %bitcast_convert_type3A_1698, %mul3A_1842 : vector<16xf32>
      %add3A_1844 = arith.addf %add3A_1841, %mul3A_1843 : vector<16xf32>
      %mul3A_1845 = vector.broadcast %squeeze3A_255 : f32 to vector<16xf32>
      %mul3A_1846 = arith.mulf %bitcast_convert_type3A_1714, %mul3A_1845 : vector<16xf32>
      %add3A_1847 = arith.addf %add3A_1844, %mul3A_1846 : vector<16xf32>
      %mul3A_1848 = vector.broadcast %squeeze3A_257 : f32 to vector<16xf32>
      %mul3A_1849 = arith.mulf %bitcast_convert_type3A_1730, %mul3A_1848 : vector<16xf32>
      %add3A_1850 = arith.addf %add3A_1847, %mul3A_1849 : vector<16xf32>
      %mul3A_1851 = vector.broadcast %squeeze3A_259 : f32 to vector<16xf32>
      %mul3A_1852 = arith.mulf %bitcast_convert_type3A_1746, %mul3A_1851 : vector<16xf32>
      %add3A_1853 = arith.addf %add3A_1850, %mul3A_1852 : vector<16xf32>
      %gt3A_1854 = arith.cmpf ogt, %add3A_1853, %select_n3A_1276 : vector<16xf32>
      %select_n3A_1855 = arith.select %gt3A_1854, %add3A_1853, %select_n3A_1276 : vector<16xi1>, vector<16xf32>
      %select_n3A_1856 = arith.select %gt3A_1854, %add3A_1751, %select_n3A_1277 : vector<16xi1>, vector<16xi32>
      %mul3A_1857 = vector.broadcast %squeeze3A_280 : f32 to vector<16xf32>
      %mul3A_1858 = arith.mulf %bitcast_convert_type3A_1586, %mul3A_1857 : vector<16xf32>
      %mul3A_1859 = vector.broadcast %squeeze3A_282 : f32 to vector<16xf32>
      %mul3A_1860 = arith.mulf %bitcast_convert_type3A_1602, %mul3A_1859 : vector<16xf32>
      %add3A_1861 = arith.addf %mul3A_1858, %mul3A_1860 : vector<16xf32>
      %mul3A_1862 = vector.broadcast %squeeze3A_284 : f32 to vector<16xf32>
      %mul3A_1863 = arith.mulf %bitcast_convert_type3A_1618, %mul3A_1862 : vector<16xf32>
      %add3A_1864 = arith.addf %add3A_1861, %mul3A_1863 : vector<16xf32>
      %mul3A_1865 = vector.broadcast %squeeze3A_286 : f32 to vector<16xf32>
      %mul3A_1866 = arith.mulf %bitcast_convert_type3A_1634, %mul3A_1865 : vector<16xf32>
      %add3A_1867 = arith.addf %add3A_1864, %mul3A_1866 : vector<16xf32>
      %mul3A_1868 = vector.broadcast %squeeze3A_288 : f32 to vector<16xf32>
      %mul3A_1869 = arith.mulf %bitcast_convert_type3A_1650, %mul3A_1868 : vector<16xf32>
      %add3A_1870 = arith.addf %add3A_1867, %mul3A_1869 : vector<16xf32>
      %mul3A_1871 = vector.broadcast %squeeze3A_290 : f32 to vector<16xf32>
      %mul3A_1872 = arith.mulf %bitcast_convert_type3A_1666, %mul3A_1871 : vector<16xf32>
      %add3A_1873 = arith.addf %add3A_1870, %mul3A_1872 : vector<16xf32>
      %mul3A_1874 = vector.broadcast %squeeze3A_292 : f32 to vector<16xf32>
      %mul3A_1875 = arith.mulf %bitcast_convert_type3A_1682, %mul3A_1874 : vector<16xf32>
      %add3A_1876 = arith.addf %add3A_1873, %mul3A_1875 : vector<16xf32>
      %mul3A_1877 = vector.broadcast %squeeze3A_294 : f32 to vector<16xf32>
      %mul3A_1878 = arith.mulf %bitcast_convert_type3A_1698, %mul3A_1877 : vector<16xf32>
      %add3A_1879 = arith.addf %add3A_1876, %mul3A_1878 : vector<16xf32>
      %mul3A_1880 = vector.broadcast %squeeze3A_296 : f32 to vector<16xf32>
      %mul3A_1881 = arith.mulf %bitcast_convert_type3A_1714, %mul3A_1880 : vector<16xf32>
      %add3A_1882 = arith.addf %add3A_1879, %mul3A_1881 : vector<16xf32>
      %mul3A_1883 = vector.broadcast %squeeze3A_298 : f32 to vector<16xf32>
      %mul3A_1884 = arith.mulf %bitcast_convert_type3A_1730, %mul3A_1883 : vector<16xf32>
      %add3A_1885 = arith.addf %add3A_1882, %mul3A_1884 : vector<16xf32>
      %mul3A_1886 = vector.broadcast %squeeze3A_300 : f32 to vector<16xf32>
      %mul3A_1887 = arith.mulf %bitcast_convert_type3A_1746, %mul3A_1886 : vector<16xf32>
      %add3A_1888 = arith.addf %add3A_1885, %mul3A_1887 : vector<16xf32>
      %gt3A_1889 = arith.cmpf ogt, %add3A_1888, %select_n3A_1311 : vector<16xf32>
      %select_n3A_1890 = arith.select %gt3A_1889, %add3A_1888, %select_n3A_1311 : vector<16xi1>, vector<16xf32>
      %select_n3A_1891 = arith.select %gt3A_1889, %add3A_1751, %select_n3A_1312 : vector<16xi1>, vector<16xi32>
      %mul3A_1892 = vector.broadcast %squeeze3A_321 : f32 to vector<16xf32>
      %mul3A_1893 = arith.mulf %bitcast_convert_type3A_1586, %mul3A_1892 : vector<16xf32>
      %mul3A_1894 = vector.broadcast %squeeze3A_323 : f32 to vector<16xf32>
      %mul3A_1895 = arith.mulf %bitcast_convert_type3A_1602, %mul3A_1894 : vector<16xf32>
      %add3A_1896 = arith.addf %mul3A_1893, %mul3A_1895 : vector<16xf32>
      %mul3A_1897 = vector.broadcast %squeeze3A_325 : f32 to vector<16xf32>
      %mul3A_1898 = arith.mulf %bitcast_convert_type3A_1618, %mul3A_1897 : vector<16xf32>
      %add3A_1899 = arith.addf %add3A_1896, %mul3A_1898 : vector<16xf32>
      %mul3A_1900 = vector.broadcast %squeeze3A_327 : f32 to vector<16xf32>
      %mul3A_1901 = arith.mulf %bitcast_convert_type3A_1634, %mul3A_1900 : vector<16xf32>
      %add3A_1902 = arith.addf %add3A_1899, %mul3A_1901 : vector<16xf32>
      %mul3A_1903 = vector.broadcast %squeeze3A_329 : f32 to vector<16xf32>
      %mul3A_1904 = arith.mulf %bitcast_convert_type3A_1650, %mul3A_1903 : vector<16xf32>
      %add3A_1905 = arith.addf %add3A_1902, %mul3A_1904 : vector<16xf32>
      %mul3A_1906 = vector.broadcast %squeeze3A_331 : f32 to vector<16xf32>
      %mul3A_1907 = arith.mulf %bitcast_convert_type3A_1666, %mul3A_1906 : vector<16xf32>
      %add3A_1908 = arith.addf %add3A_1905, %mul3A_1907 : vector<16xf32>
      %mul3A_1909 = vector.broadcast %squeeze3A_333 : f32 to vector<16xf32>
      %mul3A_1910 = arith.mulf %bitcast_convert_type3A_1682, %mul3A_1909 : vector<16xf32>
      %add3A_1911 = arith.addf %add3A_1908, %mul3A_1910 : vector<16xf32>
      %mul3A_1912 = vector.broadcast %squeeze3A_335 : f32 to vector<16xf32>
      %mul3A_1913 = arith.mulf %bitcast_convert_type3A_1698, %mul3A_1912 : vector<16xf32>
      %add3A_1914 = arith.addf %add3A_1911, %mul3A_1913 : vector<16xf32>
      %mul3A_1915 = vector.broadcast %squeeze3A_337 : f32 to vector<16xf32>
      %mul3A_1916 = arith.mulf %bitcast_convert_type3A_1714, %mul3A_1915 : vector<16xf32>
      %add3A_1917 = arith.addf %add3A_1914, %mul3A_1916 : vector<16xf32>
      %mul3A_1918 = vector.broadcast %squeeze3A_339 : f32 to vector<16xf32>
      %mul3A_1919 = arith.mulf %bitcast_convert_type3A_1730, %mul3A_1918 : vector<16xf32>
      %add3A_1920 = arith.addf %add3A_1917, %mul3A_1919 : vector<16xf32>
      %mul3A_1921 = vector.broadcast %squeeze3A_341 : f32 to vector<16xf32>
      %mul3A_1922 = arith.mulf %bitcast_convert_type3A_1746, %mul3A_1921 : vector<16xf32>
      %add3A_1923 = arith.addf %add3A_1920, %mul3A_1922 : vector<16xf32>
      %gt3A_1924 = arith.cmpf ogt, %add3A_1923, %select_n3A_1346 : vector<16xf32>
      %select_n3A_1925 = arith.select %gt3A_1924, %add3A_1923, %select_n3A_1346 : vector<16xi1>, vector<16xf32>
      %select_n3A_1926 = arith.select %gt3A_1924, %add3A_1751, %select_n3A_1347 : vector<16xi1>, vector<16xi32>
      %mul3A_1927 = vector.broadcast %squeeze3A_362 : f32 to vector<16xf32>
      %mul3A_1928 = arith.mulf %bitcast_convert_type3A_1586, %mul3A_1927 : vector<16xf32>
      %mul3A_1929 = vector.broadcast %squeeze3A_364 : f32 to vector<16xf32>
      %mul3A_1930 = arith.mulf %bitcast_convert_type3A_1602, %mul3A_1929 : vector<16xf32>
      %add3A_1931 = arith.addf %mul3A_1928, %mul3A_1930 : vector<16xf32>
      %mul3A_1932 = vector.broadcast %squeeze3A_366 : f32 to vector<16xf32>
      %mul3A_1933 = arith.mulf %bitcast_convert_type3A_1618, %mul3A_1932 : vector<16xf32>
      %add3A_1934 = arith.addf %add3A_1931, %mul3A_1933 : vector<16xf32>
      %mul3A_1935 = vector.broadcast %squeeze3A_368 : f32 to vector<16xf32>
      %mul3A_1936 = arith.mulf %bitcast_convert_type3A_1634, %mul3A_1935 : vector<16xf32>
      %add3A_1937 = arith.addf %add3A_1934, %mul3A_1936 : vector<16xf32>
      %mul3A_1938 = vector.broadcast %squeeze3A_370 : f32 to vector<16xf32>
      %mul3A_1939 = arith.mulf %bitcast_convert_type3A_1650, %mul3A_1938 : vector<16xf32>
      %add3A_1940 = arith.addf %add3A_1937, %mul3A_1939 : vector<16xf32>
      %mul3A_1941 = vector.broadcast %squeeze3A_372 : f32 to vector<16xf32>
      %mul3A_1942 = arith.mulf %bitcast_convert_type3A_1666, %mul3A_1941 : vector<16xf32>
      %add3A_1943 = arith.addf %add3A_1940, %mul3A_1942 : vector<16xf32>
      %mul3A_1944 = vector.broadcast %squeeze3A_374 : f32 to vector<16xf32>
      %mul3A_1945 = arith.mulf %bitcast_convert_type3A_1682, %mul3A_1944 : vector<16xf32>
      %add3A_1946 = arith.addf %add3A_1943, %mul3A_1945 : vector<16xf32>
      %mul3A_1947 = vector.broadcast %squeeze3A_376 : f32 to vector<16xf32>
      %mul3A_1948 = arith.mulf %bitcast_convert_type3A_1698, %mul3A_1947 : vector<16xf32>
      %add3A_1949 = arith.addf %add3A_1946, %mul3A_1948 : vector<16xf32>
      %mul3A_1950 = vector.broadcast %squeeze3A_378 : f32 to vector<16xf32>
      %mul3A_1951 = arith.mulf %bitcast_convert_type3A_1714, %mul3A_1950 : vector<16xf32>
      %add3A_1952 = arith.addf %add3A_1949, %mul3A_1951 : vector<16xf32>
      %mul3A_1953 = vector.broadcast %squeeze3A_380 : f32 to vector<16xf32>
      %mul3A_1954 = arith.mulf %bitcast_convert_type3A_1730, %mul3A_1953 : vector<16xf32>
      %add3A_1955 = arith.addf %add3A_1952, %mul3A_1954 : vector<16xf32>
      %mul3A_1956 = vector.broadcast %squeeze3A_382 : f32 to vector<16xf32>
      %mul3A_1957 = arith.mulf %bitcast_convert_type3A_1746, %mul3A_1956 : vector<16xf32>
      %add3A_1958 = arith.addf %add3A_1955, %mul3A_1957 : vector<16xf32>
      %gt3A_1959 = arith.cmpf ogt, %add3A_1958, %select_n3A_1381 : vector<16xf32>
      %select_n3A_1960 = arith.select %gt3A_1959, %add3A_1958, %select_n3A_1381 : vector<16xi1>, vector<16xf32>
      %select_n3A_1961 = arith.select %gt3A_1959, %add3A_1751, %select_n3A_1382 : vector<16xi1>, vector<16xi32>
      %mul3A_1962 = vector.broadcast %squeeze3A_403 : f32 to vector<16xf32>
      %mul3A_1963 = arith.mulf %bitcast_convert_type3A_1586, %mul3A_1962 : vector<16xf32>
      %mul3A_1964 = vector.broadcast %squeeze3A_405 : f32 to vector<16xf32>
      %mul3A_1965 = arith.mulf %bitcast_convert_type3A_1602, %mul3A_1964 : vector<16xf32>
      %add3A_1966 = arith.addf %mul3A_1963, %mul3A_1965 : vector<16xf32>
      %mul3A_1967 = vector.broadcast %squeeze3A_407 : f32 to vector<16xf32>
      %mul3A_1968 = arith.mulf %bitcast_convert_type3A_1618, %mul3A_1967 : vector<16xf32>
      %add3A_1969 = arith.addf %add3A_1966, %mul3A_1968 : vector<16xf32>
      %mul3A_1970 = vector.broadcast %squeeze3A_409 : f32 to vector<16xf32>
      %mul3A_1971 = arith.mulf %bitcast_convert_type3A_1634, %mul3A_1970 : vector<16xf32>
      %add3A_1972 = arith.addf %add3A_1969, %mul3A_1971 : vector<16xf32>
      %mul3A_1973 = vector.broadcast %squeeze3A_411 : f32 to vector<16xf32>
      %mul3A_1974 = arith.mulf %bitcast_convert_type3A_1650, %mul3A_1973 : vector<16xf32>
      %add3A_1975 = arith.addf %add3A_1972, %mul3A_1974 : vector<16xf32>
      %mul3A_1976 = vector.broadcast %squeeze3A_413 : f32 to vector<16xf32>
      %mul3A_1977 = arith.mulf %bitcast_convert_type3A_1666, %mul3A_1976 : vector<16xf32>
      %add3A_1978 = arith.addf %add3A_1975, %mul3A_1977 : vector<16xf32>
      %mul3A_1979 = vector.broadcast %squeeze3A_415 : f32 to vector<16xf32>
      %mul3A_1980 = arith.mulf %bitcast_convert_type3A_1682, %mul3A_1979 : vector<16xf32>
      %add3A_1981 = arith.addf %add3A_1978, %mul3A_1980 : vector<16xf32>
      %mul3A_1982 = vector.broadcast %squeeze3A_417 : f32 to vector<16xf32>
      %mul3A_1983 = arith.mulf %bitcast_convert_type3A_1698, %mul3A_1982 : vector<16xf32>
      %add3A_1984 = arith.addf %add3A_1981, %mul3A_1983 : vector<16xf32>
      %mul3A_1985 = vector.broadcast %squeeze3A_419 : f32 to vector<16xf32>
      %mul3A_1986 = arith.mulf %bitcast_convert_type3A_1714, %mul3A_1985 : vector<16xf32>
      %add3A_1987 = arith.addf %add3A_1984, %mul3A_1986 : vector<16xf32>
      %mul3A_1988 = vector.broadcast %squeeze3A_421 : f32 to vector<16xf32>
      %mul3A_1989 = arith.mulf %bitcast_convert_type3A_1730, %mul3A_1988 : vector<16xf32>
      %add3A_1990 = arith.addf %add3A_1987, %mul3A_1989 : vector<16xf32>
      %mul3A_1991 = vector.broadcast %squeeze3A_423 : f32 to vector<16xf32>
      %mul3A_1992 = arith.mulf %bitcast_convert_type3A_1746, %mul3A_1991 : vector<16xf32>
      %add3A_1993 = arith.addf %add3A_1990, %mul3A_1992 : vector<16xf32>
      %gt3A_1994 = arith.cmpf ogt, %add3A_1993, %select_n3A_1416 : vector<16xf32>
      %select_n3A_1995 = arith.select %gt3A_1994, %add3A_1993, %select_n3A_1416 : vector<16xi1>, vector<16xf32>
      %select_n3A_1996 = arith.select %gt3A_1994, %add3A_1751, %select_n3A_1417 : vector<16xi1>, vector<16xi32>
      %mul3A_1997 = vector.broadcast %squeeze3A_444 : f32 to vector<16xf32>
      %mul3A_1998 = arith.mulf %bitcast_convert_type3A_1586, %mul3A_1997 : vector<16xf32>
      %mul3A_1999 = vector.broadcast %squeeze3A_446 : f32 to vector<16xf32>
      %mul3A_2000 = arith.mulf %bitcast_convert_type3A_1602, %mul3A_1999 : vector<16xf32>
      %add3A_2001 = arith.addf %mul3A_1998, %mul3A_2000 : vector<16xf32>
      %mul3A_2002 = vector.broadcast %squeeze3A_448 : f32 to vector<16xf32>
      %mul3A_2003 = arith.mulf %bitcast_convert_type3A_1618, %mul3A_2002 : vector<16xf32>
      %add3A_2004 = arith.addf %add3A_2001, %mul3A_2003 : vector<16xf32>
      %mul3A_2005 = vector.broadcast %squeeze3A_450 : f32 to vector<16xf32>
      %mul3A_2006 = arith.mulf %bitcast_convert_type3A_1634, %mul3A_2005 : vector<16xf32>
      %add3A_2007 = arith.addf %add3A_2004, %mul3A_2006 : vector<16xf32>
      %mul3A_2008 = vector.broadcast %squeeze3A_452 : f32 to vector<16xf32>
      %mul3A_2009 = arith.mulf %bitcast_convert_type3A_1650, %mul3A_2008 : vector<16xf32>
      %add3A_2010 = arith.addf %add3A_2007, %mul3A_2009 : vector<16xf32>
      %mul3A_2011 = vector.broadcast %squeeze3A_454 : f32 to vector<16xf32>
      %mul3A_2012 = arith.mulf %bitcast_convert_type3A_1666, %mul3A_2011 : vector<16xf32>
      %add3A_2013 = arith.addf %add3A_2010, %mul3A_2012 : vector<16xf32>
      %mul3A_2014 = vector.broadcast %squeeze3A_456 : f32 to vector<16xf32>
      %mul3A_2015 = arith.mulf %bitcast_convert_type3A_1682, %mul3A_2014 : vector<16xf32>
      %add3A_2016 = arith.addf %add3A_2013, %mul3A_2015 : vector<16xf32>
      %mul3A_2017 = vector.broadcast %squeeze3A_458 : f32 to vector<16xf32>
      %mul3A_2018 = arith.mulf %bitcast_convert_type3A_1698, %mul3A_2017 : vector<16xf32>
      %add3A_2019 = arith.addf %add3A_2016, %mul3A_2018 : vector<16xf32>
      %mul3A_2020 = vector.broadcast %squeeze3A_460 : f32 to vector<16xf32>
      %mul3A_2021 = arith.mulf %bitcast_convert_type3A_1714, %mul3A_2020 : vector<16xf32>
      %add3A_2022 = arith.addf %add3A_2019, %mul3A_2021 : vector<16xf32>
      %mul3A_2023 = vector.broadcast %squeeze3A_462 : f32 to vector<16xf32>
      %mul3A_2024 = arith.mulf %bitcast_convert_type3A_1730, %mul3A_2023 : vector<16xf32>
      %add3A_2025 = arith.addf %add3A_2022, %mul3A_2024 : vector<16xf32>
      %mul3A_2026 = vector.broadcast %squeeze3A_464 : f32 to vector<16xf32>
      %mul3A_2027 = arith.mulf %bitcast_convert_type3A_1746, %mul3A_2026 : vector<16xf32>
      %add3A_2028 = arith.addf %add3A_2025, %mul3A_2027 : vector<16xf32>
      %gt3A_2029 = arith.cmpf ogt, %add3A_2028, %select_n3A_1451 : vector<16xf32>
      %select_n3A_2030 = arith.select %gt3A_2029, %add3A_2028, %select_n3A_1451 : vector<16xi1>, vector<16xf32>
      %select_n3A_2031 = arith.select %gt3A_2029, %add3A_1751, %select_n3A_1452 : vector<16xi1>, vector<16xi32>
      scf.yield %select_n3A_1785, %select_n3A_1820, %select_n3A_1855, %select_n3A_1890, %select_n3A_1925, %select_n3A_1960, %select_n3A_1995, %select_n3A_2030, %select_n3A_1786, %select_n3A_1821, %select_n3A_1856, %select_n3A_1891, %select_n3A_1926, %select_n3A_1961, %select_n3A_1996, %select_n3A_2031 : vector<16xf32>, vector<16xf32>, vector<16xf32>, vector<16xf32>, vector<16xf32>, vector<16xf32>, vector<16xf32>, vector<16xf32>, vector<16xi32>, vector<16xi32>, vector<16xi32>, vector<16xi32>, vector<16xi32>, vector<16xi32>, vector<16xi32>, vector<16xi32>
    }
    %scan3A_482 = arith.constant 14 : i32
    %broadcast_in_dim3A_483 = arith.constant 0.000000e+00 : f32
    %broadcast_in_dim3A_484 = vector.broadcast %broadcast_in_dim3A_483 : f32 to vector<16xf32>
    %broadcast_in_dim3A_485 = arith.constant 0 : i32
    %broadcast_in_dim3A_486 = vector.broadcast %broadcast_in_dim3A_485 : i32 to vector<16xi32>
    %broadcast_in_dim3A_487 = arith.constant 1073741824 : i32
    %broadcast_in_dim3A_488 = vector.broadcast %broadcast_in_dim3A_487 : i32 to vector<16xi32>
    %reduce_max3A = arith.constant true
    %reduce_max3A_489 = vector.broadcast %reduce_max3A : i1 to vector<16xi1>
    %reduce_max3A_490 = tpu.scan <max>, %scan3A_481#0 masked %reduce_max3A_489 : vector<16xf32>, vector<16xi1> -> vector<16xf32>
    %reduce_max3A_491 = vector.extract %reduce_max3A_490[15] : f32 from vector<16xf32>
    %eq3A_492 = vector.broadcast %reduce_max3A_491 : f32 to vector<16xf32>
    %eq3A_493 = arith.cmpf oeq, %scan3A_481#0, %eq3A_492 : vector<16xf32>
    %select_n3A_494 = arith.select %eq3A_493, %scan3A_481#8, %broadcast_in_dim3A_488 : vector<16xi1>, vector<16xi32>
    %reduce_min3A = arith.constant true
    %reduce_min3A_495 = vector.broadcast %reduce_min3A : i1 to vector<16xi1>
    %reduce_min3A_496 = arith.constant -2147483648 : i32
    %reduce_min3A_497 = vector.broadcast %reduce_min3A_496 : i32 to vector<16xi32>
    %reduce_min3A_498 = arith.xori %select_n3A_494, %reduce_min3A_497 : vector<16xi32>
    %reduce_min3A_499 = tpu.scan <min>, %reduce_min3A_498 masked %reduce_min3A_495 : vector<16xi32>, vector<16xi1> -> vector<16xi32>
    %reduce_min3A_500 = arith.xori %reduce_min3A_499, %reduce_min3A_497 : vector<16xi32>
    %reduce_min3A_501 = vector.extract %reduce_min3A_500[15] : i32 from vector<16xi32>
    %eq3A_502 = arith.constant 0 : i32
    %eq3A_503 = vector.broadcast %eq3A_502 : i32 to vector<16xi32>
    %eq3A_504 = arith.cmpi eq, %iota3A, %eq3A_503 : vector<16xi32>
    %broadcast_in_dim3A_505 = vector.broadcast %reduce_max3A_491 : f32 to vector<16xf32>
    %select_n3A_506 = arith.select %eq3A_504, %broadcast_in_dim3A_505, %broadcast_in_dim3A_484 : vector<16xi1>, vector<16xf32>
    %eq3A_507 = arith.constant 0 : i32
    %eq3A_508 = vector.broadcast %eq3A_507 : i32 to vector<16xi32>
    %eq3A_509 = arith.cmpi eq, %iota3A, %eq3A_508 : vector<16xi32>
    %broadcast_in_dim3A_510 = vector.broadcast %reduce_min3A_501 : i32 to vector<16xi32>
    %select_n3A_511 = arith.select %eq3A_509, %broadcast_in_dim3A_510, %broadcast_in_dim3A_486 : vector<16xi1>, vector<16xi32>
    %reduce_max3A_512 = arith.constant true
    %reduce_max3A_513 = vector.broadcast %reduce_max3A_512 : i1 to vector<16xi1>
    %reduce_max3A_514 = tpu.scan <max>, %scan3A_481#1 masked %reduce_max3A_513 : vector<16xf32>, vector<16xi1> -> vector<16xf32>
    %reduce_max3A_515 = vector.extract %reduce_max3A_514[15] : f32 from vector<16xf32>
    %eq3A_516 = vector.broadcast %reduce_max3A_515 : f32 to vector<16xf32>
    %eq3A_517 = arith.cmpf oeq, %scan3A_481#1, %eq3A_516 : vector<16xf32>
    %select_n3A_518 = arith.select %eq3A_517, %scan3A_481#9, %broadcast_in_dim3A_488 : vector<16xi1>, vector<16xi32>
    %reduce_min3A_519 = arith.constant true
    %reduce_min3A_520 = vector.broadcast %reduce_min3A_519 : i1 to vector<16xi1>
    %reduce_min3A_521 = arith.constant -2147483648 : i32
    %reduce_min3A_522 = vector.broadcast %reduce_min3A_521 : i32 to vector<16xi32>
    %reduce_min3A_523 = arith.xori %select_n3A_518, %reduce_min3A_522 : vector<16xi32>
    %reduce_min3A_524 = tpu.scan <min>, %reduce_min3A_523 masked %reduce_min3A_520 : vector<16xi32>, vector<16xi1> -> vector<16xi32>
    %reduce_min3A_525 = arith.xori %reduce_min3A_524, %reduce_min3A_522 : vector<16xi32>
    %reduce_min3A_526 = vector.extract %reduce_min3A_525[15] : i32 from vector<16xi32>
    %eq3A_527 = arith.constant 1 : i32
    %eq3A_528 = vector.broadcast %eq3A_527 : i32 to vector<16xi32>
    %eq3A_529 = arith.cmpi eq, %iota3A, %eq3A_528 : vector<16xi32>
    %broadcast_in_dim3A_530 = vector.broadcast %reduce_max3A_515 : f32 to vector<16xf32>
    %select_n3A_531 = arith.select %eq3A_529, %broadcast_in_dim3A_530, %select_n3A_506 : vector<16xi1>, vector<16xf32>
    %eq3A_532 = arith.constant 1 : i32
    %eq3A_533 = vector.broadcast %eq3A_532 : i32 to vector<16xi32>
    %eq3A_534 = arith.cmpi eq, %iota3A, %eq3A_533 : vector<16xi32>
    %broadcast_in_dim3A_535 = vector.broadcast %reduce_min3A_526 : i32 to vector<16xi32>
    %select_n3A_536 = arith.select %eq3A_534, %broadcast_in_dim3A_535, %select_n3A_511 : vector<16xi1>, vector<16xi32>
    %reduce_max3A_537 = arith.constant true
    %reduce_max3A_538 = vector.broadcast %reduce_max3A_537 : i1 to vector<16xi1>
    %reduce_max3A_539 = tpu.scan <max>, %scan3A_481#2 masked %reduce_max3A_538 : vector<16xf32>, vector<16xi1> -> vector<16xf32>
    %reduce_max3A_540 = vector.extract %reduce_max3A_539[15] : f32 from vector<16xf32>
    %eq3A_541 = vector.broadcast %reduce_max3A_540 : f32 to vector<16xf32>
    %eq3A_542 = arith.cmpf oeq, %scan3A_481#2, %eq3A_541 : vector<16xf32>
    %select_n3A_543 = arith.select %eq3A_542, %scan3A_481#10, %broadcast_in_dim3A_488 : vector<16xi1>, vector<16xi32>
    %reduce_min3A_544 = arith.constant true
    %reduce_min3A_545 = vector.broadcast %reduce_min3A_544 : i1 to vector<16xi1>
    %reduce_min3A_546 = arith.constant -2147483648 : i32
    %reduce_min3A_547 = vector.broadcast %reduce_min3A_546 : i32 to vector<16xi32>
    %reduce_min3A_548 = arith.xori %select_n3A_543, %reduce_min3A_547 : vector<16xi32>
    %reduce_min3A_549 = tpu.scan <min>, %reduce_min3A_548 masked %reduce_min3A_545 : vector<16xi32>, vector<16xi1> -> vector<16xi32>
    %reduce_min3A_550 = arith.xori %reduce_min3A_549, %reduce_min3A_547 : vector<16xi32>
    %reduce_min3A_551 = vector.extract %reduce_min3A_550[15] : i32 from vector<16xi32>
    %eq3A_552 = arith.constant 2 : i32
    %eq3A_553 = vector.broadcast %eq3A_552 : i32 to vector<16xi32>
    %eq3A_554 = arith.cmpi eq, %iota3A, %eq3A_553 : vector<16xi32>
    %broadcast_in_dim3A_555 = vector.broadcast %reduce_max3A_540 : f32 to vector<16xf32>
    %select_n3A_556 = arith.select %eq3A_554, %broadcast_in_dim3A_555, %select_n3A_531 : vector<16xi1>, vector<16xf32>
    %eq3A_557 = arith.constant 2 : i32
    %eq3A_558 = vector.broadcast %eq3A_557 : i32 to vector<16xi32>
    %eq3A_559 = arith.cmpi eq, %iota3A, %eq3A_558 : vector<16xi32>
    %broadcast_in_dim3A_560 = vector.broadcast %reduce_min3A_551 : i32 to vector<16xi32>
    %select_n3A_561 = arith.select %eq3A_559, %broadcast_in_dim3A_560, %select_n3A_536 : vector<16xi1>, vector<16xi32>
    %reduce_max3A_562 = arith.constant true
    %reduce_max3A_563 = vector.broadcast %reduce_max3A_562 : i1 to vector<16xi1>
    %reduce_max3A_564 = tpu.scan <max>, %scan3A_481#3 masked %reduce_max3A_563 : vector<16xf32>, vector<16xi1> -> vector<16xf32>
    %reduce_max3A_565 = vector.extract %reduce_max3A_564[15] : f32 from vector<16xf32>
    %eq3A_566 = vector.broadcast %reduce_max3A_565 : f32 to vector<16xf32>
    %eq3A_567 = arith.cmpf oeq, %scan3A_481#3, %eq3A_566 : vector<16xf32>
    %select_n3A_568 = arith.select %eq3A_567, %scan3A_481#11, %broadcast_in_dim3A_488 : vector<16xi1>, vector<16xi32>
    %reduce_min3A_569 = arith.constant true
    %reduce_min3A_570 = vector.broadcast %reduce_min3A_569 : i1 to vector<16xi1>
    %reduce_min3A_571 = arith.constant -2147483648 : i32
    %reduce_min3A_572 = vector.broadcast %reduce_min3A_571 : i32 to vector<16xi32>
    %reduce_min3A_573 = arith.xori %select_n3A_568, %reduce_min3A_572 : vector<16xi32>
    %reduce_min3A_574 = tpu.scan <min>, %reduce_min3A_573 masked %reduce_min3A_570 : vector<16xi32>, vector<16xi1> -> vector<16xi32>
    %reduce_min3A_575 = arith.xori %reduce_min3A_574, %reduce_min3A_572 : vector<16xi32>
    %reduce_min3A_576 = vector.extract %reduce_min3A_575[15] : i32 from vector<16xi32>
    %eq3A_577 = arith.constant 3 : i32
    %eq3A_578 = vector.broadcast %eq3A_577 : i32 to vector<16xi32>
    %eq3A_579 = arith.cmpi eq, %iota3A, %eq3A_578 : vector<16xi32>
    %broadcast_in_dim3A_580 = vector.broadcast %reduce_max3A_565 : f32 to vector<16xf32>
    %select_n3A_581 = arith.select %eq3A_579, %broadcast_in_dim3A_580, %select_n3A_556 : vector<16xi1>, vector<16xf32>
    %eq3A_582 = arith.constant 3 : i32
    %eq3A_583 = vector.broadcast %eq3A_582 : i32 to vector<16xi32>
    %eq3A_584 = arith.cmpi eq, %iota3A, %eq3A_583 : vector<16xi32>
    %broadcast_in_dim3A_585 = vector.broadcast %reduce_min3A_576 : i32 to vector<16xi32>
    %select_n3A_586 = arith.select %eq3A_584, %broadcast_in_dim3A_585, %select_n3A_561 : vector<16xi1>, vector<16xi32>
    %reduce_max3A_587 = arith.constant true
    %reduce_max3A_588 = vector.broadcast %reduce_max3A_587 : i1 to vector<16xi1>
    %reduce_max3A_589 = tpu.scan <max>, %scan3A_481#4 masked %reduce_max3A_588 : vector<16xf32>, vector<16xi1> -> vector<16xf32>
    %reduce_max3A_590 = vector.extract %reduce_max3A_589[15] : f32 from vector<16xf32>
    %eq3A_591 = vector.broadcast %reduce_max3A_590 : f32 to vector<16xf32>
    %eq3A_592 = arith.cmpf oeq, %scan3A_481#4, %eq3A_591 : vector<16xf32>
    %select_n3A_593 = arith.select %eq3A_592, %scan3A_481#12, %broadcast_in_dim3A_488 : vector<16xi1>, vector<16xi32>
    %reduce_min3A_594 = arith.constant true
    %reduce_min3A_595 = vector.broadcast %reduce_min3A_594 : i1 to vector<16xi1>
    %reduce_min3A_596 = arith.constant -2147483648 : i32
    %reduce_min3A_597 = vector.broadcast %reduce_min3A_596 : i32 to vector<16xi32>
    %reduce_min3A_598 = arith.xori %select_n3A_593, %reduce_min3A_597 : vector<16xi32>
    %reduce_min3A_599 = tpu.scan <min>, %reduce_min3A_598 masked %reduce_min3A_595 : vector<16xi32>, vector<16xi1> -> vector<16xi32>
    %reduce_min3A_600 = arith.xori %reduce_min3A_599, %reduce_min3A_597 : vector<16xi32>
    %reduce_min3A_601 = vector.extract %reduce_min3A_600[15] : i32 from vector<16xi32>
    %eq3A_602 = arith.constant 4 : i32
    %eq3A_603 = vector.broadcast %eq3A_602 : i32 to vector<16xi32>
    %eq3A_604 = arith.cmpi eq, %iota3A, %eq3A_603 : vector<16xi32>
    %broadcast_in_dim3A_605 = vector.broadcast %reduce_max3A_590 : f32 to vector<16xf32>
    %select_n3A_606 = arith.select %eq3A_604, %broadcast_in_dim3A_605, %select_n3A_581 : vector<16xi1>, vector<16xf32>
    %eq3A_607 = arith.constant 4 : i32
    %eq3A_608 = vector.broadcast %eq3A_607 : i32 to vector<16xi32>
    %eq3A_609 = arith.cmpi eq, %iota3A, %eq3A_608 : vector<16xi32>
    %broadcast_in_dim3A_610 = vector.broadcast %reduce_min3A_601 : i32 to vector<16xi32>
    %select_n3A_611 = arith.select %eq3A_609, %broadcast_in_dim3A_610, %select_n3A_586 : vector<16xi1>, vector<16xi32>
    %reduce_max3A_612 = arith.constant true
    %reduce_max3A_613 = vector.broadcast %reduce_max3A_612 : i1 to vector<16xi1>
    %reduce_max3A_614 = tpu.scan <max>, %scan3A_481#5 masked %reduce_max3A_613 : vector<16xf32>, vector<16xi1> -> vector<16xf32>
    %reduce_max3A_615 = vector.extract %reduce_max3A_614[15] : f32 from vector<16xf32>
    %eq3A_616 = vector.broadcast %reduce_max3A_615 : f32 to vector<16xf32>
    %eq3A_617 = arith.cmpf oeq, %scan3A_481#5, %eq3A_616 : vector<16xf32>
    %select_n3A_618 = arith.select %eq3A_617, %scan3A_481#13, %broadcast_in_dim3A_488 : vector<16xi1>, vector<16xi32>
    %reduce_min3A_619 = arith.constant true
    %reduce_min3A_620 = vector.broadcast %reduce_min3A_619 : i1 to vector<16xi1>
    %reduce_min3A_621 = arith.constant -2147483648 : i32
    %reduce_min3A_622 = vector.broadcast %reduce_min3A_621 : i32 to vector<16xi32>
    %reduce_min3A_623 = arith.xori %select_n3A_618, %reduce_min3A_622 : vector<16xi32>
    %reduce_min3A_624 = tpu.scan <min>, %reduce_min3A_623 masked %reduce_min3A_620 : vector<16xi32>, vector<16xi1> -> vector<16xi32>
    %reduce_min3A_625 = arith.xori %reduce_min3A_624, %reduce_min3A_622 : vector<16xi32>
    %reduce_min3A_626 = vector.extract %reduce_min3A_625[15] : i32 from vector<16xi32>
    %eq3A_627 = arith.constant 5 : i32
    %eq3A_628 = vector.broadcast %eq3A_627 : i32 to vector<16xi32>
    %eq3A_629 = arith.cmpi eq, %iota3A, %eq3A_628 : vector<16xi32>
    %broadcast_in_dim3A_630 = vector.broadcast %reduce_max3A_615 : f32 to vector<16xf32>
    %select_n3A_631 = arith.select %eq3A_629, %broadcast_in_dim3A_630, %select_n3A_606 : vector<16xi1>, vector<16xf32>
    %eq3A_632 = arith.constant 5 : i32
    %eq3A_633 = vector.broadcast %eq3A_632 : i32 to vector<16xi32>
    %eq3A_634 = arith.cmpi eq, %iota3A, %eq3A_633 : vector<16xi32>
    %broadcast_in_dim3A_635 = vector.broadcast %reduce_min3A_626 : i32 to vector<16xi32>
    %select_n3A_636 = arith.select %eq3A_634, %broadcast_in_dim3A_635, %select_n3A_611 : vector<16xi1>, vector<16xi32>
    %reduce_max3A_637 = arith.constant true
    %reduce_max3A_638 = vector.broadcast %reduce_max3A_637 : i1 to vector<16xi1>
    %reduce_max3A_639 = tpu.scan <max>, %scan3A_481#6 masked %reduce_max3A_638 : vector<16xf32>, vector<16xi1> -> vector<16xf32>
    %reduce_max3A_640 = vector.extract %reduce_max3A_639[15] : f32 from vector<16xf32>
    %eq3A_641 = vector.broadcast %reduce_max3A_640 : f32 to vector<16xf32>
    %eq3A_642 = arith.cmpf oeq, %scan3A_481#6, %eq3A_641 : vector<16xf32>
    %select_n3A_643 = arith.select %eq3A_642, %scan3A_481#14, %broadcast_in_dim3A_488 : vector<16xi1>, vector<16xi32>
    %reduce_min3A_644 = arith.constant true
    %reduce_min3A_645 = vector.broadcast %reduce_min3A_644 : i1 to vector<16xi1>
    %reduce_min3A_646 = arith.constant -2147483648 : i32
    %reduce_min3A_647 = vector.broadcast %reduce_min3A_646 : i32 to vector<16xi32>
    %reduce_min3A_648 = arith.xori %select_n3A_643, %reduce_min3A_647 : vector<16xi32>
    %reduce_min3A_649 = tpu.scan <min>, %reduce_min3A_648 masked %reduce_min3A_645 : vector<16xi32>, vector<16xi1> -> vector<16xi32>
    %reduce_min3A_650 = arith.xori %reduce_min3A_649, %reduce_min3A_647 : vector<16xi32>
    %reduce_min3A_651 = vector.extract %reduce_min3A_650[15] : i32 from vector<16xi32>
    %eq3A_652 = arith.constant 6 : i32
    %eq3A_653 = vector.broadcast %eq3A_652 : i32 to vector<16xi32>
    %eq3A_654 = arith.cmpi eq, %iota3A, %eq3A_653 : vector<16xi32>
    %broadcast_in_dim3A_655 = vector.broadcast %reduce_max3A_640 : f32 to vector<16xf32>
    %select_n3A_656 = arith.select %eq3A_654, %broadcast_in_dim3A_655, %select_n3A_631 : vector<16xi1>, vector<16xf32>
    %eq3A_657 = arith.constant 6 : i32
    %eq3A_658 = vector.broadcast %eq3A_657 : i32 to vector<16xi32>
    %eq3A_659 = arith.cmpi eq, %iota3A, %eq3A_658 : vector<16xi32>
    %broadcast_in_dim3A_660 = vector.broadcast %reduce_min3A_651 : i32 to vector<16xi32>
    %select_n3A_661 = arith.select %eq3A_659, %broadcast_in_dim3A_660, %select_n3A_636 : vector<16xi1>, vector<16xi32>
    %reduce_max3A_662 = arith.constant true
    %reduce_max3A_663 = vector.broadcast %reduce_max3A_662 : i1 to vector<16xi1>
    %reduce_max3A_664 = tpu.scan <max>, %scan3A_481#7 masked %reduce_max3A_663 : vector<16xf32>, vector<16xi1> -> vector<16xf32>
    %reduce_max3A_665 = vector.extract %reduce_max3A_664[15] : f32 from vector<16xf32>
    %eq3A_666 = vector.broadcast %reduce_max3A_665 : f32 to vector<16xf32>
    %eq3A_667 = arith.cmpf oeq, %scan3A_481#7, %eq3A_666 : vector<16xf32>
    %select_n3A_668 = arith.select %eq3A_667, %scan3A_481#15, %broadcast_in_dim3A_488 : vector<16xi1>, vector<16xi32>
    %reduce_min3A_669 = arith.constant true
    %reduce_min3A_670 = vector.broadcast %reduce_min3A_669 : i1 to vector<16xi1>
    %reduce_min3A_671 = arith.constant -2147483648 : i32
    %reduce_min3A_672 = vector.broadcast %reduce_min3A_671 : i32 to vector<16xi32>
    %reduce_min3A_673 = arith.xori %select_n3A_668, %reduce_min3A_672 : vector<16xi32>
    %reduce_min3A_674 = tpu.scan <min>, %reduce_min3A_673 masked %reduce_min3A_670 : vector<16xi32>, vector<16xi1> -> vector<16xi32>
    %reduce_min3A_675 = arith.xori %reduce_min3A_674, %reduce_min3A_672 : vector<16xi32>
    %reduce_min3A_676 = vector.extract %reduce_min3A_675[15] : i32 from vector<16xi32>
    %eq3A_677 = arith.constant 7 : i32
    %eq3A_678 = vector.broadcast %eq3A_677 : i32 to vector<16xi32>
    %eq3A_679 = arith.cmpi eq, %iota3A, %eq3A_678 : vector<16xi32>
    %broadcast_in_dim3A_680 = vector.broadcast %reduce_max3A_665 : f32 to vector<16xf32>
    %select_n3A_681 = arith.select %eq3A_679, %broadcast_in_dim3A_680, %select_n3A_656 : vector<16xi1>, vector<16xf32>
    %eq3A_682 = arith.constant 7 : i32
    %eq3A_683 = vector.broadcast %eq3A_682 : i32 to vector<16xi32>
    %eq3A_684 = arith.cmpi eq, %iota3A, %eq3A_683 : vector<16xi32>
    %broadcast_in_dim3A_685 = vector.broadcast %reduce_min3A_676 : i32 to vector<16xi32>
    %select_n3A_686 = arith.select %eq3A_684, %broadcast_in_dim3A_685, %select_n3A_661 : vector<16xi1>, vector<16xi32>
    %swap3A = arith.constant 0 : index
    %swap3A_687 = tpu.vector_load %arg10[%swap3A] {strides = array<i32>} : memref<32xf32, #tpu.memory_space<vmem>>, vector<16xf32>,
    tpu.vector_store %arg10[%swap3A], %select_n3A_681 {strides = array<i32>} : memref<32xf32, #tpu.memory_space<vmem>>, vector<16xf32>,
    %bitcast_convert_type3A_688 = tpu.bitcast %select_n3A_686 : vector<16xi32> -> vector<16xf32>
    %swap3A_689 = arith.constant 16 : index
    %swap3A_690 = tpu.vector_load %arg10[%swap3A_689] {strides = array<i32>} : memref<32xf32, #tpu.memory_space<vmem>>, vector<16xf32>,
    tpu.vector_store %arg10[%swap3A_689], %bitcast_convert_type3A_688 {strides = array<i32>} : memref<32xf32, #tpu.memory_space<vmem>>, vector<16xf32>,
    %mul3A_691 = arith.constant 32 : i32
    %mul3A_692 = arith.muli %arg1, %mul3A_691 : i32
    %multiple_of3A = tpu.assume_multiple %mul3A_692, 8 : i32
    "tpu.region"() ({
      %run_scoped3A = tpu.sem_alloc : memref<!tpu.dma_semaphore, #tpu.memory_space<semaphore_mem>>
      %dma_start3A_859 = tpu.memref_slice %arg14[%multiple_of3A] : memref<512xf32, #tpu.memory_space<vmem_shared>> -> memref<32xf32, #tpu.memory_space<vmem_shared>>
      %dma_start3A_860 = tpu.memref_slice %arg14[%multiple_of3A] : memref<512xf32, #tpu.memory_space<vmem_shared>> -> memref<32xf32, #tpu.memory_space<vmem_shared>>
      tpu.enqueue_dma source(%arg10 : memref<32xf32, #tpu.memory_space<vmem>>) target(%dma_start3A_860 : memref<32xf32, #tpu.memory_space<vmem_shared>>) target_semaphore(%run_scoped3A : memref<!tpu.dma_semaphore, #tpu.memory_space<semaphore_mem>>)
      %dma_wait3A_861 = tpu.memref_slice %arg14[%multiple_of3A] : memref<512xf32, #tpu.memory_space<vmem_shared>> -> memref<32xf32, #tpu.memory_space<vmem_shared>>
      %dma_wait3A_862 = tpu.memref_slice %arg14[%multiple_of3A] : memref<512xf32, #tpu.memory_space<vmem_shared>> -> memref<32xf32, #tpu.memory_space<vmem_shared>>
      tpu.wait_dma2 semaphore(%run_scoped3A : memref<!tpu.dma_semaphore, #tpu.memory_space<semaphore_mem>>) src(%arg10 : memref<32xf32, #tpu.memory_space<vmem>>) dst(%dma_wait3A_862 : memref<32xf32, #tpu.memory_space<vmem_shared>>)
      tpu.yield
    }) : () -> ()
    %barrier3A = arith.constant 0 : index
    tpu.barrier barrier_id(%barrier3A)
    "tpu.region"() ({
      %run_scoped3A = tpu.sem_alloc : memref<!tpu.dma_semaphore, #tpu.memory_space<semaphore_mem>>
      tpu.enqueue_dma source(%arg14 : memref<512xf32, #tpu.memory_space<vmem_shared>>) target(%arg12 : memref<512xf32, #tpu.memory_space<vmem>>) target_semaphore(%run_scoped3A : memref<!tpu.dma_semaphore, #tpu.memory_space<semaphore_mem>>)
      tpu.wait_dma2 semaphore(%run_scoped3A : memref<!tpu.dma_semaphore, #tpu.memory_space<semaphore_mem>>) src(%arg14 : memref<512xf32, #tpu.memory_space<vmem_shared>>) dst(%arg12 : memref<512xf32, #tpu.memory_space<vmem>>)
      tpu.yield
    }) : () -> ()
    %get3A_693 = arith.constant 0 : index
    %get3A_694 = tpu.vector_load %arg12[%get3A_693] {strides = array<i32>} : memref<512xf32, #tpu.memory_space<vmem>>, vector<16xf32>,
    %get3A_695 = arith.constant 16 : index
    %get3A_696 = tpu.vector_load %arg12[%get3A_695] {strides = array<i32>} : memref<512xf32, #tpu.memory_space<vmem>>, vector<16xf32>,
    %bitcast_convert_type3A_697 = tpu.bitcast %get3A_696 : vector<16xf32> -> vector<16xi32>
    %get3A_698 = arith.constant 32 : index
    %get3A_699 = tpu.vector_load %arg12[%get3A_698] {strides = array<i32>} : memref<512xf32, #tpu.memory_space<vmem>>, vector<16xf32>,
    %get3A_700 = arith.constant 48 : index
    %get3A_701 = tpu.vector_load %arg12[%get3A_700] {strides = array<i32>} : memref<512xf32, #tpu.memory_space<vmem>>, vector<16xf32>,
    %bitcast_convert_type3A_702 = tpu.bitcast %get3A_701 : vector<16xf32> -> vector<16xi32>
    %gt3A = arith.cmpf ogt, %get3A_699, %get3A_694 : vector<16xf32>
    %select_n3A_703 = arith.select %gt3A, %get3A_699, %get3A_694 : vector<16xi1>, vector<16xf32>
    %select_n3A_704 = arith.select %gt3A, %bitcast_convert_type3A_702, %bitcast_convert_type3A_697 : vector<16xi1>, vector<16xi32>
    %get3A_705 = arith.constant 64 : index
    %get3A_706 = tpu.vector_load %arg12[%get3A_705] {strides = array<i32>} : memref<512xf32, #tpu.memory_space<vmem>>, vector<16xf32>,
    %get3A_707 = arith.constant 80 : index
    %get3A_708 = tpu.vector_load %arg12[%get3A_707] {strides = array<i32>} : memref<512xf32, #tpu.memory_space<vmem>>, vector<16xf32>,
    %bitcast_convert_type3A_709 = tpu.bitcast %get3A_708 : vector<16xf32> -> vector<16xi32>
    %gt3A_710 = arith.cmpf ogt, %get3A_706, %select_n3A_703 : vector<16xf32>
    %select_n3A_711 = arith.select %gt3A_710, %get3A_706, %select_n3A_703 : vector<16xi1>, vector<16xf32>
    %select_n3A_712 = arith.select %gt3A_710, %bitcast_convert_type3A_709, %select_n3A_704 : vector<16xi1>, vector<16xi32>
    %get3A_713 = arith.constant 96 : index
    %get3A_714 = tpu.vector_load %arg12[%get3A_713] {strides = array<i32>} : memref<512xf32, #tpu.memory_space<vmem>>, vector<16xf32>,
    %get3A_715 = arith.constant 112 : index
    %get3A_716 = tpu.vector_load %arg12[%get3A_715] {strides = array<i32>} : memref<512xf32, #tpu.memory_space<vmem>>, vector<16xf32>,
    %bitcast_convert_type3A_717 = tpu.bitcast %get3A_716 : vector<16xf32> -> vector<16xi32>
    %gt3A_718 = arith.cmpf ogt, %get3A_714, %select_n3A_711 : vector<16xf32>
    %select_n3A_719 = arith.select %gt3A_718, %get3A_714, %select_n3A_711 : vector<16xi1>, vector<16xf32>
    %select_n3A_720 = arith.select %gt3A_718, %bitcast_convert_type3A_717, %select_n3A_712 : vector<16xi1>, vector<16xi32>
    %get3A_721 = arith.constant 128 : index
    %get3A_722 = tpu.vector_load %arg12[%get3A_721] {strides = array<i32>} : memref<512xf32, #tpu.memory_space<vmem>>, vector<16xf32>,
    %get3A_723 = arith.constant 144 : index
    %get3A_724 = tpu.vector_load %arg12[%get3A_723] {strides = array<i32>} : memref<512xf32, #tpu.memory_space<vmem>>, vector<16xf32>,
    %bitcast_convert_type3A_725 = tpu.bitcast %get3A_724 : vector<16xf32> -> vector<16xi32>
    %gt3A_726 = arith.cmpf ogt, %get3A_722, %select_n3A_719 : vector<16xf32>
    %select_n3A_727 = arith.select %gt3A_726, %get3A_722, %select_n3A_719 : vector<16xi1>, vector<16xf32>
    %select_n3A_728 = arith.select %gt3A_726, %bitcast_convert_type3A_725, %select_n3A_720 : vector<16xi1>, vector<16xi32>
    %get3A_729 = arith.constant 160 : index
    %get3A_730 = tpu.vector_load %arg12[%get3A_729] {strides = array<i32>} : memref<512xf32, #tpu.memory_space<vmem>>, vector<16xf32>,
    %get3A_731 = arith.constant 176 : index
    %get3A_732 = tpu.vector_load %arg12[%get3A_731] {strides = array<i32>} : memref<512xf32, #tpu.memory_space<vmem>>, vector<16xf32>,
    %bitcast_convert_type3A_733 = tpu.bitcast %get3A_732 : vector<16xf32> -> vector<16xi32>
    %gt3A_734 = arith.cmpf ogt, %get3A_730, %select_n3A_727 : vector<16xf32>
    %select_n3A_735 = arith.select %gt3A_734, %get3A_730, %select_n3A_727 : vector<16xi1>, vector<16xf32>
    %select_n3A_736 = arith.select %gt3A_734, %bitcast_convert_type3A_733, %select_n3A_728 : vector<16xi1>, vector<16xi32>
    %get3A_737 = arith.constant 192 : index
    %get3A_738 = tpu.vector_load %arg12[%get3A_737] {strides = array<i32>} : memref<512xf32, #tpu.memory_space<vmem>>, vector<16xf32>,
    %get3A_739 = arith.constant 208 : index
    %get3A_740 = tpu.vector_load %arg12[%get3A_739] {strides = array<i32>} : memref<512xf32, #tpu.memory_space<vmem>>, vector<16xf32>,
    %bitcast_convert_type3A_741 = tpu.bitcast %get3A_740 : vector<16xf32> -> vector<16xi32>
    %gt3A_742 = arith.cmpf ogt, %get3A_738, %select_n3A_735 : vector<16xf32>
    %select_n3A_743 = arith.select %gt3A_742, %get3A_738, %select_n3A_735 : vector<16xi1>, vector<16xf32>
    %select_n3A_744 = arith.select %gt3A_742, %bitcast_convert_type3A_741, %select_n3A_736 : vector<16xi1>, vector<16xi32>
    %get3A_745 = arith.constant 224 : index
    %get3A_746 = tpu.vector_load %arg12[%get3A_745] {strides = array<i32>} : memref<512xf32, #tpu.memory_space<vmem>>, vector<16xf32>,
    %get3A_747 = arith.constant 240 : index
    %get3A_748 = tpu.vector_load %arg12[%get3A_747] {strides = array<i32>} : memref<512xf32, #tpu.memory_space<vmem>>, vector<16xf32>,
    %bitcast_convert_type3A_749 = tpu.bitcast %get3A_748 : vector<16xf32> -> vector<16xi32>
    %gt3A_750 = arith.cmpf ogt, %get3A_746, %select_n3A_743 : vector<16xf32>
    %select_n3A_751 = arith.select %gt3A_750, %get3A_746, %select_n3A_743 : vector<16xi1>, vector<16xf32>
    %select_n3A_752 = arith.select %gt3A_750, %bitcast_convert_type3A_749, %select_n3A_744 : vector<16xi1>, vector<16xi32>
    %get3A_753 = arith.constant 256 : index
    %get3A_754 = tpu.vector_load %arg12[%get3A_753] {strides = array<i32>} : memref<512xf32, #tpu.memory_space<vmem>>, vector<16xf32>,
    %get3A_755 = arith.constant 272 : index
    %get3A_756 = tpu.vector_load %arg12[%get3A_755] {strides = array<i32>} : memref<512xf32, #tpu.memory_space<vmem>>, vector<16xf32>,
    %bitcast_convert_type3A_757 = tpu.bitcast %get3A_756 : vector<16xf32> -> vector<16xi32>
    %gt3A_758 = arith.cmpf ogt, %get3A_754, %select_n3A_751 : vector<16xf32>
    %select_n3A_759 = arith.select %gt3A_758, %get3A_754, %select_n3A_751 : vector<16xi1>, vector<16xf32>
    %select_n3A_760 = arith.select %gt3A_758, %bitcast_convert_type3A_757, %select_n3A_752 : vector<16xi1>, vector<16xi32>
    %get3A_761 = arith.constant 288 : index
    %get3A_762 = tpu.vector_load %arg12[%get3A_761] {strides = array<i32>} : memref<512xf32, #tpu.memory_space<vmem>>, vector<16xf32>,
    %get3A_763 = arith.constant 304 : index
    %get3A_764 = tpu.vector_load %arg12[%get3A_763] {strides = array<i32>} : memref<512xf32, #tpu.memory_space<vmem>>, vector<16xf32>,
    %bitcast_convert_type3A_765 = tpu.bitcast %get3A_764 : vector<16xf32> -> vector<16xi32>
    %gt3A_766 = arith.cmpf ogt, %get3A_762, %select_n3A_759 : vector<16xf32>
    %select_n3A_767 = arith.select %gt3A_766, %get3A_762, %select_n3A_759 : vector<16xi1>, vector<16xf32>
    %select_n3A_768 = arith.select %gt3A_766, %bitcast_convert_type3A_765, %select_n3A_760 : vector<16xi1>, vector<16xi32>
    %get3A_769 = arith.constant 320 : index
    %get3A_770 = tpu.vector_load %arg12[%get3A_769] {strides = array<i32>} : memref<512xf32, #tpu.memory_space<vmem>>, vector<16xf32>,
    %get3A_771 = arith.constant 336 : index
    %get3A_772 = tpu.vector_load %arg12[%get3A_771] {strides = array<i32>} : memref<512xf32, #tpu.memory_space<vmem>>, vector<16xf32>,
    %bitcast_convert_type3A_773 = tpu.bitcast %get3A_772 : vector<16xf32> -> vector<16xi32>
    %gt3A_774 = arith.cmpf ogt, %get3A_770, %select_n3A_767 : vector<16xf32>
    %select_n3A_775 = arith.select %gt3A_774, %get3A_770, %select_n3A_767 : vector<16xi1>, vector<16xf32>
    %select_n3A_776 = arith.select %gt3A_774, %bitcast_convert_type3A_773, %select_n3A_768 : vector<16xi1>, vector<16xi32>
    %get3A_777 = arith.constant 352 : index
    %get3A_778 = tpu.vector_load %arg12[%get3A_777] {strides = array<i32>} : memref<512xf32, #tpu.memory_space<vmem>>, vector<16xf32>,
    %get3A_779 = arith.constant 368 : index
    %get3A_780 = tpu.vector_load %arg12[%get3A_779] {strides = array<i32>} : memref<512xf32, #tpu.memory_space<vmem>>, vector<16xf32>,
    %bitcast_convert_type3A_781 = tpu.bitcast %get3A_780 : vector<16xf32> -> vector<16xi32>
    %gt3A_782 = arith.cmpf ogt, %get3A_778, %select_n3A_775 : vector<16xf32>
    %select_n3A_783 = arith.select %gt3A_782, %get3A_778, %select_n3A_775 : vector<16xi1>, vector<16xf32>
    %select_n3A_784 = arith.select %gt3A_782, %bitcast_convert_type3A_781, %select_n3A_776 : vector<16xi1>, vector<16xi32>
    %get3A_785 = arith.constant 384 : index
    %get3A_786 = tpu.vector_load %arg12[%get3A_785] {strides = array<i32>} : memref<512xf32, #tpu.memory_space<vmem>>, vector<16xf32>,
    %get3A_787 = arith.constant 400 : index
    %get3A_788 = tpu.vector_load %arg12[%get3A_787] {strides = array<i32>} : memref<512xf32, #tpu.memory_space<vmem>>, vector<16xf32>,
    %bitcast_convert_type3A_789 = tpu.bitcast %get3A_788 : vector<16xf32> -> vector<16xi32>
    %gt3A_790 = arith.cmpf ogt, %get3A_786, %select_n3A_783 : vector<16xf32>
    %select_n3A_791 = arith.select %gt3A_790, %get3A_786, %select_n3A_783 : vector<16xi1>, vector<16xf32>
    %select_n3A_792 = arith.select %gt3A_790, %bitcast_convert_type3A_789, %select_n3A_784 : vector<16xi1>, vector<16xi32>
    %get3A_793 = arith.constant 416 : index
    %get3A_794 = tpu.vector_load %arg12[%get3A_793] {strides = array<i32>} : memref<512xf32, #tpu.memory_space<vmem>>, vector<16xf32>,
    %get3A_795 = arith.constant 432 : index
    %get3A_796 = tpu.vector_load %arg12[%get3A_795] {strides = array<i32>} : memref<512xf32, #tpu.memory_space<vmem>>, vector<16xf32>,
    %bitcast_convert_type3A_797 = tpu.bitcast %get3A_796 : vector<16xf32> -> vector<16xi32>
    %gt3A_798 = arith.cmpf ogt, %get3A_794, %select_n3A_791 : vector<16xf32>
    %select_n3A_799 = arith.select %gt3A_798, %get3A_794, %select_n3A_791 : vector<16xi1>, vector<16xf32>
    %select_n3A_800 = arith.select %gt3A_798, %bitcast_convert_type3A_797, %select_n3A_792 : vector<16xi1>, vector<16xi32>
    %get3A_801 = arith.constant 448 : index
    %get3A_802 = tpu.vector_load %arg12[%get3A_801] {strides = array<i32>} : memref<512xf32, #tpu.memory_space<vmem>>, vector<16xf32>,
    %get3A_803 = arith.constant 464 : index
    %get3A_804 = tpu.vector_load %arg12[%get3A_803] {strides = array<i32>} : memref<512xf32, #tpu.memory_space<vmem>>, vector<16xf32>,
    %bitcast_convert_type3A_805 = tpu.bitcast %get3A_804 : vector<16xf32> -> vector<16xi32>
    %gt3A_806 = arith.cmpf ogt, %get3A_802, %select_n3A_799 : vector<16xf32>
    %select_n3A_807 = arith.select %gt3A_806, %get3A_802, %select_n3A_799 : vector<16xi1>, vector<16xf32>
    %select_n3A_808 = arith.select %gt3A_806, %bitcast_convert_type3A_805, %select_n3A_800 : vector<16xi1>, vector<16xi32>
    %get3A_809 = arith.constant 480 : index
    %get3A_810 = tpu.vector_load %arg12[%get3A_809] {strides = array<i32>} : memref<512xf32, #tpu.memory_space<vmem>>, vector<16xf32>,
    %get3A_811 = arith.constant 496 : index
    %get3A_812 = tpu.vector_load %arg12[%get3A_811] {strides = array<i32>} : memref<512xf32, #tpu.memory_space<vmem>>, vector<16xf32>,
    %bitcast_convert_type3A_813 = tpu.bitcast %get3A_812 : vector<16xf32> -> vector<16xi32>
    %gt3A_814 = arith.cmpf ogt, %get3A_810, %select_n3A_807 : vector<16xf32>
    %select_n3A_815 = arith.select %gt3A_814, %get3A_810, %select_n3A_807 : vector<16xi1>, vector<16xf32>
    %select_n3A_816 = arith.select %gt3A_814, %bitcast_convert_type3A_813, %select_n3A_808 : vector<16xi1>, vector<16xi32>
    %slice3A_817 = vector.extract_strided_slice %select_n3A_816 {offsets = [0], sizes = [1], strides = [1]} : vector<16xi32> to vector<1xi32>
    %squeeze3A_818 = vector.extract %slice3A_817[0] : i32 from vector<1xi32>
    %slice3A_819 = vector.extract_strided_slice %select_n3A_816 {offsets = [1], sizes = [1], strides = [1]} : vector<16xi32> to vector<1xi32>
    %squeeze3A_820 = vector.extract %slice3A_819[0] : i32 from vector<1xi32>
    %slice3A_821 = vector.extract_strided_slice %select_n3A_816 {offsets = [2], sizes = [1], strides = [1]} : vector<16xi32> to vector<1xi32>
    %squeeze3A_822 = vector.extract %slice3A_821[0] : i32 from vector<1xi32>
    %slice3A_823 = vector.extract_strided_slice %select_n3A_816 {offsets = [3], sizes = [1], strides = [1]} : vector<16xi32> to vector<1xi32>
    %squeeze3A_824 = vector.extract %slice3A_823[0] : i32 from vector<1xi32>
    %slice3A_825 = vector.extract_strided_slice %select_n3A_816 {offsets = [4], sizes = [1], strides = [1]} : vector<16xi32> to vector<1xi32>
    %squeeze3A_826 = vector.extract %slice3A_825[0] : i32 from vector<1xi32>
    %slice3A_827 = vector.extract_strided_slice %select_n3A_816 {offsets = [5], sizes = [1], strides = [1]} : vector<16xi32> to vector<1xi32>
    %squeeze3A_828 = vector.extract %slice3A_827[0] : i32 from vector<1xi32>
    %slice3A_829 = vector.extract_strided_slice %select_n3A_816 {offsets = [6], sizes = [1], strides = [1]} : vector<16xi32> to vector<1xi32>
    %squeeze3A_830 = vector.extract %slice3A_829[0] : i32 from vector<1xi32>
    %slice3A_831 = vector.extract_strided_slice %select_n3A_816 {offsets = [7], sizes = [1], strides = [1]} : vector<16xi32> to vector<1xi32>
    %squeeze3A_832 = vector.extract %slice3A_831[0] : i32 from vector<1xi32>
    %lt3A = arith.constant 8 : i32
    %lt3A_833 = vector.broadcast %lt3A : i32 to vector<16xi32>
    %lt3A_834 = arith.cmpi slt, %iota3A, %lt3A_833 : vector<16xi32>
    %jit3A = arith.constant 0 : i32
    %broadcast_in_dim3A_835 = vector.broadcast %jit3A : i32 to vector<16xi32>
    %select_n3A_836 = arith.select %lt3A_834, %select_n3A_816, %broadcast_in_dim3A_835 : vector<16xi1>, vector<16xi32>
    %swap3A_837 = arith.constant 0 : index
    %swap3A_838 = tpu.vector_load %arg11[%swap3A_837] {strides = array<i32>} : memref<16xi32, #tpu.memory_space<vmem>>, vector<16xi32>,
    tpu.vector_store %arg11[%swap3A_837], %select_n3A_836 {strides = array<i32>} : memref<16xi32, #tpu.memory_space<vmem>>, vector<16xi32>,
    %eq3A_839 = arith.constant 0 : i32
    %eq3A_840 = arith.cmpi eq, %arg1, %eq3A_839 : i32
    %convert_element_type3A = arith.extui %eq3A_840 : i1 to i32
    %cond3A = arith.constant 0 : i32
    %cond3A_841 = arith.cmpi ne, %convert_element_type3A, %cond3A : i32
    scf.if %cond3A_841 {
      tpu.enqueue_dma source(%arg11 : memref<16xi32, #tpu.memory_space<vmem>>) target(%arg5 : memref<16xi32, #tpu.memory_space<hbm>>) target_semaphore(%arg18 : memref<!tpu.dma_semaphore, #tpu.memory_space<semaphore_mem>>)
    } else {
    }
    tpu.wait_dma2 semaphore(%arg17 : memref<!tpu.dma_semaphore, #tpu.memory_space<semaphore_mem>>) src(%arg4 : memref<4096xf32, #tpu.memory_space<hbm>>) dst(%arg9 : memref<4096xf32, #tpu.memory_space<vmem>>)
    %mul3A_842 = arith.constant 256 : i32
    %mul3A_843 = arith.muli %arg1, %mul3A_842 : i32
    %broadcast_in_dim3A_844 = arith.constant 0.000000e+00 : f32
    %broadcast_in_dim3A_845 = vector.broadcast %broadcast_in_dim3A_844 : f32 to vector<16xf32>
    %scan3A_846 = arith.constant 0 : i32
    %scan3A_847 = arith.constant 0 : i32
    %scan3A_848 = arith.constant 16 : i32
    %scan3A_849 = arith.addi %scan3A_847, %scan3A_848 : i32
    %scan3A_850 = arith.constant 2 : i32
    %scan3A_851 = scf.for %scan3A_859 = %scan3A_847 to %scan3A_849 step %scan3A_850 iter_args(%scan3A_860 = %scan3A_846) -> (i32)  : i32 {
      %mul3A_861 = arith.constant 16 : i32
      %mul3A_862 = arith.muli %scan3A_859, %mul3A_861 : i32
      %add3A_863 = arith.addi %mul3A_843, %mul3A_862 : i32
      %add3A_864 = vector.broadcast %add3A_863 : i32 to vector<16xi32>
      %add3A_865 = arith.addi %add3A_864, %iota3A : vector<16xi32>
      %sub3A_866 = vector.broadcast %squeeze3A_818 : i32 to vector<16xi32>
      %sub3A_867 = arith.subi %add3A_865, %sub3A_866 : vector<16xi32>
      %ge3A = arith.constant 0 : i32
      %ge3A_868 = vector.broadcast %ge3A : i32 to vector<16xi32>
      %ge3A_869 = arith.cmpi sge, %sub3A_867, %ge3A_868 : vector<16xi32>
      %lt3A_870 = arith.constant 512 : i32
      %lt3A_871 = vector.broadcast %lt3A_870 : i32 to vector<16xi32>
      %lt3A_872 = arith.cmpi slt, %sub3A_867, %lt3A_871 : vector<16xi32>
      %and3A_873 = arith.andi %ge3A_869, %lt3A_872 : vector<16xi1>
      %jit3A_874 = arith.constant 0 : i32
      %jit3A_875 = arith.constant 511 : i32
      %max3A = vector.broadcast %jit3A_874 : i32 to vector<16xi32>
      %max3A_876 = arith.maxsi %max3A, %sub3A_867 : vector<16xi32>
      %min3A = vector.broadcast %jit3A_875 : i32 to vector<16xi32>
      %min3A_877 = arith.minsi %min3A, %max3A_876 : vector<16xi32>
      %add3A_878 = arith.constant 0 : i32
      %add3A_879 = vector.broadcast %add3A_878 : i32 to vector<16xi32>
      %add3A_880 = arith.addi %min3A_877, %add3A_879 : vector<16xi32>
      %gather3A = tpu.vector_load_idx %arg9[%add3A_880] : memref<4096xf32, #tpu.memory_space<vmem>>[vector<16xi32>], vector<16xf32>,
      %select_n3A_881 = arith.select %and3A_873, %gather3A, %broadcast_in_dim3A_845 : vector<16xi1>, vector<16xf32>
      %add3A_882 = arith.addf %broadcast_in_dim3A_845, %select_n3A_881 : vector<16xf32>
      %sub3A_883 = vector.broadcast %squeeze3A_820 : i32 to vector<16xi32>
      %sub3A_884 = arith.subi %add3A_865, %sub3A_883 : vector<16xi32>
      %ge3A_885 = arith.constant 0 : i32
      %ge3A_886 = vector.broadcast %ge3A_885 : i32 to vector<16xi32>
      %ge3A_887 = arith.cmpi sge, %sub3A_884, %ge3A_886 : vector<16xi32>
      %lt3A_888 = arith.constant 512 : i32
      %lt3A_889 = vector.broadcast %lt3A_888 : i32 to vector<16xi32>
      %lt3A_890 = arith.cmpi slt, %sub3A_884, %lt3A_889 : vector<16xi32>
      %and3A_891 = arith.andi %ge3A_887, %lt3A_890 : vector<16xi1>
      %jit3A_892 = arith.constant 0 : i32
      %jit3A_893 = arith.constant 511 : i32
      %max3A_894 = vector.broadcast %jit3A_892 : i32 to vector<16xi32>
      %max3A_895 = arith.maxsi %max3A_894, %sub3A_884 : vector<16xi32>
      %min3A_896 = vector.broadcast %jit3A_893 : i32 to vector<16xi32>
      %min3A_897 = arith.minsi %min3A_896, %max3A_895 : vector<16xi32>
      %add3A_898 = arith.constant 512 : i32
      %add3A_899 = vector.broadcast %add3A_898 : i32 to vector<16xi32>
      %add3A_900 = arith.addi %min3A_897, %add3A_899 : vector<16xi32>
      %gather3A_901 = tpu.vector_load_idx %arg9[%add3A_900] : memref<4096xf32, #tpu.memory_space<vmem>>[vector<16xi32>], vector<16xf32>,
      %select_n3A_902 = arith.select %and3A_891, %gather3A_901, %broadcast_in_dim3A_845 : vector<16xi1>, vector<16xf32>
      %add3A_903 = arith.addf %add3A_882, %select_n3A_902 : vector<16xf32>
      %sub3A_904 = vector.broadcast %squeeze3A_822 : i32 to vector<16xi32>
      %sub3A_905 = arith.subi %add3A_865, %sub3A_904 : vector<16xi32>
      %ge3A_906 = arith.constant 0 : i32
      %ge3A_907 = vector.broadcast %ge3A_906 : i32 to vector<16xi32>
      %ge3A_908 = arith.cmpi sge, %sub3A_905, %ge3A_907 : vector<16xi32>
      %lt3A_909 = arith.constant 512 : i32
      %lt3A_910 = vector.broadcast %lt3A_909 : i32 to vector<16xi32>
      %lt3A_911 = arith.cmpi slt, %sub3A_905, %lt3A_910 : vector<16xi32>
      %and3A_912 = arith.andi %ge3A_908, %lt3A_911 : vector<16xi1>
      %jit3A_913 = arith.constant 0 : i32
      %jit3A_914 = arith.constant 511 : i32
      %max3A_915 = vector.broadcast %jit3A_913 : i32 to vector<16xi32>
      %max3A_916 = arith.maxsi %max3A_915, %sub3A_905 : vector<16xi32>
      %min3A_917 = vector.broadcast %jit3A_914 : i32 to vector<16xi32>
      %min3A_918 = arith.minsi %min3A_917, %max3A_916 : vector<16xi32>
      %add3A_919 = arith.constant 1024 : i32
      %add3A_920 = vector.broadcast %add3A_919 : i32 to vector<16xi32>
      %add3A_921 = arith.addi %min3A_918, %add3A_920 : vector<16xi32>
      %gather3A_922 = tpu.vector_load_idx %arg9[%add3A_921] : memref<4096xf32, #tpu.memory_space<vmem>>[vector<16xi32>], vector<16xf32>,
      %select_n3A_923 = arith.select %and3A_912, %gather3A_922, %broadcast_in_dim3A_845 : vector<16xi1>, vector<16xf32>
      %add3A_924 = arith.addf %add3A_903, %select_n3A_923 : vector<16xf32>
      %sub3A_925 = vector.broadcast %squeeze3A_824 : i32 to vector<16xi32>
      %sub3A_926 = arith.subi %add3A_865, %sub3A_925 : vector<16xi32>
      %ge3A_927 = arith.constant 0 : i32
      %ge3A_928 = vector.broadcast %ge3A_927 : i32 to vector<16xi32>
      %ge3A_929 = arith.cmpi sge, %sub3A_926, %ge3A_928 : vector<16xi32>
      %lt3A_930 = arith.constant 512 : i32
      %lt3A_931 = vector.broadcast %lt3A_930 : i32 to vector<16xi32>
      %lt3A_932 = arith.cmpi slt, %sub3A_926, %lt3A_931 : vector<16xi32>
      %and3A_933 = arith.andi %ge3A_929, %lt3A_932 : vector<16xi1>
      %jit3A_934 = arith.constant 0 : i32
      %jit3A_935 = arith.constant 511 : i32
      %max3A_936 = vector.broadcast %jit3A_934 : i32 to vector<16xi32>
      %max3A_937 = arith.maxsi %max3A_936, %sub3A_926 : vector<16xi32>
      %min3A_938 = vector.broadcast %jit3A_935 : i32 to vector<16xi32>
      %min3A_939 = arith.minsi %min3A_938, %max3A_937 : vector<16xi32>
      %add3A_940 = arith.constant 1536 : i32
      %add3A_941 = vector.broadcast %add3A_940 : i32 to vector<16xi32>
      %add3A_942 = arith.addi %min3A_939, %add3A_941 : vector<16xi32>
      %gather3A_943 = tpu.vector_load_idx %arg9[%add3A_942] : memref<4096xf32, #tpu.memory_space<vmem>>[vector<16xi32>], vector<16xf32>,
      %select_n3A_944 = arith.select %and3A_933, %gather3A_943, %broadcast_in_dim3A_845 : vector<16xi1>, vector<16xf32>
      %add3A_945 = arith.addf %add3A_924, %select_n3A_944 : vector<16xf32>
      %sub3A_946 = vector.broadcast %squeeze3A_826 : i32 to vector<16xi32>
      %sub3A_947 = arith.subi %add3A_865, %sub3A_946 : vector<16xi32>
      %ge3A_948 = arith.constant 0 : i32
      %ge3A_949 = vector.broadcast %ge3A_948 : i32 to vector<16xi32>
      %ge3A_950 = arith.cmpi sge, %sub3A_947, %ge3A_949 : vector<16xi32>
      %lt3A_951 = arith.constant 512 : i32
      %lt3A_952 = vector.broadcast %lt3A_951 : i32 to vector<16xi32>
      %lt3A_953 = arith.cmpi slt, %sub3A_947, %lt3A_952 : vector<16xi32>
      %and3A_954 = arith.andi %ge3A_950, %lt3A_953 : vector<16xi1>
      %jit3A_955 = arith.constant 0 : i32
      %jit3A_956 = arith.constant 511 : i32
      %max3A_957 = vector.broadcast %jit3A_955 : i32 to vector<16xi32>
      %max3A_958 = arith.maxsi %max3A_957, %sub3A_947 : vector<16xi32>
      %min3A_959 = vector.broadcast %jit3A_956 : i32 to vector<16xi32>
      %min3A_960 = arith.minsi %min3A_959, %max3A_958 : vector<16xi32>
      %add3A_961 = arith.constant 2048 : i32
      %add3A_962 = vector.broadcast %add3A_961 : i32 to vector<16xi32>
      %add3A_963 = arith.addi %min3A_960, %add3A_962 : vector<16xi32>
      %gather3A_964 = tpu.vector_load_idx %arg9[%add3A_963] : memref<4096xf32, #tpu.memory_space<vmem>>[vector<16xi32>], vector<16xf32>,
      %select_n3A_965 = arith.select %and3A_954, %gather3A_964, %broadcast_in_dim3A_845 : vector<16xi1>, vector<16xf32>
      %add3A_966 = arith.addf %add3A_945, %select_n3A_965 : vector<16xf32>
      %sub3A_967 = vector.broadcast %squeeze3A_828 : i32 to vector<16xi32>
      %sub3A_968 = arith.subi %add3A_865, %sub3A_967 : vector<16xi32>
      %ge3A_969 = arith.constant 0 : i32
      %ge3A_970 = vector.broadcast %ge3A_969 : i32 to vector<16xi32>
      %ge3A_971 = arith.cmpi sge, %sub3A_968, %ge3A_970 : vector<16xi32>
      %lt3A_972 = arith.constant 512 : i32
      %lt3A_973 = vector.broadcast %lt3A_972 : i32 to vector<16xi32>
      %lt3A_974 = arith.cmpi slt, %sub3A_968, %lt3A_973 : vector<16xi32>
      %and3A_975 = arith.andi %ge3A_971, %lt3A_974 : vector<16xi1>
      %jit3A_976 = arith.constant 0 : i32
      %jit3A_977 = arith.constant 511 : i32
      %max3A_978 = vector.broadcast %jit3A_976 : i32 to vector<16xi32>
      %max3A_979 = arith.maxsi %max3A_978, %sub3A_968 : vector<16xi32>
      %min3A_980 = vector.broadcast %jit3A_977 : i32 to vector<16xi32>
      %min3A_981 = arith.minsi %min3A_980, %max3A_979 : vector<16xi32>
      %add3A_982 = arith.constant 2560 : i32
      %add3A_983 = vector.broadcast %add3A_982 : i32 to vector<16xi32>
      %add3A_984 = arith.addi %min3A_981, %add3A_983 : vector<16xi32>
      %gather3A_985 = tpu.vector_load_idx %arg9[%add3A_984] : memref<4096xf32, #tpu.memory_space<vmem>>[vector<16xi32>], vector<16xf32>,
      %select_n3A_986 = arith.select %and3A_975, %gather3A_985, %broadcast_in_dim3A_845 : vector<16xi1>, vector<16xf32>
      %add3A_987 = arith.addf %add3A_966, %select_n3A_986 : vector<16xf32>
      %sub3A_988 = vector.broadcast %squeeze3A_830 : i32 to vector<16xi32>
      %sub3A_989 = arith.subi %add3A_865, %sub3A_988 : vector<16xi32>
      %ge3A_990 = arith.constant 0 : i32
      %ge3A_991 = vector.broadcast %ge3A_990 : i32 to vector<16xi32>
      %ge3A_992 = arith.cmpi sge, %sub3A_989, %ge3A_991 : vector<16xi32>
      %lt3A_993 = arith.constant 512 : i32
      %lt3A_994 = vector.broadcast %lt3A_993 : i32 to vector<16xi32>
      %lt3A_995 = arith.cmpi slt, %sub3A_989, %lt3A_994 : vector<16xi32>
      %and3A_996 = arith.andi %ge3A_992, %lt3A_995 : vector<16xi1>
      %jit3A_997 = arith.constant 0 : i32
      %jit3A_998 = arith.constant 511 : i32
      %max3A_999 = vector.broadcast %jit3A_997 : i32 to vector<16xi32>
      %max3A_1000 = arith.maxsi %max3A_999, %sub3A_989 : vector<16xi32>
      %min3A_1001 = vector.broadcast %jit3A_998 : i32 to vector<16xi32>
      %min3A_1002 = arith.minsi %min3A_1001, %max3A_1000 : vector<16xi32>
      %add3A_1003 = arith.constant 3072 : i32
      %add3A_1004 = vector.broadcast %add3A_1003 : i32 to vector<16xi32>
      %add3A_1005 = arith.addi %min3A_1002, %add3A_1004 : vector<16xi32>
      %gather3A_1006 = tpu.vector_load_idx %arg9[%add3A_1005] : memref<4096xf32, #tpu.memory_space<vmem>>[vector<16xi32>], vector<16xf32>,
      %select_n3A_1007 = arith.select %and3A_996, %gather3A_1006, %broadcast_in_dim3A_845 : vector<16xi1>, vector<16xf32>
      %add3A_1008 = arith.addf %add3A_987, %select_n3A_1007 : vector<16xf32>
      %sub3A_1009 = vector.broadcast %squeeze3A_832 : i32 to vector<16xi32>
      %sub3A_1010 = arith.subi %add3A_865, %sub3A_1009 : vector<16xi32>
      %ge3A_1011 = arith.constant 0 : i32
      %ge3A_1012 = vector.broadcast %ge3A_1011 : i32 to vector<16xi32>
      %ge3A_1013 = arith.cmpi sge, %sub3A_1010, %ge3A_1012 : vector<16xi32>
      %lt3A_1014 = arith.constant 512 : i32
      %lt3A_1015 = vector.broadcast %lt3A_1014 : i32 to vector<16xi32>
      %lt3A_1016 = arith.cmpi slt, %sub3A_1010, %lt3A_1015 : vector<16xi32>
      %and3A_1017 = arith.andi %ge3A_1013, %lt3A_1016 : vector<16xi1>
      %jit3A_1018 = arith.constant 0 : i32
      %jit3A_1019 = arith.constant 511 : i32
      %max3A_1020 = vector.broadcast %jit3A_1018 : i32 to vector<16xi32>
      %max3A_1021 = arith.maxsi %max3A_1020, %sub3A_1010 : vector<16xi32>
      %min3A_1022 = vector.broadcast %jit3A_1019 : i32 to vector<16xi32>
      %min3A_1023 = arith.minsi %min3A_1022, %max3A_1021 : vector<16xi32>
      %add3A_1024 = arith.constant 3584 : i32
      %add3A_1025 = vector.broadcast %add3A_1024 : i32 to vector<16xi32>
      %add3A_1026 = arith.addi %min3A_1023, %add3A_1025 : vector<16xi32>
      %gather3A_1027 = tpu.vector_load_idx %arg9[%add3A_1026] : memref<4096xf32, #tpu.memory_space<vmem>>[vector<16xi32>], vector<16xf32>,
      %select_n3A_1028 = arith.select %and3A_1017, %gather3A_1027, %broadcast_in_dim3A_845 : vector<16xi1>, vector<16xf32>
      %add3A_1029 = arith.addf %add3A_1008, %select_n3A_1028 : vector<16xf32>
      %mul3A_1030 = arith.constant 16 : i32
      %mul3A_1031 = arith.muli %scan3A_859, %mul3A_1030 : i32
      %swap3A_1032 = arith.index_cast %mul3A_1031 : i32 to index
      %swap3A_1033 = tpu.vector_load %arg13[%swap3A_1032] {strides = array<i32>} : memref<256xf32, #tpu.memory_space<vmem>>, vector<16xf32>,
      tpu.vector_store %arg13[%swap3A_1032], %add3A_1029 {strides = array<i32>} : memref<256xf32, #tpu.memory_space<vmem>>, vector<16xf32>,
      %scan3A_1034 = arith.constant 0 : i32
      %scan3A_1035 = arith.constant 1 : i32
      %scan3A_1036 = arith.addi %scan3A_859, %scan3A_1035 : i32
      %mul3A_1037 = arith.constant 16 : i32
      %mul3A_1038 = arith.muli %scan3A_1036, %mul3A_1037 : i32
      %add3A_1039 = arith.addi %mul3A_843, %mul3A_1038 : i32
      %add3A_1040 = vector.broadcast %add3A_1039 : i32 to vector<16xi32>
      %add3A_1041 = arith.addi %add3A_1040, %iota3A : vector<16xi32>
      %sub3A_1042 = vector.broadcast %squeeze3A_818 : i32 to vector<16xi32>
      %sub3A_1043 = arith.subi %add3A_1041, %sub3A_1042 : vector<16xi32>
      %ge3A_1044 = arith.constant 0 : i32
      %ge3A_1045 = vector.broadcast %ge3A_1044 : i32 to vector<16xi32>
      %ge3A_1046 = arith.cmpi sge, %sub3A_1043, %ge3A_1045 : vector<16xi32>
      %lt3A_1047 = arith.constant 512 : i32
      %lt3A_1048 = vector.broadcast %lt3A_1047 : i32 to vector<16xi32>
      %lt3A_1049 = arith.cmpi slt, %sub3A_1043, %lt3A_1048 : vector<16xi32>
      %and3A_1050 = arith.andi %ge3A_1046, %lt3A_1049 : vector<16xi1>
      %jit3A_1051 = arith.constant 0 : i32
      %jit3A_1052 = arith.constant 511 : i32
      %max3A_1053 = vector.broadcast %jit3A_1051 : i32 to vector<16xi32>
      %max3A_1054 = arith.maxsi %max3A_1053, %sub3A_1043 : vector<16xi32>
      %min3A_1055 = vector.broadcast %jit3A_1052 : i32 to vector<16xi32>
      %min3A_1056 = arith.minsi %min3A_1055, %max3A_1054 : vector<16xi32>
      %add3A_1057 = arith.constant 0 : i32
      %add3A_1058 = vector.broadcast %add3A_1057 : i32 to vector<16xi32>
      %add3A_1059 = arith.addi %min3A_1056, %add3A_1058 : vector<16xi32>
      %gather3A_1060 = tpu.vector_load_idx %arg9[%add3A_1059] : memref<4096xf32, #tpu.memory_space<vmem>>[vector<16xi32>], vector<16xf32>,
      %select_n3A_1061 = arith.select %and3A_1050, %gather3A_1060, %broadcast_in_dim3A_845 : vector<16xi1>, vector<16xf32>
      %add3A_1062 = arith.addf %broadcast_in_dim3A_845, %select_n3A_1061 : vector<16xf32>
      %sub3A_1063 = vector.broadcast %squeeze3A_820 : i32 to vector<16xi32>
      %sub3A_1064 = arith.subi %add3A_1041, %sub3A_1063 : vector<16xi32>
      %ge3A_1065 = arith.constant 0 : i32
      %ge3A_1066 = vector.broadcast %ge3A_1065 : i32 to vector<16xi32>
      %ge3A_1067 = arith.cmpi sge, %sub3A_1064, %ge3A_1066 : vector<16xi32>
      %lt3A_1068 = arith.constant 512 : i32
      %lt3A_1069 = vector.broadcast %lt3A_1068 : i32 to vector<16xi32>
      %lt3A_1070 = arith.cmpi slt, %sub3A_1064, %lt3A_1069 : vector<16xi32>
      %and3A_1071 = arith.andi %ge3A_1067, %lt3A_1070 : vector<16xi1>
      %jit3A_1072 = arith.constant 0 : i32
      %jit3A_1073 = arith.constant 511 : i32
      %max3A_1074 = vector.broadcast %jit3A_1072 : i32 to vector<16xi32>
      %max3A_1075 = arith.maxsi %max3A_1074, %sub3A_1064 : vector<16xi32>
      %min3A_1076 = vector.broadcast %jit3A_1073 : i32 to vector<16xi32>
      %min3A_1077 = arith.minsi %min3A_1076, %max3A_1075 : vector<16xi32>
      %add3A_1078 = arith.constant 512 : i32
      %add3A_1079 = vector.broadcast %add3A_1078 : i32 to vector<16xi32>
      %add3A_1080 = arith.addi %min3A_1077, %add3A_1079 : vector<16xi32>
      %gather3A_1081 = tpu.vector_load_idx %arg9[%add3A_1080] : memref<4096xf32, #tpu.memory_space<vmem>>[vector<16xi32>], vector<16xf32>,
      %select_n3A_1082 = arith.select %and3A_1071, %gather3A_1081, %broadcast_in_dim3A_845 : vector<16xi1>, vector<16xf32>
      %add3A_1083 = arith.addf %add3A_1062, %select_n3A_1082 : vector<16xf32>
      %sub3A_1084 = vector.broadcast %squeeze3A_822 : i32 to vector<16xi32>
      %sub3A_1085 = arith.subi %add3A_1041, %sub3A_1084 : vector<16xi32>
      %ge3A_1086 = arith.constant 0 : i32
      %ge3A_1087 = vector.broadcast %ge3A_1086 : i32 to vector<16xi32>
      %ge3A_1088 = arith.cmpi sge, %sub3A_1085, %ge3A_1087 : vector<16xi32>
      %lt3A_1089 = arith.constant 512 : i32
      %lt3A_1090 = vector.broadcast %lt3A_1089 : i32 to vector<16xi32>
      %lt3A_1091 = arith.cmpi slt, %sub3A_1085, %lt3A_1090 : vector<16xi32>
      %and3A_1092 = arith.andi %ge3A_1088, %lt3A_1091 : vector<16xi1>
      %jit3A_1093 = arith.constant 0 : i32
      %jit3A_1094 = arith.constant 511 : i32
      %max3A_1095 = vector.broadcast %jit3A_1093 : i32 to vector<16xi32>
      %max3A_1096 = arith.maxsi %max3A_1095, %sub3A_1085 : vector<16xi32>
      %min3A_1097 = vector.broadcast %jit3A_1094 : i32 to vector<16xi32>
      %min3A_1098 = arith.minsi %min3A_1097, %max3A_1096 : vector<16xi32>
      %add3A_1099 = arith.constant 1024 : i32
      %add3A_1100 = vector.broadcast %add3A_1099 : i32 to vector<16xi32>
      %add3A_1101 = arith.addi %min3A_1098, %add3A_1100 : vector<16xi32>
      %gather3A_1102 = tpu.vector_load_idx %arg9[%add3A_1101] : memref<4096xf32, #tpu.memory_space<vmem>>[vector<16xi32>], vector<16xf32>,
      %select_n3A_1103 = arith.select %and3A_1092, %gather3A_1102, %broadcast_in_dim3A_845 : vector<16xi1>, vector<16xf32>
      %add3A_1104 = arith.addf %add3A_1083, %select_n3A_1103 : vector<16xf32>
      %sub3A_1105 = vector.broadcast %squeeze3A_824 : i32 to vector<16xi32>
      %sub3A_1106 = arith.subi %add3A_1041, %sub3A_1105 : vector<16xi32>
      %ge3A_1107 = arith.constant 0 : i32
      %ge3A_1108 = vector.broadcast %ge3A_1107 : i32 to vector<16xi32>
      %ge3A_1109 = arith.cmpi sge, %sub3A_1106, %ge3A_1108 : vector<16xi32>
      %lt3A_1110 = arith.constant 512 : i32
      %lt3A_1111 = vector.broadcast %lt3A_1110 : i32 to vector<16xi32>
      %lt3A_1112 = arith.cmpi slt, %sub3A_1106, %lt3A_1111 : vector<16xi32>
      %and3A_1113 = arith.andi %ge3A_1109, %lt3A_1112 : vector<16xi1>
      %jit3A_1114 = arith.constant 0 : i32
      %jit3A_1115 = arith.constant 511 : i32
      %max3A_1116 = vector.broadcast %jit3A_1114 : i32 to vector<16xi32>
      %max3A_1117 = arith.maxsi %max3A_1116, %sub3A_1106 : vector<16xi32>
      %min3A_1118 = vector.broadcast %jit3A_1115 : i32 to vector<16xi32>
      %min3A_1119 = arith.minsi %min3A_1118, %max3A_1117 : vector<16xi32>
      %add3A_1120 = arith.constant 1536 : i32
      %add3A_1121 = vector.broadcast %add3A_1120 : i32 to vector<16xi32>
      %add3A_1122 = arith.addi %min3A_1119, %add3A_1121 : vector<16xi32>
      %gather3A_1123 = tpu.vector_load_idx %arg9[%add3A_1122] : memref<4096xf32, #tpu.memory_space<vmem>>[vector<16xi32>], vector<16xf32>,
      %select_n3A_1124 = arith.select %and3A_1113, %gather3A_1123, %broadcast_in_dim3A_845 : vector<16xi1>, vector<16xf32>
      %add3A_1125 = arith.addf %add3A_1104, %select_n3A_1124 : vector<16xf32>
      %sub3A_1126 = vector.broadcast %squeeze3A_826 : i32 to vector<16xi32>
      %sub3A_1127 = arith.subi %add3A_1041, %sub3A_1126 : vector<16xi32>
      %ge3A_1128 = arith.constant 0 : i32
      %ge3A_1129 = vector.broadcast %ge3A_1128 : i32 to vector<16xi32>
      %ge3A_1130 = arith.cmpi sge, %sub3A_1127, %ge3A_1129 : vector<16xi32>
      %lt3A_1131 = arith.constant 512 : i32
      %lt3A_1132 = vector.broadcast %lt3A_1131 : i32 to vector<16xi32>
      %lt3A_1133 = arith.cmpi slt, %sub3A_1127, %lt3A_1132 : vector<16xi32>
      %and3A_1134 = arith.andi %ge3A_1130, %lt3A_1133 : vector<16xi1>
      %jit3A_1135 = arith.constant 0 : i32
      %jit3A_1136 = arith.constant 511 : i32
      %max3A_1137 = vector.broadcast %jit3A_1135 : i32 to vector<16xi32>
      %max3A_1138 = arith.maxsi %max3A_1137, %sub3A_1127 : vector<16xi32>
      %min3A_1139 = vector.broadcast %jit3A_1136 : i32 to vector<16xi32>
      %min3A_1140 = arith.minsi %min3A_1139, %max3A_1138 : vector<16xi32>
      %add3A_1141 = arith.constant 2048 : i32
      %add3A_1142 = vector.broadcast %add3A_1141 : i32 to vector<16xi32>
      %add3A_1143 = arith.addi %min3A_1140, %add3A_1142 : vector<16xi32>
      %gather3A_1144 = tpu.vector_load_idx %arg9[%add3A_1143] : memref<4096xf32, #tpu.memory_space<vmem>>[vector<16xi32>], vector<16xf32>,
      %select_n3A_1145 = arith.select %and3A_1134, %gather3A_1144, %broadcast_in_dim3A_845 : vector<16xi1>, vector<16xf32>
      %add3A_1146 = arith.addf %add3A_1125, %select_n3A_1145 : vector<16xf32>
      %sub3A_1147 = vector.broadcast %squeeze3A_828 : i32 to vector<16xi32>
      %sub3A_1148 = arith.subi %add3A_1041, %sub3A_1147 : vector<16xi32>
      %ge3A_1149 = arith.constant 0 : i32
      %ge3A_1150 = vector.broadcast %ge3A_1149 : i32 to vector<16xi32>
      %ge3A_1151 = arith.cmpi sge, %sub3A_1148, %ge3A_1150 : vector<16xi32>
      %lt3A_1152 = arith.constant 512 : i32
      %lt3A_1153 = vector.broadcast %lt3A_1152 : i32 to vector<16xi32>
      %lt3A_1154 = arith.cmpi slt, %sub3A_1148, %lt3A_1153 : vector<16xi32>
      %and3A_1155 = arith.andi %ge3A_1151, %lt3A_1154 : vector<16xi1>
      %jit3A_1156 = arith.constant 0 : i32
      %jit3A_1157 = arith.constant 511 : i32
      %max3A_1158 = vector.broadcast %jit3A_1156 : i32 to vector<16xi32>
      %max3A_1159 = arith.maxsi %max3A_1158, %sub3A_1148 : vector<16xi32>
      %min3A_1160 = vector.broadcast %jit3A_1157 : i32 to vector<16xi32>
      %min3A_1161 = arith.minsi %min3A_1160, %max3A_1159 : vector<16xi32>
      %add3A_1162 = arith.constant 2560 : i32
      %add3A_1163 = vector.broadcast %add3A_1162 : i32 to vector<16xi32>
      %add3A_1164 = arith.addi %min3A_1161, %add3A_1163 : vector<16xi32>
      %gather3A_1165 = tpu.vector_load_idx %arg9[%add3A_1164] : memref<4096xf32, #tpu.memory_space<vmem>>[vector<16xi32>], vector<16xf32>,
      %select_n3A_1166 = arith.select %and3A_1155, %gather3A_1165, %broadcast_in_dim3A_845 : vector<16xi1>, vector<16xf32>
      %add3A_1167 = arith.addf %add3A_1146, %select_n3A_1166 : vector<16xf32>
      %sub3A_1168 = vector.broadcast %squeeze3A_830 : i32 to vector<16xi32>
      %sub3A_1169 = arith.subi %add3A_1041, %sub3A_1168 : vector<16xi32>
      %ge3A_1170 = arith.constant 0 : i32
      %ge3A_1171 = vector.broadcast %ge3A_1170 : i32 to vector<16xi32>
      %ge3A_1172 = arith.cmpi sge, %sub3A_1169, %ge3A_1171 : vector<16xi32>
      %lt3A_1173 = arith.constant 512 : i32
      %lt3A_1174 = vector.broadcast %lt3A_1173 : i32 to vector<16xi32>
      %lt3A_1175 = arith.cmpi slt, %sub3A_1169, %lt3A_1174 : vector<16xi32>
      %and3A_1176 = arith.andi %ge3A_1172, %lt3A_1175 : vector<16xi1>
      %jit3A_1177 = arith.constant 0 : i32
      %jit3A_1178 = arith.constant 511 : i32
      %max3A_1179 = vector.broadcast %jit3A_1177 : i32 to vector<16xi32>
      %max3A_1180 = arith.maxsi %max3A_1179, %sub3A_1169 : vector<16xi32>
      %min3A_1181 = vector.broadcast %jit3A_1178 : i32 to vector<16xi32>
      %min3A_1182 = arith.minsi %min3A_1181, %max3A_1180 : vector<16xi32>
      %add3A_1183 = arith.constant 3072 : i32
      %add3A_1184 = vector.broadcast %add3A_1183 : i32 to vector<16xi32>
      %add3A_1185 = arith.addi %min3A_1182, %add3A_1184 : vector<16xi32>
      %gather3A_1186 = tpu.vector_load_idx %arg9[%add3A_1185] : memref<4096xf32, #tpu.memory_space<vmem>>[vector<16xi32>], vector<16xf32>,
      %select_n3A_1187 = arith.select %and3A_1176, %gather3A_1186, %broadcast_in_dim3A_845 : vector<16xi1>, vector<16xf32>
      %add3A_1188 = arith.addf %add3A_1167, %select_n3A_1187 : vector<16xf32>
      %sub3A_1189 = vector.broadcast %squeeze3A_832 : i32 to vector<16xi32>
      %sub3A_1190 = arith.subi %add3A_1041, %sub3A_1189 : vector<16xi32>
      %ge3A_1191 = arith.constant 0 : i32
      %ge3A_1192 = vector.broadcast %ge3A_1191 : i32 to vector<16xi32>
      %ge3A_1193 = arith.cmpi sge, %sub3A_1190, %ge3A_1192 : vector<16xi32>
      %lt3A_1194 = arith.constant 512 : i32
      %lt3A_1195 = vector.broadcast %lt3A_1194 : i32 to vector<16xi32>
      %lt3A_1196 = arith.cmpi slt, %sub3A_1190, %lt3A_1195 : vector<16xi32>
      %and3A_1197 = arith.andi %ge3A_1193, %lt3A_1196 : vector<16xi1>
      %jit3A_1198 = arith.constant 0 : i32
      %jit3A_1199 = arith.constant 511 : i32
      %max3A_1200 = vector.broadcast %jit3A_1198 : i32 to vector<16xi32>
      %max3A_1201 = arith.maxsi %max3A_1200, %sub3A_1190 : vector<16xi32>
      %min3A_1202 = vector.broadcast %jit3A_1199 : i32 to vector<16xi32>
      %min3A_1203 = arith.minsi %min3A_1202, %max3A_1201 : vector<16xi32>
      %add3A_1204 = arith.constant 3584 : i32
      %add3A_1205 = vector.broadcast %add3A_1204 : i32 to vector<16xi32>
      %add3A_1206 = arith.addi %min3A_1203, %add3A_1205 : vector<16xi32>
      %gather3A_1207 = tpu.vector_load_idx %arg9[%add3A_1206] : memref<4096xf32, #tpu.memory_space<vmem>>[vector<16xi32>], vector<16xf32>,
      %select_n3A_1208 = arith.select %and3A_1197, %gather3A_1207, %broadcast_in_dim3A_845 : vector<16xi1>, vector<16xf32>
      %add3A_1209 = arith.addf %add3A_1188, %select_n3A_1208 : vector<16xf32>
      %mul3A_1210 = arith.constant 16 : i32
      %mul3A_1211 = arith.muli %scan3A_1036, %mul3A_1210 : i32
      %swap3A_1212 = arith.index_cast %mul3A_1211 : i32 to index
      %swap3A_1213 = tpu.vector_load %arg13[%swap3A_1212] {strides = array<i32>} : memref<256xf32, #tpu.memory_space<vmem>>, vector<16xf32>,
      tpu.vector_store %arg13[%swap3A_1212], %add3A_1209 {strides = array<i32>} : memref<256xf32, #tpu.memory_space<vmem>>, vector<16xf32>,
      %scan3A_1214 = arith.constant 0 : i32
      scf.yield %scan3A_1214 : i32
    }
    %scan3A_852 = arith.constant 16 : i32
    %multiple_of3A_853 = tpu.assume_multiple %mul3A_843, 8 : i32
    "tpu.region"() ({
      %run_scoped3A = tpu.sem_alloc : memref<!tpu.dma_semaphore, #tpu.memory_space<semaphore_mem>>
      %dma_start3A_859 = tpu.memref_slice %arg6[%multiple_of3A_853] : memref<4096xf32, #tpu.memory_space<hbm>> -> memref<256xf32, #tpu.memory_space<hbm>>
      %dma_start3A_860 = tpu.memref_slice %arg6[%multiple_of3A_853] : memref<4096xf32, #tpu.memory_space<hbm>> -> memref<256xf32, #tpu.memory_space<hbm>>
      tpu.enqueue_dma source(%arg13 : memref<256xf32, #tpu.memory_space<vmem>>) target(%dma_start3A_860 : memref<256xf32, #tpu.memory_space<hbm>>) target_semaphore(%run_scoped3A : memref<!tpu.dma_semaphore, #tpu.memory_space<semaphore_mem>>)
      %dma_wait3A_861 = tpu.memref_slice %arg6[%multiple_of3A_853] : memref<4096xf32, #tpu.memory_space<hbm>> -> memref<256xf32, #tpu.memory_space<hbm>>
      %dma_wait3A_862 = tpu.memref_slice %arg6[%multiple_of3A_853] : memref<4096xf32, #tpu.memory_space<hbm>> -> memref<256xf32, #tpu.memory_space<hbm>>
      tpu.wait_dma2 semaphore(%run_scoped3A : memref<!tpu.dma_semaphore, #tpu.memory_space<semaphore_mem>>) src(%arg13 : memref<256xf32, #tpu.memory_space<vmem>>) dst(%dma_wait3A_862 : memref<256xf32, #tpu.memory_space<hbm>>)
      tpu.yield
    }) : () -> ()
    %eq3A_854 = arith.constant 0 : i32
    %eq3A_855 = arith.cmpi eq, %arg1, %eq3A_854 : i32
    %convert_element_type3A_856 = arith.extui %eq3A_855 : i1 to i32
    %cond3A_857 = arith.constant 0 : i32
    %cond3A_858 = arith.cmpi ne, %convert_element_type3A_856, %cond3A_857 : i32
    scf.if %cond3A_858 {
      tpu.wait_dma2 semaphore(%arg18 : memref<!tpu.dma_semaphore, #tpu.memory_space<semaphore_mem>>) src(%arg11 : memref<16xi32, #tpu.memory_space<vmem>>) dst(%arg5 : memref<16xi32, #tpu.memory_space<hbm>>)
    } else {
    }
    return
  }
}

</mosaic_0001>

<sc_bundles>
// kernel: kernel.3.cloned.1.call-start
scs
__scs_entry_jumppad:
0x0: {  	(pc) =	sbr.rel $0x88, $3  }
0x1: {  	(tag) =	ssettag $0x0;
	lr =	simm.s32 $0x1  }
0x2: {  	[smem:$0x3F9E] =	sst lr;
	_ =	strace $0xD0000000  }
0x3: {  	_ = 	snop  }
0x4: {  	_ = 	snop  }
0x5: {  	_ = 	snop  }
0x6: {  	_ = 	snop  }
0x7: {  	_ = 	snop  }
__scs_overlays_trampoline_lowered:
0x8: {  	[smem:$0x3FAD] =	sst s0  }
0x9: {  	[smem:$0x3FAE] =	sst s1  }
0xa: {  	[smem:$0x3FAF] =	sst s2  }
0xb: {  	[smem:$0x3FB0] =	sst s3  }
0xc: {  	[smem:$0x3FB1] =	sst s4  }
0xd: {  	[smem:$0x3FB2] =	sst s5  }
0xe: {  	[smem:$0x3FB3] =	sst s6  }
0xf: {  	[smem:$0x3FB4] =	sst s7  }
0x10: {  	[smem:$0x3FB5] =	sst s8  }
0x11: {  	[smem:$0x3FB6] =	sst s9;
	s0 =	simm.s32 @!p0 $0x0  }
0x12: {  	s1 =	sld [smem:$0x3F9C];
	s0 =	simm.s32 @p0 $0x1  }
0x13: {  	[smem:$0x3FB7] =	sst s0;
	s0 =	simm.s32 @!p1 $0x0  }
0x14: {  	s2 =	sld [smem:$0x3F9B];
	s0 =	simm.s32 @p1 $0x1  }
0x15: {  	[smem:$0x3FB8] =	sst s0;
	s0 =	simm.s32 @!p2 $0x0  }
0x16: {  	s3 =	sld [smem:$0x3FDB];
	s0 =	simm.s32 @p2 $0x1  }
0x17: {  	s4 =	simm.s32 $0x1BF5;
	[smem:$0x3FBA] =	sst s0  }
0x18: {  	s0 =	sld [smem:$0x3F9D];
	_ =	swait.ge [sflag:s4], $0x0  }
0x19: {  	s7 =	sld [smem:$0x3F9E]  }
0x1a: {  	s8 =	sadd.s32 $0xFFFFE003, lr  }
0x1b: {  	s9 =	sadd.s32 $0xFFFFFEF7, lr;
	s5 =	simm.s32 $0xFFFFFFFF;
	p2 =	slt.u32 s8, $0xFFFFF086  }
0x1c: {  	p1 =	slt.u32 s9, $0xF7A;
	s5 =	simm.s32 @!p2 $0x0  }
0x1d: {  	s5 =	simm.s32 @p1 $0x1;
	p0 =	seq.s32 s7, s2  }
0x1e: {  	s7 =	smul.u32 @!p0 $0xF7A, s2;
	p2 =	seq.s32 @!p0 s5, $0x0  }
0x1f: {  	s9 =	smul.u32 $0xF7A, s1;
	s8 =	simm.s32 @!p0 $0x1BF5;
	p2 =	por !p2, p0  }
0x20: {  	[sflag:s8] =	ssyncset.s32 @!p0 $0xFFFFF086;
	s6 =	sadd.s32 @!p0 s3, s7;
	s7 =	simm.s32 @!p0 $0x108  }
0x21: {  	s3 =	sadd.s32 s3, s9;
	s6 =	sadd.s32 @!p0 $0x88, s6;
	s7 =	simm.s32 @p2 $0x1082  }
0x22: {  	[simem:s7], [sflag:s8] =	dma.local @!p0 [hbm:s6], $0xF7A  }
0x23: {  	s9 =	sor.u32 $0xD0000000, s2;
	s6 =	simm.s32 $0x108;
	_ =	swait.ge @!p0 [sflag:s8], $0x0  }
0x24: {  	s3 =	sadd.s32 $0x88, s3;
	s6 =	simm.s32 @!p1 $0x1082;
	[sflag:s4] =	ssyncset.s32 $0xFFFFF086  }
0x25: {  	[simem:s6], [sflag:s4] =	dma.local [hbm:s3], $0xF7A  }
0x26: {  	[smem:$0x3F9E] =	sst s1;
	(tag) =	ssettag s2;
	_ =	strace s9  }
0x27: {  	s1 =	sld [smem:$0x3FAE]  }
0x28: {  	s2 =	sld [smem:$0x3FAF]  }
0x29: {  	s4 =	sld [smem:$0x3FB1]  }
0x2a: {  	p0 =	seq.s32 s5, $0x0;
	s5 =	sld [smem:$0x3FB2]  }
0x2b: {  	s6 =	sld [smem:$0x3FB3]  }
0x2c: {  	s7 =	sld [smem:$0x3FB4]  }
0x2d: {  	s3 =	simm.s32 $0x108;
	s8 =	sld [smem:$0x3FB5]  }
0x2e: {  	s3 =	simm.s32 @!p0 $0x1082;
	s9 =	sld [smem:$0x3FB6]  }
0x2f: {  	lr =	sadd.s32 s0, s3;
	s0 =	sld [smem:$0x3FAD]  }
0x30: {  	s3 =	sld [smem:$0x3FB0]  }
0x31: {  	[smem:$0x3FB9] =	sst s10  }
0x32: {  	s10 =	sld [smem:$0x3FB7];
	_ =	sdelay $0x3  }
0x33: {  	p0 =	seq.s32 s10, $0x1;
	s10 =	sld [smem:$0x3FB9];
	_ =	sdelay $0x3  }
0x34: {  	[smem:$0x3FB9] =	sst s10  }
0x35: {  	s10 =	sld [smem:$0x3FB8];
	_ =	sdelay $0x3  }
0x36: {  	p1 =	seq.s32 s10, $0x1;
	s10 =	sld [smem:$0x3FB9];
	_ =	sdelay $0x3  }
0x37: {  	[smem:$0x3FB9] =	sst s10  }
0x38: {  	s10 =	sld [smem:$0x3FBA]  }
0x39: {  	_ = 	snop;
	(pc) =	sbr.ind lr, $3  }
0x3a: {  	_ = 	snop  }
0x3b: {  	_ = 	snop  }
0x3c: {  	p2 =	seq.s32 s10, $0x1;
	s10 =	sld [smem:$0x3FB9]  }
0x3d: {  	_ =	shalt  }
0x3e: {  	_ =	shalt  }
0x3f: {  	_ =	shalt  }
0x40: {  	_ =	shalt  }
0x41: {  	_ =	shalt  }
0x42: {  	_ =	shalt  }
0x43: {  	_ =	shalt  }
0x44: {  	_ =	shalt  }
0x45: {  	_ =	shalt  }
0x46: {  	_ =	shalt  }
0x47: {  	_ =	shalt  }
0x48: {  	_ =	shalt  }
0x49: {  	_ =	shalt  }
0x4a: {  	_ =	shalt  }
0x4b: {  	_ =	shalt  }
0x4c: {  	_ =	shalt  }
0x4d: {  	_ =	shalt  }
0x4e: {  	_ =	shalt  }
0x4f: {  	_ =	shalt  }
0x50: {  	_ =	shalt  }
0x51: {  	_ =	shalt  }
0x52: {  	_ =	shalt  }
0x53: {  	_ =	shalt  }
0x54: {  	_ =	shalt  }
0x55: {  	_ =	shalt  }
0x56: {  	_ =	shalt  }
0x57: {  	_ =	shalt  }
0x58: {  	_ =	shalt  }
0x59: {  	_ =	shalt  }
0x5a: {  	_ =	shalt  }
0x5b: {  	_ =	shalt  }
0x5c: {  	_ =	shalt  }
0x5d: {  	_ =	shalt  }
0x5e: {  	_ =	shalt  }
0x5f: {  	_ =	shalt  }
0x60: {  	_ =	shalt  }
0x61: {  	_ =	shalt  }
0x62: {  	_ =	shalt  }
0x63: {  	_ =	shalt  }
0x64: {  	_ =	shalt  }
0x65: {  	_ =	shalt  }
0x66: {  	_ =	shalt  }
0x67: {  	_ =	shalt  }
0x68: {  	_ =	shalt  }
0x69: {  	_ =	shalt  }
0x6a: {  	_ =	shalt  }
0x6b: {  	_ =	shalt  }
0x6c: {  	_ =	shalt  }
0x6d: {  	_ =	shalt  }
0x6e: {  	_ =	shalt  }
0x6f: {  	_ =	shalt  }
0x70: {  	_ =	shalt  }
0x71: {  	_ =	shalt  }
0x72: {  	_ =	shalt  }
0x73: {  	_ =	shalt  }
0x74: {  	_ =	shalt  }
0x75: {  	_ =	shalt  }
0x76: {  	_ =	shalt  }
0x77: {  	_ =	shalt  }
0x78: {  	_ =	shalt  }
0x79: {  	_ =	shalt  }
0x7a: {  	_ =	shalt  }
0x7b: {  	_ =	shalt  }
0x7c: {  	_ =	shalt  }
0x7d: {  	_ =	shalt  }
0x7e: {  	_ =	shalt  }
0x7f: {  	_ =	shalt  }
0x80: {  	_ =	shalt  }
0x81: {  	_ =	shalt  }
0x82: {  	_ =	shalt  }
0x83: {  	_ =	shalt  }
0x84: {  	_ =	shalt  }
0x85: {  	_ =	shalt  }
0x86: {  	_ =	shalt  }
0x87: {  	_ =	shalt  }
.Lfunc_end0:
.L_simem_size_0:
called_computation_lowered:
.L_overlay_start_0:
0x88: {  	s0 =	sld [smem:$0x3FD9]  }
0x89: {  	s1 =	sld [smem:$0x3FFE];
	_ =	sdelay $0x3  }
0x8a: {  	s0 =	sadd.s32 s1, s0  }
0x8b: {  	[smem:$0x3FC5] =	sst s0  }
0x8c: {  	_ = 	snop  }
0x8d: {  	s0 =	sld [smem:$0x3FD0];
	_ =	sdelay $0x2  }
0x8e: {  	s13 =	simm.s32 $0xA;
	s2 =	simm.s32 $0x10  }
0x8f: {  	[smem:s2], [sflag:s13] =	dma.local [hbm:s0], $0x1  }
0x90: {  	_ =	swait.eq [sflag:s13], $0x1  }
0x91: {  	s14 =	sld [smem:$0x10];
	[sflag:s13] =	ssyncset.done $0x0  }
0x92: {  	s15 =	sld [smem:$0x11];
	[sflag:s13] =	ssyncadd.s32 $0xFFFFFFFF  }
0x93: {  	s16 =	sld [smem:$0x12];
	(tm) =	ssettm $0x1  }
0x94: {  	s3 =	sld [smem:$0x3FFB];
	_ =	sdelay $0x3  }
0x95: {  	_ =	strace s3  }
0x96: {  	s3 =	sld [smem:$0x3FFC];
	_ =	sdelay $0x3  }
0x97: {  	_ =	strace s3  }
0x98: {  	s3 =	sld [smem:$0x3FFD];
	_ =	sdelay $0x3  }
0x99: {  	_ =	strace s3  }
0x9a: {  	_ =	strace $0x8FFFFFFF  }
0x9b: {  	s17 =	sld [smem:$0x3FDB];
	_ =	sdelay $0x1  }
0x9c: {  	s4 =	simm.s32 $_scs_section_size  }
0x9d: {  	s5 =	simm.s32 $_size__tile_overlayer_lowered;
	s6 =	simm.s32 $_tile_overlayer_lowered  }
0x9e: {  	s20 =	simm.s32 $0x1BFF;
	s19 =	sshll.u32 s6, $0x1;
	s3 =	sadd.s32 s4, s17  }
0x9f: {  	s7 =	simm.s32 $0x0;
	s18 =	sshll.u32 s5, $0x1;
	s5 =	sadd.s32 s19, s3  }
0xa0: {  	[timem:s7], [sflag:s20] =	dma.local [hbm:s5], s18  }
0xa1: {  	_ =	swait.ge [sflag:s20], s18  }
0xa2: {  	s4 =	ssub.s32 $0x0, s18;
	[sflag:s20] =	ssyncset.done $0x0  }
0xa3: {  	[sflag:s20] =	ssyncadd.s32 s4;
	_ =	sdelay $0x1  }
0xa4: {  	s21 =	simm.s32 $0x1B8B  }
0xa5: {  	_ =	swait.ge [sflag:s21], $0x1  }
0xa6: {  	[sflag:s21] =	ssyncset.done $0x0  }
0xa7: {  	s23 =	simm.s32 $0x1B8E;
	s22 =	sld [smem:$0x3FFE];
	[sflag:s21] =	ssyncadd.s32 $0xFFFFFFFF  }
0xa8: {  	s24 =	simm.s32 $execute0_lowered;
	[smem:$0x3FD2] =	sst s23  }
0xa9: {  	s5 =	sshll.u32 s24, $0x1;
	_ =	strace $0x80000046;
	[dreg:$0x1] =	wrdreg $0xFFFFFFFF  }
0xaa: {  	s25 =	simm.s32 $_size_execute0_lowered;
	s3 =	sadd.s32 s3, s5;
	[dreg:$0x0] =	wrdreg $0x0  }
0xab: {  	s5 =	sshll.u32 s25, $0x1;
	[dreg:$0x2] =	wrdreg s3  }
0xac: {  	[dreg:$0x3] =	wrdreg s5  }
0xad: {  	[dreg:$0x4] =	wrdreg $0xC0  }
0xae: {  	_ =	task [dreg:s7], $0x5FFFF  }
0xaf: {  	[dreg:$0x1] =	wrdreg $0xFFFFFFFF  }
0xb0: {  	[dreg:$0x0] =	wrdreg $0x60  }
0xb1: {  	[dreg:$0x2] =	wrdreg s22  }
0xb2: {  	[dreg:$0x3] =	wrdreg s16  }
0xb3: {  	[dreg:$0x4] =	wrdreg s14  }
0xb4: {  	[dreg:$0x5] =	wrdreg s15  }
0xb5: {  	[dreg:$0x6] =	wrdreg $0x28000  }
0xb6: {  	[dreg:$0x7] =	wrdreg $0x9  }
0xb7: {  	_ =	task.clear_ibuf [dreg:s7], $0x8FFFF;
	_ =	strace $0x90000046  }
0xb8: {  	s26 =	simm.s32 $0x9;
	_ =	strace $0x80000048  }
0xb9: {  	_ =	swait.ge [sflag:s26], $0x1  }
0xba: {  	[sflag:s26] =	ssyncadd.s32 $0xFFFFFFFF  }
0xbb: {  	_ =	strace $0x90000048  }
0xbc: {  	_ =	sfence  }
0xbd: {  	s28 =	sld [smem:$0x0];
	_ =	sdelay $0x1  }
0xbe: {  	s29 =	srdreg.scid  }
0xbf: {  	s30 =	sshll.u32 s29, $0xD;
	s31 =	sshrl.u32 s29, $0x2  }
0xc0: {  	s1 =	sand.u32 $0x1, s29;
	s2 =	sand.u32 $0x4000, s30;
	s0 =	sadd.s32 s31, s28  }
0xc1: {  	s1 =	sor.u32 s2, s1;
	s0 =	sshll.u32 s0, $0x11  }
0xc2: {  	s0 =	sor.u32 s0, s1  }
0xc3: {  	s0 =	sadd.s32 $0x8F2B, s0  }
0xc4: {  	[sflag:s0] =	ssyncadd.remote.s32 $0x1  }
0xc5: {  	_ =	sfence.sel $0xFFFF  }
0xc6: {  	[dreg:$0x0] =	wrdreg $0xFFFFFFFF;
	(pc) =	sbr.abs _section_cstart, $3  }
0xc7: {  	[dreg:$0x1] =	wrdreg $0xFFFFFFFF  }
0xc8: {  	_ =	task.clear_ibuf [dreg:s7], $0x2FFFF;
	_ =	strace $0x9FFFFFFF  }
0xc9: {  	(tm) =	ssettm $0x7FFFFFFF  }
tec
execute0_lowered:
.L_overlay_start_1:
0x0: {  	(tag) =	ssettag $0x1  }
0x1: {  	s6 =	rddreg [dreg:$0x0]  }
0x2: {  	s7 =	rddreg [dreg:$0x1]  }
0x3: {  	s2 =	rddreg [dreg:$0x2]  }
0x4: {  	s1 =	rddreg [dreg:$0x3];
	s3 =	stileid.u32  }
0x5: {  	s4 =	rddreg [dreg:$0x4];
	s5 =	simm.s32 $0x0;
	s8 =	sshll.u32 s3, $0x9  }
0x6: {  	[smem:$0x7FF] =	sst s5;
	s8 =	sadd.s32 s8, s6  }
0x7: {  	s0 =	rddreg [dreg:$0x5];
	_ =	strace $0x80000047;
	s8 =	sadd.s32 $0xE00, s8  }
0x8: {  	[tilespmem:s5], [sflag:$0x1] =	stream.linear.gather [hbm4b:s8+s5], $0x1000, $0x38;
	[tilespmem:$0x2820] =	vst v63  }
0x9: {  	s11 =	simm.s32 $0x1000;
	s13 =	simm.s32 $0x1400;
	s12 =	smul.u32 $0xE0, s3  }
0xa: {  	[tilespmem:s11], [sflag:$0x2] =	stream.linear.gather [hbm4b:s7+s5], $0x400, $0x38;
	[tilespmem:$0x2820] =	vst v63  }
0xb: {  	s14 =	simm.s32 $0x2;
	s6 =	sadd.s32 $0x2E00, s6;
	[dreg:$0x6] =	wrdreg s12  }
0xc: {  	[tilespmem:s13], [sflag:$0x3] =	stream.linear.gather [hbm4b:s6+s5], $0x1000, $0x38;
	[tilespmem:$0x2820] =	vst v63  }
0xd: {  	_ =	swait.ge [sflag:s14], $0x400  }
0xe: {  	[sflag:s14] =	ssyncset.done $0x0  }
0xf: {  	[sflag:s14] =	ssyncadd.s32 $0xFFFFFC00  }
0x10: {  	v2 =	vld [tilespmem:$0x1000]  }
0x11: {  	v13 =	vld [tilespmem:$0x1080]  }
0x12: {  	v17 =	vld [tilespmem:$0x1100]  }
0x13: {  	v18 =	vld [tilespmem:$0x1180]  }
0x14: {  	v8 =	vld [tilespmem:$0x1200]  }
0x15: {  	v7 =	vld [tilespmem:$0x1280];
	v3 =	vmul.f32 v2, v2  }
0x16: {  	v1 =	vld [tilespmem:$0x1300];
	v4 =	vmul.f32 v13, v13  }
0x17: {  	v0 =	vld [tilespmem:$0x1380];
	(xrf2) =	vadd.scan.msk.f32 $0xffff, v3;
	v3 =	vmul.f32 v17, v17  }
0x18: {  	(xrf2) =	vadd.scan.msk.f32 $0xffff, v4;
	v4 =	vmul.f32 v18, v18  }
0x19: {  	(xrf2) =	vadd.scan.msk.f32 $0xffff, v3;
	v3 =	vmul.f32 v8, v8  }
0x1a: {  	(xrf2) =	vadd.scan.msk.f32 $0xffff, v4;
	v4 =	vmul.f32 v7, v7  }
0x1b: {  	(xrf2) =	vadd.scan.msk.f32 $0xffff, v3;
	v3 =	vmul.f32 v1, v1  }
0x1c: {  	(xrf2) =	vadd.scan.msk.f32 $0xffff, v4;
	v4 =	vmul.f32 v0, v0  }
0x1d: {  	(xrf2) =	vadd.scan.msk.f32 $0xffff, v3  }
0x1e: {  	(xrf2) =	vadd.scan.msk.f32 $0xffff, v4;
	_ =	sdelay $0x2  }
0x1f: {  	v3, _, _ =	vpop (xrf2)  }
0x20: {  	v4, _, _ =	vpop (xrf2);
	v3 =	vbroadcast v3, $0xF  }
0x21: {  	vm7 =	vmmov $0x1;
	v5, _, _ =	vpop (xrf2);
	v4 =	vbroadcast v4, $0xF  }
0x22: {  	vm6 =	vcmask $0x320;
	v6, _, _ =	vpop (xrf2);
	v3 =	vnsel vm7, $0x0, v3;
	v5 =	vbroadcast v5, $0xF  }
0x23: {  	vm5 =	vcmask $0x720;
	v9, _, _ =	vpop (xrf2);
	v3 =	vsel vm6, v3, v4;
	v4 =	vbroadcast v6, $0xF  }
0x24: {  	vm0 =	vcmask $0xB20;
	v6, _, _ =	vpop (xrf2);
	v3 =	vsel vm5, v3, v5;
	v5 =	vbroadcast v9, $0xF  }
0x25: {  	v9, _, _ =	vpop (xrf2);
	v3 =	vsel vm0, v3, v4;
	vm0 =	vcmask $0xF20;
	v4 =	vbroadcast v6, $0xF  }
0x26: {  	v3 =	vsel vm0, v3, v5;
	vm0 =	vcmask $0x1320;
	v5 =	vbroadcast v9, $0xF;
	v6, _, _ =	vpop (xrf2)  }
0x27: {  	v3 =	vsel vm0, v3, v4;
	vm0 =	vcmask $0x1720;
	v4 =	vbroadcast v6, $0xF  }
0x28: {  	v3 =	vsel vm0, v3, v5;
	vm0 =	vcmask $0x1B20  }
0x29: {  	v3 =	vsel vm0, v3, v4  }
0x2a: {  	v4 =	vshrl.u32 v3, $0x1;
	v3 =	vmul.f32 $5.000000000e-01, v3  }
0x2b: {  	v4 =	vsub.s32 $0x5F3759DF, v4  }
0x2c: {  	v5 =	vmul.f32 v4, v3;
	_ =	sdelay $0x1  }
0x2d: {  	v5 =	vmul.f32 v4, v5;
	_ =	sdelay $0x1  }
0x2e: {  	v5 =	vsub.f32 $1.500000000e+00, v5;
	_ =	sdelay $0x1  }
0x2f: {  	v4 =	vmul.f32 v4, v5;
	_ =	sdelay $0x1  }
0x30: {  	v5 =	vmul.f32 v4, v3;
	_ =	sdelay $0x1  }
0x31: {  	v5 =	vmul.f32 v5, v4;
	_ =	sdelay $0x1  }
0x32: {  	v5 =	vsub.f32 $1.500000000e+00, v5;
	_ =	sdelay $0x1  }
0x33: {  	v4 =	vmul.f32 v5, v4  }
0x34: {  	s15 =	simm.s32 $0x1  }
0x35: {  	_ =	swait.ge [sflag:s15], $0x1000;
	v3 =	vmul.f32 v4, v3  }
0x36: {  	s16 =	sand.u32 $0x60, s5;
	s17 =	sand.u32 $0x400, s5;
	[sflag:s15] =	ssyncset.done $0x0  }
0x37: {  	s9 =	sor.u32 s16, s17;
	[sflag:s15] =	ssyncadd.s32 $0xFFFFF000;
	v3 =	vmul.f32 v3, v4  }
0x38: {  	v39 =	vld [tilespmem:s9+$0x100]  }
0x39: {  	s20 =	sor.u32 s5, s5;
	v9 =	vld [tilespmem:s9+$0x80];
	v3 =	vsub.f32 $1.500000000e+00, v3  }
0x3a: {  	s21 =	sor.u32 $0x380, s20;
	v10 =	vld [tilespmem:s9+$0x180]  }
0x3b: {  	s10 =	simm.s32 $0x10;
	s8 =	sor.u32 $0x900, s17;
	v26 =	vld [tilespmem:s21+$0x0];
	v23 =	vmul.f32 v3, v4  }
0x3c: {  	s18 =	sand.u32 $0x70, s10;
	s7 =	sor.u32 s16, s8;
	v4 =	vld [tilespmem:s9+$0x0]  }
0x3d: {  	s11 =	sor.u32 s18, s17;
	v34 =	vld [tilespmem:s7+$0x0];
	v6 =	vbroadcast v23, $0x0  }
0x3e: {  	v5 =	vld [tilespmem:s11+$0x0]  }
0x3f: {  	v11 =	vmul.f32 v6, v2;
	v2 =	vld [tilespmem:s11+$0x80]  }
0x40: {  	v16 =	vmul.f32 v9, v9;
	v21 =	vmul.f32 v39, v39  }
0x41: {  	v24 =	vmul.f32 v10, v10;
	v6 =	vld [tilespmem:s11+$0x100];
	v15 =	vmul.f32 v4, v4;
	v12 =	vshrl.u32 v11, $0x10  }
0x42: {  	s12 =	sand.u32 $0x3, s5;
	v32 =	vmul.f32 v26, v26;
	v38 =	vmul.f32 v34, v34;
	v14 =	vand.u32 $0x1, v12;
	v12 =	vld [tilespmem:s9+$0x200]  }
0x43: {  	s12 =	sshll.u32 s12, $0x5;
	v20 =	vbroadcast v23, $0x1;
	v15 =	vadd.f32 v16, v15;
	v19 =	vadd.s32 v14, v11;
	v11 =	vld [tilespmem:s11+$0x180]  }
0x44: {  	s12 =	sadd.s32 $0x0, s12;
	s13 =	sand.u32 $0x7, s5;
	v16 =	vmul.f32 v5, v5;
	v14 =	vld [tilespmem:s9+$0x280];
	v22 =	vmul.f32 v2, v2  }
0x45: {  	s12 =	sor.u32 $0x300, s12;
	s19 =	sshll.u32 s13, $0x4;
	v30 =	vbroadcast v23, $0x2;
	v20 =	vmul.f32 v20, v13;
	v13 =	vld [tilespmem:s11+$0x200];
	v21 =	vadd.f32 v21, v15  }
0x46: {  	s9 =	sadd.s32 $0x0, s19;
	v19 =	vadd.s32 $0x7FFF, v19;
	v27 =	vmul.f32 v6, v6;
	v25 =	vadd.f32 v22, v16;
	v22 =	vld [tilespmem:s12+$0x0]  }
0x47: {  	v15 =	vld [tilespmem:s11+$0x280];
	s9 =	sadd.s32 $0x10, s9;
	v16 =	vand.u32 $0xFFFF0000, v19;
	v21 =	vadd.f32 v24, v21;
	v28 =	vmul.f32 v12, v12  }
0x48: {  	s22 =	sor.u32 $0x800, s17;
	s9 =	sor.u32 $0x300, s9;
	v19 =	vshrl.u32 v20, $0x10;
	v25 =	vadd.f32 v27, v25;
	v27 =	vmul.f32 v11, v11  }
0x49: {  	s24 =	sor.u32 s10, s5;
	s23 =	sor.u32 s16, s22;
	v24 =	vld [tilespmem:s9+$0x0];
	v19 =	vand.u32 $0x1, v19;
	v31 =	vmul.f32 v14, v14;
	v21 =	vadd.f32 v28, v21  }
0x4a: {  	s25 =	sor.u32 $0x880, s17;
	v29 =	vld [tilespmem:s23+$0x0];
	s9 =	sor.u32 $0x380, s24;
	v46 =	vbroadcast v16, $0x0;
	v28 =	vmul.f32 v13, v13;
	v25 =	vadd.f32 v27, v25  }
0x4b: {  	s26 =	sor.u32 s16, s25;
	v19 =	vadd.s32 v19, v20;
	v27 =	vld [tilespmem:s9+$0x0];
	v21 =	vadd.f32 v31, v21;
	v31 =	vmul.f32 v22, v22  }
0x4c: {  	s28 =	sor.u32 s18, s22;
	v20 =	vmul.f32 v30, v17;
	v30 =	vld [tilespmem:s26+$0x0];
	v17 =	vmul.f32 v15, v15;
	v25 =	vadd.f32 v28, v25  }
0x4d: {  	v33 =	vld [tilespmem:s28+$0x0];
	v47 =	vbroadcast v16, $0x1;
	v19 =	vadd.s32 $0x7FFF, v19;
	v21 =	vadd.f32 v31, v21  }
0x4e: {  	s29 =	sor.u32 s18, s25;
	v28 =	vbroadcast v23, $0x3;
	v31 =	vmul.f32 v24, v24;
	v25 =	vadd.f32 v17, v25  }
0x4f: {  	v35 =	vld [tilespmem:s29+$0x0];
	v17 =	vand.u32 $0xFFFF0000, v19;
	v19 =	vmul.f32 v29, v29;
	v21 =	vadd.f32 v32, v21  }
0x50: {  	s6 =	sor.u32 s18, s8;
	v18 =	vmul.f32 v28, v18;
	v28 =	vmul.f32 v27, v27;
	v25 =	vadd.f32 v31, v25  }
0x51: {  	v37 =	vld [tilespmem:s6+$0x0];
	v48 =	vbroadcast v16, $0x2;
	v36 =	vmul.f32 v30, v30;
	v19 =	vadd.f32 v19, v21  }
0x52: {  	v31 =	vshrl.u32 v20, $0x10;
	v21 =	vadd.f32 v28, v25;
	v25 =	vmul.f32 v33, v33  }
0x53: {  	v63 =	vshrl.u32 v18, $0x10;
	v28 =	vand.u32 $0x1, v31;
	v19 =	vadd.f32 v36, v19  }
0x54: {  	v31 =	vand.u32 $0x1, v63;
	v21 =	vadd.f32 v25, v21;
	v25 =	vmul.f32 v35, v35  }
0x55: {  	v20 =	vadd.s32 v28, v20;
	v28 =	vbroadcast v23, $0x4;
	v19 =	vadd.f32 v38, v19  }
0x56: {  	v18 =	vadd.s32 v31, v18;
	v21 =	vadd.f32 v25, v21;
	v25 =	vmul.f32 v37, v37  }
0x57: {  	v8 =	vmul.f32 v28, v8;
	v28 =	vshrl.u32 v19, $0x1;
	v31 =	vmul.f32 $5.000000000e-01, v19  }
0x58: {  	v18 =	vadd.s32 $0x7FFF, v18;
	v19 =	vadd.f32 v25, v21;
	v28 =	vsub.s32 $0x5F3759DF, v28  }
0x59: {  	v21 =	vshrl.u32 v8, $0x10;
	v25 =	vbroadcast v23, $0x5;
	v40 =	vmul.f32 v28, v31  }
0x5a: {  	v41 =	vshrl.u32 v19, $0x1;
	v38 =	vmul.f32 $5.000000000e-01, v19;
	v19 =	vand.u32 $0x1, v21  }
0x5b: {  	v7 =	vmul.f32 v25, v7;
	v25 =	vsub.s32 $0x5F3759DF, v41;
	v21 =	vmul.f32 v28, v40  }
0x5c: {  	v8 =	vadd.s32 v19, v8;
	v19 =	vand.u32 $0xFFFF0000, v18;
	v42 =	vmul.f32 v25, v38  }
0x5d: {  	v8 =	vadd.s32 $0x7FFF, v8;
	v18 =	vshrl.u32 v7, $0x10;
	v43 =	vsub.f32 $1.500000000e+00, v21  }
0x5e: {  	v21 =	vand.u32 $0xFFFF0000, v8;
	v8 =	vand.u32 $0x1, v18;
	v18 =	vbroadcast v23, $0x6  }
0x5f: {  	v32 =	vmul.f32 v25, v42;
	v7 =	vadd.s32 v8, v7;
	v8 =	vmul.f32 v28, v43  }
0x60: {  	v7 =	vadd.s32 $0x7FFF, v7;
	v1 =	vmul.f32 v18, v1;
	v18 =	vbroadcast v23, $0x7  }
0x61: {  	v28 =	vsub.f32 $1.500000000e+00, v32;
	v23 =	vand.u32 $0xFFFF0000, v7;
	v7 =	vmul.f32 v8, v31  }
0x62: {  	v49 =	vbroadcast v17, $0x0;
	v50 =	vbroadcast v17, $0x1  }
0x63: {  	v20 =	vadd.s32 $0x7FFF, v20;
	v28 =	vmul.f32 v25, v28;
	v7 =	vmul.f32 v7, v8  }
0x64: {  	v20 =	vand.u32 $0xFFFF0000, v20;
	v0 =	vmul.f32 v18, v0;
	v25 =	vshrl.u32 v1, $0x10  }
0x65: {  	v18 =	vand.u32 $0x1, v25;
	v25 =	vmul.f32 v28, v38;
	v7 =	vsub.f32 $1.500000000e+00, v7  }
0x66: {  	v51 =	vbroadcast v17, $0x2;
	v52 =	vbroadcast v20, $0x0;
	v1 =	vadd.s32 v18, v1  }
0x67: {  	v1 =	vadd.s32 $0x7FFF, v1;
	v18 =	vmul.f32 v25, v28;
	v7 =	vmul.f32 v7, v8  }
0x68: {  	v53 =	vbroadcast v20, $0x1;
	v54 =	vbroadcast v20, $0x2;
	v25 =	vand.u32 $0xFFFF0000, v1  }
0x69: {  	v1 =	vshrl.u32 v0, $0x10;
	v8 =	vsub.f32 $1.500000000e+00, v18;
	v18 =	vmul.f32 v7, v31  }
0x6a: {  	v55 =	vbroadcast v19, $0x0;
	v56 =	vbroadcast v19, $0x1;
	v1 =	vand.u32 $0x1, v1  }
0x6b: {  	v57 =	vbroadcast v21, $0x0;
	v0 =	vadd.s32 v1, v0;
	v1 =	vmul.f32 v18, v7  }
0x6c: {  	v58 =	vbroadcast v21, $0x1;
	v8 =	vmul.f32 v8, v28  }
0x6d: {  	v59 =	vbroadcast v23, $0x0;
	v60 =	vbroadcast v23, $0x1;
	v1 =	vsub.f32 $1.500000000e+00, v1  }
0x6e: {  	v61 =	vbroadcast v25, $0x0;
	v0 =	vadd.s32 $0x7FFF, v0;
	v18 =	vmul.f32 v8, v38  }
0x6f: {  	v62 =	vbroadcast v25, $0x1;
	v28 =	vand.u32 $0xFFFF0000, v0;
	v0 =	vmul.f32 v1, v7  }
0x70: {  	v63 =	vbroadcast v28, $0x0;
	v18 =	vmul.f32 v18, v8  }
0x71: {  	v3 =	vbroadcast v28, $0x1;
	v31 =	vmul.f32 v0, v34  }
0x72: {  	v1 =	vsub.f32 $1.500000000e+00, v18;
	v29 =	vmul.f32 v0, v29;
	v18 =	vmul.f32 v0, v30  }
0x73: {  	v30 =	vmul.f32 v0, v22;
	v26 =	vmul.f32 v0, v26  }
0x74: {  	v34 =	vmul.f32 v0, v12;
	v14 =	vmul.f32 v0, v14  }
0x75: {  	v36 =	vmul.f32 v0, v39;
	v44 =	vmul.f32 v1, v8  }
0x76: {  	v38 =	vmul.f32 v0, v10;
	v39 =	vmul.f32 v0, v4  }
0x77: {  	v40 =	vmul.f32 v0, v9;
	v9 =	vmul.f32 v44, v35  }
0x78: {  	v0 =	vmul.f32 v44, v37;
	v8 =	vmul.f32 v44, v27  }
0x79: {  	v10 =	vshrl.u32 v38, $0x10;
	v4 =	vmul.f32 v44, v33;
	v12 =	vmul.f32 v44, v15  }
0x7a: {  	v22 =	vshrl.u32 v34, $0x10;
	v1 =	vmul.f32 v44, v24;
	v11 =	vmul.f32 v44, v11  }
0x7b: {  	v45 =	vshrl.u32 v39, $0x10;
	v7 =	vmul.f32 v44, v13;
	v13 =	vmul.f32 v44, v5  }
0x7c: {  	v15 =	vmul.f32 v44, v6;
	v24 =	vmul.f32 v44, v2;
	v2 =	vshrl.u32 v30, $0x10  }
0x7d: {  	v5 =	vshrl.u32 v26, $0x10;
	v6 =	vshrl.u32 v29, $0x10;
	v27 =	vshrl.u32 v14, $0x10  }
0x7e: {  	v33 =	vshrl.u32 v40, $0x10;
	v44 =	vshrl.u32 v36, $0x10;
	v41 =	vand.u32 $0x1, v22  }
0x7f: {  	v42 =	vand.u32 $0x1, v10;
	v32 =	vand.u32 $0x1, v45;
	v6 =	vand.u32 $0x1, v6  }
0x80: {  	v5 =	vand.u32 $0x1, v5;
	v27 =	vand.u32 $0x1, v27;
	v37 =	vand.u32 $0x1, v2  }
0x81: {  	v35 =	vand.u32 $0x1, v44;
	v33 =	vand.u32 $0x1, v33;
	v10 =	vadd.s32 v41, v34  }
0x82: {  	[tilespmem:$0x1FEF0] =	vst v0;
	v0 =	vshrl.u32 v31, $0x10;
	v43 =	vshrl.u32 v15, $0x10;
	v44 =	vshrl.u32 v13, $0x10  }
0x83: {  	v45 =	vshrl.u32 v24, $0x10;
	v2 =	vadd.s32 v5, v26;
	v5 =	vadd.s32 v37, v30  }
0x84: {  	v30 =	vadd.s32 v33, v40;
	v10 =	vadd.s32 $0x7FFF, v10;
	v0 =	vand.u32 $0x1, v0  }
0x85: {  	v26 =	vand.u32 $0x1, v43;
	v30 =	vadd.s32 $0x7FFF, v30;
	v45 =	vand.u32 $0x1, v45  }
0x86: {  	v10 =	vand.u32 $0xFFFF0000, v10;
	v5 =	vadd.s32 $0x7FFF, v5;
	v2 =	vadd.s32 $0x7FFF, v2  }
0x87: {  	v22 =	vadd.s32 v0, v31;
	v0 =	vadd.s32 v6, v29;
	v6 =	vadd.s32 v27, v14  }
0x88: {  	v14 =	vadd.s32 v42, v38;
	v27 =	vadd.s32 v32, v39;
	v29 =	vadd.s32 v35, v36  }
0x89: {  	v31 =	vand.u32 $0x1, v44;
	v30 =	vand.u32 $0xFFFF0000, v30;
	v15 =	vadd.s32 v26, v15  }
0x8a: {  	v24 =	vadd.s32 v45, v24;
	v45 =	vbroadcast v20, $0x3;
	v5 =	vand.u32 $0xFFFF0000, v5  }
0x8b: {  	v2 =	vand.u32 $0xFFFF0000, v2;
	v27 =	vadd.s32 $0x7FFF, v27;
	v26 =	vmul.f32 v30, v47  }
0x8c: {  	v35 =	vmul.f32 v30, v50;
	v13 =	vadd.s32 v31, v13;
	v31 =	vmul.f32 v30, v53  }
0x8d: {  	v29 =	vadd.s32 $0x7FFF, v29;
	v32 =	vmul.f32 v30, v56;
	v39 =	vmul.f32 v30, v58  }
0x8e: {  	v24 =	vadd.s32 $0x7FFF, v24;
	v41 =	vmul.f32 v30, v60;
	v43 =	vmul.f32 v30, v62  }
0x8f: {  	v30 =	vmul.f32 v30, v3;
	v15 =	vadd.s32 $0x7FFF, v15;
	v14 =	vadd.s32 $0x7FFF, v14  }
0x90: {  	v6 =	vadd.s32 $0x7FFF, v6;
	v0 =	vadd.s32 $0x7FFF, v0;
	v27 =	vand.u32 $0xFFFF0000, v27  }
0x91: {  	v13 =	vadd.s32 $0x7FFF, v13;
	v24 =	vand.u32 $0xFFFF0000, v24;
	v33 =	vmul.f32 v27, v46  }
0x92: {  	v29 =	vand.u32 $0xFFFF0000, v29;
	v34 =	vmul.f32 v27, v49;
	v36 =	vmul.f32 v27, v52  }
0x93: {  	v15 =	vand.u32 $0xFFFF0000, v15;
	v37 =	vmul.f32 v27, v55;
	v38 =	vmul.f32 v27, v57  }
0x94: {  	[tilespmem:$0x1FA70] =	vst v46;
	v14 =	vand.u32 $0xFFFF0000, v14;
	v40 =	vmul.f32 v27, v59;
	v42 =	vmul.f32 v27, v61  }
0x95: {  	[tilespmem:$0x1FA80] =	vst v47;
	v13 =	vand.u32 $0xFFFF0000, v13;
	v27 =	vmul.f32 v27, v63;
	v47 =	vmul.f32 v24, v47  }
0x96: {  	[tilespmem:$0x1FAC0] =	vst v53;
	v6 =	vand.u32 $0xFFFF0000, v6;
	v53 =	vmul.f32 v24, v53;
	v44 =	vmul.f32 v13, v46  }
0x97: {  	[tilespmem:$0x1FAD0] =	vst v55;
	v0 =	vand.u32 $0xFFFF0000, v0;
	v55 =	vmul.f32 v13, v55;
	v46 =	vbroadcast v21, $0x2  }
0x98: {  	[tilespmem:$0x1FA90] =	vst v49;
	v26 =	vadd.f32 v26, v33;
	v34 =	vadd.f32 v35, v34;
	v35 =	vmul.f32 v13, v49  }
0x99: {  	[tilespmem:$0x1FAA0] =	vst v50;
	v31 =	vadd.f32 v31, v36;
	v36 =	vmul.f32 v24, v50;
	v32 =	vadd.f32 v32, v37  }
0x9a: {  	[tilespmem:$0x1FAB0] =	vst v52;
	v37 =	vmul.f32 v13, v52;
	v38 =	vadd.f32 v39, v38;
	v49 =	vmul.f32 v24, v56  }
0x9b: {  	[tilespmem:$0x1FAE0] =	vst v56;
	v27 =	vadd.f32 v30, v27;
	v30 =	vmul.f32 v13, v57;
	v50 =	vmul.f32 v24, v58  }
0x9c: {  	[tilespmem:$0x1FAF0] =	vst v57;
	v40 =	vadd.f32 v41, v40;
	v52 =	vmul.f32 v13, v59;
	v56 =	vmul.f32 v24, v62  }
0x9d: {  	[tilespmem:$0x1FB00] =	vst v58;
	v42 =	vadd.f32 v43, v42;
	v57 =	vmul.f32 v29, v48;
	v58 =	vmul.f32 v29, v51  }
0x9e: {  	[tilespmem:$0x1FB10] =	vst v59;
	v59 =	vmul.f32 v29, v54;
	v33 =	vadd.f32 v47, v44;
	v37 =	vadd.f32 v53, v37  }
0x9f: {  	v53 =	vmul.f32 v24, v60;
	v41 =	vadd.f32 v49, v55;
	v55 =	vmul.f32 v13, v61  }
0xa0: {  	[tilespmem:$0x1FB20] =	vst v60;
	v35 =	vadd.f32 v36, v35;
	v13 =	vmul.f32 v13, v63;
	v24 =	vmul.f32 v24, v3  }
0xa1: {  	[tilespmem:$0x1FB60] =	vst v3;
	v30 =	vadd.f32 v50, v30;
	v3 =	vbroadcast v19, $0x2;
	v60 =	vmul.f32 v29, v46  }
0xa2: {  	[tilespmem:$0x1FB30] =	vst v61;
	v26 =	vadd.f32 v26, v57;
	v61 =	vbroadcast v23, $0x2;
	v49 =	vbroadcast v25, $0x2  }
0xa3: {  	v34 =	vadd.f32 v34, v58;
	v50 =	vbroadcast v28, $0x2;
	v57 =	vmul.f32 v15, v51  }
0xa4: {  	[tilespmem:$0x1FB90] =	vst v54;
	v31 =	vadd.f32 v31, v59;
	v58 =	vmul.f32 v15, v54;
	v54 =	vbroadcast v21, $0x3  }
0xa5: {  	[tilespmem:$0x1FB40] =	vst v62;
	v36 =	vadd.f32 v53, v52;
	v13 =	vadd.f32 v24, v13;
	v24 =	vmul.f32 v29, v3  }
0xa6: {  	[tilespmem:$0x1FB50] =	vst v63;
	v43 =	vadd.f32 v56, v55;
	v62 =	vmul.f32 v29, v61;
	v63 =	vmul.f32 v29, v49  }
0xa7: {  	v29 =	vmul.f32 v29, v50;
	v52 =	vshrl.u32 v12, $0x10;
	v53 =	vmul.f32 v15, v48  }
0xa8: {  	v56 =	vshrl.u32 v11, $0x10;
	[tilespmem:$0x1FBA0] =	vst v3;
	v59 =	vmul.f32 v15, v3;
	v3 =	vbroadcast v16, $0x3  }
0xa9: {  	[tilespmem:$0x1FBC0] =	vst v61;
	v61 =	vmul.f32 v15, v61;
	v24 =	vadd.f32 v32, v24;
	v32 =	vadd.f32 v38, v60  }
0xaa: {  	v55 =	vand.u32 $0x1, v52;
	v38 =	vadd.f32 v40, v62;
	v39 =	vadd.f32 v42, v63  }
0xab: {  	v12 =	vadd.s32 v55, v12;
	v27 =	vadd.f32 v27, v29;
	v60 =	vmul.f32 v15, v46  }
0xac: {  	v29 =	vadd.f32 v33, v53;
	v62 =	vmul.f32 v15, v49;
	v15 =	vmul.f32 v15, v50  }
0xad: {  	v33 =	vand.u32 $0x1, v56;
	v63 =	vbroadcast v17, $0x3;
	v52 =	vmul.f32 v14, v3  }
0xae: {  	v36 =	vadd.f32 v36, v61;
	v53 =	vbroadcast v19, $0x3;
	v55 =	vbroadcast v23, $0x3  }
0xaf: {  	v11 =	vadd.s32 v33, v11;
	v33 =	vadd.f32 v35, v57;
	v35 =	vadd.f32 v37, v58  }
0xb0: {  	v37 =	vadd.f32 v41, v59;
	v57 =	vbroadcast v25, $0x3;
	v58 =	vbroadcast v28, $0x3  }
0xb1: {  	v30 =	vadd.f32 v30, v60;
	v56 =	vmul.f32 v14, v63;
	v13 =	vadd.f32 v13, v15  }
0xb2: {  	v15 =	vmul.f32 v14, v45;
	v59 =	vmul.f32 v14, v53;
	v11 =	vadd.s32 $0x7FFF, v11  }
0xb3: {  	v60 =	vmul.f32 v14, v55;
	v61 =	vmul.f32 v14, v57;
	v11 =	vand.u32 $0xFFFF0000, v11  }
0xb4: {  	[tilespmem:$0x1FB80] =	vst v51;
	v15 =	vadd.f32 v31, v15;
	v31 =	vmul.f32 v14, v54;
	v14 =	vmul.f32 v14, v58  }
0xb5: {  	v41 =	vadd.f32 v43, v62;
	[tilespmem:$0x1FC00] =	vst v63;
	v62 =	vmul.f32 v11, v3;
	v63 =	vmul.f32 v11, v63  }
0xb6: {  	[tilespmem:$0x1FBE0] =	vst v50;
	v12 =	vadd.s32 $0x7FFF, v12;
	v50 =	vmul.f32 v11, v45;
	v43 =	vmul.f32 v11, v53  }
0xb7: {  	[tilespmem:$0x1FBF0] =	vst v3;
	v26 =	vadd.f32 v26, v52;
	v51 =	vmul.f32 v11, v54;
	v3 =	vbroadcast v16, $0x4  }
0xb8: {  	[tilespmem:$0x1FC20] =	vst v53;
	v12 =	vand.u32 $0xFFFF0000, v12;
	v52 =	vmul.f32 v11, v55;
	v53 =	vmul.f32 v11, v57  }
0xb9: {  	[tilespmem:$0x1FC30] =	vst v54;
	v34 =	vadd.f32 v34, v56;
	v54 =	vbroadcast v17, $0x4;
	v11 =	vmul.f32 v11, v58  }
0xba: {  	[tilespmem:$0x1FC50] =	vst v57;
	v24 =	vadd.f32 v24, v59;
	v56 =	vbroadcast v20, $0x4;
	v57 =	vbroadcast v19, $0x4  }
0xbb: {  	v59 =	vbroadcast v21, $0x4;
	v31 =	vadd.f32 v32, v31;
	v32 =	vadd.f32 v38, v60  }
0xbc: {  	[tilespmem:$0x1FC10] =	vst v45;
	v45 =	vbroadcast v23, $0x6;
	v38 =	vadd.f32 v39, v61;
	v14 =	vadd.f32 v27, v14  }
0xbd: {  	[tilespmem:$0x1FC40] =	vst v55;
	v27 =	vshrl.u32 v7, $0x10;
	v30 =	vadd.f32 v30, v51;
	v36 =	vadd.f32 v36, v52  }
0xbe: {  	[tilespmem:$0x1FC60] =	vst v58;
	v55 =	vmul.f32 v10, v3;
	v58 =	vmul.f32 v10, v54;
	v11 =	vadd.f32 v13, v11  }
0xbf: {  	v13 =	vmul.f32 v10, v56;
	v60 =	vbroadcast v23, $0x4;
	v27 =	vand.u32 $0x1, v27  }
0xc0: {  	v61 =	vmul.f32 v10, v57;
	v7 =	vadd.s32 v27, v7;
	v27 =	vadd.f32 v29, v62  }
0xc1: {  	v29 =	vadd.f32 v33, v63;
	v26 =	vadd.f32 v26, v55;
	v62 =	vbroadcast v25, $0x4  }
0xc2: {  	v13 =	vadd.f32 v15, v13;
	v15 =	vmul.f32 v10, v59;
	v47 =	vmul.f32 v10, v60  }
0xc3: {  	v63 =	vbroadcast v28, $0x4;
	v55 =	vbroadcast v20, $0x5;
	v7 =	vadd.s32 $0x7FFF, v7  }
0xc4: {  	v15 =	vadd.f32 v31, v15;
	v31 =	vmul.f32 v10, v62;
	v32 =	vadd.f32 v32, v47  }
0xc5: {  	[tilespmem:$0x1FB70] =	vst v48;
	v10 =	vmul.f32 v10, v63;
	v7 =	vand.u32 $0xFFFF0000, v7;
	v47 =	vbroadcast v25, $0x6  }
0xc6: {  	[tilespmem:$0x1FBD0] =	vst v49;
	v33 =	vadd.f32 v35, v50;
	v48 =	vmul.f32 v7, v3;
	v49 =	vmul.f32 v7, v54  }
0xc7: {  	[tilespmem:$0x1FC70] =	vst v3;
	v35 =	vadd.f32 v37, v43;
	v50 =	vmul.f32 v7, v57;
	v51 =	vmul.f32 v7, v59  }
0xc8: {  	[tilespmem:$0x1FC80] =	vst v54;
	v37 =	vadd.f32 v41, v53;
	v52 =	vmul.f32 v7, v60;
	v53 =	vmul.f32 v7, v62  }
0xc9: {  	[tilespmem:$0x1FCA0] =	vst v57;
	v34 =	vadd.f32 v34, v58;
	v3 =	vbroadcast v16, $0x5;
	v54 =	vbroadcast v17, $0x5  }
0xca: {  	v24 =	vadd.f32 v24, v61;
	[tilespmem:$0x1FCC0] =	vst v60;
	v57 =	vbroadcast v21, $0x5;
	v60 =	vmul.f32 v6, v55  }
0xcb: {  	[tilespmem:$0x1FCD0] =	vst v62;
	v62 =	vbroadcast v23, $0x5;
	v10 =	vadd.f32 v14, v10;
	v14 =	vmul.f32 v7, v56  }
0xcc: {  	[tilespmem:$0x1FC90] =	vst v56;
	v31 =	vadd.f32 v38, v31;
	v7 =	vmul.f32 v7, v63;
	v56 =	vbroadcast v19, $0x5  }
0xcd: {  	[tilespmem:$0x1FCE0] =	vst v63;
	v63 =	vbroadcast v25, $0x5;
	v27 =	vadd.f32 v27, v48;
	v29 =	vadd.f32 v29, v49  }
0xce: {  	[tilespmem:$0x1FCB0] =	vst v59;
	v30 =	vadd.f32 v30, v51;
	v58 =	vmul.f32 v6, v3;
	v59 =	vmul.f32 v6, v54  }
0xcf: {  	v37 =	vadd.f32 v37, v53;
	v61 =	vmul.f32 v6, v57;
	v48 =	vbroadcast v28, $0x5  }
0xd0: {  	v13 =	vadd.f32 v13, v60;
	v51 =	vmul.f32 v12, v3;
	v53 =	vmul.f32 v12, v54  }
0xd1: {  	[tilespmem:$0x1FD00] =	vst v54;
	v54 =	vmul.f32 v12, v55;
	v60 =	vbroadcast v20, $0x6;
	v14 =	vadd.f32 v33, v14  }
0xd2: {  	[tilespmem:$0x1FD10] =	vst v55;
	v33 =	vadd.f32 v35, v50;
	v7 =	vadd.f32 v11, v7;
	v11 =	vmul.f32 v6, v56  }
0xd3: {  	[tilespmem:$0x1FD30] =	vst v57;
	v35 =	vadd.f32 v36, v52;
	v49 =	vmul.f32 v6, v63;
	v55 =	vmul.f32 v12, v56  }
0xd4: {  	v50 =	vshrl.u32 v4, $0x10;
	[tilespmem:$0x1FD20] =	vst v56;
	v56 =	vmul.f32 v12, v57;
	v57 =	vmul.f32 v12, v62  }
0xd5: {  	v26 =	vadd.f32 v26, v58;
	v34 =	vadd.f32 v34, v59;
	v58 =	vmul.f32 v12, v63  }
0xd6: {  	v15 =	vadd.f32 v15, v61;
	v12 =	vmul.f32 v12, v48;
	v59 =	vbroadcast v17, $0x6  }
0xd7: {  	[tilespmem:$0x1FD50] =	vst v63;
	v52 =	vand.u32 $0x1, v50;
	v63 =	vbroadcast v21, $0x6;
	v50 =	vmul.f32 v5, v45  }
0xd8: {  	v11 =	vadd.f32 v24, v11;
	v24 =	vmul.f32 v6, v62;
	v6 =	vmul.f32 v6, v48  }
0xd9: {  	[tilespmem:$0x1FD40] =	vst v62;
	v31 =	vadd.f32 v31, v49;
	v14 =	vadd.f32 v14, v54;
	v62 =	vbroadcast v19, $0x6  }
0xda: {  	[tilespmem:$0x1FD60] =	vst v48;
	v30 =	vadd.f32 v30, v56;
	v48 =	vbroadcast v28, $0x6;
	v54 =	vbroadcast v17, $0x7  }
0xdb: {  	[tilespmem:$0x1FBB0] =	vst v46;
	v56 =	vbroadcast v20, $0x7;
	v46 =	vmul.f32 v5, v59;
	v7 =	vadd.f32 v7, v12  }
0xdc: {  	v12 =	vmul.f32 v5, v60;
	v24 =	vadd.f32 v32, v24;
	v6 =	vadd.f32 v10, v6  }
0xdd: {  	v10 =	vadd.f32 v27, v51;
	v27 =	vshrl.u32 v1, $0x10;
	v49 =	vmul.f32 v5, v62  }
0xde: {  	v32 =	vadd.f32 v35, v57;
	v51 =	vmul.f32 v5, v47;
	v57 =	vbroadcast v19, $0x7  }
0xdf: {  	v27 =	vand.u32 $0x1, v27;
	v34 =	vadd.f32 v34, v46;
	v12 =	vadd.f32 v13, v12  }
0xe0: {  	[tilespmem:$0x1FCF0] =	vst v3;
	v13 =	vmul.f32 v5, v63;
	v46 =	vbroadcast v20, $0x8;
	v3 =	vadd.s32 v27, v1  }
0xe1: {  	v27 =	vadd.f32 v29, v53;
	v29 =	vadd.f32 v33, v55;
	v1 =	vbroadcast v16, $0x6  }
0xe2: {  	v33 =	vadd.f32 v37, v58;
	v11 =	vadd.f32 v11, v49;
	v58 =	vmul.f32 v2, v54  }
0xe3: {  	v13 =	vadd.f32 v15, v13;
	v15 =	vadd.f32 v24, v50;
	v3 =	vadd.s32 $0x7FFF, v3  }
0xe4: {  	v24 =	vadd.f32 v31, v51;
	v49 =	vmul.f32 v0, v46;
	v50 =	vbroadcast v23, $0x8  }
0xe5: {  	v51 =	vbroadcast v25, $0x8;
	v61 =	vmul.f32 v5, v1;
	v3 =	vand.u32 $0xFFFF0000, v3  }
0xe6: {  	v4 =	vadd.s32 v52, v4;
	v5 =	vmul.f32 v5, v48;
	v31 =	vmul.f32 v3, v1  }
0xe7: {  	[tilespmem:$0x1FD90] =	vst v60;
	v4 =	vadd.s32 $0x7FFF, v4;
	v52 =	vmul.f32 v3, v59;
	v53 =	vmul.f32 v3, v60  }
0xe8: {  	[tilespmem:$0x1FD80] =	vst v59;
	v4 =	vand.u32 $0xFFFF0000, v4;
	v37 =	vmul.f32 v3, v62;
	v59 =	vbroadcast v21, $0x7  }
0xe9: {  	[tilespmem:$0x1FDA0] =	vst v62;
	v60 =	vbroadcast v23, $0x7;
	v62 =	vbroadcast v25, $0x7;
	v26 =	vadd.f32 v26, v61  }
0xea: {  	v5 =	vadd.f32 v6, v5;
	v6 =	vshrl.u32 v8, $0x10;
	v61 =	vmul.f32 v2, v57  }
0xeb: {  	v6 =	vand.u32 $0x1, v6;
	v14 =	vadd.f32 v14, v53;
	v42 =	vmul.f32 v2, v60  }
0xec: {  	[tilespmem:$0x1FD70] =	vst v1;
	v1 =	vadd.s32 v6, v8;
	v6 =	vadd.f32 v10, v31;
	v10 =	vadd.f32 v27, v52  }
0xed: {  	v27 =	vadd.f32 v29, v37;
	v29 =	vmul.f32 v3, v63;
	v8 =	vbroadcast v16, $0x7  }
0xee: {  	[tilespmem:$0x1FDB0] =	vst v63;
	v53 =	vshrl.u32 v18, $0x10;
	v31 =	vmul.f32 v3, v45;
	v63 =	vbroadcast v28, $0x7  }
0xef: {  	[tilespmem:$0x1FDC0] =	vst v45;
	v11 =	vadd.f32 v11, v61;
	v45 =	vbroadcast v17, $0x8;
	v52 =	vbroadcast v28, $0x8  }
0xf0: {  	v29 =	vadd.f32 v30, v29;
	v30 =	vmul.f32 v3, v47;
	v3 =	vmul.f32 v3, v48  }
0xf1: {  	v61 =	vbroadcast v25, $0x9;
	v25 =	vbroadcast v25, $0xA;
	v1 =	vadd.s32 $0x7FFF, v1  }
0xf2: {  	v31 =	vadd.f32 v32, v31;
	v3 =	vadd.f32 v7, v3;
	v7 =	vmul.f32 v2, v56  }
0xf3: {  	[tilespmem:$0x1FDD0] =	vst v47;
	v55 =	vmul.f32 v2, v8;
	v1 =	vand.u32 $0xFFFF0000, v1;
	v47 =	vbroadcast v19, $0x8  }
0xf4: {  	[tilespmem:$0x1FDE0] =	vst v48;
	v48 =	vbroadcast v21, $0x8;
	v7 =	vadd.f32 v12, v7;
	v12 =	vmul.f32 v2, v59  }
0xf5: {  	v32 =	vadd.f32 v34, v58;
	v58 =	vbroadcast v19, $0x9;
	v43 =	vmul.f32 v1, v54  }
0xf6: {  	v12 =	vadd.f32 v13, v12;
	v13 =	vmul.f32 v2, v62;
	v2 =	vmul.f32 v2, v63  }
0xf7: {  	[tilespmem:$0x1FE20] =	vst v57;
	v15 =	vadd.f32 v15, v42;
	v44 =	vmul.f32 v1, v57;
	v57 =	vbroadcast v20, $0x9  }
0xf8: {  	v30 =	vadd.f32 v33, v30;
	v2 =	vadd.f32 v5, v2;
	v5 =	vmul.f32 v1, v56  }
0xf9: {  	[tilespmem:$0x1FDF0] =	vst v8;
	v13 =	vadd.f32 v24, v13;
	v24 =	vmul.f32 v1, v8;
	v8 =	vbroadcast v16, $0x8  }
0xfa: {  	v5 =	vadd.f32 v14, v5;
	v14 =	vadd.f32 v27, v44;
	v27 =	vmul.f32 v1, v60  }
0xfb: {  	v26 =	vadd.f32 v26, v55;
	v6 =	vadd.f32 v6, v24;
	v24 =	vmul.f32 v1, v59  }
0xfc: {  	v55 =	vmul.f32 v4, v47;
	v27 =	vadd.f32 v31, v27;
	v31 =	vmul.f32 v0, v8  }
0xfd: {  	v24 =	vadd.f32 v29, v24;
	v29 =	vmul.f32 v1, v62;
	v1 =	vmul.f32 v1, v63  }
0xfe: {  	[tilespmem:$0x1FE10] =	vst v56;
	v10 =	vadd.f32 v10, v43;
	v56 =	vmul.f32 v4, v48;
	v26 =	vadd.f32 v26, v31  }
0xff: {  	v1 =	vadd.f32 v3, v1;
	v3 =	vmul.f32 v0, v47;
	v31 =	vmul.f32 v0, v48  }
0x100: {  	[tilespmem:$0x1FE00] =	vst v54;
	v54 =	vmul.f32 v4, v8;
	v29 =	vadd.f32 v30, v29;
	v30 =	vmul.f32 v0, v45  }
0x101: {  	v3 =	vadd.f32 v11, v3;
	v11 =	vadd.f32 v12, v31;
	v12 =	vmul.f32 v0, v50  }
0x102: {  	[tilespmem:$0x1FE30] =	vst v59;
	v7 =	vadd.f32 v7, v49;
	v31 =	vmul.f32 v0, v51;
	v0 =	vmul.f32 v0, v52  }
0x103: {  	[tilespmem:$0x1FE40] =	vst v60;
	v59 =	vbroadcast v21, $0x9;
	v60 =	vbroadcast v23, $0x9;
	v12 =	vadd.f32 v15, v12  }
0x104: {  	v13 =	vadd.f32 v13, v31;
	v15 =	vand.u32 $0x1, v53;
	v0 =	vadd.f32 v2, v0  }
0x105: {  	v2 =	vadd.f32 v6, v54;
	v6 =	vshrl.u32 v9, $0x10;
	v31 =	vmul.f32 v4, v46  }
0x106: {  	[tilespmem:$0x1FE70] =	vst v8;
	v8 =	vadd.s32 v15, v18;
	v15 =	vmul.f32 v4, v45;
	v6 =	vand.u32 $0x1, v6  }
0x107: {  	v23 =	vbroadcast v23, $0xA;
	v18 =	vbroadcast v16, $0x9;
	v6 =	vadd.s32 v6, v9  }
0x108: {  	v5 =	vadd.f32 v5, v31;
	v8 =	vadd.s32 $0x7FFF, v8;
	v9 =	vadd.f32 v10, v15  }
0x109: {  	v10 =	vadd.f32 v14, v55;
	v14 =	vadd.f32 v24, v56;
	v15 =	vmul.f32 v4, v50  }
0x10a: {  	v24 =	vmul.f32 v4, v51;
	v8 =	vand.u32 $0xFFFF0000, v8;
	v4 =	vmul.f32 v4, v52  }
0x10b: {  	v31 =	vbroadcast v17, $0x9;
	v15 =	vadd.f32 v27, v15;
	v27 =	vmul.f32 v8, v18  }
0x10c: {  	[tilespmem:$0x1FE50] =	vst v62;
	v62 =	vbroadcast v28, $0x9;
	v1 =	vadd.f32 v1, v4;
	v4 =	vmul.f32 v8, v57  }
0x10d: {  	v30 =	vadd.f32 v32, v30;
	v26 =	vadd.f32 v26, v27;
	v27 =	vmul.f32 v8, v31  }
0x10e: {  	[tilespmem:$0x1FE60] =	vst v63;
	v63 =	vld [tilespmem:$0x1FEF0];
	v24 =	vadd.f32 v29, v24;
	v29 =	vmul.f32 v8, v58;
	v4 =	vadd.f32 v7, v4  }
0x10f: {  	v7 =	vmul.f32 v8, v59;
	v27 =	vadd.f32 v30, v27;
	v30 =	vmul.f32 v8, v60  }
0x110: {  	v3 =	vadd.f32 v3, v29;
	v29 =	vmul.f32 v8, v61;
	v8 =	vmul.f32 v8, v62  }
0x111: {  	v6 =	vadd.s32 $0x7FFF, v6;
	v7 =	vadd.f32 v11, v7;
	v11 =	vadd.f32 v12, v30  }
0x112: {  	v6 =	vand.u32 $0xFFFF0000, v6;
	v12 =	vadd.f32 v13, v29;
	v0 =	vadd.f32 v0, v8  }
0x113: {  	v8 =	vshrl.u32 v63, $0x10;
	v13 =	vmul.f32 v6, v18;
	v29 =	vmul.f32 v6, v31  }
0x114: {  	[tilespmem:$0x1FF10] =	vst v31;
	v30 =	vmul.f32 v6, v57;
	v31 =	vmul.f32 v6, v58;
	v8 =	vand.u32 $0x1, v8  }
0x115: {  	[tilespmem:$0x1FF00] =	vst v18;
	v18 =	vmul.f32 v6, v60;
	v8 =	vadd.s32 v8, v63;
	v2 =	vadd.f32 v2, v13  }
0x116: {  	v9 =	vadd.f32 v9, v29;
	v5 =	vadd.f32 v5, v30;
	v13 =	vmul.f32 v6, v59  }
0x117: {  	v10 =	vadd.f32 v10, v31;
	v29 =	vbroadcast v16, $0xA;
	v16 =	vadd.s32 $0x7FFF, v22  }
0x118: {  	v13 =	vadd.f32 v14, v13;
	v14 =	vand.u32 $0xFFFF0000, v16;
	v16 =	vmul.f32 v6, v61  }
0x119: {  	v15 =	vadd.f32 v15, v18;
	v30 =	vbroadcast v17, $0xA;
	v17 =	vmul.f32 v14, v29  }
0x11a: {  	v6 =	vmul.f32 v6, v62;
	v16 =	vadd.f32 v24, v16;
	v24 =	vbroadcast v20, $0xA  }
0x11b: {  	v18 =	vmul.f32 v14, v30;
	v17 =	vadd.f32 v26, v17;
	v26 =	vbroadcast v19, $0xA  }
0x11c: {  	v31 =	vbroadcast v21, $0xA;
	v1 =	vadd.f32 v1, v6;
	v6 =	vmul.f32 v14, v24  }
0x11d: {  	[tilespmem:$0x1FE90] =	vst v46;
	v18 =	vadd.f32 v27, v18;
	v27 =	vbroadcast v28, $0xA;
	v19 =	vmul.f32 v14, v26  }
0x11e: {  	[tilespmem:$0x1FEC0] =	vst v50;
	v20 =	vadd.f32 v4, v6;
	v4 =	vmul.f32 v14, v31;
	v6 =	vadd.s32 $0x7FFF, v8  }
0x11f: {  	[tilespmem:$0x1FED0] =	vst v51;
	v8 =	vmul.f32 v14, v27;
	v21 =	vadd.f32 v3, v19;
	v3 =	vmul.f32 v14, v23  }
0x120: {  	[tilespmem:$0x1FE80] =	vst v45;
	v6 =	vand.u32 $0xFFFF0000, v6;
	v19 =	vimm.f32 $-3.000000010e+38;
	v22 =	vadd.f32 v7, v4  }
0x121: {  	[tilespmem:$0x1FEE0] =	vst v52;
	v7 =	vmul.f32 v14, v25;
	v0 =	vadd.f32 v0, v8;
	v8 =	vmul.f32 v6, v24  }
0x122: {  	[tilespmem:$0x1FF60] =	vst v61;
	vm15 =	vgt.f32 v17, v19;
	vm8 =	vgt.f32 v18, v19;
	vm13 =	vgt.f32 v20, v19  }
0x123: {  	[tilespmem:$0x1FFA0] =	vst v24;
	v24 =	vimm.s32 $0x0;
	v4 =	vadd.f32 v11, v3;
	v11 =	vmul.f32 v6, v30  }
0x124: {  	[tilespmem:$0x1FFE0] =	vst v25;
	vm11 =	vgt.f32 v21, v19;
	v3 =	vadd.f32 v12, v7;
	v7 =	vmul.f32 v6, v29  }
0x125: {  	[tilespmem:$0x1FEA0] =	vst v47;
	v12 =	vmul.f32 v6, v26;
	v11 =	vadd.f32 v9, v11;
	v9 =	vadd.f32 v5, v8  }
0x126: {  	[tilespmem:$0x1FFD0] =	vst v23;
	v5 =	vmul.f32 v6, v23;
	v23 =	vimm.s32 $0x0;
	v14 =	vadd.f32 v2, v7  }
0x127: {  	[tilespmem:$0x1FEB0] =	vst v48;
	v8 =	vadd.f32 v10, v12;
	v2 =	vmul.f32 v6, v31;
	v10 =	vmul.f32 v6, v25  }
0x128: {  	[tilespmem:$0x1FFF0] =	vst v27;
	v12 =	vmul.f32 v6, v27;
	v27 =	vimm.s32 $0x0;
	v7 =	vadd.f32 v15, v5  }
0x129: {  	[tilespmem:$0x1FF30] =	vst v58;
	v5 =	vsel vm15, v17, v19;
	v17 =	vimm.s32 $0x0;
	v2 =	vadd.f32 v13, v2  }
0x12a: {  	[tilespmem:$0x1FF20] =	vst v57;
	v6 =	vadd.f32 v16, v10;
	v1 =	vadd.f32 v1, v12;
	vm9 =	vgt.f32 v14, v5  }
0x12b: {  	s30 =	rddreg [dreg:$0x6];
	[tilespmem:$0x1FF40] =	vst v59;
	v10 =	vlaneseq.u32;
	v13 =	vsel vm13, v20, v19;
	v12 =	vsel vm11, v21, v19  }
0x12c: {  	s6 =	sadd.s32 $0x0, s30;
	[tilespmem:$0x1FF50] =	vst v60;
	v21 =	vimm.f32 $-3.000000010e+38;
	v25 =	vsel vm9, v14, v5;
	v5 =	vsel vm8, v18, v19  }
0x12d: {  	[tilespmem:$0x1FF80] =	vst v29;
	v20 =	vimm.s32 $0x0;
	v29 =	vor.u32 s6, v10;
	vm10 =	vgt.f32 v11, v5  }
0x12e: {  	s31 =	sadd.s32 $0x10, s6;
	[tilespmem:$0x1FFB0] =	vst v26;
	vm14 =	vgt.f32 v9, v13;
	vm12 =	vgt.f32 v8, v12;
	v26 =	vsel vm10, v11, v5  }
0x12f: {  	[tilespmem:$0x1FF70] =	vst v62;
	v5 =	vor.u32 s31, v10;
	v10 =	vsel vm8, v29, v23;
	vm8 =	vgt.f32 v22, v19  }
0x130: {  	s8 =	simm.s32 $0x20;
	[tilespmem:$0x1FF90] =	vst v30;
	v18 =	vimm.s32 $0x0;
	v16 =	vsel vm10, v5, v10;
	v11 =	vsel vm8, v22, v19  }
0x131: {  	s7 =	simm.s32 $0x100;
	s9 =	simm.s32 $0x0;
	[tilespmem:$0x1FFC0] =	vst v31;
	s6 =	simm.s32 $0x0;
	v10 =	vsel vm15, v29, v23;
	v22 =	vimm.f32 $-3.000000010e+38;
	vm10 =	vgt.f32 v2, v11  }
.LBB2_1:
0x132: {  	_ =	sdelay $0x1  }
0x133: {  	v9 =	vsel vm14, v9, v13;
	v8 =	vsel vm12, v8, v12;
	vm15 =	vgt.f32 v4, v19  }
0x134: {  	v2 =	vsel vm10, v2, v11;
	[tilespmem:$0x1FA40] =	vst v8;
	vm0 =	vgt.f32 v3, v22;
	v8 =	vsel vm15, v4, v19  }
0x135: {  	[tilespmem:$0x1FA30] =	vst v9;
	vm1 =	vgt.f32 v0, v21;
	v9 =	vsel vm0, v3, v22;
	vm2 =	vgt.f32 v7, v8  }
0x136: {  	s10 =	sand.u32 $0x60, s8;
	s12 =	sand.u32 $0x400, s7;
	[tilespmem:$0x1FA50] =	vst v2;
	v0 =	vsel vm1, v0, v21;
	vm3 =	vgt.f32 v6, v9;
	v7 =	vsel vm2, v7, v8  }
0x137: {  	s14 =	sor.u32 s10, s12;
	vm4 =	vgt.f32 v1, v0;
	v6 =	vsel vm3, v6, v9;
	[tilespmem:$0x1F9B0] =	vst v7  }
0x138: {  	s13 =	sadd.s32 $0x10, s8;
	v3 =	vld [tilespmem:s14+$0x0];
	v0 =	vsel vm4, v1, v0;
	[tilespmem:$0x1F990] =	vst v6;
	v6 =	vsel vm15, v29, v23  }
0x139: {  	s11 =	sand.u32 $0x70, s13;
	v4 =	vld [tilespmem:s14+$0x80];
	[tilespmem:$0x1F9F0] =	vst v0;
	v7 =	vsel vm0, v29, v20;
	v6 =	vsel vm2, v5, v6  }
0x13a: {  	v2 =	vld [tilespmem:s14+$0x100];
	s15 =	sor.u32 s11, s12;
	v8 =	vsel vm1, v29, v18;
	[tilespmem:$0x1FA20] =	vst v6;
	v6 =	vsel vm3, v5, v7  }
0x13b: {  	v1 =	vld [tilespmem:s15+$0x80];
	[tilespmem:$0x1F9E0] =	vst v6;
	v6 =	vsel vm4, v5, v8;
	v8 =	vsel vm13, v29, v17  }
0x13c: {  	v9 =	vsel vm11, v29, v27;
	v0 =	vld [tilespmem:s15+$0x0];
	[tilespmem:$0x1F9A0] =	vst v6;
	v8 =	vsel vm14, v5, v8  }
0x13d: {  	v11 =	vsel vm8, v29, v24;
	v7 =	vld [tilespmem:s14+$0x180];
	[tilespmem:$0x1FA60] =	vst v8;
	v8 =	vsel vm12, v5, v9  }
0x13e: {  	v12 =	vmul.f32 v4, v4;
	v6 =	vld [tilespmem:s15+$0x100];
	v9 =	vmul.f32 v3, v3;
	[tilespmem:$0x1F500] =	vst v8;
	v8 =	vsel vm10, v5, v11  }
0x13f: {  	s5 =	sadd.s32 $0x1, s5;
	v5 =	vsel vm9, v5, v10;
	[tilespmem:$0x1F510] =	vst v8;
	v8 =	vld [tilespmem:s14+$0x200]  }
0x140: {  	s9 =	sadd.s32 $0x2, s9;
	s16 =	sand.u32 $0x3, s5;
	v10 =	vmul.f32 v2, v2;
	[tilespmem:$0x1FA10] =	vst v5;
	v5 =	vld [tilespmem:s15+$0x180];
	v12 =	vadd.f32 v12, v9  }
0x141: {  	s17 =	sand.u32 $0x7, s9;
	s16 =	sshll.u32 s16, $0x5;
	v14 =	vmul.f32 v1, v1;
	v13 =	vmul.f32 v0, v0;
	v11 =	vld [tilespmem:s14+$0x280]  }
0x142: {  	s20 =	sshll.u32 s17, $0x4;
	s16 =	sadd.s32 s16, s7;
	v15 =	vmul.f32 v7, v7;
	v9 =	vld [tilespmem:s15+$0x200];
	v12 =	vadd.f32 v10, v12  }
0x143: {  	[tilespmem:$0x1FA00] =	vst v16;
	s21 =	sor.u32 s8, s7;
	s16 =	sor.u32 $0x300, s16;
	s14 =	sadd.s32 s7, s20;
	v16 =	vadd.f32 v14, v13;
	v10 =	vld [tilespmem:s15+$0x280];
	v17 =	vmul.f32 v6, v6  }
0x144: {  	s22 =	sor.u32 $0x380, s21;
	v13 =	vld [tilespmem:s16+$0x0];
	s14 =	sadd.s32 $0x10, s14;
	v15 =	vadd.f32 v15, v12  }
0x145: {  	s23 =	sor.u32 $0x800, s12;
	v14 =	vld [tilespmem:s22+$0x0];
	s14 =	sor.u32 $0x300, s14;
	v16 =	vadd.f32 v17, v16;
	v18 =	vmul.f32 v8, v8;
	v17 =	vmul.f32 v5, v5  }
0x146: {  	s13 =	sor.u32 s13, s7;
	s24 =	sor.u32 s10, s23;
	v20 =	vmul.f32 v11, v11;
	v12 =	vld [tilespmem:s14+$0x0]  }
0x147: {  	s25 =	sor.u32 $0x880, s12;
	s13 =	sor.u32 $0x380, s13;
	v21 =	vld [tilespmem:s24+$0x0];
	v15 =	vadd.f32 v18, v15;
	v16 =	vadd.f32 v17, v16;
	v17 =	vmul.f32 v9, v9  }
0x148: {  	s26 =	sor.u32 s10, s25;
	v18 =	vld [tilespmem:s13+$0x0];
	v22 =	vmul.f32 v10, v10  }
0x149: {  	s12 =	sor.u32 $0x900, s12;
	s28 =	sor.u32 s11, s23;
	v23 =	vld [tilespmem:s26+$0x0];
	v15 =	vadd.f32 v20, v15;
	v20 =	vmul.f32 v13, v13;
	v16 =	vadd.f32 v17, v16  }
0x14a: {  	s10 =	sor.u32 s10, s12;
	v24 =	vld [tilespmem:s28+$0x0];
	v17 =	vmul.f32 v14, v14  }
0x14b: {  	[tilespmem:$0x1F9D0] =	vst v26;
	s29 =	sor.u32 s11, s25;
	v26 =	vld [tilespmem:s10+$0x0];
	v15 =	vadd.f32 v20, v15;
	v16 =	vadd.f32 v22, v16;
	v20 =	vmul.f32 v12, v12  }
0x14c: {  	v27 =	vld [tilespmem:s29+$0x0];
	v22 =	vmul.f32 v21, v21  }
0x14d: {  	s30 =	sor.u32 s11, s12;
	v15 =	vadd.f32 v17, v15;
	v16 =	vadd.f32 v20, v16;
	v17 =	vmul.f32 v18, v18  }
0x14e: {  	v28 =	vld [tilespmem:s30+$0x0];
	v20 =	vmul.f32 v23, v23  }
0x14f: {  	v15 =	vadd.f32 v22, v15;
	v16 =	vadd.f32 v17, v16;
	v17 =	vmul.f32 v24, v24  }
0x150: {  	v22 =	vmul.f32 v26, v26  }
0x151: {  	v15 =	vadd.f32 v20, v15;
	v16 =	vadd.f32 v17, v16;
	v17 =	vmul.f32 v27, v27;
	_ =	sdelay $0x1  }
0x152: {  	v15 =	vadd.f32 v22, v15;
	v16 =	vadd.f32 v17, v16;
	v17 =	vmul.f32 v28, v28;
	_ =	sdelay $0x1  }
0x153: {  	v20 =	vshrl.u32 v15, $0x1;
	v15 =	vmul.f32 $5.000000000e-01, v15;
	v16 =	vadd.f32 v17, v16  }
0x154: {  	v17 =	vsub.s32 $0x5F3759DF, v20  }
0x155: {  	v20 =	vmul.f32 v17, v15;
	v22 =	vshrl.u32 v16, $0x1;
	v16 =	vmul.f32 $5.000000000e-01, v16  }
0x156: {  	v22 =	vsub.s32 $0x5F3759DF, v22  }
0x157: {  	v20 =	vmul.f32 v17, v20;
	v30 =	vmul.f32 v22, v16;
	_ =	sdelay $0x1  }
0x158: {  	v20 =	vsub.f32 $1.500000000e+00, v20;
	v30 =	vmul.f32 v22, v30;
	_ =	sdelay $0x1  }
0x159: {  	v17 =	vmul.f32 v17, v20;
	v20 =	vsub.f32 $1.500000000e+00, v30;
	_ =	sdelay $0x1  }
0x15a: {  	v30 =	vmul.f32 v17, v15;
	v20 =	vmul.f32 v22, v20;
	_ =	sdelay $0x1  }
0x15b: {  	v22 =	vmul.f32 v30, v17;
	v30 =	vmul.f32 v20, v16;
	_ =	sdelay $0x1  }
0x15c: {  	v22 =	vsub.f32 $1.500000000e+00, v22;
	v30 =	vmul.f32 v30, v20;
	_ =	sdelay $0x1  }
0x15d: {  	v17 =	vmul.f32 v22, v17;
	v22 =	vsub.f32 $1.500000000e+00, v30;
	_ =	sdelay $0x1  }
0x15e: {  	v15 =	vmul.f32 v17, v15;
	v20 =	vmul.f32 v22, v20;
	_ =	sdelay $0x1  }
0x15f: {  	v15 =	vmul.f32 v15, v17;
	v16 =	vmul.f32 v20, v16;
	_ =	sdelay $0x1  }
0x160: {  	v15 =	vsub.f32 $1.500000000e+00, v15;
	v16 =	vmul.f32 v16, v20;
	_ =	sdelay $0x1  }
0x161: {  	v15 =	vmul.f32 v15, v17;
	v16 =	vsub.f32 $1.500000000e+00, v16;
	_ =	sdelay $0x1  }
0x162: {  	v17 =	vmul.f32 v15, v26;
	v16 =	vmul.f32 v16, v20  }
0x163: {  	v20 =	vmul.f32 v15, v21;
	v21 =	vmul.f32 v15, v23  }
0x164: {  	v13 =	vmul.f32 v15, v13;
	v14 =	vmul.f32 v15, v14  }
0x165: {  	v8 =	vmul.f32 v15, v8;
	v11 =	vmul.f32 v15, v11  }
0x166: {  	v22 =	vmul.f32 v15, v2;
	v7 =	vmul.f32 v15, v7  }
0x167: {  	v3 =	vmul.f32 v15, v3;
	v15 =	vmul.f32 v15, v4  }
0x168: {  	s31 =	rddreg [dreg:$0x6]  }
0x169: {  	s10 =	sadd.s32 s8, s31;
	v4 =	vlaneseq.u32;
	v36 =	vshrl.u32 v15, $0x10  }
0x16a: {  	v4 =	vor.u32 s10, v4;
	v36 =	vand.u32 $0x1, v36  }
0x16b: {  	[tilespmem:$0x1F4F0] =	vst v4;
	v4 =	vmul.f32 v16, v6;
	v6 =	vshrl.u32 v17, $0x10;
	v36 =	vadd.s32 v36, v15;
	v15 =	vld [tilespmem:$0x1FF80]  }
0x16c: {  	v35 =	vshrl.u32 v3, $0x10;
	v6 =	vand.u32 $0x1, v6  }
0x16d: {  	v35 =	vand.u32 $0x1, v35;
	v6 =	vadd.s32 v6, v17  }
0x16e: {  	v35 =	vadd.s32 v35, v3;
	v3 =	vadd.s32 $0x7FFF, v6  }
0x16f: {  	v3 =	vand.u32 $0xFFFF0000, v3  }
0x170: {  	v15 =	vmul.f32 v3, v15;
	_ =	sdelay $0x1  }
0x171: {  	[tilespmem:$0x1F910] =	vst v15;
	v15 =	vld [tilespmem:$0x1FF90];
	_ =	sdelay $0x4  }
0x172: {  	v15 =	vmul.f32 v3, v15;
	_ =	sdelay $0x1  }
0x173: {  	[tilespmem:$0x1F920] =	vst v15;
	v15 =	vld [tilespmem:$0x1FFA0];
	_ =	sdelay $0x3  }
0x174: {  	v23 =	vmul.f32 v16, v27  }
0x175: {  	v26 =	vmul.f32 v16, v28;
	v15 =	vmul.f32 v3, v15  }
0x176: {  	v18 =	vmul.f32 v16, v18;
	v24 =	vmul.f32 v16, v24  }
0x177: {  	v27 =	vmul.f32 v16, v10;
	v12 =	vmul.f32 v16, v12;
	[tilespmem:$0x1F930] =	vst v15;
	v15 =	vld [tilespmem:$0x1FFB0]  }
0x178: {  	v2 =	vmul.f32 v16, v5;
	v5 =	vmul.f32 v16, v9  }
0x179: {  	v10 =	vmul.f32 v16, v0;
	v1 =	vmul.f32 v16, v1;
	v16 =	vshrl.u32 v14, $0x10  }
0x17a: {  	v28 =	vshrl.u32 v20, $0x10;
	v16 =	vand.u32 $0x1, v16  }
0x17b: {  	v28 =	vand.u32 $0x1, v28;
	v42 =	vshrl.u32 v12, $0x10;
	v14 =	vadd.s32 v16, v14  }
0x17c: {  	v16 =	vadd.s32 v28, v20;
	v28 =	vand.u32 $0x1, v42;
	v15 =	vmul.f32 v3, v15  }
0x17d: {  	v61 =	vadd.s32 v28, v12;
	v12 =	vld [tilespmem:$0x1FFE0]  }
0x17e: {  	[tilespmem:$0x1F940] =	vst v15;
	v15 =	vld [tilespmem:$0x1FFC0];
	_ =	sdelay $0x3  }
0x17f: {  	v12 =	vmul.f32 v3, v12  }
0x180: {  	v15 =	vmul.f32 v3, v15  }
0x181: {  	[tilespmem:$0x1F970] =	vst v12;
	v12 =	vld [tilespmem:$0x1FFF0]  }
0x182: {  	[tilespmem:$0x1F950] =	vst v15;
	v15 =	vld [tilespmem:$0x1FFD0];
	_ =	sdelay $0x4  }
0x183: {  	v15 =	vmul.f32 v3, v15;
	v3 =	vmul.f32 v3, v12;
	_ =	sdelay $0x1  }
0x184: {  	v0 =	vshrl.u32 v21, $0x10;
	[tilespmem:$0x1F980] =	vst v3;
	v3 =	vld [tilespmem:$0x1FF00]  }
0x185: {  	v0 =	vand.u32 $0x1, v0  }
0x186: {  	v0 =	vadd.s32 v0, v21  }
0x187: {  	v0 =	vadd.s32 $0x7FFF, v0  }
0x188: {  	v0 =	vand.u32 $0xFFFF0000, v0  }
0x189: {  	v3 =	vmul.f32 v0, v3;
	_ =	sdelay $0x1  }
0x18a: {  	[tilespmem:$0x1F890] =	vst v3;
	v3 =	vld [tilespmem:$0x1FF10];
	_ =	sdelay $0x4  }
0x18b: {  	v3 =	vmul.f32 v0, v3;
	_ =	sdelay $0x1  }
0x18c: {  	[tilespmem:$0x1F8A0] =	vst v3;
	v3 =	vld [tilespmem:$0x1FF20];
	_ =	sdelay $0x1  }
0x18d: {  	v9 =	vshrl.u32 v13, $0x10  }
0x18e: {  	v9 =	vand.u32 $0x1, v9  }
0x18f: {  	v9 =	vadd.s32 v9, v13  }
0x190: {  	v12 =	vadd.s32 $0x7FFF, v9;
	v9 =	vmul.f32 v0, v3;
	v3 =	vld [tilespmem:$0x1FF30];
	_ =	sdelay $0x4  }
0x191: {  	[tilespmem:$0x1F8B0] =	vst v9;
	v9 =	vmul.f32 v0, v3;
	v3 =	vld [tilespmem:$0x1FF40];
	_ =	sdelay $0x4  }
0x192: {  	[tilespmem:$0x1F8C0] =	vst v9;
	v9 =	vmul.f32 v0, v3;
	v3 =	vld [tilespmem:$0x1FF50];
	_ =	sdelay $0x4  }
0x193: {  	v3 =	vmul.f32 v0, v3  }
0x194: {  	v6 =	vadd.s32 $0x7FFF, v16  }
0x195: {  	[tilespmem:$0x1F8E0] =	vst v3;
	v3 =	vand.u32 $0xFFFF0000, v6;
	v6 =	vld [tilespmem:$0x1FF60];
	_ =	sdelay $0x4  }
0x196: {  	v6 =	vmul.f32 v0, v6;
	_ =	sdelay $0x1  }
0x197: {  	[tilespmem:$0x1F8F0] =	vst v6;
	v6 =	vld [tilespmem:$0x1FF70];
	_ =	sdelay $0x4  }
0x198: {  	v0 =	vmul.f32 v0, v6;
	_ =	sdelay $0x1  }
0x199: {  	[tilespmem:$0x1F900] =	vst v0;
	v0 =	vld [tilespmem:$0x1FE70];
	_ =	sdelay $0x4  }
0x19a: {  	v0 =	vmul.f32 v3, v0;
	_ =	sdelay $0x1  }
0x19b: {  	[tilespmem:$0x1F810] =	vst v0;
	v0 =	vld [tilespmem:$0x1FE80];
	_ =	sdelay $0x4  }
0x19c: {  	v0 =	vmul.f32 v3, v0;
	_ =	sdelay $0x1  }
0x19d: {  	[tilespmem:$0x1F820] =	vst v0;
	v0 =	vld [tilespmem:$0x1FE90];
	_ =	sdelay $0x2  }
0x19e: {  	v46 =	vshrl.u32 v5, $0x10  }
0x19f: {  	v57 =	vand.u32 $0x1, v46  }
0x1a0: {  	v50 =	vadd.s32 v57, v5;
	v5 =	vmul.f32 v3, v0;
	v0 =	vld [tilespmem:$0x1FEA0];
	_ =	sdelay $0x4  }
0x1a1: {  	[tilespmem:$0x1F830] =	vst v5;
	v5 =	vmul.f32 v3, v0;
	v0 =	vld [tilespmem:$0x1FEB0];
	_ =	sdelay $0x4  }
0x1a2: {  	[tilespmem:$0x1F840] =	vst v5;
	v5 =	vmul.f32 v3, v0;
	v0 =	vld [tilespmem:$0x1FEC0];
	_ =	sdelay $0x4  }
0x1a3: {  	[tilespmem:$0x1F850] =	vst v5;
	v5 =	vmul.f32 v3, v0;
	v0 =	vld [tilespmem:$0x1FED0];
	_ =	sdelay $0x2  }
0x1a4: {  	v45 =	vshrl.u32 v2, $0x10  }
0x1a5: {  	v58 =	vand.u32 $0x1, v45  }
0x1a6: {  	v52 =	vadd.s32 v58, v2;
	v2 =	vmul.f32 v3, v0;
	v0 =	vld [tilespmem:$0x1FEE0];
	_ =	sdelay $0x4  }
0x1a7: {  	[tilespmem:$0x1F870] =	vst v2;
	v2 =	vmul.f32 v3, v0;
	v0 =	vld [tilespmem:$0x1FDF0];
	_ =	sdelay $0x2  }
0x1a8: {  	v14 =	vadd.s32 $0x7FFF, v14  }
0x1a9: {  	[tilespmem:$0x1F860] =	vst v5;
	v5 =	vand.u32 $0xFFFF0000, v14  }
0x1aa: {  	v0 =	vmul.f32 v5, v0;
	_ =	sdelay $0x1  }
0x1ab: {  	[tilespmem:$0x1F790] =	vst v0;
	v0 =	vld [tilespmem:$0x1FE00];
	_ =	sdelay $0x4  }
0x1ac: {  	v0 =	vmul.f32 v5, v0;
	_ =	sdelay $0x1  }
0x1ad: {  	[tilespmem:$0x1F7A0] =	vst v0;
	v0 =	vld [tilespmem:$0x1FE10];
	_ =	sdelay $0x4  }
0x1ae: {  	[tilespmem:$0x1F880] =	vst v2;
	v2 =	vmul.f32 v5, v0;
	v0 =	vld [tilespmem:$0x1FE20];
	_ =	sdelay $0x4  }
0x1af: {  	[tilespmem:$0x1F7B0] =	vst v2;
	v2 =	vmul.f32 v5, v0;
	v0 =	vld [tilespmem:$0x1FE30];
	_ =	sdelay $0x4  }
0x1b0: {  	[tilespmem:$0x1F7C0] =	vst v2;
	v2 =	vmul.f32 v5, v0;
	v0 =	vld [tilespmem:$0x1FE40];
	_ =	sdelay $0x4  }
0x1b1: {  	[tilespmem:$0x1F7D0] =	vst v2;
	v2 =	vmul.f32 v5, v0;
	v0 =	vld [tilespmem:$0x1FE50];
	_ =	sdelay $0x4  }
0x1b2: {  	[tilespmem:$0x1F7E0] =	vst v2;
	v2 =	vmul.f32 v5, v0;
	v0 =	vld [tilespmem:$0x1FE60];
	_ =	sdelay $0x4  }
0x1b3: {  	[tilespmem:$0x1F7F0] =	vst v2;
	v2 =	vmul.f32 v5, v0;
	v0 =	vld [tilespmem:$0x1FD70];
	_ =	sdelay $0x3  }
0x1b4: {  	v14 =	vand.u32 $0xFFFF0000, v12  }
0x1b5: {  	v0 =	vmul.f32 v14, v0;
	_ =	sdelay $0x1  }
0x1b6: {  	[tilespmem:$0x1F710] =	vst v0;
	v0 =	vld [tilespmem:$0x1FD80];
	_ =	sdelay $0x4  }
0x1b7: {  	v0 =	vmul.f32 v14, v0;
	_ =	sdelay $0x1  }
0x1b8: {  	[tilespmem:$0x1F720] =	vst v0;
	v0 =	vld [tilespmem:$0x1FD90];
	_ =	sdelay $0x4  }
0x1b9: {  	[tilespmem:$0x1F800] =	vst v2;
	v2 =	vmul.f32 v14, v0;
	v0 =	vld [tilespmem:$0x1FDA0];
	_ =	sdelay $0x4  }
0x1ba: {  	[tilespmem:$0x1F730] =	vst v2;
	v2 =	vmul.f32 v14, v0;
	_ =	sdelay $0x1  }
0x1bb: {  	[tilespmem:$0x1F740] =	vst v2;
	v2 =	vld [tilespmem:$0x1FDB0];
	_ =	sdelay $0x4  }
0x1bc: {  	v3 =	vmul.f32 v14, v2;
	v2 =	vld [tilespmem:$0x1FDC0];
	_ =	sdelay $0x4  }
0x1bd: {  	[tilespmem:$0x1F750] =	vst v3;
	v3 =	vmul.f32 v14, v2;
	v2 =	vld [tilespmem:$0x1FDD0];
	_ =	sdelay $0x4  }
0x1be: {  	[tilespmem:$0x1F760] =	vst v3;
	v3 =	vmul.f32 v14, v2;
	v2 =	vld [tilespmem:$0x1FDE0];
	_ =	sdelay $0x2  }
0x1bf: {  	v30 =	vshrl.u32 v7, $0x10;
	v34 =	vshrl.u32 v11, $0x10  }
0x1c0: {  	v34 =	vand.u32 $0x1, v34;
	v30 =	vand.u32 $0x1, v30  }
0x1c1: {  	v41 =	vshrl.u32 v24, $0x10;
	v43 =	vshrl.u32 v18, $0x10;
	[tilespmem:$0x1F770] =	vst v3;
	v3 =	vmul.f32 v14, v2;
	v2 =	vld [tilespmem:$0x1FCF0]  }
0x1c2: {  	v47 =	vshrl.u32 v4, $0x10;
	v11 =	vadd.s32 v34, v11;
	v7 =	vadd.s32 v30, v7  }
0x1c3: {  	v21 =	vand.u32 $0x1, v41;
	v20 =	vand.u32 $0x1, v43;
	v30 =	vand.u32 $0x1, v47  }
0x1c4: {  	v21 =	vadd.s32 v21, v24;
	v24 =	vadd.s32 v20, v18;
	v20 =	vadd.s32 $0x7FFF, v11  }
0x1c5: {  	v53 =	vadd.s32 v30, v4;
	v30 =	vand.u32 $0xFFFF0000, v20  }
0x1c6: {  	v2 =	vmul.f32 v30, v2;
	_ =	sdelay $0x1  }
0x1c7: {  	[tilespmem:$0x1F690] =	vst v2;
	v2 =	vld [tilespmem:$0x1FD00];
	_ =	sdelay $0x4  }
0x1c8: {  	v2 =	vmul.f32 v30, v2;
	_ =	sdelay $0x1  }
0x1c9: {  	[tilespmem:$0x1F6A0] =	vst v2;
	v2 =	vld [tilespmem:$0x1FD10];
	_ =	sdelay $0x4  }
0x1ca: {  	[tilespmem:$0x1F780] =	vst v3;
	v3 =	vmul.f32 v30, v2;
	v2 =	vld [tilespmem:$0x1FD20];
	_ =	sdelay $0x4  }
0x1cb: {  	[tilespmem:$0x1F6B0] =	vst v3;
	v3 =	vmul.f32 v30, v2;
	v2 =	vld [tilespmem:$0x1FD30];
	_ =	sdelay $0x4  }
0x1cc: {  	[tilespmem:$0x1F6C0] =	vst v3;
	v3 =	vmul.f32 v30, v2;
	v2 =	vld [tilespmem:$0x1FD40];
	_ =	sdelay $0x4  }
0x1cd: {  	[tilespmem:$0x1F6D0] =	vst v3;
	v3 =	vmul.f32 v30, v2;
	v2 =	vld [tilespmem:$0x1FD50];
	_ =	sdelay $0x4  }
0x1ce: {  	[tilespmem:$0x1F6E0] =	vst v3;
	v3 =	vmul.f32 v30, v2;
	v2 =	vld [tilespmem:$0x1FD60];
	_ =	sdelay $0x4  }
0x1cf: {  	v33 =	vshrl.u32 v8, $0x10;
	[tilespmem:$0x1F6F0] =	vst v3;
	v3 =	vmul.f32 v30, v2;
	v2 =	vld [tilespmem:$0x1FC70]  }
0x1d0: {  	v33 =	vand.u32 $0x1, v33  }
0x1d1: {  	v8 =	vadd.s32 v33, v8  }
0x1d2: {  	v63 =	vadd.s32 $0x7FFF, v8  }
0x1d3: {  	v33 =	vand.u32 $0xFFFF0000, v63  }
0x1d4: {  	v2 =	vmul.f32 v33, v2;
	_ =	sdelay $0x1  }
0x1d5: {  	[tilespmem:$0x1F610] =	vst v2;
	v2 =	vld [tilespmem:$0x1FC80];
	_ =	sdelay $0x4  }
0x1d6: {  	v2 =	vmul.f32 v33, v2;
	_ =	sdelay $0x1  }
0x1d7: {  	[tilespmem:$0x1F620] =	vst v2;
	v2 =	vld [tilespmem:$0x1FC90];
	_ =	sdelay $0x4  }
0x1d8: {  	[tilespmem:$0x1F700] =	vst v3;
	v3 =	vmul.f32 v33, v2;
	v2 =	vld [tilespmem:$0x1FCA0];
	_ =	sdelay $0x4  }
0x1d9: {  	[tilespmem:$0x1F630] =	vst v3;
	v3 =	vmul.f32 v33, v2;
	v2 =	vld [tilespmem:$0x1FCB0];
	_ =	sdelay $0x4  }
0x1da: {  	[tilespmem:$0x1F640] =	vst v3;
	v3 =	vmul.f32 v33, v2;
	v2 =	vld [tilespmem:$0x1FCC0];
	_ =	sdelay $0x4  }
0x1db: {  	[tilespmem:$0x1F650] =	vst v3;
	v3 =	vmul.f32 v33, v2;
	v2 =	vld [tilespmem:$0x1FCD0];
	_ =	sdelay $0x3  }
0x1dc: {  	v47 =	vld [tilespmem:$0x1FBF0]  }
0x1dd: {  	[tilespmem:$0x1F660] =	vst v3;
	v3 =	vmul.f32 v33, v2;
	v2 =	vld [tilespmem:$0x1FCE0]  }
0x1de: {  	v38 =	vshrl.u32 v23, $0x10;
	v48 =	vshrl.u32 v10, $0x10  }
0x1df: {  	v38 =	vand.u32 $0x1, v38;
	v59 =	vand.u32 $0x1, v48;
	v48 =	vld [tilespmem:$0x1FC00]  }
0x1e0: {  	v49 =	vshrl.u32 v1, $0x10;
	v23 =	vadd.s32 v38, v23;
	v38 =	vadd.s32 $0x7FFF, v7  }
0x1e1: {  	v60 =	vand.u32 $0x1, v49;
	v49 =	vld [tilespmem:$0x1FC10];
	v43 =	vand.u32 $0xFFFF0000, v38  }
0x1e2: {  	[tilespmem:$0x1F670] =	vst v3;
	v3 =	vmul.f32 v33, v2;
	v2 =	vmul.f32 v43, v47  }
0x1e3: {  	v1 =	vadd.s32 v60, v1;
	v60 =	vld [tilespmem:$0x1FC20]  }
0x1e4: {  	v37 =	vshrl.u32 v22, $0x10;
	[tilespmem:$0x1F590] =	vst v2;
	v2 =	vmul.f32 v43, v48  }
0x1e5: {  	v37 =	vand.u32 $0x1, v37;
	v58 =	vadd.s32 $0x7FFF, v50;
	v50 =	vld [tilespmem:$0x1FC30]  }
0x1e6: {  	v22 =	vadd.s32 v37, v22;
	v37 =	vld [tilespmem:$0x1FB70];
	[tilespmem:$0x1F5A0] =	vst v2;
	v2 =	vmul.f32 v43, v49  }
0x1e7: {  	v39 =	vshrl.u32 v26, $0x10;
	v41 =	vadd.s32 $0x7FFF, v61;
	v61 =	vld [tilespmem:$0x1FC40]  }
0x1e8: {  	v44 =	vshrl.u32 v27, $0x10;
	v17 =	vand.u32 $0x1, v39;
	v39 =	vld [tilespmem:$0x1FB90];
	[tilespmem:$0x1F5B0] =	vst v2;
	v2 =	vmul.f32 v43, v60  }
0x1e9: {  	v13 =	vand.u32 $0x1, v44;
	v10 =	vadd.s32 v59, v10;
	v59 =	vadd.s32 $0x7FFF, v52;
	v52 =	vld [tilespmem:$0x1FC50]  }
0x1ea: {  	v42 =	vld [tilespmem:$0x1FBA0];
	v62 =	vadd.s32 v13, v27;
	[tilespmem:$0x1F5C0] =	vst v2;
	v2 =	vmul.f32 v43, v50  }
0x1eb: {  	v57 =	vadd.s32 $0x7FFF, v62;
	v62 =	vld [tilespmem:$0x1FC60]  }
0x1ec: {  	v44 =	vld [tilespmem:$0x1FBC0];
	[tilespmem:$0x1F5D0] =	vst v2;
	v2 =	vmul.f32 v43, v61  }
0x1ed: {  	v38 =	vld [tilespmem:$0x1FB80]  }
0x1ee: {  	v45 =	vld [tilespmem:$0x1FBD0];
	[tilespmem:$0x1F5E0] =	vst v2;
	v2 =	vmul.f32 v43, v52  }
0x1ef: {  	v46 =	vld [tilespmem:$0x1FBE0]  }
0x1f0: {  	v22 =	vadd.s32 $0x7FFF, v22;
	v16 =	vld [tilespmem:$0x1FB50];
	[tilespmem:$0x1F5F0] =	vst v2;
	v2 =	vmul.f32 v43, v62  }
0x1f1: {  	v22 =	vand.u32 $0xFFFF0000, v22;
	v4 =	vld [tilespmem:$0x1FA80]  }
0x1f2: {  	v7 =	vld [tilespmem:$0x1FAC0];
	[tilespmem:$0x1F600] =	vst v2;
	v2 =	vmul.f32 v22, v38  }
0x1f3: {  	v43 =	vld [tilespmem:$0x1FBB0]  }
0x1f4: {  	v11 =	vld [tilespmem:$0x1FB00];
	[tilespmem:$0x1F520] =	vst v2;
	v2 =	vmul.f32 v22, v39  }
0x1f5: {  	v17 =	vadd.s32 v17, v26;
	v13 =	vld [tilespmem:$0x1FB20]  }
0x1f6: {  	v54 =	vadd.s32 $0x7FFF, v53;
	v53 =	vadd.s32 $0x7FFF, v10;
	v10 =	vld [tilespmem:$0x1FAF0];
	[tilespmem:$0x1F530] =	vst v2;
	v2 =	vmul.f32 v22, v42  }
0x1f7: {  	v55 =	vadd.s32 $0x7FFF, v17;
	v8 =	vadd.s32 $0x7FFF, v23;
	v17 =	vld [tilespmem:$0x1FB60]  }
0x1f8: {  	v19 =	vadd.s32 $0x7FFF, v36;
	v36 =	vand.u32 $0xFFFF0000, v8;
	v8 =	vld [tilespmem:$0x1FAD0];
	[tilespmem:$0x1F540] =	vst v2;
	v2 =	vmul.f32 v22, v43  }
0x1f9: {  	[tilespmem:$0x1F8D0] =	vst v9;
	v9 =	vld [tilespmem:$0x1FAE0]  }
0x1fa: {  	v6 =	vld [tilespmem:$0x1FAA0];
	[tilespmem:$0x1F550] =	vst v2;
	v2 =	vmul.f32 v22, v44  }
0x1fb: {  	v19 =	vand.u32 $0xFFFF0000, v19;
	v56 =	vadd.s32 $0x7FFF, v21;
	v63 =	vmul.f32 v22, v37;
	v5 =	vld [tilespmem:$0x1FA90]  }
0x1fc: {  	v23 =	vadd.s32 $0x7FFF, v1;
	v51 =	vmul.f32 v19, v4;
	v12 =	vld [tilespmem:$0x1FB10];
	[tilespmem:$0x1F560] =	vst v2;
	v2 =	vmul.f32 v22, v45  }
0x1fd: {  	v1 =	vand.u32 $0xFFFF0000, v53;
	v18 =	vmul.f32 v19, v7;
	v28 =	vmul.f32 v19, v11;
	[tilespmem:$0x1F680] =	vst v3;
	v3 =	vld [tilespmem:$0x1FA70]  }
0x1fe: {  	v53 =	vand.u32 $0xFFFF0000, v58;
	v27 =	vmul.f32 v19, v13;
	v14 =	vld [tilespmem:$0x1FB30];
	[tilespmem:$0x1F570] =	vst v2;
	v2 =	vmul.f32 v22, v46  }
0x1ff: {  	v21 =	vmul.f32 v19, v17;
	[tilespmem:$0x1F960] =	vst v15;
	v15 =	vld [tilespmem:$0x1FB40];
	v32 =	vmul.f32 v19, v9;
	v0 =	vadd.s32 $0x7FFF, v35  }
0x200: {  	v34 =	vmul.f32 v19, v6;
	v58 =	vmul.f32 v1, v5;
	v0 =	vand.u32 $0xFFFF0000, v0;
	[tilespmem:$0x1F580] =	vst v2;
	v2 =	vld [tilespmem:$0x1FAB0]  }
0x201: {  	v35 =	vmul.f32 v0, v5;
	v31 =	vmul.f32 v0, v10  }
0x202: {  	v24 =	vadd.s32 $0x7FFF, v24;
	v29 =	vmul.f32 v0, v12;
	v40 =	vmul.f32 v0, v3  }
0x203: {  	[tilespmem:$0x1F9C0] =	vst v25;
	v25 =	vand.u32 $0xFFFF0000, v24;
	v24 =	vmul.f32 v0, v16;
	v26 =	vmul.f32 v0, v14  }
0x204: {  	v33 =	vmul.f32 v0, v8;
	v40 =	vadd.f32 v51, v40;
	v51 =	vmul.f32 v1, v10  }
0x205: {  	v22 =	vmul.f32 v19, v15;
	v30 =	vmul.f32 v0, v2  }
0x206: {  	v0 =	vand.u32 $0xFFFF0000, v23;
	v23 =	vand.u32 $0xFFFF0000, v57;
	v57 =	vmul.f32 v1, v3  }
0x207: {  	v5 =	vmul.f32 v1, v2;
	v19 =	vmul.f32 v0, v4  }
0x208: {  	v20 =	vmul.f32 v0, v6;
	v4 =	vmul.f32 v0, v7  }
0x209: {  	v6 =	vmul.f32 v1, v8;
	v3 =	vmul.f32 v0, v9  }
0x20a: {  	v10 =	vadd.f32 v28, v31;
	v2 =	vmul.f32 v0, v11;
	v28 =	vmul.f32 v0, v13  }
0x20b: {  	v54 =	vand.u32 $0xFFFF0000, v54;
	v11 =	vmul.f32 v1, v14;
	v13 =	vmul.f32 v0, v15  }
0x20c: {  	v0 =	vmul.f32 v0, v17;
	v30 =	vadd.f32 v18, v30;
	v18 =	vmul.f32 v1, v12  }
0x20d: {  	v1 =	vmul.f32 v1, v16;
	v8 =	vadd.f32 v19, v57;
	v7 =	vadd.f32 v20, v58  }
0x20e: {  	v4 =	vadd.f32 v4, v5;
	v3 =	vadd.f32 v3, v6;
	v5 =	vmul.f32 v54, v37  }
0x20f: {  	v15 =	vmul.f32 v54, v38;
	v11 =	vadd.f32 v13, v11;
	v6 =	vadd.f32 v28, v18  }
0x210: {  	v0 =	vadd.f32 v0, v1;
	v5 =	vadd.f32 v8, v5  }
0x211: {  	v1 =	vld [tilespmem:$0x1F520];
	v8 =	vmul.f32 v54, v44;
	v7 =	vadd.f32 v7, v15;
	v15 =	vmul.f32 v54, v45;
	_ =	sdelay $0x1  }
0x212: {  	v6 =	vadd.f32 v6, v8;
	v8 =	vadd.f32 v11, v15;
	v15 =	vld [tilespmem:$0x1F5A0]  }
0x213: {  	v34 =	vadd.f32 v34, v35;
	_ =	sdelay $0x1  }
0x214: {  	v14 =	vld [tilespmem:$0x1F530];
	v1 =	vadd.f32 v34, v1;
	_ =	sdelay $0x1  }
0x215: {  	v1 =	vadd.f32 v1, v15;
	v15 =	vld [tilespmem:$0x1F5B0];
	_ =	sdelay $0x1  }
0x216: {  	v18 =	vmul.f32 v54, v39  }
0x217: {  	v16 =	vadd.f32 v30, v14  }
0x218: {  	v59 =	vand.u32 $0xFFFF0000, v59;
	v4 =	vadd.f32 v4, v18  }
0x219: {  	v18 =	vmul.f32 v54, v46;
	v15 =	vadd.f32 v16, v15;
	v16 =	vmul.f32 v59, v49;
	_ =	sdelay $0x1  }
0x21a: {  	v0 =	vadd.f32 v0, v18;
	v4 =	vadd.f32 v4, v16;
	v16 =	vmul.f32 v59, v62;
	_ =	sdelay $0x1  }
0x21b: {  	v0 =	vadd.f32 v0, v16;
	v16 =	vld [tilespmem:$0x1F620];
	_ =	sdelay $0x4  }
0x21c: {  	v1 =	vadd.f32 v1, v16;
	v16 =	vld [tilespmem:$0x1F630];
	_ =	sdelay $0x4  }
0x21d: {  	v15 =	vadd.f32 v15, v16;
	v16 =	vld [tilespmem:$0x1FC90];
	_ =	sdelay $0x4  }
0x21e: {  	v16 =	vmul.f32 v53, v16  }
0x21f: {  	v14 =	vld [tilespmem:$0x1F540]  }
0x220: {  	v4 =	vadd.f32 v4, v16;
	v16 =	vld [tilespmem:$0x1FCE0]  }
0x221: {  	v11 =	vld [tilespmem:$0x1F590]  }
0x222: {  	v12 =	vadd.f32 v32, v33;
	_ =	sdelay $0x1  }
0x223: {  	v13 =	vadd.f32 v40, v63;
	v17 =	vadd.f32 v12, v14;
	v12 =	vld [tilespmem:$0x1F550]  }
0x224: {  	v16 =	vmul.f32 v53, v16  }
0x225: {  	v11 =	vadd.f32 v13, v11;
	v13 =	vmul.f32 v59, v48  }
0x226: {  	v0 =	vadd.f32 v0, v16;
	v16 =	vld [tilespmem:$0x1F6A0]  }
0x227: {  	v18 =	vld [tilespmem:$0x1F5C0];
	v7 =	vadd.f32 v7, v13;
	v13 =	vmul.f32 v59, v52  }
0x228: {  	v2 =	vadd.f32 v2, v51;
	v20 =	vmul.f32 v54, v43;
	v14 =	vadd.f32 v10, v12;
	v10 =	vld [tilespmem:$0x1F560]  }
0x229: {  	v8 =	vadd.f32 v8, v13;
	v13 =	vld [tilespmem:$0x1F610]  }
0x22a: {  	v2 =	vadd.f32 v2, v20;
	v20 =	vld [tilespmem:$0x1F5E0]  }
0x22b: {  	v9 =	vadd.f32 v27, v29;
	v1 =	vadd.f32 v1, v16;
	v16 =	vld [tilespmem:$0x1F6B0]  }
0x22c: {  	v17 =	vadd.f32 v17, v18;
	v18 =	vld [tilespmem:$0x1F5D0]  }
0x22d: {  	v12 =	vadd.f32 v9, v10;
	v9 =	vld [tilespmem:$0x1F570]  }
0x22e: {  	v11 =	vadd.f32 v11, v13;
	v13 =	vld [tilespmem:$0x1FC80]  }
0x22f: {  	v19 =	vmul.f32 v54, v42;
	v12 =	vadd.f32 v12, v20;
	v20 =	vld [tilespmem:$0x1F5F0]  }
0x230: {  	v22 =	vadd.f32 v22, v26;
	v15 =	vadd.f32 v15, v16;
	v16 =	vld [tilespmem:$0x1FD10]  }
0x231: {  	v3 =	vadd.f32 v3, v19;
	v14 =	vadd.f32 v14, v18;
	v18 =	vmul.f32 v59, v60  }
0x232: {  	v10 =	vadd.f32 v22, v9  }
0x233: {  	v3 =	vadd.f32 v3, v18;
	v18 =	vld [tilespmem:$0x1FC70];
	v13 =	vmul.f32 v53, v13  }
0x234: {  	v10 =	vadd.f32 v10, v20;
	v20 =	vmul.f32 v59, v50  }
0x235: {  	v7 =	vadd.f32 v7, v13;
	v13 =	vld [tilespmem:$0x1FCD0];
	v16 =	vmul.f32 v23, v16  }
0x236: {  	v19 =	vmul.f32 v59, v47;
	v2 =	vadd.f32 v2, v20;
	v20 =	vld [tilespmem:$0x1F660]  }
0x237: {  	v4 =	vadd.f32 v4, v16;
	v16 =	vld [tilespmem:$0x1FD60]  }
0x238: {  	v5 =	vadd.f32 v5, v19;
	v18 =	vmul.f32 v53, v18;
	_ =	sdelay $0x1  }
0x239: {  	v5 =	vadd.f32 v5, v18;
	v18 =	vld [tilespmem:$0x1FCC0]  }
0x23a: {  	v13 =	vmul.f32 v53, v13;
	v12 =	vadd.f32 v12, v20;
	v20 =	vld [tilespmem:$0x1F670]  }
0x23b: {  	v16 =	vmul.f32 v23, v16  }
0x23c: {  	v19 =	vmul.f32 v59, v61;
	v8 =	vadd.f32 v8, v13;
	v13 =	vld [tilespmem:$0x1F690]  }
0x23d: {  	v0 =	vadd.f32 v0, v16;
	v16 =	vld [tilespmem:$0x1F720]  }
0x23e: {  	v6 =	vadd.f32 v6, v19;
	v19 =	vld [tilespmem:$0x1F640];
	v18 =	vmul.f32 v53, v18  }
0x23f: {  	v10 =	vadd.f32 v10, v20;
	v20 =	vld [tilespmem:$0x1FCB0]  }
0x240: {  	v6 =	vadd.f32 v6, v18;
	v18 =	vld [tilespmem:$0x1F6C0]  }
0x241: {  	v11 =	vadd.f32 v11, v13;
	v13 =	vld [tilespmem:$0x1FD00]  }
0x242: {  	v1 =	vadd.f32 v1, v16;
	v16 =	vld [tilespmem:$0x1F730]  }
0x243: {  	v17 =	vadd.f32 v17, v19  }
0x244: {  	v19 =	vld [tilespmem:$0x1F650];
	v20 =	vmul.f32 v53, v20  }
0x245: {  	v17 =	vadd.f32 v17, v18;
	v18 =	vld [tilespmem:$0x1F6D0]  }
0x246: {  	v13 =	vmul.f32 v23, v13;
	v2 =	vadd.f32 v2, v20;
	v20 =	vld [tilespmem:$0x1F6E0]  }
0x247: {  	v15 =	vadd.f32 v15, v16;
	v16 =	vld [tilespmem:$0x1FD90]  }
0x248: {  	v7 =	vadd.f32 v7, v13;
	v13 =	vld [tilespmem:$0x1FD50]  }
0x249: {  	v14 =	vadd.f32 v14, v19;
	v19 =	vld [tilespmem:$0x1FCA0];
	_ =	sdelay $0x1  }
0x24a: {  	v41 =	vand.u32 $0xFFFF0000, v41;
	v14 =	vadd.f32 v14, v18;
	v18 =	vld [tilespmem:$0x1FD20]  }
0x24b: {  	v12 =	vadd.f32 v12, v20;
	v20 =	vld [tilespmem:$0x1F6F0];
	v16 =	vmul.f32 v41, v16  }
0x24c: {  	v13 =	vmul.f32 v23, v13  }
0x24d: {  	v19 =	vmul.f32 v53, v19;
	v4 =	vadd.f32 v4, v16;
	v16 =	vld [tilespmem:$0x1FDE0]  }
0x24e: {  	v8 =	vadd.f32 v8, v13;
	v13 =	vld [tilespmem:$0x1F710]  }
0x24f: {  	v3 =	vadd.f32 v3, v19;
	v19 =	vld [tilespmem:$0x1FCF0];
	v18 =	vmul.f32 v23, v18  }
0x250: {  	v10 =	vadd.f32 v10, v20;
	v20 =	vld [tilespmem:$0x1FD30]  }
0x251: {  	v3 =	vadd.f32 v3, v18;
	v18 =	vld [tilespmem:$0x1FD70]  }
0x252: {  	v16 =	vmul.f32 v41, v16  }
0x253: {  	v11 =	vadd.f32 v11, v13;
	v13 =	vld [tilespmem:$0x1FD80]  }
0x254: {  	v19 =	vmul.f32 v23, v19;
	v0 =	vadd.f32 v0, v16;
	v16 =	vld [tilespmem:$0x1F7A0]  }
0x255: {  	v20 =	vmul.f32 v23, v20  }
0x256: {  	v5 =	vadd.f32 v5, v19;
	v19 =	vld [tilespmem:$0x1FD40];
	v18 =	vmul.f32 v41, v18  }
0x257: {  	v2 =	vadd.f32 v2, v20;
	v20 =	vld [tilespmem:$0x1F760]  }
0x258: {  	v5 =	vadd.f32 v5, v18;
	v18 =	vld [tilespmem:$0x1FDC0]  }
0x259: {  	v13 =	vmul.f32 v41, v13;
	v1 =	vadd.f32 v1, v16;
	v16 =	vld [tilespmem:$0x1F7B0];
	_ =	sdelay $0x1  }
0x25a: {  	v7 =	vadd.f32 v7, v13;
	v13 =	vld [tilespmem:$0x1FDD0]  }
0x25b: {  	v19 =	vmul.f32 v23, v19;
	v12 =	vadd.f32 v12, v20;
	v20 =	vld [tilespmem:$0x1F770];
	_ =	sdelay $0x1  }
0x25c: {  	v6 =	vadd.f32 v6, v19;
	v18 =	vmul.f32 v41, v18;
	v15 =	vadd.f32 v15, v16;
	v16 =	vld [tilespmem:$0x1FE10]  }
0x25d: {  	v19 =	vld [tilespmem:$0x1F740]  }
0x25e: {  	v6 =	vadd.f32 v6, v18;
	v18 =	vld [tilespmem:$0x1F7C0];
	v13 =	vmul.f32 v41, v13  }
0x25f: {  	v10 =	vadd.f32 v10, v20;
	v20 =	vld [tilespmem:$0x1FDB0]  }
0x260: {  	v8 =	vadd.f32 v8, v13;
	v13 =	vld [tilespmem:$0x1F790]  }
0x261: {  	v16 =	vmul.f32 v25, v16  }
0x262: {  	v17 =	vadd.f32 v17, v19;
	v19 =	vld [tilespmem:$0x1F750]  }
0x263: {  	v4 =	vadd.f32 v4, v16;
	v16 =	vld [tilespmem:$0x1FE60]  }
0x264: {  	v17 =	vadd.f32 v17, v18;
	v18 =	vld [tilespmem:$0x1F7D0];
	v20 =	vmul.f32 v41, v20  }
0x265: {  	v11 =	vadd.f32 v11, v13;
	v13 =	vld [tilespmem:$0x1FE00]  }
0x266: {  	v2 =	vadd.f32 v2, v20;
	v20 =	vld [tilespmem:$0x1F7E0]  }
0x267: {  	v14 =	vadd.f32 v14, v19;
	v19 =	vld [tilespmem:$0x1FDA0]  }
0x268: {  	v9 =	vld [tilespmem:$0x1F580];
	v16 =	vmul.f32 v25, v16  }
0x269: {  	v14 =	vadd.f32 v14, v18;
	v18 =	vld [tilespmem:$0x1FE20]  }
0x26a: {  	v13 =	vmul.f32 v25, v13;
	v0 =	vadd.f32 v0, v16;
	v16 =	vld [tilespmem:$0x1F820]  }
0x26b: {  	v21 =	vadd.f32 v21, v24;
	v12 =	vadd.f32 v12, v20;
	v20 =	vld [tilespmem:$0x1F7F0]  }
0x26c: {  	v19 =	vmul.f32 v41, v19;
	v7 =	vadd.f32 v7, v13;
	v13 =	vld [tilespmem:$0x1FE50]  }
0x26d: {  	v9 =	vadd.f32 v21, v9;
	v21 =	vld [tilespmem:$0x1F600]  }
0x26e: {  	v3 =	vadd.f32 v3, v19;
	v19 =	vld [tilespmem:$0x1FDF0]  }
0x26f: {  	v1 =	vadd.f32 v1, v16;
	v16 =	vld [tilespmem:$0x1F830]  }
0x270: {  	v18 =	vmul.f32 v25, v18;
	v10 =	vadd.f32 v10, v20;
	v20 =	vld [tilespmem:$0x1FE30]  }
0x271: {  	v13 =	vmul.f32 v25, v13  }
0x272: {  	v3 =	vadd.f32 v3, v18;
	v18 =	vld [tilespmem:$0x1FE70]  }
0x273: {  	v8 =	vadd.f32 v8, v13;
	v13 =	vld [tilespmem:$0x1F810]  }
0x274: {  	v19 =	vmul.f32 v25, v19;
	v15 =	vadd.f32 v15, v16;
	v16 =	vld [tilespmem:$0x1FE90]  }
0x275: {  	v9 =	vadd.f32 v9, v21;
	v21 =	vld [tilespmem:$0x1F680];
	v20 =	vmul.f32 v25, v20  }
0x276: {  	v56 =	vand.u32 $0xFFFF0000, v56;
	v5 =	vadd.f32 v5, v19;
	v19 =	vld [tilespmem:$0x1FE40]  }
0x277: {  	v18 =	vmul.f32 v56, v18;
	v2 =	vadd.f32 v2, v20;
	v20 =	vld [tilespmem:$0x1F860]  }
0x278: {  	v11 =	vadd.f32 v11, v13;
	v13 =	vld [tilespmem:$0x1FE80]  }
0x279: {  	v5 =	vadd.f32 v5, v18;
	v18 =	vld [tilespmem:$0x1FEC0];
	v16 =	vmul.f32 v56, v16;
	_ =	sdelay $0x1  }
0x27a: {  	v4 =	vadd.f32 v4, v16;
	v16 =	vld [tilespmem:$0x1FEE0]  }
0x27b: {  	v19 =	vmul.f32 v25, v19;
	v12 =	vadd.f32 v12, v20;
	v20 =	vld [tilespmem:$0x1F870]  }
0x27c: {  	v9 =	vadd.f32 v9, v21;
	v21 =	vld [tilespmem:$0x1F700];
	v13 =	vmul.f32 v56, v13  }
0x27d: {  	v6 =	vadd.f32 v6, v19;
	v19 =	vld [tilespmem:$0x1F840];
	v18 =	vmul.f32 v56, v18  }
0x27e: {  	v7 =	vadd.f32 v7, v13;
	v13 =	vld [tilespmem:$0x1FED0]  }
0x27f: {  	v6 =	vadd.f32 v6, v18;
	v18 =	vld [tilespmem:$0x1F8C0];
	v16 =	vmul.f32 v56, v16  }
0x280: {  	v10 =	vadd.f32 v10, v20;
	v20 =	vld [tilespmem:$0x1FEB0]  }
0x281: {  	v0 =	vadd.f32 v0, v16;
	v16 =	vld [tilespmem:$0x1F8A0]  }
0x282: {  	v17 =	vadd.f32 v17, v19;
	v19 =	vld [tilespmem:$0x1F850]  }
0x283: {  	v9 =	vadd.f32 v9, v21;
	v21 =	vld [tilespmem:$0x1F780];
	v13 =	vmul.f32 v56, v13  }
0x284: {  	v17 =	vadd.f32 v17, v18;
	v18 =	vld [tilespmem:$0x1F8D0]  }
0x285: {  	v8 =	vadd.f32 v8, v13;
	v13 =	vld [tilespmem:$0x1F890];
	v20 =	vmul.f32 v56, v20  }
0x286: {  	v1 =	vadd.f32 v1, v16;
	v16 =	vld [tilespmem:$0x1F8B0]  }
0x287: {  	v14 =	vadd.f32 v14, v19;
	v2 =	vadd.f32 v2, v20;
	v20 =	vld [tilespmem:$0x1F8E0]  }
0x288: {  	v19 =	vld [tilespmem:$0x1FEA0]  }
0x289: {  	v14 =	vadd.f32 v14, v18;
	v18 =	vld [tilespmem:$0x1FF30]  }
0x28a: {  	v11 =	vadd.f32 v11, v13;
	v13 =	vld [tilespmem:$0x1FF10]  }
0x28b: {  	v15 =	vadd.f32 v15, v16;
	v16 =	vld [tilespmem:$0x1FF20]  }
0x28c: {  	v12 =	vadd.f32 v12, v20;
	v20 =	vld [tilespmem:$0x1F8F0];
	_ =	sdelay $0x1  }
0x28d: {  	v9 =	vadd.f32 v9, v21;
	v21 =	vld [tilespmem:$0x1F800];
	v19 =	vmul.f32 v56, v19  }
0x28e: {  	v13 =	vmul.f32 v36, v13  }
0x28f: {  	v3 =	vadd.f32 v3, v19;
	v18 =	vmul.f32 v36, v18;
	v16 =	vmul.f32 v36, v16  }
0x290: {  	v7 =	vadd.f32 v7, v13;
	v10 =	vadd.f32 v10, v20;
	v20 =	vld [tilespmem:$0x1FF40]  }
0x291: {  	v13 =	vadd.f32 v4, v16;
	v16 =	vadd.f32 v3, v18;
	v3 =	vld [tilespmem:$0x1FF70]  }
0x292: {  	v9 =	vadd.f32 v9, v21;
	v21 =	vld [tilespmem:$0x1F880];
	_ =	sdelay $0x3  }
0x293: {  	v20 =	vmul.f32 v36, v20;
	v3 =	vmul.f32 v36, v3  }
0x294: {  	v9 =	vadd.f32 v9, v21;
	v21 =	vld [tilespmem:$0x1F900]  }
0x295: {  	v2 =	vadd.f32 v2, v20;
	v20 =	vadd.f32 v0, v3;
	v0 =	vld [tilespmem:$0x1F920];
	_ =	sdelay $0x4  }
0x296: {  	v9 =	vadd.f32 v9, v21;
	v21 =	vadd.f32 v1, v0;
	v0 =	vld [tilespmem:$0x1F930];
	_ =	sdelay $0x3  }
0x297: {  	v19 =	vld [tilespmem:$0x1FF00]  }
0x298: {  	v15 =	vadd.f32 v15, v0;
	v0 =	vld [tilespmem:$0x1FFA0];
	_ =	sdelay $0x3  }
0x299: {  	v55 =	vand.u32 $0xFFFF0000, v55;
	v19 =	vmul.f32 v36, v19  }
0x29a: {  	v1 =	vmul.f32 v55, v0;
	v0 =	vld [tilespmem:$0x1F940]  }
0x29b: {  	v5 =	vadd.f32 v5, v19;
	v19 =	vld [tilespmem:$0x1FF50]  }
0x29c: {  	v4 =	vld [tilespmem:$0x1FF60];
	_ =	sdelay $0x2  }
0x29d: {  	v17 =	vadd.f32 v17, v0;
	v0 =	vld [tilespmem:$0x1F950];
	_ =	sdelay $0x1  }
0x29e: {  	v19 =	vmul.f32 v36, v19;
	v4 =	vmul.f32 v36, v4;
	_ =	sdelay $0x1  }
0x29f: {  	v6 =	vadd.f32 v6, v19;
	v19 =	vadd.f32 v8, v4;
	v4 =	vld [tilespmem:$0x1F910]  }
0x2a0: {  	v14 =	vadd.f32 v14, v0;
	v0 =	vld [tilespmem:$0x1FFB0];
	_ =	sdelay $0x3  }
0x2a1: {  	v11 =	vadd.f32 v11, v4;
	v4 =	vld [tilespmem:$0x1FF90]  }
0x2a2: {  	v22 =	vmul.f32 v55, v0;
	v0 =	vld [tilespmem:$0x1F960];
	_ =	sdelay $0x4  }
0x2a3: {  	v8 =	vmul.f32 v55, v4;
	v4 =	vadd.f32 v12, v0;
	v0 =	vld [tilespmem:$0x1F970];
	_ =	sdelay $0x1  }
0x2a4: {  	v18 =	vld [tilespmem:$0x1FF80];
	_ =	sdelay $0x2  }
0x2a5: {  	v3 =	vadd.f32 v10, v0;
	v0 =	vld [tilespmem:$0x1FFC0];
	_ =	sdelay $0x1  }
0x2a6: {  	v18 =	vmul.f32 v55, v18;
	_ =	sdelay $0x1  }
0x2a7: {  	v12 =	vadd.f32 v5, v18;
	v5 =	vld [tilespmem:$0x1FFD0]  }
0x2a8: {  	v10 =	vmul.f32 v55, v0;
	v0 =	vld [tilespmem:$0x1F980];
	_ =	sdelay $0x3  }
0x2a9: {  	v18 =	vmul.f32 v55, v5;
	v5 =	vld [tilespmem:$0x1FFF0]  }
0x2aa: {  	v0 =	vadd.f32 v9, v0;
	v9 =	vadd.f32 v13, v1;
	v1 =	vld [tilespmem:$0x1FFE0]  }
0x2ab: {  	v23 =	vadd.f32 v7, v8;
	v8 =	vadd.f32 v16, v22;
	v16 =	vld [tilespmem:$0x1F9C0];
	_ =	sdelay $0x2  }
0x2ac: {  	v24 =	vld [tilespmem:$0x1F510]  }
0x2ad: {  	v29 =	vld [tilespmem:$0x1F4F0];
	v2 =	vadd.f32 v2, v10;
	v10 =	vmul.f32 v55, v5;
	v1 =	vmul.f32 v55, v1  }
0x2ae: {  	vm0 =	vgt.f32 v11, v16;
	v7 =	vadd.f32 v6, v18;
	v13 =	vld [tilespmem:$0x1F9D0]  }
0x2af: {  	v11 =	vsel vm0, v11, v16;
	v6 =	vadd.f32 v19, v1;
	v1 =	vadd.f32 v20, v10;
	v10 =	vld [tilespmem:$0x1FA00]  }
0x2b0: {  	v28 =	vld [tilespmem:$0x1FA50];
	vm9 =	vgt.f32 v12, v11  }
0x2b1: {  	v25 =	vsel vm9, v12, v11;
	v12 =	vld [tilespmem:$0x1FA40]  }
0x2b2: {  	v11 =	vld [tilespmem:$0x1FA30]  }
0x2b3: {  	v27 =	vld [tilespmem:$0x1F500];
	vm1 =	vgt.f32 v21, v13  }
0x2b4: {  	v16 =	vsel vm1, v29, v10;
	v10 =	vld [tilespmem:$0x1FA10]  }
0x2b5: {  	s6 =	sadd.s32 $0x2, s6;
	v22 =	vld [tilespmem:$0x1F990]  }
0x2b6: {  	p0 =	slt.u32 s6, $0xC;
	v18 =	vld [tilespmem:$0x1F9A0];
	vm11 =	vgt.f32 v17, v12  }
.Ltmp0:
0x2b7: {  	vm8 =	vgt.f32 v14, v28;
	vm13 =	vgt.f32 v15, v11;
	v12 =	vsel vm11, v17, v12;
	v17 =	vld [tilespmem:$0x1FA60];
	(pc) =	sbr.rel @p0 .LBB2_1-.Ltmp0, $4  }
0x2b8: {  	s10 =	sadd.s32 $0x10, s10;
	v5 =	vlaneseq.u32;
	vm12 =	vgt.f32 v8, v12;
	v13 =	vsel vm1, v21, v13;
	v21 =	vld [tilespmem:$0x1F9F0]  }
0x2b9: {  	v5 =	vor.u32 s10, v5;
	v19 =	vld [tilespmem:$0x1F9B0];
	v10 =	vsel vm0, v29, v10;
	vm0 =	vgt.f32 v23, v13  }
0x2ba: {  	v20 =	vld [tilespmem:$0x1F9E0];
	v26 =	vsel vm0, v23, v13;
	v13 =	vsel vm13, v15, v11;
	v11 =	vsel vm8, v14, v28  }
0x2bb: {  	s8 =	sadd.s32 $0x20, s8;
	s7 =	sadd.s32 $0x100, s7;
	v23 =	vld [tilespmem:$0x1FA20];
	v16 =	vsel vm0, v5, v16;
	vm14 =	vgt.f32 v9, v13;
	vm10 =	vgt.f32 v2, v11  }
0x2bc: {  	(xrf0) =	vmax.scan.msk.f32 $0xffff, v25;
	_ =	sdelay $0x5  }
0x2bd: {  	v14, _, _ =	vpop (xrf0)  }
0x2be: {  	v14 =	vbroadcast v14, $0xF  }
0x2bf: {  	v10 =	vsel vm9, v5, v10  }
0x2c0: {  	v10 =	vxor.u32 $0x80000000, v10;
	vm0 =	veq.f32 v25, v14  }
0x2c1: {  	v10 =	vnsel vm0, $0xC0000000, v10  }
0x2c2: {  	(xrf0) =	vmin.scan.msk.u32 $0xffff, v10  }
0x2c3: {  	(xrf0) =	vmax.scan.msk.f32 $0xffff, v26;
	_ =	sdelay $0x4  }
0x2c4: {  	v10, _, _ =	vpop (xrf0)  }
0x2c5: {  	v15, _, _ =	vpop (xrf0)  }
0x2c6: {  	v15 =	vbroadcast v15, $0xF;
	_ =	sdelay $0x1  }
0x2c7: {  	v16 =	vxor.u32 $0x80000000, v16;
	vm9 =	veq.f32 v26, v15  }
0x2c8: {  	v16 =	vnsel vm9, $0xC0000000, v16  }
0x2c9: {  	v9 =	vsel vm14, v9, v13;
	(xrf0) =	vmin.scan.msk.u32 $0xffff, v16  }
0x2ca: {  	(xrf0) =	vmax.scan.msk.f32 $0xffff, v9;
	_ =	sdelay $0x4  }
0x2cb: {  	v13, _, _ =	vpop (xrf0)  }
0x2cc: {  	v16, _, _ =	vpop (xrf0)  }
0x2cd: {  	v17 =	vsel vm13, v29, v17;
	v16 =	vbroadcast v16, $0xF  }
0x2ce: {  	v17 =	vsel vm14, v5, v17  }
0x2cf: {  	vm15 =	veq.f32 v9, v16;
	v9 =	vxor.u32 $0x80000000, v17  }
0x2d0: {  	v9 =	vnsel vm15, $0xC0000000, v9  }
0x2d1: {  	v8 =	vsel vm12, v8, v12;
	(xrf0) =	vmin.scan.msk.u32 $0xffff, v9  }
0x2d2: {  	(xrf0) =	vmax.scan.msk.f32 $0xffff, v8;
	_ =	sdelay $0x4  }
0x2d3: {  	v9, _, _ =	vpop (xrf0)  }
0x2d4: {  	v12, _, _ =	vpop (xrf0)  }
0x2d5: {  	v17 =	vsel vm11, v29, v27;
	v12 =	vbroadcast v12, $0xF  }
0x2d6: {  	v17 =	vsel vm12, v5, v17  }
0x2d7: {  	vm4 =	veq.f32 v8, v12;
	v8 =	vxor.u32 $0x80000000, v17  }
0x2d8: {  	v8 =	vnsel vm4, $0xC0000000, v8  }
0x2d9: {  	v2 =	vsel vm10, v2, v11;
	(xrf0) =	vmin.scan.msk.u32 $0xffff, v8  }
0x2da: {  	(xrf0) =	vmax.scan.msk.f32 $0xffff, v2;
	_ =	sdelay $0x4  }
0x2db: {  	v8, _, _ =	vpop (xrf0)  }
0x2dc: {  	v11, _, _ =	vpop (xrf0)  }
0x2dd: {  	v17 =	vsel vm8, v29, v24;
	v11 =	vbroadcast v11, $0xF  }
0x2de: {  	vm9 =	vgt.f32 v4, v19;
	v17 =	vsel vm10, v5, v17  }
0x2df: {  	v4 =	vsel vm9, v4, v19;
	vm1 =	veq.f32 v2, v11;
	v2 =	vxor.u32 $0x80000000, v17  }
0x2e0: {  	vm11 =	vgt.f32 v7, v4;
	v2 =	vnsel vm1, $0xC0000000, v2  }
0x2e1: {  	v4 =	vsel vm11, v7, v4;
	(xrf0) =	vmin.scan.msk.u32 $0xffff, v2  }
0x2e2: {  	(xrf0) =	vmax.scan.msk.f32 $0xffff, v4;
	_ =	sdelay $0x4  }
0x2e3: {  	v2, _, _ =	vpop (xrf0)  }
0x2e4: {  	v7, _, _ =	vpop (xrf0)  }
0x2e5: {  	v17 =	vsel vm9, v29, v23;
	v7 =	vbroadcast v7, $0xF  }
0x2e6: {  	vm12 =	vgt.f32 v3, v22;
	v17 =	vsel vm11, v5, v17  }
0x2e7: {  	v3 =	vsel vm12, v3, v22;
	vm13 =	veq.f32 v4, v7;
	v4 =	vxor.u32 $0x80000000, v17  }
0x2e8: {  	vm14 =	vgt.f32 v6, v3;
	v4 =	vnsel vm13, $0xC0000000, v4  }
0x2e9: {  	v3 =	vsel vm14, v6, v3;
	(xrf0) =	vmin.scan.msk.u32 $0xffff, v4  }
0x2ea: {  	(xrf0) =	vmax.scan.msk.f32 $0xffff, v3;
	_ =	sdelay $0x4  }
0x2eb: {  	v4, _, _ =	vpop (xrf0)  }
0x2ec: {  	v6, _, _ =	vpop (xrf0)  }
0x2ed: {  	v17 =	vsel vm12, v29, v20;
	v6 =	vbroadcast v6, $0xF  }
0x2ee: {  	vm15 =	vgt.f32 v0, v21;
	v17 =	vsel vm14, v5, v17  }
0x2ef: {  	v0 =	vsel vm15, v0, v21;
	vm4 =	veq.f32 v3, v6;
	v3 =	vxor.u32 $0x80000000, v17  }
0x2f0: {  	vm8 =	vgt.f32 v1, v0;
	v3 =	vnsel vm4, $0xC0000000, v3  }
0x2f1: {  	v0 =	vsel vm8, v1, v0;
	(xrf0) =	vmin.scan.msk.u32 $0xffff, v3  }
0x2f2: {  	(xrf0) =	vmax.scan.msk.f32 $0xffff, v0;
	_ =	sdelay $0x4  }
0x2f3: {  	v1, _, _ =	vpop (xrf0)  }
0x2f4: {  	v3, _, _ =	vpop (xrf0)  }
0x2f5: {  	v17 =	vsel vm15, v29, v18;
	v3 =	vbroadcast v3, $0xF  }
0x2f6: {  	(v2sf) =	vpush v10, $0xF;
	v5 =	vsel vm8, v5, v17  }
0x2f7: {  	vm9 =	veq.f32 v0, v3;
	v0 =	vxor.u32 $0x80000000, v5  }
0x2f8: {  	v0 =	vnsel vm9, $0xC0000000, v0  }
0x2f9: {  	(xrf0) =	vmin.scan.msk.u32 $0xffff, v0  }
0x2fa: {  	(v2sf) =	vpush v13, $0xF  }
0x2fb: {  	(v2sf) =	vpush v9, $0xF  }
0x2fc: {  	(v2sf) =	vpush v8, $0xF  }
0x2fd: {  	(v2sf) =	vpush v2, $0xF  }
0x2fe: {  	(v2sf) =	vpush v4, $0xF  }
0x2ff: {  	(v2sf) =	vpush v1, $0xF;
	v0, _, _ =	vpop (xrf0)  }
0x300: {  	(v2sf) =	vpush v0, $0xF;
	_ =	sdelay $0x4  }
0x301: {  	s5 =	spop (v2sf)  }
0x302: {  	s5 =	sxor.u32 $0x80000000, s5  }
0x303: {  	v2 =	vmov s5;
	vm13 =	vcmask $0xB20;
	v1 =	vnsel vm7, $0x0, v14  }
0x304: {  	vm15 =	vcmask $0xF20;
	v1 =	vsel vm6, v1, v15;
	v0 =	vlaneseq.u32  }
0x305: {  	s6 =	spop (v2sf);
	vm7 =	vcmask $0x1720;
	v1 =	vsel vm5, v1, v16;
	vm10 =	veq.s32 v0, $0x0  }
0x306: {  	s6 =	sxor.u32 $0x80000000, s6;
	s14 =	spop (v2sf);
	vm5 =	vcmask $0x1320;
	vm11 =	veq.s32 v0, $0x1;
	v2 =	vnsel vm10, $0x0, v2  }
0x307: {  	s5 =	sxor.u32 $0x80000000, s14;
	s7 =	spop (v2sf);
	v1 =	vsel vm13, v1, v12;
	vm12 =	veq.s32 v0, $0x2;
	v2 =	vsel vm11, s6, v2  }
0x308: {  	s16 =	sxor.u32 $0x80000000, s7;
	s15 =	spop (v2sf);
	v1 =	vsel vm15, v1, v11;
	vm14 =	veq.s32 v0, $0x3;
	v2 =	vsel vm12, s5, v2  }
0x309: {  	s18 =	sxor.u32 $0x80000000, s15;
	s17 =	spop (v2sf);
	vm9 =	vcmask $0x1B20;
	vm4 =	veq.s32 v0, $0x4;
	v2 =	vsel vm14, s16, v2  }
0x30a: {  	s20 =	sxor.u32 $0x80000000, s17;
	v1 =	vsel vm5, v1, v7;
	vm6 =	veq.s32 v0, $0x5;
	s19 =	spop (v2sf);
	v2 =	vsel vm4, s18, v2  }
0x30b: {  	v1 =	vsel vm7, v1, v6;
	vm8 =	veq.s32 v0, $0x6;
	s21 =	sxor.u32 $0x80000000, s19;
	v2 =	vsel vm6, s20, v2;
	s22 =	spop (v2sf)  }
0x30c: {  	v1 =	vsel vm9, v1, v3;
	vm10 =	veq.s32 v0, $0x7;
	v2 =	vsel vm8, s21, v2;
	s6 =	sxor.u32 $0x80000000, s22  }
0x30d: {  	s23 =	sshll.u32 s3, $0x5;
	[tilespmem:$0x2400] =	vst v1;
	v2 =	vsel vm10, s6, v2  }
0x30e: {  	s25 =	simm.s32 $0x2400;
	s26 =	simm.s32 $0x5;
	s24 =	sadd.s32 s23, s4;
	[tilespmem:$0x2410] =	vst v2  }
0x30f: {  	[spmem:s24] =	stream.linear.scatter [tilespmem:s25], [sflag:$0x5], $0x20, $0x38;
	[tilespmem:$0x2820] =	vst v63  }
0x310: {  	_ =	swait.ge [sflag:s26], $0x20  }
0x311: {  	[sflag:s26] =	ssyncset.done $0x0  }
0x312: {  	[sflag:s26] =	ssyncadd.s32 $0xFFFFFFE0  }
0x313: {  	s28 =	simm.s32 $0x2500;
	[bflag:$0x0] =	sbarrier.arrive $0xFFFF  }
0x314: {  	[tilespmem:s28], [sflag:$0x5] =	stream.linear.gather [spmem:s4], $0x200, $0x38;
	[tilespmem:$0x2820] =	vst v63  }
0x315: {  	_ =	swait.ge [sflag:s26], $0x200  }
0x316: {  	[sflag:s26] =	ssyncset.done $0x0  }
0x317: {  	[sflag:s26] =	ssyncadd.s32 $0xFFFFFE00  }
0x318: {  	v1 =	vld [tilespmem:$0x2500]  }
0x319: {  	v2 =	vld [tilespmem:$0x2510]  }
0x31a: {  	v3 =	vld [tilespmem:$0x2520]  }
0x31b: {  	v4 =	vld [tilespmem:$0x2530]  }
0x31c: {  	v5 =	vld [tilespmem:$0x2540]  }
0x31d: {  	v6 =	vld [tilespmem:$0x2550]  }
0x31e: {  	v7 =	vld [tilespmem:$0x2560]  }
0x31f: {  	v8 =	vld [tilespmem:$0x2570];
	vm11 =	vgt.f32 v3, v1  }
0x320: {  	v1 =	vsel vm11, v3, v1;
	v3 =	vld [tilespmem:$0x2580]  }
0x321: {  	v9 =	vld [tilespmem:$0x2590];
	vm12 =	vgt.f32 v5, v1  }
0x322: {  	v1 =	vsel vm12, v5, v1;
	v5 =	vld [tilespmem:$0x25A0]  }
0x323: {  	v10 =	vld [tilespmem:$0x25B0];
	vm2 =	vgt.f32 v7, v1  }
0x324: {  	v1 =	vsel vm2, v7, v1;
	v7 =	vld [tilespmem:$0x25C0]  }
0x325: {  	v11 =	vld [tilespmem:$0x25D0];
	vm3 =	vgt.f32 v3, v1  }
0x326: {  	v1 =	vsel vm3, v3, v1;
	v3 =	vld [tilespmem:$0x25E0]  }
0x327: {  	v12 =	vld [tilespmem:$0x25F0];
	vm4 =	vgt.f32 v5, v1  }
0x328: {  	v1 =	vsel vm4, v5, v1;
	v5 =	vld [tilespmem:$0x2600]  }
0x329: {  	v13 =	vld [tilespmem:$0x2610];
	vm13 =	vgt.f32 v7, v1  }
0x32a: {  	v1 =	vsel vm13, v7, v1;
	v7 =	vld [tilespmem:$0x2620]  }
0x32b: {  	v14 =	vld [tilespmem:$0x2630];
	vm14 =	vgt.f32 v3, v1  }
0x32c: {  	v1 =	vsel vm14, v3, v1;
	v3 =	vld [tilespmem:$0x2640]  }
0x32d: {  	v15 =	vld [tilespmem:$0x2650];
	vm15 =	vgt.f32 v5, v1  }
0x32e: {  	v2 =	vsel vm11, v4, v2;
	v4 =	vld [tilespmem:$0x2660];
	v1 =	vsel vm15, v5, v1  }
0x32f: {  	v2 =	vsel vm12, v6, v2;
	v6 =	vld [tilespmem:$0x2680];
	vm8 =	vgt.f32 v7, v1  }
0x330: {  	v2 =	vsel vm2, v8, v2;
	v8 =	vld [tilespmem:$0x26B0];
	v1 =	vsel vm8, v7, v1  }
0x331: {  	v2 =	vsel vm3, v9, v2;
	v5 =	vld [tilespmem:$0x2670];
	vm9 =	vgt.f32 v3, v1  }
0x332: {  	v2 =	vsel vm4, v10, v2;
	v1 =	vsel vm9, v3, v1;
	v3 =	vld [tilespmem:$0x26A0]  }
0x333: {  	v2 =	vsel vm13, v11, v2;
	v7 =	vld [tilespmem:$0x2690];
	vm10 =	vgt.f32 v4, v1  }
0x334: {  	v2 =	vsel vm14, v12, v2;
	v1 =	vsel vm10, v4, v1;
	v4 =	vld [tilespmem:$0x26C0]  }
0x335: {  	v9 =	vld [tilespmem:$0x26D0];
	v2 =	vsel vm15, v13, v2;
	vm11 =	vgt.f32 v6, v1  }
0x336: {  	v2 =	vsel vm8, v14, v2;
	v1 =	vsel vm11, v6, v1;
	v6 =	vld [tilespmem:$0x26E0]  }
0x337: {  	v10 =	vld [tilespmem:$0x26F0];
	v2 =	vsel vm9, v15, v2;
	vm12 =	vgt.f32 v3, v1  }
0x338: {  	v2 =	vsel vm10, v5, v2;
	v1 =	vsel vm12, v3, v1  }
0x339: {  	v2 =	vsel vm11, v7, v2;
	vm13 =	vgt.f32 v4, v1  }
0x33a: {  	v2 =	vsel vm12, v8, v2;
	v1 =	vsel vm13, v4, v1  }
0x33b: {  	v2 =	vsel vm13, v9, v2;
	vm14 =	vgt.f32 v6, v1  }
0x33c: {  	s29 =	sshll.u32 s3, $0x8;
	v8 =	vsel vm14, v10, v2  }
0x33d: {  	s30 =	sadd.s32 $0x10, s29;
	v1 =	vbroadcast v8, $0x0  }
0x33e: {  	s4 =	sadd.s32 $0xFFFFFFF0, s30;
	vm15 =	vmmov $0xff;
	v2 =	vbroadcast v8, $0x1;
	v3 =	vbroadcast v8, $0x2  }
0x33f: {  	v10 =	vor.u32 s4, v0;
	v4 =	vbroadcast v8, $0x3;
	v6 =	vbroadcast v8, $0x7  }
0x340: {  	v9 =	vnsel vm15, $0x0, v8;
	v5 =	vbroadcast v8, $0x4;
	v7 =	vbroadcast v8, $0x5  }
0x341: {  	v8 =	vbroadcast v8, $0x6;
	v11 =	vsub.s32 v10, v1;
	v16 =	vsub.s32 v10, v6  }
0x342: {  	v12 =	vsub.s32 v10, v2;
	v17 =	vsub.s32 v10, v7;
	v13 =	vsub.s32 v10, v3  }
0x343: {  	v18 =	vsub.s32 v10, v8;
	v15 =	vsub.s32 v10, v4;
	v20 =	vsub.s32 v10, v5  }
0x344: {  	vm4 =	vgt.s32 v11, $0x0;
	vm5 =	vgt.s32 v12, $0x0;
	vm6 =	vgt.s32 v13, $0x0  }
0x345: {  	p0 =	sne.s32 s3, $0x0;
	[tilespmem:$0x2480] =	vst v9;
	vm7 =	vgt.s32 v15, $0x0;
	vm8 =	vgt.s32 v20, $0x0;
	v9 =	vnsel vm4, $0x0, v11  }
0x346: {  	s31 =	simm.s32 $0x3;
	s3 =	simm.s32 @!p0 $0x0;
	s4 =	simm.s32 @!p0 $0x2480;
	vm10 =	vgt.s32 v17, $0x0;
	v14 =	vnsel vm5, $0x0, v12;
	v9 =	vmin.u32 v9, $0x1FF  }
0x347: {  	[hbm4b:s2+s3] =	stream.linear.scatter @!p0 [tilespmem:s4], [sflag:$0x4], $0x80, $0x38;
	vm11 =	vgt.s32 v18, $0x0;
	v19 =	vnsel vm6, $0x0, v13;
	v14 =	vmin.u32 v14, $0x1FF;
	[tilespmem:$0x2820] =	vst v63  }
0x348: {  	_ =	swait.ge [sflag:s31], $0x1000;
	v21 =	vnsel vm8, $0x0, v20;
	v10 =	vmin.u32 v19, $0x1FF;
	v14 =	vor.u32 $0x200, v14  }
0x349: {  	[sflag:s31] =	ssyncset.done $0x0;
	v22 =	vnsel vm10, $0x0, v17;
	v21 =	vmin.u32 v21, $0x1FF;
	v10 =	vor.u32 $0x400, v10  }
0x34a: {  	s2 =	simm.s32 $0x1400;
	[sflag:s31] =	ssyncadd.s32 $0xFFFFF000;
	v19 =	vnsel vm7, $0x0, v15;
	v22 =	vmin.u32 v22, $0x1FF;
	v21 =	vor.u32 $0x800, v21  }
0x34b: {  	v23 =	vnsel vm11, $0x0, v18;
	v19 =	vmin.u32 v19, $0x1FF;
	v22 =	vor.u32 $0xA00, v22;
	v9 =	vld.idx.msk [tilespmem:v9+s2+$0x0], $0xffff  }
0x34c: {  	v23 =	vmin.u32 v23, $0x1FF;
	v19 =	vor.u32 $0x600, v19  }
0x34d: {  	v23 =	vor.u32 $0xC00, v23;
	v14 =	vld.idx.msk [tilespmem:v14+s2+$0x0], $0xffff  }
0x34e: {  	v26 =	vor.u32 s30, v0;
	vm9 =	vgt.s32 v16, $0x0;
	v25 =	vld.idx.msk [tilespmem:v10+s2+$0x0], $0xffff  }
0x34f: {  	vm12 =	vlt.u32 v11, $0x200;
	vm13 =	vlt.u32 v12, $0x200;
	vm14 =	vlt.u32 v13, $0x200;
	v21 =	vld.idx.msk [tilespmem:v21+s2+$0x0], $0xffff  }
0x350: {  	vm15 =	vlt.u32 v15, $0x200;
	v24 =	vnsel vm9, $0x0, v16;
	v22 =	vld.idx.msk [tilespmem:v22+s2+$0x0], $0xffff;
	v9 =	vadd.f32 $0.0e+00, v9  }
0x351: {  	v13 =	vsub.s32 v26, v3;
	vm5 =	vlt.u32 v20, $0x200;
	v24 =	vmin.u32 v24, $0x1FF;
	v19 =	vld.idx.msk [tilespmem:v19+s2+$0x0], $0xffff  }
0x352: {  	v24 =	vor.u32 $0xE00, v24;
	v23 =	vld.idx.msk [tilespmem:v23+s2+$0x0], $0xffff;
	v12 =	vnsel vm13, $0x0, v14;
	v11 =	vnsel vm12, $0x0, v9  }
0x353: {  	vm6 =	vlt.u32 v17, $0x200;
	vm9 =	vlt.u32 v18, $0x200;
	v14 =	vadd.f32 v12, v11  }
0x354: {  	v15 =	vsub.s32 v26, v1;
	vm8 =	vgt.s32 v13, $0x0;
	v25 =	vnsel vm14, $0x0, v25  }
0x355: {  	vm10 =	vgt.s32 v15, $0x0;
	v10 =	vsub.s32 v26, v7;
	v25 =	vadd.f32 v25, v14  }
0x356: {  	v20 =	vnsel vm5, $0x0, v21;
	v21 =	vnsel vm6, $0x0, v22;
	v19 =	vnsel vm15, $0x0, v19  }
0x357: {  	v22 =	vld.idx.msk [tilespmem:v24+s2+$0x0], $0xffff;
	v23 =	vnsel vm9, $0x0, v23;
	vm13 =	vlt.u32 v16, $0x200;
	v19 =	vadd.f32 v19, v25  }
0x358: {  	vm14 =	vgt.s32 v10, $0x0;
	v9 =	vsub.s32 v26, v8;
	v12 =	vsub.s32 v26, v4  }
0x359: {  	v11 =	vsub.s32 v26, v5;
	vm12 =	vgt.s32 v9, $0x0;
	v19 =	vadd.f32 v20, v19  }
0x35a: {  	vm4 =	vgt.s32 v11, $0x0;
	vm7 =	vgt.s32 v12, $0x0;
	v14 =	vsub.s32 v26, v2  }
0x35b: {  	v17 =	vnsel vm4, $0x0, v11;
	v18 =	vnsel vm7, $0x0, v12;
	v19 =	vadd.f32 v21, v19  }
0x35c: {  	vm11 =	vgt.s32 v14, $0x0;
	v22 =	vnsel vm13, $0x0, v22;
	v17 =	vmin.u32 v17, $0x1FF  }
0x35d: {  	v24 =	vnsel vm11, $0x0, v14;
	v21 =	vnsel vm10, $0x0, v15;
	v16 =	vadd.f32 v23, v19  }
0x35e: {  	v20 =	vnsel vm8, $0x0, v13;
	v19 =	vmin.u32 v21, $0x1FF;
	v21 =	vmin.u32 v24, $0x1FF  }
0x35f: {  	v20 =	vmin.u32 v20, $0x1FF;
	v21 =	vor.u32 $0x200, v21;
	v22 =	vadd.f32 v22, v16  }
0x360: {  	s3 =	simm.s32 $0x2710;
	v18 =	vmin.u32 v18, $0x1FF;
	v25 =	vor.u32 $0x400, v20;
	v20 =	vor.u32 $0x800, v17  }
0x361: {  	v24 =	vnsel vm14, $0x0, v10;
	v16 =	vsub.s32 v26, v6;
	[tilespmem:s3+$0xFFFFFFF0] =	vst v22;
	v22 =	vor.u32 $0x600, v18  }
0x362: {  	v17 =	vmin.u32 v24, $0x1FF;
	v26 =	vnsel vm12, $0x0, v9;
	vm15 =	vgt.s32 v16, $0x0  }
0x363: {  	v24 =	vor.u32 $0xA00, v17;
	v27 =	vnsel vm15, $0x0, v16;
	v23 =	vld.idx.msk [tilespmem:v19+s2+$0x0], $0xffff;
	v19 =	vmin.u32 v26, $0x1FF  }
0x364: {  	v26 =	vmin.u32 v27, $0x1FF;
	v18 =	vld.idx.msk [tilespmem:v21+s2+$0x0], $0xffff;
	v21 =	vor.u32 $0xC00, v19  }
0x365: {  	s1 =	sadd.s32 s1, s23;
	s5 =	sadd.s32 $0x20, s30;
	s4 =	simm.s32 $0x0;
	v19 =	vld.idx.msk [tilespmem:v25+s2+$0x0], $0xffff;
	v17 =	vor.u32 $0xE00, v26  }
.LBB2_3:
0x366: {  	s6 =	sadd.s32 $0xFFFFFFF0, s5;
	v22 =	vld.idx.msk [tilespmem:v22+s2+$0x0], $0xffff  }
0x367: {  	v25 =	vor.u32 s6, v0;
	v20 =	vld.idx.msk [tilespmem:v20+s2+$0x0], $0xffff  }
0x368: {  	vm3 =	vlt.u32 v10, $0x200;
	vm1 =	vlt.u32 v9, $0x200;
	vm0 =	vlt.u32 v16, $0x200;
	v10 =	vld.idx.msk [tilespmem:v24+s2+$0x0], $0xffff  }
0x369: {  	vm4 =	vlt.u32 v12, $0x200;
	vm6 =	vlt.u32 v11, $0x200;
	v9 =	vadd.f32 $0.0e+00, v23;
	v11 =	vld.idx.msk [tilespmem:v21+s2+$0x0], $0xffff  }
0x36a: {  	vm2 =	vlt.u32 v15, $0x200;
	vm5 =	vlt.u32 v14, $0x200;
	vm7 =	vlt.u32 v13, $0x200;
	v12 =	vld.idx.msk [tilespmem:v17+s2+$0x0], $0xffff  }
0x36b: {  	v13 =	vnsel vm5, $0x0, v18;
	v17 =	vsub.s32 v25, v6;
	v9 =	vnsel vm2, $0x0, v9  }
0x36c: {  	v21 =	vsub.s32 v25, v7;
	v18 =	vsub.s32 v25, v8;
	v9 =	vadd.f32 v13, v9  }
0x36d: {  	v23 =	vsub.s32 v25, v4;
	v24 =	vsub.s32 v25, v5;
	v13 =	vnsel vm7, $0x0, v19  }
0x36e: {  	v14 =	vsub.s32 v25, v2;
	v15 =	vsub.s32 v25, v3;
	v9 =	vadd.f32 v13, v9  }
0x36f: {  	vm2 =	vgt.s32 v17, $0x0;
	v16 =	vnsel vm4, $0x0, v22;
	v13 =	vsub.s32 v25, v1  }
0x370: {  	vm5 =	vgt.s32 v21, $0x0;
	vm4 =	vgt.s32 v18, $0x0;
	v9 =	vadd.f32 v16, v9  }
0x371: {  	s4 =	sadd.s32 $0x2, s4;
	vm8 =	vgt.s32 v24, $0x0;
	vm7 =	vgt.s32 v23, $0x0;
	v16 =	vnsel vm6, $0x0, v20  }
0x372: {  	p1 =	slt.u32 s4, $0xE;
	vm9 =	vgt.s32 v15, $0x0;
	vm6 =	vgt.s32 v14, $0x0;
	v9 =	vadd.f32 v16, v9  }
0x373: {  	v10 =	vnsel vm3, $0x0, v10;
	vm10 =	vgt.s32 v13, $0x0;
	v16 =	vnsel vm8, $0x0, v24  }
0x374: {  	v19 =	vnsel vm9, $0x0, v15;
	v20 =	vnsel vm7, $0x0, v23;
	v9 =	vadd.f32 v10, v9  }
0x375: {  	v11 =	vnsel vm1, $0x0, v11;
	v22 =	vnsel vm6, $0x0, v14;
	v10 =	vnsel vm10, $0x0, v13  }
0x376: {  	v22 =	vmin.u32 v22, $0x1FF;
	v10 =	vmin.u32 v10, $0x1FF;
	v9 =	vadd.f32 v11, v9  }
0x377: {  	v19 =	vmin.u32 v19, $0x1FF;
	v12 =	vnsel vm0, $0x0, v12;
	v11 =	vor.u32 $0x200, v22  }
0x378: {  	v19 =	vor.u32 $0x400, v19;
	v20 =	vmin.u32 v20, $0x1FF;
	v9 =	vadd.f32 v12, v9  }
0x379: {  	v16 =	vmin.u32 v16, $0x1FF;
	v12 =	vor.u32 $0x600, v20;
	v20 =	vnsel vm5, $0x0, v21  }
0x37a: {  	v16 =	vor.u32 $0x800, v16;
	v22 =	vnsel vm4, $0x0, v18;
	v20 =	vmin.u32 v20, $0x1FF;
	[tilespmem:s3+$0x0] =	vst v9  }
0x37b: {  	v9 =	vor.u32 $0xA00, v20;
	v20 =	vnsel vm2, $0x0, v17;
	v25 =	vld.idx.msk [tilespmem:v10+s2+$0x0], $0xffff;
	v10 =	vmin.u32 v22, $0x1FF  }
0x37c: {  	v22 =	vld.idx.msk [tilespmem:v11+s2+$0x0], $0xffff;
	v11 =	vor.u32 $0xC00, v10;
	v10 =	vmin.u32 v20, $0x1FF  }
0x37d: {  	v19 =	vld.idx.msk [tilespmem:v19+s2+$0x0], $0xffff;
	v20 =	vor.u32 $0xE00, v10  }
0x37e: {  	v26 =	vld.idx.msk [tilespmem:v12+s2+$0x0], $0xffff  }
0x37f: {  	v28 =	vor.u32 s5, v0;
	v27 =	vld.idx.msk [tilespmem:v16+s2+$0x0], $0xffff  }
0x380: {  	v10 =	vsub.s32 v28, v7;
	v16 =	vsub.s32 v28, v6;
	v29 =	vld.idx.msk [tilespmem:v9+s2+$0x0], $0xffff;
	v9 =	vsub.s32 v28, v8  }
0x381: {  	v12 =	vsub.s32 v28, v4;
	v25 =	vadd.f32 $0.0e+00, v25;
	v30 =	vld.idx.msk [tilespmem:v11+s2+$0x0], $0xffff;
	v11 =	vsub.s32 v28, v5  }
0x382: {  	vm1 =	vlt.u32 v14, $0x200;
	vm0 =	vlt.u32 v13, $0x200;
	v13 =	vsub.s32 v28, v3;
	v20 =	vld.idx.msk [tilespmem:v20+s2+$0x0], $0xffff  }
0x383: {  	v14 =	vsub.s32 v28, v2;
	v22 =	vnsel vm1, $0x0, v22;
	v25 =	vnsel vm0, $0x0, v25  }
0x384: {  	vm0 =	vlt.u32 v15, $0x200;
	v15 =	vsub.s32 v28, v1;
	v22 =	vadd.f32 v22, v25  }
0x385: {  	vm1 =	vgt.s32 v9, $0x0;
	v19 =	vnsel vm0, $0x0, v19;
	vm0 =	vgt.s32 v16, $0x0  }
0x386: {  	vm3 =	vlt.u32 v23, $0x200;
	vm2 =	vgt.s32 v10, $0x0;
	v19 =	vadd.f32 v19, v22  }
0x387: {  	vm4 =	vgt.s32 v11, $0x0;
	v22 =	vnsel vm3, $0x0, v26;
	vm3 =	vgt.s32 v12, $0x0  }
0x388: {  	vm6 =	vgt.s32 v13, $0x0;
	vm5 =	vlt.u32 v24, $0x200;
	v19 =	vadd.f32 v22, v19  }
0x389: {  	vm7 =	vgt.s32 v14, $0x0;
	v22 =	vnsel vm5, $0x0, v27;
	vm5 =	vgt.s32 v15, $0x0  }
0x38a: {  	vm8 =	vlt.u32 v21, $0x200;
	v21 =	vnsel vm4, $0x0, v11;
	v19 =	vadd.f32 v22, v19  }
0x38b: {  	v23 =	vnsel vm6, $0x0, v13;
	v24 =	vnsel vm3, $0x0, v12;
	v22 =	vnsel vm8, $0x0, v29  }
0x38c: {  	vm4 =	vlt.u32 v17, $0x200;
	vm3 =	vlt.u32 v18, $0x200;
	v19 =	vadd.f32 v22, v19  }
0x38d: {  	v17 =	vnsel vm3, $0x0, v30;
	v18 =	vnsel vm5, $0x0, v15;
	v22 =	vnsel vm7, $0x0, v14  }
0x38e: {  	v18 =	vmin.u32 v18, $0x1FF;
	v17 =	vadd.f32 v17, v19;
	v19 =	vmin.u32 v22, $0x1FF  }
0x38f: {  	v20 =	vnsel vm4, $0x0, v20;
	v22 =	vmin.u32 v23, $0x1FF;
	v19 =	vor.u32 $0x200, v19  }
0x390: {  	v25 =	vor.u32 $0x400, v22;
	v17 =	vadd.f32 v20, v17;
	v20 =	vmin.u32 v24, $0x1FF  }
.Ltmp1:
0x391: {  	s3 =	sadd.s32 $0x20, s3;
	v22 =	vor.u32 $0x600, v20;
	v20 =	vmin.u32 v21, $0x1FF;
	v21 =	vnsel vm2, $0x0, v10;
	(pc) =	sbr.rel @p1 .LBB2_3-.Ltmp1, $4  }
0x392: {  	v20 =	vor.u32 $0x800, v20;
	[tilespmem:s3+$0xFFFFFFF0] =	vst v17;
	v17 =	vmin.u32 v21, $0x1FF;
	v21 =	vnsel vm1, $0x0, v9  }
0x393: {  	v26 =	vnsel vm0, $0x0, v16;
	v23 =	vld.idx.msk [tilespmem:v18+s2+$0x0], $0xffff;
	v24 =	vor.u32 $0xA00, v17;
	v17 =	vmin.u32 v21, $0x1FF  }
0x394: {  	v18 =	vld.idx.msk [tilespmem:v19+s2+$0x0], $0xffff;
	v21 =	vor.u32 $0xC00, v17;
	v17 =	vmin.u32 v26, $0x1FF  }
0x395: {  	s5 =	sadd.s32 $0x20, s5;
	v19 =	vld.idx.msk [tilespmem:v25+s2+$0x0], $0xffff;
	v17 =	vor.u32 $0xE00, v17  }
0x396: {  	_ =	sdelay $0x2  }
0x397: {  	v0 =	vadd.f32 $0.0e+00, v23  }
0x398: {  	v1 =	vld.idx.msk [tilespmem:v22+s2+$0x0], $0xffff;
	vm0 =	vlt.u32 v15, $0x200;
	vm1 =	vlt.u32 v14, $0x200  }
0x399: {  	v2 =	vnsel vm1, $0x0, v18;
	v0 =	vnsel vm0, $0x0, v0  }
0x39a: {  	v3 =	vld.idx.msk [tilespmem:v20+s2+$0x0], $0xffff;
	vm10 =	vlt.u32 v13, $0x200;
	v0 =	vadd.f32 v2, v0  }
0x39b: {  	v57 =	vnsel vm10, $0x0, v19  }
0x39c: {  	v4 =	vld.idx.msk [tilespmem:v24+s2+$0x0], $0xffff;
	vm11 =	vlt.u32 v12, $0x200;
	v0 =	vadd.f32 v57, v0  }
0x39d: {  	v1 =	vnsel vm11, $0x0, v1  }
0x39e: {  	vm12 =	vlt.u32 v11, $0x200;
	v58 =	vld.idx.msk [tilespmem:v21+s2+$0x0], $0xffff;
	v0 =	vadd.f32 v1, v0  }
0x39f: {  	v59 =	vnsel vm12, $0x0, v3  }
0x3a0: {  	vm13 =	vlt.u32 v10, $0x200;
	v60 =	vld.idx.msk [tilespmem:v17+s2+$0x0], $0xffff;
	v0 =	vadd.f32 v59, v0  }
0x3a1: {  	v61 =	vnsel vm13, $0x0, v4  }
0x3a2: {  	vm14 =	vlt.u32 v9, $0x200;
	v0 =	vadd.f32 v61, v0  }
0x3a3: {  	v62 =	vnsel vm14, $0x0, v58  }
0x3a4: {  	vm15 =	vlt.u32 v16, $0x200;
	v0 =	vadd.f32 v62, v0  }
0x3a5: {  	v63 =	vnsel vm15, $0x0, v60  }
0x3a6: {  	v0 =	vadd.f32 v63, v0;
	_ =	sdelay $0x1  }
0x3a7: {  	s29 =	simm.s32 $0x0;
	s30 =	simm.s32 $0x2700;
	s31 =	simm.s32 $0x5;
	[tilespmem:s3+$0x0] =	vst v0  }
0x3a8: {  	[hbm4b:s1+s29] =	stream.linear.scatter [tilespmem:s30], [sflag:$0x5], $0x100, $0x38;
	[tilespmem:$0x2820] =	vst v63  }
0x3a9: {  	_ =	swait.ge [sflag:s31], $0x100  }
0x3aa: {  	[sflag:s31] =	ssyncset.done $0x0  }
0x3ab: {  	[sflag:s31] =	ssyncadd.s32 $0xFFFFFF00  }
0x3ac: {  	_ =	sfence.sel @p0 $0x180000  }
0x3ad: {  	[bflag:$0x0] =	sbarrier.arrive @p0 $0xFFFF  }
0x3ae: {  	_ =	strace @p0 $0x90000047  }
0x3af: {  	s1 =	simm.s32 @!p0 $0x4;
	[bflag:$0x2] =	sbarrier.arrive @p0 $0xFFFF  }
0x3b0: {  	_ =	swait.ge @!p0 [sflag:s1], $0x80  }
0x3b1: {  	[sflag:s1] =	ssyncset.done @!p0 $0x0  }
0x3b2: {  	[sflag:s1] =	ssyncadd.s32 @!p0 $0xFFFFFF80  }
0x3b3: {  	_ =	sfence.sel @!p0 $0x180000  }
0x3b4: {  	[bflag:$0x0] =	sbarrier.arrive @!p0 $0xFFFF  }
0x3b5: {  	_ =	strace @!p0 $0x90000047  }
0x3b6: {  	s0 =	sadd.s32 @!p0 $0x100000, s0;
	[bflag:$0x2] =	sbarrier.arrive @!p0 $0xFFFF  }
0x3b7: {  	[sflag:s0] =	ssyncadd.tile.s32 @!p0 $0x1;
	_ =	shalt  }
.Lfunc_end2:
_tile_overlayer_lowered:
.L_overlay_start_2:
0x3b8: {  	(tag) =	ssettag $0x2  }
0x3b9: {  	s0 =	rddreg [dreg:$0x0];
	s2 =	stileid.u32  }
0x3ba: {  	s1 =	rddreg [dreg:$0x1];
	p0 =	sne.s32 s2, $0x0  }
0x3bb: {  	s3 =	rddreg [dreg:$0x2];
	[bflag:$0x3] =	sbarrier.arrive $0xFFFF;
	s2 =	simm.s32 @!p0 $0x1C05  }
0x3bc: {  	[timem:s3], [sflag:s2] =	dma.local @!p0 [hbm:s0], s1  }
0x3bd: {  	s0 =	simm.s32 @!p0 $0x5  }
0x3be: {  	_ =	swait.ge @!p0 [sflag:s0], s1  }
0x3bf: {  	s1 =	ssub.s32 @!p0 $0x0, s1;
	[sflag:s0] =	ssyncset.done @!p0 $0x0  }
0x3c0: {  	[sflag:s0] =	ssyncadd.s32 @!p0 s1  }
0x3c1: {  	[bflag:$0x3] =	sbarrier.arrive $0xFFFF  }
0x3c2: {  	_ =	shalt  }

</sc_bundles>
